<compile_context>
chip_gen: v7x
topology: tpu7x:2x2x1
jax: 0.10.2.dev20260603
libtpu: 0.0.44.dev20260713+nightly
codegen_flags: <defaults>
</compile_context>

<pallas_src>
import jax
import jax.numpy as jnp
from jax.experimental import pallas as pl
from jax.experimental.pallas import tpu as pltpu
from jax.experimental.pallas import tpu_sc as plsc

B, L, H, V = 16, 2048, 1024, 32000
PAD = 0
EPS = 1e-12

NC, NS = 2, 16
NW = NC * NS
CHUNKS = (2, 6, 6, 2)
CH = 32
NBUF = 3
BL = 256


def _sc_gather(word_table, flat_ids, tok_c):
    mesh = plsc.VectorSubcoreMesh(core_axis_name="c", subcore_axis_name="s")
    b_per_w = tok_c // NW
    nch = b_per_w // CH

    @pl.kernel(out_type=jax.ShapeDtypeStruct((tok_c, H), word_table.dtype),
               mesh=mesh,
               scratch_types=(
                   [pltpu.VMEM((b_per_w,), jnp.int32)]
                   + [pltpu.VMEM((CH, H), jnp.float32)] * NBUF
                   + [pltpu.SemaphoreType.DMA] * (2 * NBUF)
               ))
    def gather_kernel(table_hbm, idx_hbm, out_hbm, idx_v, *scr):
        rows = scr[:NBUF]
        gsem = scr[NBUF:2 * NBUF]
        wsem = scr[2 * NBUF:]
        wid = jax.lax.axis_index("s") * NC + jax.lax.axis_index("c")
        base = wid * b_per_w

        pltpu.sync_copy(idx_hbm.at[pl.ds(base, b_per_w)], idx_v)

        gh = [None] * NBUF
        wh = [None] * NBUF
        for c in range(nch):
            slot = c % NBUF
            if wh[slot] is not None:
                wh[slot].wait()
            h = pltpu.make_async_copy(
                table_hbm.at[idx_v.at[pl.ds(c * CH, CH)]], rows[slot],
                gsem[slot])
            h.start()
            gh[slot] = h
            if c >= 1:
                pslot = (c - 1) % NBUF
                gh[pslot].wait()
                h = pltpu.make_async_copy(
                    rows[pslot], out_hbm.at[pl.ds(base + (c - 1) * CH, CH)],
                    wsem[pslot])
                h.start()
                wh[pslot] = h
        last = (nch - 1) % NBUF
        gh[last].wait()
        h = pltpu.make_async_copy(
            rows[last], out_hbm.at[pl.ds(base + (nch - 1) * CH, CH)],
            wsem[last])
        h.start()
        wh[last] = h
        for b in range(NBUF):
            if wh[b] is not None:
                wh[b].wait()

    return gather_kernel(word_table, flat_ids)


def _tc_chunk(k0, bc, emb, pos_emb, vectors, input_pos, gamma, beta, prev):

    def body(pos_idx_ref, emb_ref, pose_ref, vec_ref, gamma_ref, beta_ref,
             *rest):
        out_ref = rest[-1]
        lblk = pl.program_id(0)
        b = pl.program_id(1)
        x = emb_ref[0]
        row = pos_idx_ref[k0 + b] - lblk * BL
        rows = jax.lax.broadcasted_iota(jnp.int32, (BL, 1), 0)
        v = vec_ref[pl.ds(k0 + b, 1), :]
        x = jnp.where(rows == row, v, x)
        x = x + pose_ref[...]
        mean = jnp.mean(x, axis=1, keepdims=True)
        xc = x - mean
        var = jnp.mean(xc * xc, axis=1, keepdims=True)
        xhat = xc * jax.lax.rsqrt(var + EPS)
        out_ref[0] = xhat * gamma_ref[...] + beta_ref[...]

    in_specs = [
        pl.BlockSpec(memory_space=pltpu.SMEM),
        pl.BlockSpec((1, BL, H), lambda l, b: (b, l, 0)),
        pl.BlockSpec((BL, H), lambda l, b: (l, 0)),
        pl.BlockSpec(memory_space=pltpu.VMEM),
        pl.BlockSpec((1, H), lambda l, b: (0, 0)),
        pl.BlockSpec((1, H), lambda l, b: (0, 0)),
    ]
    args = [input_pos, emb, pos_emb, vectors, gamma, beta]
    kwargs = {}
    if prev is not None:
        in_specs.append(pl.BlockSpec(memory_space=pl.ANY))
        args.append(prev)
        kwargs["input_output_aliases"] = {6: 0}

    return pl.pallas_call(
        body,
        grid=(L // BL, bc),
        in_specs=in_specs,
        out_specs=pl.BlockSpec((1, BL, H),
                               lambda l, b: (k0 + b, l, 0)),
        out_shape=jax.ShapeDtypeStruct((B, L, H), jnp.float32),
        compiler_params=pltpu.CompilerParams(
            dimension_semantics=("arbitrary", "arbitrary")),
        **kwargs,
    )(*args)


@jax.jit
def kernel(input_ids, input_pos, vectors, word_table, pos_table, ln_gamma,
           ln_beta):
    flat_ids = input_ids.reshape(-1).astype(jnp.int32)
    pos_emb = jax.lax.slice(pos_table, (PAD + 1, 0), (PAD + 1 + L, H))
    input_pos = input_pos.astype(jnp.int32)
    vectors = vectors.astype(jnp.float32)
    gamma = ln_gamma.reshape(1, H)
    beta = ln_beta.reshape(1, H)

    embs = []
    k0 = 0
    for bc in CHUNKS:
        tok_c = bc * L
        ids_c = jax.lax.slice(flat_ids, (k0 * L,), (k0 * L + tok_c,))
        embs.append(_sc_gather(word_table, ids_c, tok_c))
        k0 += bc
    out = None
    k0 = 0
    for bc, emb in zip(CHUNKS, embs):
        out = _tc_chunk(k0, bc, emb.reshape(bc, L, H), pos_emb, vectors,
                        input_pos, gamma, beta, out)
        k0 += bc
    return out

# --- scband reference (transcript-rebuilt; emitter-appended) ---
"""Pipeline reference for scband-vector-text-inside-embeddings-6957847019917 (READ-ONLY COPY).

The authoritative reference and input builder live on the scoring server;
editing this copy changes nothing except your own understanding.
"""

import jax, jax.numpy as jnp
import numpy as np

B, L, H, V = 16, 2048, 1024, 32000
PAD = 0
P = 2048 + PAD + 1  # max_position_embedding += padding_idx + 1
EPS = 1e-12


def setup_inputs(seed: int = 0) -> dict:
    key = jax.random.key(seed)
    k1, k2, k3, k4, k5 = jax.random.split(key, 5)
    input_ids = jax.random.randint(k1, (B, L), 0, V)
    input_pos = jax.random.randint(k2, (B,), 0, L)
    vectors = jax.random.normal(k3, (B, H), dtype=jnp.float32)
    word_table = jax.random.normal(k4, (V, H), dtype=jnp.float32) * 0.02
    word_table = word_table.at[PAD].set(0.0)  # padding_idx row zeroed like nn.Embedding
    pos_table = jax.random.normal(k5, (P, H), dtype=jnp.float32) * 0.02
    pos_table = pos_table.at[PAD].set(0.0)
    ln_gamma = jnp.ones((H,), dtype=jnp.float32)
    ln_beta = jnp.zeros((H,), dtype=jnp.float32)
    return {
        "input_ids": input_ids,
        "input_pos": input_pos,
        "vectors": vectors,
        "word_table": word_table,
        "pos_table": pos_table,
        "ln_gamma": ln_gamma,
        "ln_beta": ln_beta,
    }


def reference(input_ids, input_pos, vectors, word_table, pos_table, ln_gamma, ln_beta):
    # Word embeddings for every token (gather)
    emb = jnp.take(word_table, input_ids, axis=0)  # [B, L, H]
    # Replace the token embedding at position `input_pos[n]` with the external
    # vector for sequence n (equivalent to the torch loop splice with one
    # insertion position per sequence; sequence length is preserved).
    emb = emb.at[jnp.arange(B), input_pos].set(vectors)
    # Position ids: padding_idx+1 .. L+padding_idx (all sequences full length here)
    pos_ids = jnp.arange(PAD + 1, L + PAD + 1)
    pos_emb = jnp.take(pos_table, pos_ids, axis=0)  # [L, H]
    x = emb + pos_emb[None, :, :]
    # LayerNorm over last dim, eps=1e-12
    mean = jnp.mean(x, axis=-1, keepdims=True)
    var = jnp.mean(jnp.square(x - mean), axis=-1, keepdims=True)
    xhat = (x - mean) / jnp.sqrt(var + EPS)
    out = xhat * ln_gamma + ln_beta
    # dropout_prob = 0.0 -> identity
    return out

if __name__ == "__main__":
    import jax
    _d = setup_inputs()
    print(jax.jit(kernel)(*tuple(_d.values())))

</pallas_src>

<mosaic_0001>
#map = affine_map<(d0, d1) -> (0, 0)>
#map1 = affine_map<(d0, d1) -> (0)>
module attributes {stable_mosaic.version = 14 : i64} {
  func.func @gather_kernel(%arg0: i32, %arg1: i32, %arg2: memref<32000x1024xf32, #tpu.memory_space<hbm>>, %arg3: memref<4096xi32, #tpu.memory_space<hbm>>, %arg4: memref<4096x1024xf32, #tpu.memory_space<hbm>>, %arg5: memref<128xi32, #tpu.memory_space<vmem>>, %arg6: memref<32x1024xf32, #tpu.memory_space<vmem>>, %arg7: memref<32x1024xf32, #tpu.memory_space<vmem>>, %arg8: memref<32x1024xf32, #tpu.memory_space<vmem>>, %arg9: memref<!tpu.dma_semaphore, #tpu.memory_space<semaphore_mem>>, %arg10: memref<!tpu.dma_semaphore, #tpu.memory_space<semaphore_mem>>, %arg11: memref<!tpu.dma_semaphore, #tpu.memory_space<semaphore_mem>>, %arg12: memref<!tpu.dma_semaphore, #tpu.memory_space<semaphore_mem>>, %arg13: memref<!tpu.dma_semaphore, #tpu.memory_space<semaphore_mem>>, %arg14: memref<!tpu.dma_semaphore, #tpu.memory_space<semaphore_mem>>) attributes {dimension_semantics = [#tpu.dimension_semantics<core_parallel>, #tpu.dimension_semantics<subcore_parallel>], iteration_bounds = array<i64: 2, 16>, scalar_prefetch = 0 : i64, scratch_operands = 10 : i64, tpu.core_type = #tpu.core_type<sc_vector_subcore>, window_params = [{transform_indices = #map}, {transform_indices = #map1}, {transform_indices = #map}]} {
    %mul3A = arith.constant 2 : i32
    %mul3A_0 = arith.muli %arg1, %mul3A : i32
    %add3A = arith.addi %mul3A_0, %arg0 : i32
    %mul3A_1 = arith.constant 128 : i32
    %mul3A_2 = arith.muli %add3A, %mul3A_1 : i32
    "tpu.region"() ({
      %run_scoped3A = tpu.sem_alloc : memref<!tpu.dma_semaphore, #tpu.memory_space<semaphore_mem>>
      %dma_start3A_81 = tpu.memref_slice %arg3[%mul3A_2] : memref<4096xi32, #tpu.memory_space<hbm>> -> memref<128xi32, #tpu.memory_space<hbm>>
      %dma_start3A_82 = tpu.memref_slice %arg3[%mul3A_2] : memref<4096xi32, #tpu.memory_space<hbm>> -> memref<128xi32, #tpu.memory_space<hbm>>
      tpu.enqueue_dma source(%dma_start3A_82 : memref<128xi32, #tpu.memory_space<hbm>>) target(%arg5 : memref<128xi32, #tpu.memory_space<vmem>>) target_semaphore(%run_scoped3A : memref<!tpu.dma_semaphore, #tpu.memory_space<semaphore_mem>>)
      %dma_wait3A_83 = tpu.memref_slice %arg3[%mul3A_2] : memref<4096xi32, #tpu.memory_space<hbm>> -> memref<128xi32, #tpu.memory_space<hbm>>
      %dma_wait3A_84 = tpu.memref_slice %arg3[%mul3A_2] : memref<4096xi32, #tpu.memory_space<hbm>> -> memref<128xi32, #tpu.memory_space<hbm>>
      tpu.wait_dma2 semaphore(%run_scoped3A : memref<!tpu.dma_semaphore, #tpu.memory_space<semaphore_mem>>) src(%dma_wait3A_84 : memref<128xi32, #tpu.memory_space<hbm>>) dst(%arg5 : memref<128xi32, #tpu.memory_space<vmem>>)
      tpu.yield
    }) : () -> ()
    %dma_start3A = arith.constant 0 : i32
    %dma_start3A_3 = tpu.memref_slice %arg5[%dma_start3A] : memref<128xi32, #tpu.memory_space<vmem>> -> memref<32xi32, #tpu.memory_space<vmem>>
    %dma_start3A_4 = arith.constant 0 : i32
    %dma_start3A_5 = arith.constant 0 : i32
    %dma_start3A_6 = tpu.memref_slice %arg2[%dma_start3A_4, %dma_start3A_5] : memref<32000x1024xf32, #tpu.memory_space<hbm>> -> memref<32000x1024xf32, #tpu.memory_space<hbm>>
    tpu.enqueue_indirect_dma source(%dma_start3A_6 : memref<32000x1024xf32, #tpu.memory_space<hbm>>) target(%arg6 : memref<32x1024xf32, #tpu.memory_space<vmem>>) offsets(%dma_start3A_3 : memref<32xi32, #tpu.memory_space<vmem>>) semaphore(%arg9 : memref<!tpu.dma_semaphore, #tpu.memory_space<semaphore_mem>>)
    %dma_start3A_7 = arith.constant 32 : i32
    %dma_start3A_8 = tpu.memref_slice %arg5[%dma_start3A_7] : memref<128xi32, #tpu.memory_space<vmem>> -> memref<32xi32, #tpu.memory_space<vmem>>
    %dma_start3A_9 = arith.constant 0 : i32
    %dma_start3A_10 = arith.constant 0 : i32
    %dma_start3A_11 = tpu.memref_slice %arg2[%dma_start3A_9, %dma_start3A_10] : memref<32000x1024xf32, #tpu.memory_space<hbm>> -> memref<32000x1024xf32, #tpu.memory_space<hbm>>
    tpu.enqueue_indirect_dma source(%dma_start3A_11 : memref<32000x1024xf32, #tpu.memory_space<hbm>>) target(%arg7 : memref<32x1024xf32, #tpu.memory_space<vmem>>) offsets(%dma_start3A_8 : memref<32xi32, #tpu.memory_space<vmem>>) semaphore(%arg10 : memref<!tpu.dma_semaphore, #tpu.memory_space<semaphore_mem>>)
    %dma_wait3A = arith.constant 0 : i32
    %dma_wait3A_12 = tpu.memref_slice %arg5[%dma_wait3A] : memref<128xi32, #tpu.memory_space<vmem>> -> memref<32xi32, #tpu.memory_space<vmem>>
    %dma_wait3A_13 = arith.constant 0 : i32
    %dma_wait3A_14 = arith.constant 0 : i32
    %dma_wait3A_15 = tpu.memref_slice %arg2[%dma_wait3A_13, %dma_wait3A_14] : memref<32000x1024xf32, #tpu.memory_space<hbm>> -> memref<32000x1024xf32, #tpu.memory_space<hbm>>
    tpu.wait_indirect_dma semaphore(%arg9 : memref<!tpu.dma_semaphore, #tpu.memory_space<semaphore_mem>>) src(%dma_wait3A_15 : memref<32000x1024xf32, #tpu.memory_space<hbm>>) dst(%arg6 : memref<32x1024xf32, #tpu.memory_space<vmem>>)
    %add3A_16 = arith.constant 0 : i32
    %add3A_17 = arith.addi %mul3A_2, %add3A_16 : i32
    %dma_start3A_18 = arith.constant 0 : i32
    %dma_start3A_19 = tpu.memref_slice %arg4[%add3A_17, %dma_start3A_18] : memref<4096x1024xf32, #tpu.memory_space<hbm>> -> memref<32x1024xf32, #tpu.memory_space<hbm>>
    %dma_start3A_20 = arith.constant 0 : i32
    %dma_start3A_21 = tpu.memref_slice %arg4[%add3A_17, %dma_start3A_20] : memref<4096x1024xf32, #tpu.memory_space<hbm>> -> memref<32x1024xf32, #tpu.memory_space<hbm>>
    tpu.enqueue_dma source(%arg6 : memref<32x1024xf32, #tpu.memory_space<vmem>>) target(%dma_start3A_21 : memref<32x1024xf32, #tpu.memory_space<hbm>>) target_semaphore(%arg12 : memref<!tpu.dma_semaphore, #tpu.memory_space<semaphore_mem>>)
    %dma_start3A_22 = arith.constant 64 : i32
    %dma_start3A_23 = tpu.memref_slice %arg5[%dma_start3A_22] : memref<128xi32, #tpu.memory_space<vmem>> -> memref<32xi32, #tpu.memory_space<vmem>>
    %dma_start3A_24 = arith.constant 0 : i32
    %dma_start3A_25 = arith.constant 0 : i32
    %dma_start3A_26 = tpu.memref_slice %arg2[%dma_start3A_24, %dma_start3A_25] : memref<32000x1024xf32, #tpu.memory_space<hbm>> -> memref<32000x1024xf32, #tpu.memory_space<hbm>>
    tpu.enqueue_indirect_dma source(%dma_start3A_26 : memref<32000x1024xf32, #tpu.memory_space<hbm>>) target(%arg8 : memref<32x1024xf32, #tpu.memory_space<vmem>>) offsets(%dma_start3A_23 : memref<32xi32, #tpu.memory_space<vmem>>) semaphore(%arg11 : memref<!tpu.dma_semaphore, #tpu.memory_space<semaphore_mem>>)
    %dma_wait3A_27 = arith.constant 32 : i32
    %dma_wait3A_28 = tpu.memref_slice %arg5[%dma_wait3A_27] : memref<128xi32, #tpu.memory_space<vmem>> -> memref<32xi32, #tpu.memory_space<vmem>>
    %dma_wait3A_29 = arith.constant 0 : i32
    %dma_wait3A_30 = arith.constant 0 : i32
    %dma_wait3A_31 = tpu.memref_slice %arg2[%dma_wait3A_29, %dma_wait3A_30] : memref<32000x1024xf32, #tpu.memory_space<hbm>> -> memref<32000x1024xf32, #tpu.memory_space<hbm>>
    tpu.wait_indirect_dma semaphore(%arg10 : memref<!tpu.dma_semaphore, #tpu.memory_space<semaphore_mem>>) src(%dma_wait3A_31 : memref<32000x1024xf32, #tpu.memory_space<hbm>>) dst(%arg7 : memref<32x1024xf32, #tpu.memory_space<vmem>>)
    %add3A_32 = arith.constant 32 : i32
    %add3A_33 = arith.addi %mul3A_2, %add3A_32 : i32
    %dma_start3A_34 = arith.constant 0 : i32
    %dma_start3A_35 = tpu.memref_slice %arg4[%add3A_33, %dma_start3A_34] : memref<4096x1024xf32, #tpu.memory_space<hbm>> -> memref<32x1024xf32, #tpu.memory_space<hbm>>
    %dma_start3A_36 = arith.constant 0 : i32
    %dma_start3A_37 = tpu.memref_slice %arg4[%add3A_33, %dma_start3A_36] : memref<4096x1024xf32, #tpu.memory_space<hbm>> -> memref<32x1024xf32, #tpu.memory_space<hbm>>
    tpu.enqueue_dma source(%arg7 : memref<32x1024xf32, #tpu.memory_space<vmem>>) target(%dma_start3A_37 : memref<32x1024xf32, #tpu.memory_space<hbm>>) target_semaphore(%arg13 : memref<!tpu.dma_semaphore, #tpu.memory_space<semaphore_mem>>)
    %dma_wait3A_38 = arith.constant 0 : i32
    %dma_wait3A_39 = tpu.memref_slice %arg4[%add3A_17, %dma_wait3A_38] : memref<4096x1024xf32, #tpu.memory_space<hbm>> -> memref<32x1024xf32, #tpu.memory_space<hbm>>
    %dma_wait3A_40 = arith.constant 0 : i32
    %dma_wait3A_41 = tpu.memref_slice %arg4[%add3A_17, %dma_wait3A_40] : memref<4096x1024xf32, #tpu.memory_space<hbm>> -> memref<32x1024xf32, #tpu.memory_space<hbm>>
    tpu.wait_dma2 semaphore(%arg12 : memref<!tpu.dma_semaphore, #tpu.memory_space<semaphore_mem>>) src(%arg6 : memref<32x1024xf32, #tpu.memory_space<vmem>>) dst(%dma_wait3A_41 : memref<32x1024xf32, #tpu.memory_space<hbm>>)
    %dma_start3A_42 = arith.constant 96 : i32
    %dma_start3A_43 = tpu.memref_slice %arg5[%dma_start3A_42] : memref<128xi32, #tpu.memory_space<vmem>> -> memref<32xi32, #tpu.memory_space<vmem>>
    %dma_start3A_44 = arith.constant 0 : i32
    %dma_start3A_45 = arith.constant 0 : i32
    %dma_start3A_46 = tpu.memref_slice %arg2[%dma_start3A_44, %dma_start3A_45] : memref<32000x1024xf32, #tpu.memory_space<hbm>> -> memref<32000x1024xf32, #tpu.memory_space<hbm>>
    tpu.enqueue_indirect_dma source(%dma_start3A_46 : memref<32000x1024xf32, #tpu.memory_space<hbm>>) target(%arg6 : memref<32x1024xf32, #tpu.memory_space<vmem>>) offsets(%dma_start3A_43 : memref<32xi32, #tpu.memory_space<vmem>>) semaphore(%arg9 : memref<!tpu.dma_semaphore, #tpu.memory_space<semaphore_mem>>)
    %dma_wait3A_47 = arith.constant 64 : i32
    %dma_wait3A_48 = tpu.memref_slice %arg5[%dma_wait3A_47] : memref<128xi32, #tpu.memory_space<vmem>> -> memref<32xi32, #tpu.memory_space<vmem>>
    %dma_wait3A_49 = arith.constant 0 : i32
    %dma_wait3A_50 = arith.constant 0 : i32
    %dma_wait3A_51 = tpu.memref_slice %arg2[%dma_wait3A_49, %dma_wait3A_50] : memref<32000x1024xf32, #tpu.memory_space<hbm>> -> memref<32000x1024xf32, #tpu.memory_space<hbm>>
    tpu.wait_indirect_dma semaphore(%arg11 : memref<!tpu.dma_semaphore, #tpu.memory_space<semaphore_mem>>) src(%dma_wait3A_51 : memref<32000x1024xf32, #tpu.memory_space<hbm>>) dst(%arg8 : memref<32x1024xf32, #tpu.memory_space<vmem>>)
    %add3A_52 = arith.constant 64 : i32
    %add3A_53 = arith.addi %mul3A_2, %add3A_52 : i32
    %dma_start3A_54 = arith.constant 0 : i32
    %dma_start3A_55 = tpu.memref_slice %arg4[%add3A_53, %dma_start3A_54] : memref<4096x1024xf32, #tpu.memory_space<hbm>> -> memref<32x1024xf32, #tpu.memory_space<hbm>>
    %dma_start3A_56 = arith.constant 0 : i32
    %dma_start3A_57 = tpu.memref_slice %arg4[%add3A_53, %dma_start3A_56] : memref<4096x1024xf32, #tpu.memory_space<hbm>> -> memref<32x1024xf32, #tpu.memory_space<hbm>>
    tpu.enqueue_dma source(%arg8 : memref<32x1024xf32, #tpu.memory_space<vmem>>) target(%dma_start3A_57 : memref<32x1024xf32, #tpu.memory_space<hbm>>) target_semaphore(%arg14 : memref<!tpu.dma_semaphore, #tpu.memory_space<semaphore_mem>>)
    %dma_wait3A_58 = arith.constant 96 : i32
    %dma_wait3A_59 = tpu.memref_slice %arg5[%dma_wait3A_58] : memref<128xi32, #tpu.memory_space<vmem>> -> memref<32xi32, #tpu.memory_space<vmem>>
    %dma_wait3A_60 = arith.constant 0 : i32
    %dma_wait3A_61 = arith.constant 0 : i32
    %dma_wait3A_62 = tpu.memref_slice %arg2[%dma_wait3A_60, %dma_wait3A_61] : memref<32000x1024xf32, #tpu.memory_space<hbm>> -> memref<32000x1024xf32, #tpu.memory_space<hbm>>
    tpu.wait_indirect_dma semaphore(%arg9 : memref<!tpu.dma_semaphore, #tpu.memory_space<semaphore_mem>>) src(%dma_wait3A_62 : memref<32000x1024xf32, #tpu.memory_space<hbm>>) dst(%arg6 : memref<32x1024xf32, #tpu.memory_space<vmem>>)
    %add3A_63 = arith.constant 96 : i32
    %add3A_64 = arith.addi %mul3A_2, %add3A_63 : i32
    %dma_start3A_65 = arith.constant 0 : i32
    %dma_start3A_66 = tpu.memref_slice %arg4[%add3A_64, %dma_start3A_65] : memref<4096x1024xf32, #tpu.memory_space<hbm>> -> memref<32x1024xf32, #tpu.memory_space<hbm>>
    %dma_start3A_67 = arith.constant 0 : i32
    %dma_start3A_68 = tpu.memref_slice %arg4[%add3A_64, %dma_start3A_67] : memref<4096x1024xf32, #tpu.memory_space<hbm>> -> memref<32x1024xf32, #tpu.memory_space<hbm>>
    tpu.enqueue_dma source(%arg6 : memref<32x1024xf32, #tpu.memory_space<vmem>>) target(%dma_start3A_68 : memref<32x1024xf32, #tpu.memory_space<hbm>>) target_semaphore(%arg12 : memref<!tpu.dma_semaphore, #tpu.memory_space<semaphore_mem>>)
    %dma_wait3A_69 = arith.constant 0 : i32
    %dma_wait3A_70 = tpu.memref_slice %arg4[%add3A_64, %dma_wait3A_69] : memref<4096x1024xf32, #tpu.memory_space<hbm>> -> memref<32x1024xf32, #tpu.memory_space<hbm>>
    %dma_wait3A_71 = arith.constant 0 : i32
    %dma_wait3A_72 = tpu.memref_slice %arg4[%add3A_64, %dma_wait3A_71] : memref<4096x1024xf32, #tpu.memory_space<hbm>> -> memref<32x1024xf32, #tpu.memory_space<hbm>>
    tpu.wait_dma2 semaphore(%arg12 : memref<!tpu.dma_semaphore, #tpu.memory_space<semaphore_mem>>) src(%arg6 : memref<32x1024xf32, #tpu.memory_space<vmem>>) dst(%dma_wait3A_72 : memref<32x1024xf32, #tpu.memory_space<hbm>>)
    %dma_wait3A_73 = arith.constant 0 : i32
    %dma_wait3A_74 = tpu.memref_slice %arg4[%add3A_33, %dma_wait3A_73] : memref<4096x1024xf32, #tpu.memory_space<hbm>> -> memref<32x1024xf32, #tpu.memory_space<hbm>>
    %dma_wait3A_75 = arith.constant 0 : i32
    %dma_wait3A_76 = tpu.memref_slice %arg4[%add3A_33, %dma_wait3A_75] : memref<4096x1024xf32, #tpu.memory_space<hbm>> -> memref<32x1024xf32, #tpu.memory_space<hbm>>
    tpu.wait_dma2 semaphore(%arg13 : memref<!tpu.dma_semaphore, #tpu.memory_space<semaphore_mem>>) src(%arg7 : memref<32x1024xf32, #tpu.memory_space<vmem>>) dst(%dma_wait3A_76 : memref<32x1024xf32, #tpu.memory_space<hbm>>)
    %dma_wait3A_77 = arith.constant 0 : i32
    %dma_wait3A_78 = tpu.memref_slice %arg4[%add3A_53, %dma_wait3A_77] : memref<4096x1024xf32, #tpu.memory_space<hbm>> -> memref<32x1024xf32, #tpu.memory_space<hbm>>
    %dma_wait3A_79 = arith.constant 0 : i32
    %dma_wait3A_80 = tpu.memref_slice %arg4[%add3A_53, %dma_wait3A_79] : memref<4096x1024xf32, #tpu.memory_space<hbm>> -> memref<32x1024xf32, #tpu.memory_space<hbm>>
    tpu.wait_dma2 semaphore(%arg14 : memref<!tpu.dma_semaphore, #tpu.memory_space<semaphore_mem>>) src(%arg8 : memref<32x1024xf32, #tpu.memory_space<vmem>>) dst(%dma_wait3A_80 : memref<32x1024xf32, #tpu.memory_space<hbm>>)
    return
  }
}

#map = affine_map<(d0, d1) -> (0, 0)>
#map1 = affine_map<(d0, d1) -> (0)>
module attributes {stable_mosaic.version = 14 : i64} {
  func.func @gather_kernel(%arg0: i32, %arg1: i32, %arg2: memref<32000x1024xf32, #tpu.memory_space<hbm>>, %arg3: memref<12288xi32, #tpu.memory_space<hbm>>, %arg4: memref<12288x1024xf32, #tpu.memory_space<hbm>>, %arg5: memref<384xi32, #tpu.memory_space<vmem>>, %arg6: memref<32x1024xf32, #tpu.memory_space<vmem>>, %arg7: memref<32x1024xf32, #tpu.memory_space<vmem>>, %arg8: memref<32x1024xf32, #tpu.memory_space<vmem>>, %arg9: memref<!tpu.dma_semaphore, #tpu.memory_space<semaphore_mem>>, %arg10: memref<!tpu.dma_semaphore, #tpu.memory_space<semaphore_mem>>, %arg11: memref<!tpu.dma_semaphore, #tpu.memory_space<semaphore_mem>>, %arg12: memref<!tpu.dma_semaphore, #tpu.memory_space<semaphore_mem>>, %arg13: memref<!tpu.dma_semaphore, #tpu.memory_space<semaphore_mem>>, %arg14: memref<!tpu.dma_semaphore, #tpu.memory_space<semaphore_mem>>) attributes {dimension_semantics = [#tpu.dimension_semantics<core_parallel>, #tpu.dimension_semantics<subcore_parallel>], iteration_bounds = array<i64: 2, 16>, scalar_prefetch = 0 : i64, scratch_operands = 10 : i64, tpu.core_type = #tpu.core_type<sc_vector_subcore>, window_params = [{transform_indices = #map}, {transform_indices = #map1}, {transform_indices = #map}]} {
    %mul3A = arith.constant 2 : i32
    %mul3A_0 = arith.muli %arg1, %mul3A : i32
    %add3A = arith.addi %mul3A_0, %arg0 : i32
    %mul3A_1 = arith.constant 384 : i32
    %mul3A_2 = arith.muli %add3A, %mul3A_1 : i32
    "tpu.region"() ({
      %run_scoped3A = tpu.sem_alloc : memref<!tpu.dma_semaphore, #tpu.memory_space<semaphore_mem>>
      %dma_start3A_241 = tpu.memref_slice %arg3[%mul3A_2] : memref<12288xi32, #tpu.memory_space<hbm>> -> memref<384xi32, #tpu.memory_space<hbm>>
      %dma_start3A_242 = tpu.memref_slice %arg3[%mul3A_2] : memref<12288xi32, #tpu.memory_space<hbm>> -> memref<384xi32, #tpu.memory_space<hbm>>
      tpu.enqueue_dma source(%dma_start3A_242 : memref<384xi32, #tpu.memory_space<hbm>>) target(%arg5 : memref<384xi32, #tpu.memory_space<vmem>>) target_semaphore(%run_scoped3A : memref<!tpu.dma_semaphore, #tpu.memory_space<semaphore_mem>>)
      %dma_wait3A_243 = tpu.memref_slice %arg3[%mul3A_2] : memref<12288xi32, #tpu.memory_space<hbm>> -> memref<384xi32, #tpu.memory_space<hbm>>
      %dma_wait3A_244 = tpu.memref_slice %arg3[%mul3A_2] : memref<12288xi32, #tpu.memory_space<hbm>> -> memref<384xi32, #tpu.memory_space<hbm>>
      tpu.wait_dma2 semaphore(%run_scoped3A : memref<!tpu.dma_semaphore, #tpu.memory_space<semaphore_mem>>) src(%dma_wait3A_244 : memref<384xi32, #tpu.memory_space<hbm>>) dst(%arg5 : memref<384xi32, #tpu.memory_space<vmem>>)
      tpu.yield
    }) : () -> ()
    %dma_start3A = arith.constant 0 : i32
    %dma_start3A_3 = tpu.memref_slice %arg5[%dma_start3A] : memref<384xi32, #tpu.memory_space<vmem>> -> memref<32xi32, #tpu.memory_space<vmem>>
    %dma_start3A_4 = arith.constant 0 : i32
    %dma_start3A_5 = arith.constant 0 : i32
    %dma_start3A_6 = tpu.memref_slice %arg2[%dma_start3A_4, %dma_start3A_5] : memref<32000x1024xf32, #tpu.memory_space<hbm>> -> memref<32000x1024xf32, #tpu.memory_space<hbm>>
    tpu.enqueue_indirect_dma source(%dma_start3A_6 : memref<32000x1024xf32, #tpu.memory_space<hbm>>) target(%arg6 : memref<32x1024xf32, #tpu.memory_space<vmem>>) offsets(%dma_start3A_3 : memref<32xi32, #tpu.memory_space<vmem>>) semaphore(%arg9 : memref<!tpu.dma_semaphore, #tpu.memory_space<semaphore_mem>>)
    %dma_start3A_7 = arith.constant 32 : i32
    %dma_start3A_8 = tpu.memref_slice %arg5[%dma_start3A_7] : memref<384xi32, #tpu.memory_space<vmem>> -> memref<32xi32, #tpu.memory_space<vmem>>
    %dma_start3A_9 = arith.constant 0 : i32
    %dma_start3A_10 = arith.constant 0 : i32
    %dma_start3A_11 = tpu.memref_slice %arg2[%dma_start3A_9, %dma_start3A_10] : memref<32000x1024xf32, #tpu.memory_space<hbm>> -> memref<32000x1024xf32, #tpu.memory_space<hbm>>
    tpu.enqueue_indirect_dma source(%dma_start3A_11 : memref<32000x1024xf32, #tpu.memory_space<hbm>>) target(%arg7 : memref<32x1024xf32, #tpu.memory_space<vmem>>) offsets(%dma_start3A_8 : memref<32xi32, #tpu.memory_space<vmem>>) semaphore(%arg10 : memref<!tpu.dma_semaphore, #tpu.memory_space<semaphore_mem>>)
    %dma_wait3A = arith.constant 0 : i32
    %dma_wait3A_12 = tpu.memref_slice %arg5[%dma_wait3A] : memref<384xi32, #tpu.memory_space<vmem>> -> memref<32xi32, #tpu.memory_space<vmem>>
    %dma_wait3A_13 = arith.constant 0 : i32
    %dma_wait3A_14 = arith.constant 0 : i32
    %dma_wait3A_15 = tpu.memref_slice %arg2[%dma_wait3A_13, %dma_wait3A_14] : memref<32000x1024xf32, #tpu.memory_space<hbm>> -> memref<32000x1024xf32, #tpu.memory_space<hbm>>
    tpu.wait_indirect_dma semaphore(%arg9 : memref<!tpu.dma_semaphore, #tpu.memory_space<semaphore_mem>>) src(%dma_wait3A_15 : memref<32000x1024xf32, #tpu.memory_space<hbm>>) dst(%arg6 : memref<32x1024xf32, #tpu.memory_space<vmem>>)
    %add3A_16 = arith.constant 0 : i32
    %add3A_17 = arith.addi %mul3A_2, %add3A_16 : i32
    %dma_start3A_18 = arith.constant 0 : i32
    %dma_start3A_19 = tpu.memref_slice %arg4[%add3A_17, %dma_start3A_18] : memref<12288x1024xf32, #tpu.memory_space<hbm>> -> memref<32x1024xf32, #tpu.memory_space<hbm>>
    %dma_start3A_20 = arith.constant 0 : i32
    %dma_start3A_21 = tpu.memref_slice %arg4[%add3A_17, %dma_start3A_20] : memref<12288x1024xf32, #tpu.memory_space<hbm>> -> memref<32x1024xf32, #tpu.memory_space<hbm>>
    tpu.enqueue_dma source(%arg6 : memref<32x1024xf32, #tpu.memory_space<vmem>>) target(%dma_start3A_21 : memref<32x1024xf32, #tpu.memory_space<hbm>>) target_semaphore(%arg12 : memref<!tpu.dma_semaphore, #tpu.memory_space<semaphore_mem>>)
    %dma_start3A_22 = arith.constant 64 : i32
    %dma_start3A_23 = tpu.memref_slice %arg5[%dma_start3A_22] : memref<384xi32, #tpu.memory_space<vmem>> -> memref<32xi32, #tpu.memory_space<vmem>>
    %dma_start3A_24 = arith.constant 0 : i32
    %dma_start3A_25 = arith.constant 0 : i32
    %dma_start3A_26 = tpu.memref_slice %arg2[%dma_start3A_24, %dma_start3A_25] : memref<32000x1024xf32, #tpu.memory_space<hbm>> -> memref<32000x1024xf32, #tpu.memory_space<hbm>>
    tpu.enqueue_indirect_dma source(%dma_start3A_26 : memref<32000x1024xf32, #tpu.memory_space<hbm>>) target(%arg8 : memref<32x1024xf32, #tpu.memory_space<vmem>>) offsets(%dma_start3A_23 : memref<32xi32, #tpu.memory_space<vmem>>) semaphore(%arg11 : memref<!tpu.dma_semaphore, #tpu.memory_space<semaphore_mem>>)
    %dma_wait3A_27 = arith.constant 32 : i32
    %dma_wait3A_28 = tpu.memref_slice %arg5[%dma_wait3A_27] : memref<384xi32, #tpu.memory_space<vmem>> -> memref<32xi32, #tpu.memory_space<vmem>>
    %dma_wait3A_29 = arith.constant 0 : i32
    %dma_wait3A_30 = arith.constant 0 : i32
    %dma_wait3A_31 = tpu.memref_slice %arg2[%dma_wait3A_29, %dma_wait3A_30] : memref<32000x1024xf32, #tpu.memory_space<hbm>> -> memref<32000x1024xf32, #tpu.memory_space<hbm>>
    tpu.wait_indirect_dma semaphore(%arg10 : memref<!tpu.dma_semaphore, #tpu.memory_space<semaphore_mem>>) src(%dma_wait3A_31 : memref<32000x1024xf32, #tpu.memory_space<hbm>>) dst(%arg7 : memref<32x1024xf32, #tpu.memory_space<vmem>>)
    %add3A_32 = arith.constant 32 : i32
    %add3A_33 = arith.addi %mul3A_2, %add3A_32 : i32
    %dma_start3A_34 = arith.constant 0 : i32
    %dma_start3A_35 = tpu.memref_slice %arg4[%add3A_33, %dma_start3A_34] : memref<12288x1024xf32, #tpu.memory_space<hbm>> -> memref<32x1024xf32, #tpu.memory_space<hbm>>
    %dma_start3A_36 = arith.constant 0 : i32
    %dma_start3A_37 = tpu.memref_slice %arg4[%add3A_33, %dma_start3A_36] : memref<12288x1024xf32, #tpu.memory_space<hbm>> -> memref<32x1024xf32, #tpu.memory_space<hbm>>
    tpu.enqueue_dma source(%arg7 : memref<32x1024xf32, #tpu.memory_space<vmem>>) target(%dma_start3A_37 : memref<32x1024xf32, #tpu.memory_space<hbm>>) target_semaphore(%arg13 : memref<!tpu.dma_semaphore, #tpu.memory_space<semaphore_mem>>)
    %dma_wait3A_38 = arith.constant 0 : i32
    %dma_wait3A_39 = tpu.memref_slice %arg4[%add3A_17, %dma_wait3A_38] : memref<12288x1024xf32, #tpu.memory_space<hbm>> -> memref<32x1024xf32, #tpu.memory_space<hbm>>
    %dma_wait3A_40 = arith.constant 0 : i32
    %dma_wait3A_41 = tpu.memref_slice %arg4[%add3A_17, %dma_wait3A_40] : memref<12288x1024xf32, #tpu.memory_space<hbm>> -> memref<32x1024xf32, #tpu.memory_space<hbm>>
    tpu.wait_dma2 semaphore(%arg12 : memref<!tpu.dma_semaphore, #tpu.memory_space<semaphore_mem>>) src(%arg6 : memref<32x1024xf32, #tpu.memory_space<vmem>>) dst(%dma_wait3A_41 : memref<32x1024xf32, #tpu.memory_space<hbm>>)
    %dma_start3A_42 = arith.constant 96 : i32
    %dma_start3A_43 = tpu.memref_slice %arg5[%dma_start3A_42] : memref<384xi32, #tpu.memory_space<vmem>> -> memref<32xi32, #tpu.memory_space<vmem>>
    %dma_start3A_44 = arith.constant 0 : i32
    %dma_start3A_45 = arith.constant 0 : i32
    %dma_start3A_46 = tpu.memref_slice %arg2[%dma_start3A_44, %dma_start3A_45] : memref<32000x1024xf32, #tpu.memory_space<hbm>> -> memref<32000x1024xf32, #tpu.memory_space<hbm>>
    tpu.enqueue_indirect_dma source(%dma_start3A_46 : memref<32000x1024xf32, #tpu.memory_space<hbm>>) target(%arg6 : memref<32x1024xf32, #tpu.memory_space<vmem>>) offsets(%dma_start3A_43 : memref<32xi32, #tpu.memory_space<vmem>>) semaphore(%arg9 : memref<!tpu.dma_semaphore, #tpu.memory_space<semaphore_mem>>)
    %dma_wait3A_47 = arith.constant 64 : i32
    %dma_wait3A_48 = tpu.memref_slice %arg5[%dma_wait3A_47] : memref<384xi32, #tpu.memory_space<vmem>> -> memref<32xi32, #tpu.memory_space<vmem>>
    %dma_wait3A_49 = arith.constant 0 : i32
    %dma_wait3A_50 = arith.constant 0 : i32
    %dma_wait3A_51 = tpu.memref_slice %arg2[%dma_wait3A_49, %dma_wait3A_50] : memref<32000x1024xf32, #tpu.memory_space<hbm>> -> memref<32000x1024xf32, #tpu.memory_space<hbm>>
    tpu.wait_indirect_dma semaphore(%arg11 : memref<!tpu.dma_semaphore, #tpu.memory_space<semaphore_mem>>) src(%dma_wait3A_51 : memref<32000x1024xf32, #tpu.memory_space<hbm>>) dst(%arg8 : memref<32x1024xf32, #tpu.memory_space<vmem>>)
    %add3A_52 = arith.constant 64 : i32
    %add3A_53 = arith.addi %mul3A_2, %add3A_52 : i32
    %dma_start3A_54 = arith.constant 0 : i32
    %dma_start3A_55 = tpu.memref_slice %arg4[%add3A_53, %dma_start3A_54] : memref<12288x1024xf32, #tpu.memory_space<hbm>> -> memref<32x1024xf32, #tpu.memory_space<hbm>>
    %dma_start3A_56 = arith.constant 0 : i32
    %dma_start3A_57 = tpu.memref_slice %arg4[%add3A_53, %dma_start3A_56] : memref<12288x1024xf32, #tpu.memory_space<hbm>> -> memref<32x1024xf32, #tpu.memory_space<hbm>>
    tpu.enqueue_dma source(%arg8 : memref<32x1024xf32, #tpu.memory_space<vmem>>) target(%dma_start3A_57 : memref<32x1024xf32, #tpu.memory_space<hbm>>) target_semaphore(%arg14 : memref<!tpu.dma_semaphore, #tpu.memory_space<semaphore_mem>>)
    %dma_wait3A_58 = arith.constant 0 : i32
    %dma_wait3A_59 = tpu.memref_slice %arg4[%add3A_33, %dma_wait3A_58] : memref<12288x1024xf32, #tpu.memory_space<hbm>> -> memref<32x1024xf32, #tpu.memory_space<hbm>>
    %dma_wait3A_60 = arith.constant 0 : i32
    %dma_wait3A_61 = tpu.memref_slice %arg4[%add3A_33, %dma_wait3A_60] : memref<12288x1024xf32, #tpu.memory_space<hbm>> -> memref<32x1024xf32, #tpu.memory_space<hbm>>
    tpu.wait_dma2 semaphore(%arg13 : memref<!tpu.dma_semaphore, #tpu.memory_space<semaphore_mem>>) src(%arg7 : memref<32x1024xf32, #tpu.memory_space<vmem>>) dst(%dma_wait3A_61 : memref<32x1024xf32, #tpu.memory_space<hbm>>)
    %dma_start3A_62 = arith.constant 128 : i32
    %dma_start3A_63 = tpu.memref_slice %arg5[%dma_start3A_62] : memref<384xi32, #tpu.memory_space<vmem>> -> memref<32xi32, #tpu.memory_space<vmem>>
    %dma_start3A_64 = arith.constant 0 : i32
    %dma_start3A_65 = arith.constant 0 : i32
    %dma_start3A_66 = tpu.memref_slice %arg2[%dma_start3A_64, %dma_start3A_65] : memref<32000x1024xf32, #tpu.memory_space<hbm>> -> memref<32000x1024xf32, #tpu.memory_space<hbm>>
    tpu.enqueue_indirect_dma source(%dma_start3A_66 : memref<32000x1024xf32, #tpu.memory_space<hbm>>) target(%arg7 : memref<32x1024xf32, #tpu.memory_space<vmem>>) offsets(%dma_start3A_63 : memref<32xi32, #tpu.memory_space<vmem>>) semaphore(%arg10 : memref<!tpu.dma_semaphore, #tpu.memory_space<semaphore_mem>>)
    %dma_wait3A_67 = arith.constant 96 : i32
    %dma_wait3A_68 = tpu.memref_slice %arg5[%dma_wait3A_67] : memref<384xi32, #tpu.memory_space<vmem>> -> memref<32xi32, #tpu.memory_space<vmem>>
    %dma_wait3A_69 = arith.constant 0 : i32
    %dma_wait3A_70 = arith.constant 0 : i32
    %dma_wait3A_71 = tpu.memref_slice %arg2[%dma_wait3A_69, %dma_wait3A_70] : memref<32000x1024xf32, #tpu.memory_space<hbm>> -> memref<32000x1024xf32, #tpu.memory_space<hbm>>
    tpu.wait_indirect_dma semaphore(%arg9 : memref<!tpu.dma_semaphore, #tpu.memory_space<semaphore_mem>>) src(%dma_wait3A_71 : memref<32000x1024xf32, #tpu.memory_space<hbm>>) dst(%arg6 : memref<32x1024xf32, #tpu.memory_space<vmem>>)
    %add3A_72 = arith.constant 96 : i32
    %add3A_73 = arith.addi %mul3A_2, %add3A_72 : i32
    %dma_start3A_74 = arith.constant 0 : i32
    %dma_start3A_75 = tpu.memref_slice %arg4[%add3A_73, %dma_start3A_74] : memref<12288x1024xf32, #tpu.memory_space<hbm>> -> memref<32x1024xf32, #tpu.memory_space<hbm>>
    %dma_start3A_76 = arith.constant 0 : i32
    %dma_start3A_77 = tpu.memref_slice %arg4[%add3A_73, %dma_start3A_76] : memref<12288x1024xf32, #tpu.memory_space<hbm>> -> memref<32x1024xf32, #tpu.memory_space<hbm>>
    tpu.enqueue_dma source(%arg6 : memref<32x1024xf32, #tpu.memory_space<vmem>>) target(%dma_start3A_77 : memref<32x1024xf32, #tpu.memory_space<hbm>>) target_semaphore(%arg12 : memref<!tpu.dma_semaphore, #tpu.memory_space<semaphore_mem>>)
    %dma_wait3A_78 = arith.constant 0 : i32
    %dma_wait3A_79 = tpu.memref_slice %arg4[%add3A_53, %dma_wait3A_78] : memref<12288x1024xf32, #tpu.memory_space<hbm>> -> memref<32x1024xf32, #tpu.memory_space<hbm>>
    %dma_wait3A_80 = arith.constant 0 : i32
    %dma_wait3A_81 = tpu.memref_slice %arg4[%add3A_53, %dma_wait3A_80] : memref<12288x1024xf32, #tpu.memory_space<hbm>> -> memref<32x1024xf32, #tpu.memory_space<hbm>>
    tpu.wait_dma2 semaphore(%arg14 : memref<!tpu.dma_semaphore, #tpu.memory_space<semaphore_mem>>) src(%arg8 : memref<32x1024xf32, #tpu.memory_space<vmem>>) dst(%dma_wait3A_81 : memref<32x1024xf32, #tpu.memory_space<hbm>>)
    %dma_start3A_82 = arith.constant 160 : i32
    %dma_start3A_83 = tpu.memref_slice %arg5[%dma_start3A_82] : memref<384xi32, #tpu.memory_space<vmem>> -> memref<32xi32, #tpu.memory_space<vmem>>
    %dma_start3A_84 = arith.constant 0 : i32
    %dma_start3A_85 = arith.constant 0 : i32
    %dma_start3A_86 = tpu.memref_slice %arg2[%dma_start3A_84, %dma_start3A_85] : memref<32000x1024xf32, #tpu.memory_space<hbm>> -> memref<32000x1024xf32, #tpu.memory_space<hbm>>
    tpu.enqueue_indirect_dma source(%dma_start3A_86 : memref<32000x1024xf32, #tpu.memory_space<hbm>>) target(%arg8 : memref<32x1024xf32, #tpu.memory_space<vmem>>) offsets(%dma_start3A_83 : memref<32xi32, #tpu.memory_space<vmem>>) semaphore(%arg11 : memref<!tpu.dma_semaphore, #tpu.memory_space<semaphore_mem>>)
    %dma_wait3A_87 = arith.constant 128 : i32
    %dma_wait3A_88 = tpu.memref_slice %arg5[%dma_wait3A_87] : memref<384xi32, #tpu.memory_space<vmem>> -> memref<32xi32, #tpu.memory_space<vmem>>
    %dma_wait3A_89 = arith.constant 0 : i32
    %dma_wait3A_90 = arith.constant 0 : i32
    %dma_wait3A_91 = tpu.memref_slice %arg2[%dma_wait3A_89, %dma_wait3A_90] : memref<32000x1024xf32, #tpu.memory_space<hbm>> -> memref<32000x1024xf32, #tpu.memory_space<hbm>>
    tpu.wait_indirect_dma semaphore(%arg10 : memref<!tpu.dma_semaphore, #tpu.memory_space<semaphore_mem>>) src(%dma_wait3A_91 : memref<32000x1024xf32, #tpu.memory_space<hbm>>) dst(%arg7 : memref<32x1024xf32, #tpu.memory_space<vmem>>)
    %add3A_92 = arith.constant 128 : i32
    %add3A_93 = arith.addi %mul3A_2, %add3A_92 : i32
    %dma_start3A_94 = arith.constant 0 : i32
    %dma_start3A_95 = tpu.memref_slice %arg4[%add3A_93, %dma_start3A_94] : memref<12288x1024xf32, #tpu.memory_space<hbm>> -> memref<32x1024xf32, #tpu.memory_space<hbm>>
    %dma_start3A_96 = arith.constant 0 : i32
    %dma_start3A_97 = tpu.memref_slice %arg4[%add3A_93, %dma_start3A_96] : memref<12288x1024xf32, #tpu.memory_space<hbm>> -> memref<32x1024xf32, #tpu.memory_space<hbm>>
    tpu.enqueue_dma source(%arg7 : memref<32x1024xf32, #tpu.memory_space<vmem>>) target(%dma_start3A_97 : memref<32x1024xf32, #tpu.memory_space<hbm>>) target_semaphore(%arg13 : memref<!tpu.dma_semaphore, #tpu.memory_space<semaphore_mem>>)
    %dma_wait3A_98 = arith.constant 0 : i32
    %dma_wait3A_99 = tpu.memref_slice %arg4[%add3A_73, %dma_wait3A_98] : memref<12288x1024xf32, #tpu.memory_space<hbm>> -> memref<32x1024xf32, #tpu.memory_space<hbm>>
    %dma_wait3A_100 = arith.constant 0 : i32
    %dma_wait3A_101 = tpu.memref_slice %arg4[%add3A_73, %dma_wait3A_100] : memref<12288x1024xf32, #tpu.memory_space<hbm>> -> memref<32x1024xf32, #tpu.memory_space<hbm>>
    tpu.wait_dma2 semaphore(%arg12 : memref<!tpu.dma_semaphore, #tpu.memory_space<semaphore_mem>>) src(%arg6 : memref<32x1024xf32, #tpu.memory_space<vmem>>) dst(%dma_wait3A_101 : memref<32x1024xf32, #tpu.memory_space<hbm>>)
    %dma_start3A_102 = arith.constant 192 : i32
    %dma_start3A_103 = tpu.memref_slice %arg5[%dma_start3A_102] : memref<384xi32, #tpu.memory_space<vmem>> -> memref<32xi32, #tpu.memory_space<vmem>>
    %dma_start3A_104 = arith.constant 0 : i32
    %dma_start3A_105 = arith.constant 0 : i32
    %dma_start3A_106 = tpu.memref_slice %arg2[%dma_start3A_104, %dma_start3A_105] : memref<32000x1024xf32, #tpu.memory_space<hbm>> -> memref<32000x1024xf32, #tpu.memory_space<hbm>>
    tpu.enqueue_indirect_dma source(%dma_start3A_106 : memref<32000x1024xf32, #tpu.memory_space<hbm>>) target(%arg6 : memref<32x1024xf32, #tpu.memory_space<vmem>>) offsets(%dma_start3A_103 : memref<32xi32, #tpu.memory_space<vmem>>) semaphore(%arg9 : memref<!tpu.dma_semaphore, #tpu.memory_space<semaphore_mem>>)
    %dma_wait3A_107 = arith.constant 160 : i32
    %dma_wait3A_108 = tpu.memref_slice %arg5[%dma_wait3A_107] : memref<384xi32, #tpu.memory_space<vmem>> -> memref<32xi32, #tpu.memory_space<vmem>>
    %dma_wait3A_109 = arith.constant 0 : i32
    %dma_wait3A_110 = arith.constant 0 : i32
    %dma_wait3A_111 = tpu.memref_slice %arg2[%dma_wait3A_109, %dma_wait3A_110] : memref<32000x1024xf32, #tpu.memory_space<hbm>> -> memref<32000x1024xf32, #tpu.memory_space<hbm>>
    tpu.wait_indirect_dma semaphore(%arg11 : memref<!tpu.dma_semaphore, #tpu.memory_space<semaphore_mem>>) src(%dma_wait3A_111 : memref<32000x1024xf32, #tpu.memory_space<hbm>>) dst(%arg8 : memref<32x1024xf32, #tpu.memory_space<vmem>>)
    %add3A_112 = arith.constant 160 : i32
    %add3A_113 = arith.addi %mul3A_2, %add3A_112 : i32
    %dma_start3A_114 = arith.constant 0 : i32
    %dma_start3A_115 = tpu.memref_slice %arg4[%add3A_113, %dma_start3A_114] : memref<12288x1024xf32, #tpu.memory_space<hbm>> -> memref<32x1024xf32, #tpu.memory_space<hbm>>
    %dma_start3A_116 = arith.constant 0 : i32
    %dma_start3A_117 = tpu.memref_slice %arg4[%add3A_113, %dma_start3A_116] : memref<12288x1024xf32, #tpu.memory_space<hbm>> -> memref<32x1024xf32, #tpu.memory_space<hbm>>
    tpu.enqueue_dma source(%arg8 : memref<32x1024xf32, #tpu.memory_space<vmem>>) target(%dma_start3A_117 : memref<32x1024xf32, #tpu.memory_space<hbm>>) target_semaphore(%arg14 : memref<!tpu.dma_semaphore, #tpu.memory_space<semaphore_mem>>)
    %dma_wait3A_118 = arith.constant 0 : i32
    %dma_wait3A_119 = tpu.memref_slice %arg4[%add3A_93, %dma_wait3A_118] : memref<12288x1024xf32, #tpu.memory_space<hbm>> -> memref<32x1024xf32, #tpu.memory_space<hbm>>
    %dma_wait3A_120 = arith.constant 0 : i32
    %dma_wait3A_121 = tpu.memref_slice %arg4[%add3A_93, %dma_wait3A_120] : memref<12288x1024xf32, #tpu.memory_space<hbm>> -> memref<32x1024xf32, #tpu.memory_space<hbm>>
    tpu.wait_dma2 semaphore(%arg13 : memref<!tpu.dma_semaphore, #tpu.memory_space<semaphore_mem>>) src(%arg7 : memref<32x1024xf32, #tpu.memory_space<vmem>>) dst(%dma_wait3A_121 : memref<32x1024xf32, #tpu.memory_space<hbm>>)
    %dma_start3A_122 = arith.constant 224 : i32
    %dma_start3A_123 = tpu.memref_slice %arg5[%dma_start3A_122] : memref<384xi32, #tpu.memory_space<vmem>> -> memref<32xi32, #tpu.memory_space<vmem>>
    %dma_start3A_124 = arith.constant 0 : i32
    %dma_start3A_125 = arith.constant 0 : i32
    %dma_start3A_126 = tpu.memref_slice %arg2[%dma_start3A_124, %dma_start3A_125] : memref<32000x1024xf32, #tpu.memory_space<hbm>> -> memref<32000x1024xf32, #tpu.memory_space<hbm>>
    tpu.enqueue_indirect_dma source(%dma_start3A_126 : memref<32000x1024xf32, #tpu.memory_space<hbm>>) target(%arg7 : memref<32x1024xf32, #tpu.memory_space<vmem>>) offsets(%dma_start3A_123 : memref<32xi32, #tpu.memory_space<vmem>>) semaphore(%arg10 : memref<!tpu.dma_semaphore, #tpu.memory_space<semaphore_mem>>)
    %dma_wait3A_127 = arith.constant 192 : i32
    %dma_wait3A_128 = tpu.memref_slice %arg5[%dma_wait3A_127] : memref<384xi32, #tpu.memory_space<vmem>> -> memref<32xi32, #tpu.memory_space<vmem>>
    %dma_wait3A_129 = arith.constant 0 : i32
    %dma_wait3A_130 = arith.constant 0 : i32
    %dma_wait3A_131 = tpu.memref_slice %arg2[%dma_wait3A_129, %dma_wait3A_130] : memref<32000x1024xf32, #tpu.memory_space<hbm>> -> memref<32000x1024xf32, #tpu.memory_space<hbm>>
    tpu.wait_indirect_dma semaphore(%arg9 : memref<!tpu.dma_semaphore, #tpu.memory_space<semaphore_mem>>) src(%dma_wait3A_131 : memref<32000x1024xf32, #tpu.memory_space<hbm>>) dst(%arg6 : memref<32x1024xf32, #tpu.memory_space<vmem>>)
    %add3A_132 = arith.constant 192 : i32
    %add3A_133 = arith.addi %mul3A_2, %add3A_132 : i32
    %dma_start3A_134 = arith.constant 0 : i32
    %dma_start3A_135 = tpu.memref_slice %arg4[%add3A_133, %dma_start3A_134] : memref<12288x1024xf32, #tpu.memory_space<hbm>> -> memref<32x1024xf32, #tpu.memory_space<hbm>>
    %dma_start3A_136 = arith.constant 0 : i32
    %dma_start3A_137 = tpu.memref_slice %arg4[%add3A_133, %dma_start3A_136] : memref<12288x1024xf32, #tpu.memory_space<hbm>> -> memref<32x1024xf32, #tpu.memory_space<hbm>>
    tpu.enqueue_dma source(%arg6 : memref<32x1024xf32, #tpu.memory_space<vmem>>) target(%dma_start3A_137 : memref<32x1024xf32, #tpu.memory_space<hbm>>) target_semaphore(%arg12 : memref<!tpu.dma_semaphore, #tpu.memory_space<semaphore_mem>>)
    %dma_wait3A_138 = arith.constant 0 : i32
    %dma_wait3A_139 = tpu.memref_slice %arg4[%add3A_113, %dma_wait3A_138] : memref<12288x1024xf32, #tpu.memory_space<hbm>> -> memref<32x1024xf32, #tpu.memory_space<hbm>>
    %dma_wait3A_140 = arith.constant 0 : i32
    %dma_wait3A_141 = tpu.memref_slice %arg4[%add3A_113, %dma_wait3A_140] : memref<12288x1024xf32, #tpu.memory_space<hbm>> -> memref<32x1024xf32, #tpu.memory_space<hbm>>
    tpu.wait_dma2 semaphore(%arg14 : memref<!tpu.dma_semaphore, #tpu.memory_space<semaphore_mem>>) src(%arg8 : memref<32x1024xf32, #tpu.memory_space<vmem>>) dst(%dma_wait3A_141 : memref<32x1024xf32, #tpu.memory_space<hbm>>)
    %dma_start3A_142 = arith.constant 256 : i32
    %dma_start3A_143 = tpu.memref_slice %arg5[%dma_start3A_142] : memref<384xi32, #tpu.memory_space<vmem>> -> memref<32xi32, #tpu.memory_space<vmem>>
    %dma_start3A_144 = arith.constant 0 : i32
    %dma_start3A_145 = arith.constant 0 : i32
    %dma_start3A_146 = tpu.memref_slice %arg2[%dma_start3A_144, %dma_start3A_145] : memref<32000x1024xf32, #tpu.memory_space<hbm>> -> memref<32000x1024xf32, #tpu.memory_space<hbm>>
    tpu.enqueue_indirect_dma source(%dma_start3A_146 : memref<32000x1024xf32, #tpu.memory_space<hbm>>) target(%arg8 : memref<32x1024xf32, #tpu.memory_space<vmem>>) offsets(%dma_start3A_143 : memref<32xi32, #tpu.memory_space<vmem>>) semaphore(%arg11 : memref<!tpu.dma_semaphore, #tpu.memory_space<semaphore_mem>>)
    %dma_wait3A_147 = arith.constant 224 : i32
    %dma_wait3A_148 = tpu.memref_slice %arg5[%dma_wait3A_147] : memref<384xi32, #tpu.memory_space<vmem>> -> memref<32xi32, #tpu.memory_space<vmem>>
    %dma_wait3A_149 = arith.constant 0 : i32
    %dma_wait3A_150 = arith.constant 0 : i32
    %dma_wait3A_151 = tpu.memref_slice %arg2[%dma_wait3A_149, %dma_wait3A_150] : memref<32000x1024xf32, #tpu.memory_space<hbm>> -> memref<32000x1024xf32, #tpu.memory_space<hbm>>
    tpu.wait_indirect_dma semaphore(%arg10 : memref<!tpu.dma_semaphore, #tpu.memory_space<semaphore_mem>>) src(%dma_wait3A_151 : memref<32000x1024xf32, #tpu.memory_space<hbm>>) dst(%arg7 : memref<32x1024xf32, #tpu.memory_space<vmem>>)
    %add3A_152 = arith.constant 224 : i32
    %add3A_153 = arith.addi %mul3A_2, %add3A_152 : i32
    %dma_start3A_154 = arith.constant 0 : i32
    %dma_start3A_155 = tpu.memref_slice %arg4[%add3A_153, %dma_start3A_154] : memref<12288x1024xf32, #tpu.memory_space<hbm>> -> memref<32x1024xf32, #tpu.memory_space<hbm>>
    %dma_start3A_156 = arith.constant 0 : i32
    %dma_start3A_157 = tpu.memref_slice %arg4[%add3A_153, %dma_start3A_156] : memref<12288x1024xf32, #tpu.memory_space<hbm>> -> memref<32x1024xf32, #tpu.memory_space<hbm>>
    tpu.enqueue_dma source(%arg7 : memref<32x1024xf32, #tpu.memory_space<vmem>>) target(%dma_start3A_157 : memref<32x1024xf32, #tpu.memory_space<hbm>>) target_semaphore(%arg13 : memref<!tpu.dma_semaphore, #tpu.memory_space<semaphore_mem>>)
    %dma_wait3A_158 = arith.constant 0 : i32
    %dma_wait3A_159 = tpu.memref_slice %arg4[%add3A_133, %dma_wait3A_158] : memref<12288x1024xf32, #tpu.memory_space<hbm>> -> memref<32x1024xf32, #tpu.memory_space<hbm>>
    %dma_wait3A_160 = arith.constant 0 : i32
    %dma_wait3A_161 = tpu.memref_slice %arg4[%add3A_133, %dma_wait3A_160] : memref<12288x1024xf32, #tpu.memory_space<hbm>> -> memref<32x1024xf32, #tpu.memory_space<hbm>>
    tpu.wait_dma2 semaphore(%arg12 : memref<!tpu.dma_semaphore, #tpu.memory_space<semaphore_mem>>) src(%arg6 : memref<32x1024xf32, #tpu.memory_space<vmem>>) dst(%dma_wait3A_161 : memref<32x1024xf32, #tpu.memory_space<hbm>>)
    %dma_start3A_162 = arith.constant 288 : i32
    %dma_start3A_163 = tpu.memref_slice %arg5[%dma_start3A_162] : memref<384xi32, #tpu.memory_space<vmem>> -> memref<32xi32, #tpu.memory_space<vmem>>
    %dma_start3A_164 = arith.constant 0 : i32
    %dma_start3A_165 = arith.constant 0 : i32
    %dma_start3A_166 = tpu.memref_slice %arg2[%dma_start3A_164, %dma_start3A_165] : memref<32000x1024xf32, #tpu.memory_space<hbm>> -> memref<32000x1024xf32, #tpu.memory_space<hbm>>
    tpu.enqueue_indirect_dma source(%dma_start3A_166 : memref<32000x1024xf32, #tpu.memory_space<hbm>>) target(%arg6 : memref<32x1024xf32, #tpu.memory_space<vmem>>) offsets(%dma_start3A_163 : memref<32xi32, #tpu.memory_space<vmem>>) semaphore(%arg9 : memref<!tpu.dma_semaphore, #tpu.memory_space<semaphore_mem>>)
    %dma_wait3A_167 = arith.constant 256 : i32
    %dma_wait3A_168 = tpu.memref_slice %arg5[%dma_wait3A_167] : memref<384xi32, #tpu.memory_space<vmem>> -> memref<32xi32, #tpu.memory_space<vmem>>
    %dma_wait3A_169 = arith.constant 0 : i32
    %dma_wait3A_170 = arith.constant 0 : i32
    %dma_wait3A_171 = tpu.memref_slice %arg2[%dma_wait3A_169, %dma_wait3A_170] : memref<32000x1024xf32, #tpu.memory_space<hbm>> -> memref<32000x1024xf32, #tpu.memory_space<hbm>>
    tpu.wait_indirect_dma semaphore(%arg11 : memref<!tpu.dma_semaphore, #tpu.memory_space<semaphore_mem>>) src(%dma_wait3A_171 : memref<32000x1024xf32, #tpu.memory_space<hbm>>) dst(%arg8 : memref<32x1024xf32, #tpu.memory_space<vmem>>)
    %add3A_172 = arith.constant 256 : i32
    %add3A_173 = arith.addi %mul3A_2, %add3A_172 : i32
    %dma_start3A_174 = arith.constant 0 : i32
    %dma_start3A_175 = tpu.memref_slice %arg4[%add3A_173, %dma_start3A_174] : memref<12288x1024xf32, #tpu.memory_space<hbm>> -> memref<32x1024xf32, #tpu.memory_space<hbm>>
    %dma_start3A_176 = arith.constant 0 : i32
    %dma_start3A_177 = tpu.memref_slice %arg4[%add3A_173, %dma_start3A_176] : memref<12288x1024xf32, #tpu.memory_space<hbm>> -> memref<32x1024xf32, #tpu.memory_space<hbm>>
    tpu.enqueue_dma source(%arg8 : memref<32x1024xf32, #tpu.memory_space<vmem>>) target(%dma_start3A_177 : memref<32x1024xf32, #tpu.memory_space<hbm>>) target_semaphore(%arg14 : memref<!tpu.dma_semaphore, #tpu.memory_space<semaphore_mem>>)
    %dma_wait3A_178 = arith.constant 0 : i32
    %dma_wait3A_179 = tpu.memref_slice %arg4[%add3A_153, %dma_wait3A_178] : memref<12288x1024xf32, #tpu.memory_space<hbm>> -> memref<32x1024xf32, #tpu.memory_space<hbm>>
    %dma_wait3A_180 = arith.constant 0 : i32
    %dma_wait3A_181 = tpu.memref_slice %arg4[%add3A_153, %dma_wait3A_180] : memref<12288x1024xf32, #tpu.memory_space<hbm>> -> memref<32x1024xf32, #tpu.memory_space<hbm>>
    tpu.wait_dma2 semaphore(%arg13 : memref<!tpu.dma_semaphore, #tpu.memory_space<semaphore_mem>>) src(%arg7 : memref<32x1024xf32, #tpu.memory_space<vmem>>) dst(%dma_wait3A_181 : memref<32x1024xf32, #tpu.memory_space<hbm>>)
    %dma_start3A_182 = arith.constant 320 : i32
    %dma_start3A_183 = tpu.memref_slice %arg5[%dma_start3A_182] : memref<384xi32, #tpu.memory_space<vmem>> -> memref<32xi32, #tpu.memory_space<vmem>>
    %dma_start3A_184 = arith.constant 0 : i32
    %dma_start3A_185 = arith.constant 0 : i32
    %dma_start3A_186 = tpu.memref_slice %arg2[%dma_start3A_184, %dma_start3A_185] : memref<32000x1024xf32, #tpu.memory_space<hbm>> -> memref<32000x1024xf32, #tpu.memory_space<hbm>>
    tpu.enqueue_indirect_dma source(%dma_start3A_186 : memref<32000x1024xf32, #tpu.memory_space<hbm>>) target(%arg7 : memref<32x1024xf32, #tpu.memory_space<vmem>>) offsets(%dma_start3A_183 : memref<32xi32, #tpu.memory_space<vmem>>) semaphore(%arg10 : memref<!tpu.dma_semaphore, #tpu.memory_space<semaphore_mem>>)
    %dma_wait3A_187 = arith.constant 288 : i32
    %dma_wait3A_188 = tpu.memref_slice %arg5[%dma_wait3A_187] : memref<384xi32, #tpu.memory_space<vmem>> -> memref<32xi32, #tpu.memory_space<vmem>>
    %dma_wait3A_189 = arith.constant 0 : i32
    %dma_wait3A_190 = arith.constant 0 : i32
    %dma_wait3A_191 = tpu.memref_slice %arg2[%dma_wait3A_189, %dma_wait3A_190] : memref<32000x1024xf32, #tpu.memory_space<hbm>> -> memref<32000x1024xf32, #tpu.memory_space<hbm>>
    tpu.wait_indirect_dma semaphore(%arg9 : memref<!tpu.dma_semaphore, #tpu.memory_space<semaphore_mem>>) src(%dma_wait3A_191 : memref<32000x1024xf32, #tpu.memory_space<hbm>>) dst(%arg6 : memref<32x1024xf32, #tpu.memory_space<vmem>>)
    %add3A_192 = arith.constant 288 : i32
    %add3A_193 = arith.addi %mul3A_2, %add3A_192 : i32
    %dma_start3A_194 = arith.constant 0 : i32
    %dma_start3A_195 = tpu.memref_slice %arg4[%add3A_193, %dma_start3A_194] : memref<12288x1024xf32, #tpu.memory_space<hbm>> -> memref<32x1024xf32, #tpu.memory_space<hbm>>
    %dma_start3A_196 = arith.constant 0 : i32
    %dma_start3A_197 = tpu.memref_slice %arg4[%add3A_193, %dma_start3A_196] : memref<12288x1024xf32, #tpu.memory_space<hbm>> -> memref<32x1024xf32, #tpu.memory_space<hbm>>
    tpu.enqueue_dma source(%arg6 : memref<32x1024xf32, #tpu.memory_space<vmem>>) target(%dma_start3A_197 : memref<32x1024xf32, #tpu.memory_space<hbm>>) target_semaphore(%arg12 : memref<!tpu.dma_semaphore, #tpu.memory_space<semaphore_mem>>)
    %dma_wait3A_198 = arith.constant 0 : i32
    %dma_wait3A_199 = tpu.memref_slice %arg4[%add3A_173, %dma_wait3A_198] : memref<12288x1024xf32, #tpu.memory_space<hbm>> -> memref<32x1024xf32, #tpu.memory_space<hbm>>
    %dma_wait3A_200 = arith.constant 0 : i32
    %dma_wait3A_201 = tpu.memref_slice %arg4[%add3A_173, %dma_wait3A_200] : memref<12288x1024xf32, #tpu.memory_space<hbm>> -> memref<32x1024xf32, #tpu.memory_space<hbm>>
    tpu.wait_dma2 semaphore(%arg14 : memref<!tpu.dma_semaphore, #tpu.memory_space<semaphore_mem>>) src(%arg8 : memref<32x1024xf32, #tpu.memory_space<vmem>>) dst(%dma_wait3A_201 : memref<32x1024xf32, #tpu.memory_space<hbm>>)
    %dma_start3A_202 = arith.constant 352 : i32
    %dma_start3A_203 = tpu.memref_slice %arg5[%dma_start3A_202] : memref<384xi32, #tpu.memory_space<vmem>> -> memref<32xi32, #tpu.memory_space<vmem>>
    %dma_start3A_204 = arith.constant 0 : i32
    %dma_start3A_205 = arith.constant 0 : i32
    %dma_start3A_206 = tpu.memref_slice %arg2[%dma_start3A_204, %dma_start3A_205] : memref<32000x1024xf32, #tpu.memory_space<hbm>> -> memref<32000x1024xf32, #tpu.memory_space<hbm>>
    tpu.enqueue_indirect_dma source(%dma_start3A_206 : memref<32000x1024xf32, #tpu.memory_space<hbm>>) target(%arg8 : memref<32x1024xf32, #tpu.memory_space<vmem>>) offsets(%dma_start3A_203 : memref<32xi32, #tpu.memory_space<vmem>>) semaphore(%arg11 : memref<!tpu.dma_semaphore, #tpu.memory_space<semaphore_mem>>)
    %dma_wait3A_207 = arith.constant 320 : i32
    %dma_wait3A_208 = tpu.memref_slice %arg5[%dma_wait3A_207] : memref<384xi32, #tpu.memory_space<vmem>> -> memref<32xi32, #tpu.memory_space<vmem>>
    %dma_wait3A_209 = arith.constant 0 : i32
    %dma_wait3A_210 = arith.constant 0 : i32
    %dma_wait3A_211 = tpu.memref_slice %arg2[%dma_wait3A_209, %dma_wait3A_210] : memref<32000x1024xf32, #tpu.memory_space<hbm>> -> memref<32000x1024xf32, #tpu.memory_space<hbm>>
    tpu.wait_indirect_dma semaphore(%arg10 : memref<!tpu.dma_semaphore, #tpu.memory_space<semaphore_mem>>) src(%dma_wait3A_211 : memref<32000x1024xf32, #tpu.memory_space<hbm>>) dst(%arg7 : memref<32x1024xf32, #tpu.memory_space<vmem>>)
    %add3A_212 = arith.constant 320 : i32
    %add3A_213 = arith.addi %mul3A_2, %add3A_212 : i32
    %dma_start3A_214 = arith.constant 0 : i32
    %dma_start3A_215 = tpu.memref_slice %arg4[%add3A_213, %dma_start3A_214] : memref<12288x1024xf32, #tpu.memory_space<hbm>> -> memref<32x1024xf32, #tpu.memory_space<hbm>>
    %dma_start3A_216 = arith.constant 0 : i32
    %dma_start3A_217 = tpu.memref_slice %arg4[%add3A_213, %dma_start3A_216] : memref<12288x1024xf32, #tpu.memory_space<hbm>> -> memref<32x1024xf32, #tpu.memory_space<hbm>>
    tpu.enqueue_dma source(%arg7 : memref<32x1024xf32, #tpu.memory_space<vmem>>) target(%dma_start3A_217 : memref<32x1024xf32, #tpu.memory_space<hbm>>) target_semaphore(%arg13 : memref<!tpu.dma_semaphore, #tpu.memory_space<semaphore_mem>>)
    %dma_wait3A_218 = arith.constant 352 : i32
    %dma_wait3A_219 = tpu.memref_slice %arg5[%dma_wait3A_218] : memref<384xi32, #tpu.memory_space<vmem>> -> memref<32xi32, #tpu.memory_space<vmem>>
    %dma_wait3A_220 = arith.constant 0 : i32
    %dma_wait3A_221 = arith.constant 0 : i32
    %dma_wait3A_222 = tpu.memref_slice %arg2[%dma_wait3A_220, %dma_wait3A_221] : memref<32000x1024xf32, #tpu.memory_space<hbm>> -> memref<32000x1024xf32, #tpu.memory_space<hbm>>
    tpu.wait_indirect_dma semaphore(%arg11 : memref<!tpu.dma_semaphore, #tpu.memory_space<semaphore_mem>>) src(%dma_wait3A_222 : memref<32000x1024xf32, #tpu.memory_space<hbm>>) dst(%arg8 : memref<32x1024xf32, #tpu.memory_space<vmem>>)
    %add3A_223 = arith.constant 352 : i32
    %add3A_224 = arith.addi %mul3A_2, %add3A_223 : i32
    %dma_start3A_225 = arith.constant 0 : i32
    %dma_start3A_226 = tpu.memref_slice %arg4[%add3A_224, %dma_start3A_225] : memref<12288x1024xf32, #tpu.memory_space<hbm>> -> memref<32x1024xf32, #tpu.memory_space<hbm>>
    %dma_start3A_227 = arith.constant 0 : i32
    %dma_start3A_228 = tpu.memref_slice %arg4[%add3A_224, %dma_start3A_227] : memref<12288x1024xf32, #tpu.memory_space<hbm>> -> memref<32x1024xf32, #tpu.memory_space<hbm>>
    tpu.enqueue_dma source(%arg8 : memref<32x1024xf32, #tpu.memory_space<vmem>>) target(%dma_start3A_228 : memref<32x1024xf32, #tpu.memory_space<hbm>>) target_semaphore(%arg14 : memref<!tpu.dma_semaphore, #tpu.memory_space<semaphore_mem>>)
    %dma_wait3A_229 = arith.constant 0 : i32
    %dma_wait3A_230 = tpu.memref_slice %arg4[%add3A_193, %dma_wait3A_229] : memref<12288x1024xf32, #tpu.memory_space<hbm>> -> memref<32x1024xf32, #tpu.memory_space<hbm>>
    %dma_wait3A_231 = arith.constant 0 : i32
    %dma_wait3A_232 = tpu.memref_slice %arg4[%add3A_193, %dma_wait3A_231] : memref<12288x1024xf32, #tpu.memory_space<hbm>> -> memref<32x1024xf32, #tpu.memory_space<hbm>>
    tpu.wait_dma2 semaphore(%arg12 : memref<!tpu.dma_semaphore, #tpu.memory_space<semaphore_mem>>) src(%arg6 : memref<32x1024xf32, #tpu.memory_space<vmem>>) dst(%dma_wait3A_232 : memref<32x1024xf32, #tpu.memory_space<hbm>>)
    %dma_wait3A_233 = arith.constant 0 : i32
    %dma_wait3A_234 = tpu.memref_slice %arg4[%add3A_213, %dma_wait3A_233] : memref<12288x1024xf32, #tpu.memory_space<hbm>> -> memref<32x1024xf32, #tpu.memory_space<hbm>>
    %dma_wait3A_235 = arith.constant 0 : i32
    %dma_wait3A_236 = tpu.memref_slice %arg4[%add3A_213, %dma_wait3A_235] : memref<12288x1024xf32, #tpu.memory_space<hbm>> -> memref<32x1024xf32, #tpu.memory_space<hbm>>
    tpu.wait_dma2 semaphore(%arg13 : memref<!tpu.dma_semaphore, #tpu.memory_space<semaphore_mem>>) src(%arg7 : memref<32x1024xf32, #tpu.memory_space<vmem>>) dst(%dma_wait3A_236 : memref<32x1024xf32, #tpu.memory_space<hbm>>)
    %dma_wait3A_237 = arith.constant 0 : i32
    %dma_wait3A_238 = tpu.memref_slice %arg4[%add3A_224, %dma_wait3A_237] : memref<12288x1024xf32, #tpu.memory_space<hbm>> -> memref<32x1024xf32, #tpu.memory_space<hbm>>
    %dma_wait3A_239 = arith.constant 0 : i32
    %dma_wait3A_240 = tpu.memref_slice %arg4[%add3A_224, %dma_wait3A_239] : memref<12288x1024xf32, #tpu.memory_space<hbm>> -> memref<32x1024xf32, #tpu.memory_space<hbm>>
    tpu.wait_dma2 semaphore(%arg14 : memref<!tpu.dma_semaphore, #tpu.memory_space<semaphore_mem>>) src(%arg8 : memref<32x1024xf32, #tpu.memory_space<vmem>>) dst(%dma_wait3A_240 : memref<32x1024xf32, #tpu.memory_space<hbm>>)
    return
  }
}

#map = affine_map<(d0, d1) -> (0, 0)>
#map1 = affine_map<(d0, d1) -> (0)>
module attributes {stable_mosaic.version = 14 : i64} {
  func.func @gather_kernel(%arg0: i32, %arg1: i32, %arg2: memref<32000x1024xf32, #tpu.memory_space<hbm>>, %arg3: memref<12288xi32, #tpu.memory_space<hbm>>, %arg4: memref<12288x1024xf32, #tpu.memory_space<hbm>>, %arg5: memref<384xi32, #tpu.memory_space<vmem>>, %arg6: memref<32x1024xf32, #tpu.memory_space<vmem>>, %arg7: memref<32x1024xf32, #tpu.memory_space<vmem>>, %arg8: memref<32x1024xf32, #tpu.memory_space<vmem>>, %arg9: memref<!tpu.dma_semaphore, #tpu.memory_space<semaphore_mem>>, %arg10: memref<!tpu.dma_semaphore, #tpu.memory_space<semaphore_mem>>, %arg11: memref<!tpu.dma_semaphore, #tpu.memory_space<semaphore_mem>>, %arg12: memref<!tpu.dma_semaphore, #tpu.memory_space<semaphore_mem>>, %arg13: memref<!tpu.dma_semaphore, #tpu.memory_space<semaphore_mem>>, %arg14: memref<!tpu.dma_semaphore, #tpu.memory_space<semaphore_mem>>) attributes {dimension_semantics = [#tpu.dimension_semantics<core_parallel>, #tpu.dimension_semantics<subcore_parallel>], iteration_bounds = array<i64: 2, 16>, scalar_prefetch = 0 : i64, scratch_operands = 10 : i64, tpu.core_type = #tpu.core_type<sc_vector_subcore>, window_params = [{transform_indices = #map}, {transform_indices = #map1}, {transform_indices = #map}]} {
    %mul3A = arith.constant 2 : i32
    %mul3A_0 = arith.muli %arg1, %mul3A : i32
    %add3A = arith.addi %mul3A_0, %arg0 : i32
    %mul3A_1 = arith.constant 384 : i32
    %mul3A_2 = arith.muli %add3A, %mul3A_1 : i32
    "tpu.region"() ({
      %run_scoped3A = tpu.sem_alloc : memref<!tpu.dma_semaphore, #tpu.memory_space<semaphore_mem>>
      %dma_start3A_241 = tpu.memref_slice %arg3[%mul3A_2] : memref<12288xi32, #tpu.memory_space<hbm>> -> memref<384xi32, #tpu.memory_space<hbm>>
      %dma_start3A_242 = tpu.memref_slice %arg3[%mul3A_2] : memref<12288xi32, #tpu.memory_space<hbm>> -> memref<384xi32, #tpu.memory_space<hbm>>
      tpu.enqueue_dma source(%dma_start3A_242 : memref<384xi32, #tpu.memory_space<hbm>>) target(%arg5 : memref<384xi32, #tpu.memory_space<vmem>>) target_semaphore(%run_scoped3A : memref<!tpu.dma_semaphore, #tpu.memory_space<semaphore_mem>>)
      %dma_wait3A_243 = tpu.memref_slice %arg3[%mul3A_2] : memref<12288xi32, #tpu.memory_space<hbm>> -> memref<384xi32, #tpu.memory_space<hbm>>
      %dma_wait3A_244 = tpu.memref_slice %arg3[%mul3A_2] : memref<12288xi32, #tpu.memory_space<hbm>> -> memref<384xi32, #tpu.memory_space<hbm>>
      tpu.wait_dma2 semaphore(%run_scoped3A : memref<!tpu.dma_semaphore, #tpu.memory_space<semaphore_mem>>) src(%dma_wait3A_244 : memref<384xi32, #tpu.memory_space<hbm>>) dst(%arg5 : memref<384xi32, #tpu.memory_space<vmem>>)
      tpu.yield
    }) : () -> ()
    %dma_start3A = arith.constant 0 : i32
    %dma_start3A_3 = tpu.memref_slice %arg5[%dma_start3A] : memref<384xi32, #tpu.memory_space<vmem>> -> memref<32xi32, #tpu.memory_space<vmem>>
    %dma_start3A_4 = arith.constant 0 : i32
    %dma_start3A_5 = arith.constant 0 : i32
    %dma_start3A_6 = tpu.memref_slice %arg2[%dma_start3A_4, %dma_start3A_5] : memref<32000x1024xf32, #tpu.memory_space<hbm>> -> memref<32000x1024xf32, #tpu.memory_space<hbm>>
    tpu.enqueue_indirect_dma source(%dma_start3A_6 : memref<32000x1024xf32, #tpu.memory_space<hbm>>) target(%arg6 : memref<32x1024xf32, #tpu.memory_space<vmem>>) offsets(%dma_start3A_3 : memref<32xi32, #tpu.memory_space<vmem>>) semaphore(%arg9 : memref<!tpu.dma_semaphore, #tpu.memory_space<semaphore_mem>>)
    %dma_start3A_7 = arith.constant 32 : i32
    %dma_start3A_8 = tpu.memref_slice %arg5[%dma_start3A_7] : memref<384xi32, #tpu.memory_space<vmem>> -> memref<32xi32, #tpu.memory_space<vmem>>
    %dma_start3A_9 = arith.constant 0 : i32
    %dma_start3A_10 = arith.constant 0 : i32
    %dma_start3A_11 = tpu.memref_slice %arg2[%dma_start3A_9, %dma_start3A_10] : memref<32000x1024xf32, #tpu.memory_space<hbm>> -> memref<32000x1024xf32, #tpu.memory_space<hbm>>
    tpu.enqueue_indirect_dma source(%dma_start3A_11 : memref<32000x1024xf32, #tpu.memory_space<hbm>>) target(%arg7 : memref<32x1024xf32, #tpu.memory_space<vmem>>) offsets(%dma_start3A_8 : memref<32xi32, #tpu.memory_space<vmem>>) semaphore(%arg10 : memref<!tpu.dma_semaphore, #tpu.memory_space<semaphore_mem>>)
    %dma_wait3A = arith.constant 0 : i32
    %dma_wait3A_12 = tpu.memref_slice %arg5[%dma_wait3A] : memref<384xi32, #tpu.memory_space<vmem>> -> memref<32xi32, #tpu.memory_space<vmem>>
    %dma_wait3A_13 = arith.constant 0 : i32
    %dma_wait3A_14 = arith.constant 0 : i32
    %dma_wait3A_15 = tpu.memref_slice %arg2[%dma_wait3A_13, %dma_wait3A_14] : memref<32000x1024xf32, #tpu.memory_space<hbm>> -> memref<32000x1024xf32, #tpu.memory_space<hbm>>
    tpu.wait_indirect_dma semaphore(%arg9 : memref<!tpu.dma_semaphore, #tpu.memory_space<semaphore_mem>>) src(%dma_wait3A_15 : memref<32000x1024xf32, #tpu.memory_space<hbm>>) dst(%arg6 : memref<32x1024xf32, #tpu.memory_space<vmem>>)
    %add3A_16 = arith.constant 0 : i32
    %add3A_17 = arith.addi %mul3A_2, %add3A_16 : i32
    %dma_start3A_18 = arith.constant 0 : i32
    %dma_start3A_19 = tpu.memref_slice %arg4[%add3A_17, %dma_start3A_18] : memref<12288x1024xf32, #tpu.memory_space<hbm>> -> memref<32x1024xf32, #tpu.memory_space<hbm>>
    %dma_start3A_20 = arith.constant 0 : i32
    %dma_start3A_21 = tpu.memref_slice %arg4[%add3A_17, %dma_start3A_20] : memref<12288x1024xf32, #tpu.memory_space<hbm>> -> memref<32x1024xf32, #tpu.memory_space<hbm>>
    tpu.enqueue_dma source(%arg6 : memref<32x1024xf32, #tpu.memory_space<vmem>>) target(%dma_start3A_21 : memref<32x1024xf32, #tpu.memory_space<hbm>>) target_semaphore(%arg12 : memref<!tpu.dma_semaphore, #tpu.memory_space<semaphore_mem>>)
    %dma_start3A_22 = arith.constant 64 : i32
    %dma_start3A_23 = tpu.memref_slice %arg5[%dma_start3A_22] : memref<384xi32, #tpu.memory_space<vmem>> -> memref<32xi32, #tpu.memory_space<vmem>>
    %dma_start3A_24 = arith.constant 0 : i32
    %dma_start3A_25 = arith.constant 0 : i32
    %dma_start3A_26 = tpu.memref_slice %arg2[%dma_start3A_24, %dma_start3A_25] : memref<32000x1024xf32, #tpu.memory_space<hbm>> -> memref<32000x1024xf32, #tpu.memory_space<hbm>>
    tpu.enqueue_indirect_dma source(%dma_start3A_26 : memref<32000x1024xf32, #tpu.memory_space<hbm>>) target(%arg8 : memref<32x1024xf32, #tpu.memory_space<vmem>>) offsets(%dma_start3A_23 : memref<32xi32, #tpu.memory_space<vmem>>) semaphore(%arg11 : memref<!tpu.dma_semaphore, #tpu.memory_space<semaphore_mem>>)
    %dma_wait3A_27 = arith.constant 32 : i32
    %dma_wait3A_28 = tpu.memref_slice %arg5[%dma_wait3A_27] : memref<384xi32, #tpu.memory_space<vmem>> -> memref<32xi32, #tpu.memory_space<vmem>>
    %dma_wait3A_29 = arith.constant 0 : i32
    %dma_wait3A_30 = arith.constant 0 : i32
    %dma_wait3A_31 = tpu.memref_slice %arg2[%dma_wait3A_29, %dma_wait3A_30] : memref<32000x1024xf32, #tpu.memory_space<hbm>> -> memref<32000x1024xf32, #tpu.memory_space<hbm>>
    tpu.wait_indirect_dma semaphore(%arg10 : memref<!tpu.dma_semaphore, #tpu.memory_space<semaphore_mem>>) src(%dma_wait3A_31 : memref<32000x1024xf32, #tpu.memory_space<hbm>>) dst(%arg7 : memref<32x1024xf32, #tpu.memory_space<vmem>>)
    %add3A_32 = arith.constant 32 : i32
    %add3A_33 = arith.addi %mul3A_2, %add3A_32 : i32
    %dma_start3A_34 = arith.constant 0 : i32
    %dma_start3A_35 = tpu.memref_slice %arg4[%add3A_33, %dma_start3A_34] : memref<12288x1024xf32, #tpu.memory_space<hbm>> -> memref<32x1024xf32, #tpu.memory_space<hbm>>
    %dma_start3A_36 = arith.constant 0 : i32
    %dma_start3A_37 = tpu.memref_slice %arg4[%add3A_33, %dma_start3A_36] : memref<12288x1024xf32, #tpu.memory_space<hbm>> -> memref<32x1024xf32, #tpu.memory_space<hbm>>
    tpu.enqueue_dma source(%arg7 : memref<32x1024xf32, #tpu.memory_space<vmem>>) target(%dma_start3A_37 : memref<32x1024xf32, #tpu.memory_space<hbm>>) target_semaphore(%arg13 : memref<!tpu.dma_semaphore, #tpu.memory_space<semaphore_mem>>)
    %dma_wait3A_38 = arith.constant 0 : i32
    %dma_wait3A_39 = tpu.memref_slice %arg4[%add3A_17, %dma_wait3A_38] : memref<12288x1024xf32, #tpu.memory_space<hbm>> -> memref<32x1024xf32, #tpu.memory_space<hbm>>
    %dma_wait3A_40 = arith.constant 0 : i32
    %dma_wait3A_41 = tpu.memref_slice %arg4[%add3A_17, %dma_wait3A_40] : memref<12288x1024xf32, #tpu.memory_space<hbm>> -> memref<32x1024xf32, #tpu.memory_space<hbm>>
    tpu.wait_dma2 semaphore(%arg12 : memref<!tpu.dma_semaphore, #tpu.memory_space<semaphore_mem>>) src(%arg6 : memref<32x1024xf32, #tpu.memory_space<vmem>>) dst(%dma_wait3A_41 : memref<32x1024xf32, #tpu.memory_space<hbm>>)
    %dma_start3A_42 = arith.constant 96 : i32
    %dma_start3A_43 = tpu.memref_slice %arg5[%dma_start3A_42] : memref<384xi32, #tpu.memory_space<vmem>> -> memref<32xi32, #tpu.memory_space<vmem>>
    %dma_start3A_44 = arith.constant 0 : i32
    %dma_start3A_45 = arith.constant 0 : i32
    %dma_start3A_46 = tpu.memref_slice %arg2[%dma_start3A_44, %dma_start3A_45] : memref<32000x1024xf32, #tpu.memory_space<hbm>> -> memref<32000x1024xf32, #tpu.memory_space<hbm>>
    tpu.enqueue_indirect_dma source(%dma_start3A_46 : memref<32000x1024xf32, #tpu.memory_space<hbm>>) target(%arg6 : memref<32x1024xf32, #tpu.memory_space<vmem>>) offsets(%dma_start3A_43 : memref<32xi32, #tpu.memory_space<vmem>>) semaphore(%arg9 : memref<!tpu.dma_semaphore, #tpu.memory_space<semaphore_mem>>)
    %dma_wait3A_47 = arith.constant 64 : i32
    %dma_wait3A_48 = tpu.memref_slice %arg5[%dma_wait3A_47] : memref<384xi32, #tpu.memory_space<vmem>> -> memref<32xi32, #tpu.memory_space<vmem>>
    %dma_wait3A_49 = arith.constant 0 : i32
    %dma_wait3A_50 = arith.constant 0 : i32
    %dma_wait3A_51 = tpu.memref_slice %arg2[%dma_wait3A_49, %dma_wait3A_50] : memref<32000x1024xf32, #tpu.memory_space<hbm>> -> memref<32000x1024xf32, #tpu.memory_space<hbm>>
    tpu.wait_indirect_dma semaphore(%arg11 : memref<!tpu.dma_semaphore, #tpu.memory_space<semaphore_mem>>) src(%dma_wait3A_51 : memref<32000x1024xf32, #tpu.memory_space<hbm>>) dst(%arg8 : memref<32x1024xf32, #tpu.memory_space<vmem>>)
    %add3A_52 = arith.constant 64 : i32
    %add3A_53 = arith.addi %mul3A_2, %add3A_52 : i32
    %dma_start3A_54 = arith.constant 0 : i32
    %dma_start3A_55 = tpu.memref_slice %arg4[%add3A_53, %dma_start3A_54] : memref<12288x1024xf32, #tpu.memory_space<hbm>> -> memref<32x1024xf32, #tpu.memory_space<hbm>>
    %dma_start3A_56 = arith.constant 0 : i32
    %dma_start3A_57 = tpu.memref_slice %arg4[%add3A_53, %dma_start3A_56] : memref<12288x1024xf32, #tpu.memory_space<hbm>> -> memref<32x1024xf32, #tpu.memory_space<hbm>>
    tpu.enqueue_dma source(%arg8 : memref<32x1024xf32, #tpu.memory_space<vmem>>) target(%dma_start3A_57 : memref<32x1024xf32, #tpu.memory_space<hbm>>) target_semaphore(%arg14 : memref<!tpu.dma_semaphore, #tpu.memory_space<semaphore_mem>>)
    %dma_wait3A_58 = arith.constant 0 : i32
    %dma_wait3A_59 = tpu.memref_slice %arg4[%add3A_33, %dma_wait3A_58] : memref<12288x1024xf32, #tpu.memory_space<hbm>> -> memref<32x1024xf32, #tpu.memory_space<hbm>>
    %dma_wait3A_60 = arith.constant 0 : i32
    %dma_wait3A_61 = tpu.memref_slice %arg4[%add3A_33, %dma_wait3A_60] : memref<12288x1024xf32, #tpu.memory_space<hbm>> -> memref<32x1024xf32, #tpu.memory_space<hbm>>
    tpu.wait_dma2 semaphore(%arg13 : memref<!tpu.dma_semaphore, #tpu.memory_space<semaphore_mem>>) src(%arg7 : memref<32x1024xf32, #tpu.memory_space<vmem>>) dst(%dma_wait3A_61 : memref<32x1024xf32, #tpu.memory_space<hbm>>)
    %dma_start3A_62 = arith.constant 128 : i32
    %dma_start3A_63 = tpu.memref_slice %arg5[%dma_start3A_62] : memref<384xi32, #tpu.memory_space<vmem>> -> memref<32xi32, #tpu.memory_space<vmem>>
    %dma_start3A_64 = arith.constant 0 : i32
    %dma_start3A_65 = arith.constant 0 : i32
    %dma_start3A_66 = tpu.memref_slice %arg2[%dma_start3A_64, %dma_start3A_65] : memref<32000x1024xf32, #tpu.memory_space<hbm>> -> memref<32000x1024xf32, #tpu.memory_space<hbm>>
    tpu.enqueue_indirect_dma source(%dma_start3A_66 : memref<32000x1024xf32, #tpu.memory_space<hbm>>) target(%arg7 : memref<32x1024xf32, #tpu.memory_space<vmem>>) offsets(%dma_start3A_63 : memref<32xi32, #tpu.memory_space<vmem>>) semaphore(%arg10 : memref<!tpu.dma_semaphore, #tpu.memory_space<semaphore_mem>>)
    %dma_wait3A_67 = arith.constant 96 : i32
    %dma_wait3A_68 = tpu.memref_slice %arg5[%dma_wait3A_67] : memref<384xi32, #tpu.memory_space<vmem>> -> memref<32xi32, #tpu.memory_space<vmem>>
    %dma_wait3A_69 = arith.constant 0 : i32
    %dma_wait3A_70 = arith.constant 0 : i32
    %dma_wait3A_71 = tpu.memref_slice %arg2[%dma_wait3A_69, %dma_wait3A_70] : memref<32000x1024xf32, #tpu.memory_space<hbm>> -> memref<32000x1024xf32, #tpu.memory_space<hbm>>
    tpu.wait_indirect_dma semaphore(%arg9 : memref<!tpu.dma_semaphore, #tpu.memory_space<semaphore_mem>>) src(%dma_wait3A_71 : memref<32000x1024xf32, #tpu.memory_space<hbm>>) dst(%arg6 : memref<32x1024xf32, #tpu.memory_space<vmem>>)
    %add3A_72 = arith.constant 96 : i32
    %add3A_73 = arith.addi %mul3A_2, %add3A_72 : i32
    %dma_start3A_74 = arith.constant 0 : i32
    %dma_start3A_75 = tpu.memref_slice %arg4[%add3A_73, %dma_start3A_74] : memref<12288x1024xf32, #tpu.memory_space<hbm>> -> memref<32x1024xf32, #tpu.memory_space<hbm>>
    %dma_start3A_76 = arith.constant 0 : i32
    %dma_start3A_77 = tpu.memref_slice %arg4[%add3A_73, %dma_start3A_76] : memref<12288x1024xf32, #tpu.memory_space<hbm>> -> memref<32x1024xf32, #tpu.memory_space<hbm>>
    tpu.enqueue_dma source(%arg6 : memref<32x1024xf32, #tpu.memory_space<vmem>>) target(%dma_start3A_77 : memref<32x1024xf32, #tpu.memory_space<hbm>>) target_semaphore(%arg12 : memref<!tpu.dma_semaphore, #tpu.memory_space<semaphore_mem>>)
    %dma_wait3A_78 = arith.constant 0 : i32
    %dma_wait3A_79 = tpu.memref_slice %arg4[%add3A_53, %dma_wait3A_78] : memref<12288x1024xf32, #tpu.memory_space<hbm>> -> memref<32x1024xf32, #tpu.memory_space<hbm>>
    %dma_wait3A_80 = arith.constant 0 : i32
    %dma_wait3A_81 = tpu.memref_slice %arg4[%add3A_53, %dma_wait3A_80] : memref<12288x1024xf32, #tpu.memory_space<hbm>> -> memref<32x1024xf32, #tpu.memory_space<hbm>>
    tpu.wait_dma2 semaphore(%arg14 : memref<!tpu.dma_semaphore, #tpu.memory_space<semaphore_mem>>) src(%arg8 : memref<32x1024xf32, #tpu.memory_space<vmem>>) dst(%dma_wait3A_81 : memref<32x1024xf32, #tpu.memory_space<hbm>>)
    %dma_start3A_82 = arith.constant 160 : i32
    %dma_start3A_83 = tpu.memref_slice %arg5[%dma_start3A_82] : memref<384xi32, #tpu.memory_space<vmem>> -> memref<32xi32, #tpu.memory_space<vmem>>
    %dma_start3A_84 = arith.constant 0 : i32
    %dma_start3A_85 = arith.constant 0 : i32
    %dma_start3A_86 = tpu.memref_slice %arg2[%dma_start3A_84, %dma_start3A_85] : memref<32000x1024xf32, #tpu.memory_space<hbm>> -> memref<32000x1024xf32, #tpu.memory_space<hbm>>
    tpu.enqueue_indirect_dma source(%dma_start3A_86 : memref<32000x1024xf32, #tpu.memory_space<hbm>>) target(%arg8 : memref<32x1024xf32, #tpu.memory_space<vmem>>) offsets(%dma_start3A_83 : memref<32xi32, #tpu.memory_space<vmem>>) semaphore(%arg11 : memref<!tpu.dma_semaphore, #tpu.memory_space<semaphore_mem>>)
    %dma_wait3A_87 = arith.constant 128 : i32
    %dma_wait3A_88 = tpu.memref_slice %arg5[%dma_wait3A_87] : memref<384xi32, #tpu.memory_space<vmem>> -> memref<32xi32, #tpu.memory_space<vmem>>
    %dma_wait3A_89 = arith.constant 0 : i32
    %dma_wait3A_90 = arith.constant 0 : i32
    %dma_wait3A_91 = tpu.memref_slice %arg2[%dma_wait3A_89, %dma_wait3A_90] : memref<32000x1024xf32, #tpu.memory_space<hbm>> -> memref<32000x1024xf32, #tpu.memory_space<hbm>>
    tpu.wait_indirect_dma semaphore(%arg10 : memref<!tpu.dma_semaphore, #tpu.memory_space<semaphore_mem>>) src(%dma_wait3A_91 : memref<32000x1024xf32, #tpu.memory_space<hbm>>) dst(%arg7 : memref<32x1024xf32, #tpu.memory_space<vmem>>)
    %add3A_92 = arith.constant 128 : i32
    %add3A_93 = arith.addi %mul3A_2, %add3A_92 : i32
    %dma_start3A_94 = arith.constant 0 : i32
    %dma_start3A_95 = tpu.memref_slice %arg4[%add3A_93, %dma_start3A_94] : memref<12288x1024xf32, #tpu.memory_space<hbm>> -> memref<32x1024xf32, #tpu.memory_space<hbm>>
    %dma_start3A_96 = arith.constant 0 : i32
    %dma_start3A_97 = tpu.memref_slice %arg4[%add3A_93, %dma_start3A_96] : memref<12288x1024xf32, #tpu.memory_space<hbm>> -> memref<32x1024xf32, #tpu.memory_space<hbm>>
    tpu.enqueue_dma source(%arg7 : memref<32x1024xf32, #tpu.memory_space<vmem>>) target(%dma_start3A_97 : memref<32x1024xf32, #tpu.memory_space<hbm>>) target_semaphore(%arg13 : memref<!tpu.dma_semaphore, #tpu.memory_space<semaphore_mem>>)
    %dma_wait3A_98 = arith.constant 0 : i32
    %dma_wait3A_99 = tpu.memref_slice %arg4[%add3A_73, %dma_wait3A_98] : memref<12288x1024xf32, #tpu.memory_space<hbm>> -> memref<32x1024xf32, #tpu.memory_space<hbm>>
    %dma_wait3A_100 = arith.constant 0 : i32
    %dma_wait3A_101 = tpu.memref_slice %arg4[%add3A_73, %dma_wait3A_100] : memref<12288x1024xf32, #tpu.memory_space<hbm>> -> memref<32x1024xf32, #tpu.memory_space<hbm>>
    tpu.wait_dma2 semaphore(%arg12 : memref<!tpu.dma_semaphore, #tpu.memory_space<semaphore_mem>>) src(%arg6 : memref<32x1024xf32, #tpu.memory_space<vmem>>) dst(%dma_wait3A_101 : memref<32x1024xf32, #tpu.memory_space<hbm>>)
    %dma_start3A_102 = arith.constant 192 : i32
    %dma_start3A_103 = tpu.memref_slice %arg5[%dma_start3A_102] : memref<384xi32, #tpu.memory_space<vmem>> -> memref<32xi32, #tpu.memory_space<vmem>>
    %dma_start3A_104 = arith.constant 0 : i32
    %dma_start3A_105 = arith.constant 0 : i32
    %dma_start3A_106 = tpu.memref_slice %arg2[%dma_start3A_104, %dma_start3A_105] : memref<32000x1024xf32, #tpu.memory_space<hbm>> -> memref<32000x1024xf32, #tpu.memory_space<hbm>>
    tpu.enqueue_indirect_dma source(%dma_start3A_106 : memref<32000x1024xf32, #tpu.memory_space<hbm>>) target(%arg6 : memref<32x1024xf32, #tpu.memory_space<vmem>>) offsets(%dma_start3A_103 : memref<32xi32, #tpu.memory_space<vmem>>) semaphore(%arg9 : memref<!tpu.dma_semaphore, #tpu.memory_space<semaphore_mem>>)
    %dma_wait3A_107 = arith.constant 160 : i32
    %dma_wait3A_108 = tpu.memref_slice %arg5[%dma_wait3A_107] : memref<384xi32, #tpu.memory_space<vmem>> -> memref<32xi32, #tpu.memory_space<vmem>>
    %dma_wait3A_109 = arith.constant 0 : i32
    %dma_wait3A_110 = arith.constant 0 : i32
    %dma_wait3A_111 = tpu.memref_slice %arg2[%dma_wait3A_109, %dma_wait3A_110] : memref<32000x1024xf32, #tpu.memory_space<hbm>> -> memref<32000x1024xf32, #tpu.memory_space<hbm>>
    tpu.wait_indirect_dma semaphore(%arg11 : memref<!tpu.dma_semaphore, #tpu.memory_space<semaphore_mem>>) src(%dma_wait3A_111 : memref<32000x1024xf32, #tpu.memory_space<hbm>>) dst(%arg8 : memref<32x1024xf32, #tpu.memory_space<vmem>>)
    %add3A_112 = arith.constant 160 : i32
    %add3A_113 = arith.addi %mul3A_2, %add3A_112 : i32
    %dma_start3A_114 = arith.constant 0 : i32
    %dma_start3A_115 = tpu.memref_slice %arg4[%add3A_113, %dma_start3A_114] : memref<12288x1024xf32, #tpu.memory_space<hbm>> -> memref<32x1024xf32, #tpu.memory_space<hbm>>
    %dma_start3A_116 = arith.constant 0 : i32
    %dma_start3A_117 = tpu.memref_slice %arg4[%add3A_113, %dma_start3A_116] : memref<12288x1024xf32, #tpu.memory_space<hbm>> -> memref<32x1024xf32, #tpu.memory_space<hbm>>
    tpu.enqueue_dma source(%arg8 : memref<32x1024xf32, #tpu.memory_space<vmem>>) target(%dma_start3A_117 : memref<32x1024xf32, #tpu.memory_space<hbm>>) target_semaphore(%arg14 : memref<!tpu.dma_semaphore, #tpu.memory_space<semaphore_mem>>)
    %dma_wait3A_118 = arith.constant 0 : i32
    %dma_wait3A_119 = tpu.memref_slice %arg4[%add3A_93, %dma_wait3A_118] : memref<12288x1024xf32, #tpu.memory_space<hbm>> -> memref<32x1024xf32, #tpu.memory_space<hbm>>
    %dma_wait3A_120 = arith.constant 0 : i32
    %dma_wait3A_121 = tpu.memref_slice %arg4[%add3A_93, %dma_wait3A_120] : memref<12288x1024xf32, #tpu.memory_space<hbm>> -> memref<32x1024xf32, #tpu.memory_space<hbm>>
    tpu.wait_dma2 semaphore(%arg13 : memref<!tpu.dma_semaphore, #tpu.memory_space<semaphore_mem>>) src(%arg7 : memref<32x1024xf32, #tpu.memory_space<vmem>>) dst(%dma_wait3A_121 : memref<32x1024xf32, #tpu.memory_space<hbm>>)
    %dma_start3A_122 = arith.constant 224 : i32
    %dma_start3A_123 = tpu.memref_slice %arg5[%dma_start3A_122] : memref<384xi32, #tpu.memory_space<vmem>> -> memref<32xi32, #tpu.memory_space<vmem>>
    %dma_start3A_124 = arith.constant 0 : i32
    %dma_start3A_125 = arith.constant 0 : i32
    %dma_start3A_126 = tpu.memref_slice %arg2[%dma_start3A_124, %dma_start3A_125] : memref<32000x1024xf32, #tpu.memory_space<hbm>> -> memref<32000x1024xf32, #tpu.memory_space<hbm>>
    tpu.enqueue_indirect_dma source(%dma_start3A_126 : memref<32000x1024xf32, #tpu.memory_space<hbm>>) target(%arg7 : memref<32x1024xf32, #tpu.memory_space<vmem>>) offsets(%dma_start3A_123 : memref<32xi32, #tpu.memory_space<vmem>>) semaphore(%arg10 : memref<!tpu.dma_semaphore, #tpu.memory_space<semaphore_mem>>)
    %dma_wait3A_127 = arith.constant 192 : i32
    %dma_wait3A_128 = tpu.memref_slice %arg5[%dma_wait3A_127] : memref<384xi32, #tpu.memory_space<vmem>> -> memref<32xi32, #tpu.memory_space<vmem>>
    %dma_wait3A_129 = arith.constant 0 : i32
    %dma_wait3A_130 = arith.constant 0 : i32
    %dma_wait3A_131 = tpu.memref_slice %arg2[%dma_wait3A_129, %dma_wait3A_130] : memref<32000x1024xf32, #tpu.memory_space<hbm>> -> memref<32000x1024xf32, #tpu.memory_space<hbm>>
    tpu.wait_indirect_dma semaphore(%arg9 : memref<!tpu.dma_semaphore, #tpu.memory_space<semaphore_mem>>) src(%dma_wait3A_131 : memref<32000x1024xf32, #tpu.memory_space<hbm>>) dst(%arg6 : memref<32x1024xf32, #tpu.memory_space<vmem>>)
    %add3A_132 = arith.constant 192 : i32
    %add3A_133 = arith.addi %mul3A_2, %add3A_132 : i32
    %dma_start3A_134 = arith.constant 0 : i32
    %dma_start3A_135 = tpu.memref_slice %arg4[%add3A_133, %dma_start3A_134] : memref<12288x1024xf32, #tpu.memory_space<hbm>> -> memref<32x1024xf32, #tpu.memory_space<hbm>>
    %dma_start3A_136 = arith.constant 0 : i32
    %dma_start3A_137 = tpu.memref_slice %arg4[%add3A_133, %dma_start3A_136] : memref<12288x1024xf32, #tpu.memory_space<hbm>> -> memref<32x1024xf32, #tpu.memory_space<hbm>>
    tpu.enqueue_dma source(%arg6 : memref<32x1024xf32, #tpu.memory_space<vmem>>) target(%dma_start3A_137 : memref<32x1024xf32, #tpu.memory_space<hbm>>) target_semaphore(%arg12 : memref<!tpu.dma_semaphore, #tpu.memory_space<semaphore_mem>>)
    %dma_wait3A_138 = arith.constant 0 : i32
    %dma_wait3A_139 = tpu.memref_slice %arg4[%add3A_113, %dma_wait3A_138] : memref<12288x1024xf32, #tpu.memory_space<hbm>> -> memref<32x1024xf32, #tpu.memory_space<hbm>>
    %dma_wait3A_140 = arith.constant 0 : i32
    %dma_wait3A_141 = tpu.memref_slice %arg4[%add3A_113, %dma_wait3A_140] : memref<12288x1024xf32, #tpu.memory_space<hbm>> -> memref<32x1024xf32, #tpu.memory_space<hbm>>
    tpu.wait_dma2 semaphore(%arg14 : memref<!tpu.dma_semaphore, #tpu.memory_space<semaphore_mem>>) src(%arg8 : memref<32x1024xf32, #tpu.memory_space<vmem>>) dst(%dma_wait3A_141 : memref<32x1024xf32, #tpu.memory_space<hbm>>)
    %dma_start3A_142 = arith.constant 256 : i32
    %dma_start3A_143 = tpu.memref_slice %arg5[%dma_start3A_142] : memref<384xi32, #tpu.memory_space<vmem>> -> memref<32xi32, #tpu.memory_space<vmem>>
    %dma_start3A_144 = arith.constant 0 : i32
    %dma_start3A_145 = arith.constant 0 : i32
    %dma_start3A_146 = tpu.memref_slice %arg2[%dma_start3A_144, %dma_start3A_145] : memref<32000x1024xf32, #tpu.memory_space<hbm>> -> memref<32000x1024xf32, #tpu.memory_space<hbm>>
    tpu.enqueue_indirect_dma source(%dma_start3A_146 : memref<32000x1024xf32, #tpu.memory_space<hbm>>) target(%arg8 : memref<32x1024xf32, #tpu.memory_space<vmem>>) offsets(%dma_start3A_143 : memref<32xi32, #tpu.memory_space<vmem>>) semaphore(%arg11 : memref<!tpu.dma_semaphore, #tpu.memory_space<semaphore_mem>>)
    %dma_wait3A_147 = arith.constant 224 : i32
    %dma_wait3A_148 = tpu.memref_slice %arg5[%dma_wait3A_147] : memref<384xi32, #tpu.memory_space<vmem>> -> memref<32xi32, #tpu.memory_space<vmem>>
    %dma_wait3A_149 = arith.constant 0 : i32
    %dma_wait3A_150 = arith.constant 0 : i32
    %dma_wait3A_151 = tpu.memref_slice %arg2[%dma_wait3A_149, %dma_wait3A_150] : memref<32000x1024xf32, #tpu.memory_space<hbm>> -> memref<32000x1024xf32, #tpu.memory_space<hbm>>
    tpu.wait_indirect_dma semaphore(%arg10 : memref<!tpu.dma_semaphore, #tpu.memory_space<semaphore_mem>>) src(%dma_wait3A_151 : memref<32000x1024xf32, #tpu.memory_space<hbm>>) dst(%arg7 : memref<32x1024xf32, #tpu.memory_space<vmem>>)
    %add3A_152 = arith.constant 224 : i32
    %add3A_153 = arith.addi %mul3A_2, %add3A_152 : i32
    %dma_start3A_154 = arith.constant 0 : i32
    %dma_start3A_155 = tpu.memref_slice %arg4[%add3A_153, %dma_start3A_154] : memref<12288x1024xf32, #tpu.memory_space<hbm>> -> memref<32x1024xf32, #tpu.memory_space<hbm>>
    %dma_start3A_156 = arith.constant 0 : i32
    %dma_start3A_157 = tpu.memref_slice %arg4[%add3A_153, %dma_start3A_156] : memref<12288x1024xf32, #tpu.memory_space<hbm>> -> memref<32x1024xf32, #tpu.memory_space<hbm>>
    tpu.enqueue_dma source(%arg7 : memref<32x1024xf32, #tpu.memory_space<vmem>>) target(%dma_start3A_157 : memref<32x1024xf32, #tpu.memory_space<hbm>>) target_semaphore(%arg13 : memref<!tpu.dma_semaphore, #tpu.memory_space<semaphore_mem>>)
    %dma_wait3A_158 = arith.constant 0 : i32
    %dma_wait3A_159 = tpu.memref_slice %arg4[%add3A_133, %dma_wait3A_158] : memref<12288x1024xf32, #tpu.memory_space<hbm>> -> memref<32x1024xf32, #tpu.memory_space<hbm>>
    %dma_wait3A_160 = arith.constant 0 : i32
    %dma_wait3A_161 = tpu.memref_slice %arg4[%add3A_133, %dma_wait3A_160] : memref<12288x1024xf32, #tpu.memory_space<hbm>> -> memref<32x1024xf32, #tpu.memory_space<hbm>>
    tpu.wait_dma2 semaphore(%arg12 : memref<!tpu.dma_semaphore, #tpu.memory_space<semaphore_mem>>) src(%arg6 : memref<32x1024xf32, #tpu.memory_space<vmem>>) dst(%dma_wait3A_161 : memref<32x1024xf32, #tpu.memory_space<hbm>>)
    %dma_start3A_162 = arith.constant 288 : i32
    %dma_start3A_163 = tpu.memref_slice %arg5[%dma_start3A_162] : memref<384xi32, #tpu.memory_space<vmem>> -> memref<32xi32, #tpu.memory_space<vmem>>
    %dma_start3A_164 = arith.constant 0 : i32
    %dma_start3A_165 = arith.constant 0 : i32
    %dma_start3A_166 = tpu.memref_slice %arg2[%dma_start3A_164, %dma_start3A_165] : memref<32000x1024xf32, #tpu.memory_space<hbm>> -> memref<32000x1024xf32, #tpu.memory_space<hbm>>
    tpu.enqueue_indirect_dma source(%dma_start3A_166 : memref<32000x1024xf32, #tpu.memory_space<hbm>>) target(%arg6 : memref<32x1024xf32, #tpu.memory_space<vmem>>) offsets(%dma_start3A_163 : memref<32xi32, #tpu.memory_space<vmem>>) semaphore(%arg9 : memref<!tpu.dma_semaphore, #tpu.memory_space<semaphore_mem>>)
    %dma_wait3A_167 = arith.constant 256 : i32
    %dma_wait3A_168 = tpu.memref_slice %arg5[%dma_wait3A_167] : memref<384xi32, #tpu.memory_space<vmem>> -> memref<32xi32, #tpu.memory_space<vmem>>
    %dma_wait3A_169 = arith.constant 0 : i32
    %dma_wait3A_170 = arith.constant 0 : i32
    %dma_wait3A_171 = tpu.memref_slice %arg2[%dma_wait3A_169, %dma_wait3A_170] : memref<32000x1024xf32, #tpu.memory_space<hbm>> -> memref<32000x1024xf32, #tpu.memory_space<hbm>>
    tpu.wait_indirect_dma semaphore(%arg11 : memref<!tpu.dma_semaphore, #tpu.memory_space<semaphore_mem>>) src(%dma_wait3A_171 : memref<32000x1024xf32, #tpu.memory_space<hbm>>) dst(%arg8 : memref<32x1024xf32, #tpu.memory_space<vmem>>)
    %add3A_172 = arith.constant 256 : i32
    %add3A_173 = arith.addi %mul3A_2, %add3A_172 : i32
    %dma_start3A_174 = arith.constant 0 : i32
    %dma_start3A_175 = tpu.memref_slice %arg4[%add3A_173, %dma_start3A_174] : memref<12288x1024xf32, #tpu.memory_space<hbm>> -> memref<32x1024xf32, #tpu.memory_space<hbm>>
    %dma_start3A_176 = arith.constant 0 : i32
    %dma_start3A_177 = tpu.memref_slice %arg4[%add3A_173, %dma_start3A_176] : memref<12288x1024xf32, #tpu.memory_space<hbm>> -> memref<32x1024xf32, #tpu.memory_space<hbm>>
    tpu.enqueue_dma source(%arg8 : memref<32x1024xf32, #tpu.memory_space<vmem>>) target(%dma_start3A_177 : memref<32x1024xf32, #tpu.memory_space<hbm>>) target_semaphore(%arg14 : memref<!tpu.dma_semaphore, #tpu.memory_space<semaphore_mem>>)
    %dma_wait3A_178 = arith.constant 0 : i32
    %dma_wait3A_179 = tpu.memref_slice %arg4[%add3A_153, %dma_wait3A_178] : memref<12288x1024xf32, #tpu.memory_space<hbm>> -> memref<32x1024xf32, #tpu.memory_space<hbm>>
    %dma_wait3A_180 = arith.constant 0 : i32
    %dma_wait3A_181 = tpu.memref_slice %arg4[%add3A_153, %dma_wait3A_180] : memref<12288x1024xf32, #tpu.memory_space<hbm>> -> memref<32x1024xf32, #tpu.memory_space<hbm>>
    tpu.wait_dma2 semaphore(%arg13 : memref<!tpu.dma_semaphore, #tpu.memory_space<semaphore_mem>>) src(%arg7 : memref<32x1024xf32, #tpu.memory_space<vmem>>) dst(%dma_wait3A_181 : memref<32x1024xf32, #tpu.memory_space<hbm>>)
    %dma_start3A_182 = arith.constant 320 : i32
    %dma_start3A_183 = tpu.memref_slice %arg5[%dma_start3A_182] : memref<384xi32, #tpu.memory_space<vmem>> -> memref<32xi32, #tpu.memory_space<vmem>>
    %dma_start3A_184 = arith.constant 0 : i32
    %dma_start3A_185 = arith.constant 0 : i32
    %dma_start3A_186 = tpu.memref_slice %arg2[%dma_start3A_184, %dma_start3A_185] : memref<32000x1024xf32, #tpu.memory_space<hbm>> -> memref<32000x1024xf32, #tpu.memory_space<hbm>>
    tpu.enqueue_indirect_dma source(%dma_start3A_186 : memref<32000x1024xf32, #tpu.memory_space<hbm>>) target(%arg7 : memref<32x1024xf32, #tpu.memory_space<vmem>>) offsets(%dma_start3A_183 : memref<32xi32, #tpu.memory_space<vmem>>) semaphore(%arg10 : memref<!tpu.dma_semaphore, #tpu.memory_space<semaphore_mem>>)
    %dma_wait3A_187 = arith.constant 288 : i32
    %dma_wait3A_188 = tpu.memref_slice %arg5[%dma_wait3A_187] : memref<384xi32, #tpu.memory_space<vmem>> -> memref<32xi32, #tpu.memory_space<vmem>>
    %dma_wait3A_189 = arith.constant 0 : i32
    %dma_wait3A_190 = arith.constant 0 : i32
    %dma_wait3A_191 = tpu.memref_slice %arg2[%dma_wait3A_189, %dma_wait3A_190] : memref<32000x1024xf32, #tpu.memory_space<hbm>> -> memref<32000x1024xf32, #tpu.memory_space<hbm>>
    tpu.wait_indirect_dma semaphore(%arg9 : memref<!tpu.dma_semaphore, #tpu.memory_space<semaphore_mem>>) src(%dma_wait3A_191 : memref<32000x1024xf32, #tpu.memory_space<hbm>>) dst(%arg6 : memref<32x1024xf32, #tpu.memory_space<vmem>>)
    %add3A_192 = arith.constant 288 : i32
    %add3A_193 = arith.addi %mul3A_2, %add3A_192 : i32
    %dma_start3A_194 = arith.constant 0 : i32
    %dma_start3A_195 = tpu.memref_slice %arg4[%add3A_193, %dma_start3A_194] : memref<12288x1024xf32, #tpu.memory_space<hbm>> -> memref<32x1024xf32, #tpu.memory_space<hbm>>
    %dma_start3A_196 = arith.constant 0 : i32
    %dma_start3A_197 = tpu.memref_slice %arg4[%add3A_193, %dma_start3A_196] : memref<12288x1024xf32, #tpu.memory_space<hbm>> -> memref<32x1024xf32, #tpu.memory_space<hbm>>
    tpu.enqueue_dma source(%arg6 : memref<32x1024xf32, #tpu.memory_space<vmem>>) target(%dma_start3A_197 : memref<32x1024xf32, #tpu.memory_space<hbm>>) target_semaphore(%arg12 : memref<!tpu.dma_semaphore, #tpu.memory_space<semaphore_mem>>)
    %dma_wait3A_198 = arith.constant 0 : i32
    %dma_wait3A_199 = tpu.memref_slice %arg4[%add3A_173, %dma_wait3A_198] : memref<12288x1024xf32, #tpu.memory_space<hbm>> -> memref<32x1024xf32, #tpu.memory_space<hbm>>
    %dma_wait3A_200 = arith.constant 0 : i32
    %dma_wait3A_201 = tpu.memref_slice %arg4[%add3A_173, %dma_wait3A_200] : memref<12288x1024xf32, #tpu.memory_space<hbm>> -> memref<32x1024xf32, #tpu.memory_space<hbm>>
    tpu.wait_dma2 semaphore(%arg14 : memref<!tpu.dma_semaphore, #tpu.memory_space<semaphore_mem>>) src(%arg8 : memref<32x1024xf32, #tpu.memory_space<vmem>>) dst(%dma_wait3A_201 : memref<32x1024xf32, #tpu.memory_space<hbm>>)
    %dma_start3A_202 = arith.constant 352 : i32
    %dma_start3A_203 = tpu.memref_slice %arg5[%dma_start3A_202] : memref<384xi32, #tpu.memory_space<vmem>> -> memref<32xi32, #tpu.memory_space<vmem>>
    %dma_start3A_204 = arith.constant 0 : i32
    %dma_start3A_205 = arith.constant 0 : i32
    %dma_start3A_206 = tpu.memref_slice %arg2[%dma_start3A_204, %dma_start3A_205] : memref<32000x1024xf32, #tpu.memory_space<hbm>> -> memref<32000x1024xf32, #tpu.memory_space<hbm>>
    tpu.enqueue_indirect_dma source(%dma_start3A_206 : memref<32000x1024xf32, #tpu.memory_space<hbm>>) target(%arg8 : memref<32x1024xf32, #tpu.memory_space<vmem>>) offsets(%dma_start3A_203 : memref<32xi32, #tpu.memory_space<vmem>>) semaphore(%arg11 : memref<!tpu.dma_semaphore, #tpu.memory_space<semaphore_mem>>)
    %dma_wait3A_207 = arith.constant 320 : i32
    %dma_wait3A_208 = tpu.memref_slice %arg5[%dma_wait3A_207] : memref<384xi32, #tpu.memory_space<vmem>> -> memref<32xi32, #tpu.memory_space<vmem>>
    %dma_wait3A_209 = arith.constant 0 : i32
    %dma_wait3A_210 = arith.constant 0 : i32
    %dma_wait3A_211 = tpu.memref_slice %arg2[%dma_wait3A_209, %dma_wait3A_210] : memref<32000x1024xf32, #tpu.memory_space<hbm>> -> memref<32000x1024xf32, #tpu.memory_space<hbm>>
    tpu.wait_indirect_dma semaphore(%arg10 : memref<!tpu.dma_semaphore, #tpu.memory_space<semaphore_mem>>) src(%dma_wait3A_211 : memref<32000x1024xf32, #tpu.memory_space<hbm>>) dst(%arg7 : memref<32x1024xf32, #tpu.memory_space<vmem>>)
    %add3A_212 = arith.constant 320 : i32
    %add3A_213 = arith.addi %mul3A_2, %add3A_212 : i32
    %dma_start3A_214 = arith.constant 0 : i32
    %dma_start3A_215 = tpu.memref_slice %arg4[%add3A_213, %dma_start3A_214] : memref<12288x1024xf32, #tpu.memory_space<hbm>> -> memref<32x1024xf32, #tpu.memory_space<hbm>>
    %dma_start3A_216 = arith.constant 0 : i32
    %dma_start3A_217 = tpu.memref_slice %arg4[%add3A_213, %dma_start3A_216] : memref<12288x1024xf32, #tpu.memory_space<hbm>> -> memref<32x1024xf32, #tpu.memory_space<hbm>>
    tpu.enqueue_dma source(%arg7 : memref<32x1024xf32, #tpu.memory_space<vmem>>) target(%dma_start3A_217 : memref<32x1024xf32, #tpu.memory_space<hbm>>) target_semaphore(%arg13 : memref<!tpu.dma_semaphore, #tpu.memory_space<semaphore_mem>>)
    %dma_wait3A_218 = arith.constant 352 : i32
    %dma_wait3A_219 = tpu.memref_slice %arg5[%dma_wait3A_218] : memref<384xi32, #tpu.memory_space<vmem>> -> memref<32xi32, #tpu.memory_space<vmem>>
    %dma_wait3A_220 = arith.constant 0 : i32
    %dma_wait3A_221 = arith.constant 0 : i32
    %dma_wait3A_222 = tpu.memref_slice %arg2[%dma_wait3A_220, %dma_wait3A_221] : memref<32000x1024xf32, #tpu.memory_space<hbm>> -> memref<32000x1024xf32, #tpu.memory_space<hbm>>
    tpu.wait_indirect_dma semaphore(%arg11 : memref<!tpu.dma_semaphore, #tpu.memory_space<semaphore_mem>>) src(%dma_wait3A_222 : memref<32000x1024xf32, #tpu.memory_space<hbm>>) dst(%arg8 : memref<32x1024xf32, #tpu.memory_space<vmem>>)
    %add3A_223 = arith.constant 352 : i32
    %add3A_224 = arith.addi %mul3A_2, %add3A_223 : i32
    %dma_start3A_225 = arith.constant 0 : i32
    %dma_start3A_226 = tpu.memref_slice %arg4[%add3A_224, %dma_start3A_225] : memref<12288x1024xf32, #tpu.memory_space<hbm>> -> memref<32x1024xf32, #tpu.memory_space<hbm>>
    %dma_start3A_227 = arith.constant 0 : i32
    %dma_start3A_228 = tpu.memref_slice %arg4[%add3A_224, %dma_start3A_227] : memref<12288x1024xf32, #tpu.memory_space<hbm>> -> memref<32x1024xf32, #tpu.memory_space<hbm>>
    tpu.enqueue_dma source(%arg8 : memref<32x1024xf32, #tpu.memory_space<vmem>>) target(%dma_start3A_228 : memref<32x1024xf32, #tpu.memory_space<hbm>>) target_semaphore(%arg14 : memref<!tpu.dma_semaphore, #tpu.memory_space<semaphore_mem>>)
    %dma_wait3A_229 = arith.constant 0 : i32
    %dma_wait3A_230 = tpu.memref_slice %arg4[%add3A_193, %dma_wait3A_229] : memref<12288x1024xf32, #tpu.memory_space<hbm>> -> memref<32x1024xf32, #tpu.memory_space<hbm>>
    %dma_wait3A_231 = arith.constant 0 : i32
    %dma_wait3A_232 = tpu.memref_slice %arg4[%add3A_193, %dma_wait3A_231] : memref<12288x1024xf32, #tpu.memory_space<hbm>> -> memref<32x1024xf32, #tpu.memory_space<hbm>>
    tpu.wait_dma2 semaphore(%arg12 : memref<!tpu.dma_semaphore, #tpu.memory_space<semaphore_mem>>) src(%arg6 : memref<32x1024xf32, #tpu.memory_space<vmem>>) dst(%dma_wait3A_232 : memref<32x1024xf32, #tpu.memory_space<hbm>>)
    %dma_wait3A_233 = arith.constant 0 : i32
    %dma_wait3A_234 = tpu.memref_slice %arg4[%add3A_213, %dma_wait3A_233] : memref<12288x1024xf32, #tpu.memory_space<hbm>> -> memref<32x1024xf32, #tpu.memory_space<hbm>>
    %dma_wait3A_235 = arith.constant 0 : i32
    %dma_wait3A_236 = tpu.memref_slice %arg4[%add3A_213, %dma_wait3A_235] : memref<12288x1024xf32, #tpu.memory_space<hbm>> -> memref<32x1024xf32, #tpu.memory_space<hbm>>
    tpu.wait_dma2 semaphore(%arg13 : memref<!tpu.dma_semaphore, #tpu.memory_space<semaphore_mem>>) src(%arg7 : memref<32x1024xf32, #tpu.memory_space<vmem>>) dst(%dma_wait3A_236 : memref<32x1024xf32, #tpu.memory_space<hbm>>)
    %dma_wait3A_237 = arith.constant 0 : i32
    %dma_wait3A_238 = tpu.memref_slice %arg4[%add3A_224, %dma_wait3A_237] : memref<12288x1024xf32, #tpu.memory_space<hbm>> -> memref<32x1024xf32, #tpu.memory_space<hbm>>
    %dma_wait3A_239 = arith.constant 0 : i32
    %dma_wait3A_240 = tpu.memref_slice %arg4[%add3A_224, %dma_wait3A_239] : memref<12288x1024xf32, #tpu.memory_space<hbm>> -> memref<32x1024xf32, #tpu.memory_space<hbm>>
    tpu.wait_dma2 semaphore(%arg14 : memref<!tpu.dma_semaphore, #tpu.memory_space<semaphore_mem>>) src(%arg8 : memref<32x1024xf32, #tpu.memory_space<vmem>>) dst(%dma_wait3A_240 : memref<32x1024xf32, #tpu.memory_space<hbm>>)
    return
  }
}

#map = affine_map<(d0, d1) -> (0, 0)>
#map1 = affine_map<(d0, d1) -> (0)>
module attributes {stable_mosaic.version = 14 : i64} {
  func.func @gather_kernel(%arg0: i32, %arg1: i32, %arg2: memref<32000x1024xf32, #tpu.memory_space<hbm>>, %arg3: memref<4096xi32, #tpu.memory_space<hbm>>, %arg4: memref<4096x1024xf32, #tpu.memory_space<hbm>>, %arg5: memref<128xi32, #tpu.memory_space<vmem>>, %arg6: memref<32x1024xf32, #tpu.memory_space<vmem>>, %arg7: memref<32x1024xf32, #tpu.memory_space<vmem>>, %arg8: memref<32x1024xf32, #tpu.memory_space<vmem>>, %arg9: memref<!tpu.dma_semaphore, #tpu.memory_space<semaphore_mem>>, %arg10: memref<!tpu.dma_semaphore, #tpu.memory_space<semaphore_mem>>, %arg11: memref<!tpu.dma_semaphore, #tpu.memory_space<semaphore_mem>>, %arg12: memref<!tpu.dma_semaphore, #tpu.memory_space<semaphore_mem>>, %arg13: memref<!tpu.dma_semaphore, #tpu.memory_space<semaphore_mem>>, %arg14: memref<!tpu.dma_semaphore, #tpu.memory_space<semaphore_mem>>) attributes {dimension_semantics = [#tpu.dimension_semantics<core_parallel>, #tpu.dimension_semantics<subcore_parallel>], iteration_bounds = array<i64: 2, 16>, scalar_prefetch = 0 : i64, scratch_operands = 10 : i64, tpu.core_type = #tpu.core_type<sc_vector_subcore>, window_params = [{transform_indices = #map}, {transform_indices = #map1}, {transform_indices = #map}]} {
    %mul3A = arith.constant 2 : i32
    %mul3A_0 = arith.muli %arg1, %mul3A : i32
    %add3A = arith.addi %mul3A_0, %arg0 : i32
    %mul3A_1 = arith.constant 128 : i32
    %mul3A_2 = arith.muli %add3A, %mul3A_1 : i32
    "tpu.region"() ({
      %run_scoped3A = tpu.sem_alloc : memref<!tpu.dma_semaphore, #tpu.memory_space<semaphore_mem>>
      %dma_start3A_81 = tpu.memref_slice %arg3[%mul3A_2] : memref<4096xi32, #tpu.memory_space<hbm>> -> memref<128xi32, #tpu.memory_space<hbm>>
      %dma_start3A_82 = tpu.memref_slice %arg3[%mul3A_2] : memref<4096xi32, #tpu.memory_space<hbm>> -> memref<128xi32, #tpu.memory_space<hbm>>
      tpu.enqueue_dma source(%dma_start3A_82 : memref<128xi32, #tpu.memory_space<hbm>>) target(%arg5 : memref<128xi32, #tpu.memory_space<vmem>>) target_semaphore(%run_scoped3A : memref<!tpu.dma_semaphore, #tpu.memory_space<semaphore_mem>>)
      %dma_wait3A_83 = tpu.memref_slice %arg3[%mul3A_2] : memref<4096xi32, #tpu.memory_space<hbm>> -> memref<128xi32, #tpu.memory_space<hbm>>
      %dma_wait3A_84 = tpu.memref_slice %arg3[%mul3A_2] : memref<4096xi32, #tpu.memory_space<hbm>> -> memref<128xi32, #tpu.memory_space<hbm>>
      tpu.wait_dma2 semaphore(%run_scoped3A : memref<!tpu.dma_semaphore, #tpu.memory_space<semaphore_mem>>) src(%dma_wait3A_84 : memref<128xi32, #tpu.memory_space<hbm>>) dst(%arg5 : memref<128xi32, #tpu.memory_space<vmem>>)
      tpu.yield
    }) : () -> ()
    %dma_start3A = arith.constant 0 : i32
    %dma_start3A_3 = tpu.memref_slice %arg5[%dma_start3A] : memref<128xi32, #tpu.memory_space<vmem>> -> memref<32xi32, #tpu.memory_space<vmem>>
    %dma_start3A_4 = arith.constant 0 : i32
    %dma_start3A_5 = arith.constant 0 : i32
    %dma_start3A_6 = tpu.memref_slice %arg2[%dma_start3A_4, %dma_start3A_5] : memref<32000x1024xf32, #tpu.memory_space<hbm>> -> memref<32000x1024xf32, #tpu.memory_space<hbm>>
    tpu.enqueue_indirect_dma source(%dma_start3A_6 : memref<32000x1024xf32, #tpu.memory_space<hbm>>) target(%arg6 : memref<32x1024xf32, #tpu.memory_space<vmem>>) offsets(%dma_start3A_3 : memref<32xi32, #tpu.memory_space<vmem>>) semaphore(%arg9 : memref<!tpu.dma_semaphore, #tpu.memory_space<semaphore_mem>>)
    %dma_start3A_7 = arith.constant 32 : i32
    %dma_start3A_8 = tpu.memref_slice %arg5[%dma_start3A_7] : memref<128xi32, #tpu.memory_space<vmem>> -> memref<32xi32, #tpu.memory_space<vmem>>
    %dma_start3A_9 = arith.constant 0 : i32
    %dma_start3A_10 = arith.constant 0 : i32
    %dma_start3A_11 = tpu.memref_slice %arg2[%dma_start3A_9, %dma_start3A_10] : memref<32000x1024xf32, #tpu.memory_space<hbm>> -> memref<32000x1024xf32, #tpu.memory_space<hbm>>
    tpu.enqueue_indirect_dma source(%dma_start3A_11 : memref<32000x1024xf32, #tpu.memory_space<hbm>>) target(%arg7 : memref<32x1024xf32, #tpu.memory_space<vmem>>) offsets(%dma_start3A_8 : memref<32xi32, #tpu.memory_space<vmem>>) semaphore(%arg10 : memref<!tpu.dma_semaphore, #tpu.memory_space<semaphore_mem>>)
    %dma_wait3A = arith.constant 0 : i32
    %dma_wait3A_12 = tpu.memref_slice %arg5[%dma_wait3A] : memref<128xi32, #tpu.memory_space<vmem>> -> memref<32xi32, #tpu.memory_space<vmem>>
    %dma_wait3A_13 = arith.constant 0 : i32
    %dma_wait3A_14 = arith.constant 0 : i32
    %dma_wait3A_15 = tpu.memref_slice %arg2[%dma_wait3A_13, %dma_wait3A_14] : memref<32000x1024xf32, #tpu.memory_space<hbm>> -> memref<32000x1024xf32, #tpu.memory_space<hbm>>
    tpu.wait_indirect_dma semaphore(%arg9 : memref<!tpu.dma_semaphore, #tpu.memory_space<semaphore_mem>>) src(%dma_wait3A_15 : memref<32000x1024xf32, #tpu.memory_space<hbm>>) dst(%arg6 : memref<32x1024xf32, #tpu.memory_space<vmem>>)
    %add3A_16 = arith.constant 0 : i32
    %add3A_17 = arith.addi %mul3A_2, %add3A_16 : i32
    %dma_start3A_18 = arith.constant 0 : i32
    %dma_start3A_19 = tpu.memref_slice %arg4[%add3A_17, %dma_start3A_18] : memref<4096x1024xf32, #tpu.memory_space<hbm>> -> memref<32x1024xf32, #tpu.memory_space<hbm>>
    %dma_start3A_20 = arith.constant 0 : i32
    %dma_start3A_21 = tpu.memref_slice %arg4[%add3A_17, %dma_start3A_20] : memref<4096x1024xf32, #tpu.memory_space<hbm>> -> memref<32x1024xf32, #tpu.memory_space<hbm>>
    tpu.enqueue_dma source(%arg6 : memref<32x1024xf32, #tpu.memory_space<vmem>>) target(%dma_start3A_21 : memref<32x1024xf32, #tpu.memory_space<hbm>>) target_semaphore(%arg12 : memref<!tpu.dma_semaphore, #tpu.memory_space<semaphore_mem>>)
    %dma_start3A_22 = arith.constant 64 : i32
    %dma_start3A_23 = tpu.memref_slice %arg5[%dma_start3A_22] : memref<128xi32, #tpu.memory_space<vmem>> -> memref<32xi32, #tpu.memory_space<vmem>>
    %dma_start3A_24 = arith.constant 0 : i32
    %dma_start3A_25 = arith.constant 0 : i32
    %dma_start3A_26 = tpu.memref_slice %arg2[%dma_start3A_24, %dma_start3A_25] : memref<32000x1024xf32, #tpu.memory_space<hbm>> -> memref<32000x1024xf32, #tpu.memory_space<hbm>>
    tpu.enqueue_indirect_dma source(%dma_start3A_26 : memref<32000x1024xf32, #tpu.memory_space<hbm>>) target(%arg8 : memref<32x1024xf32, #tpu.memory_space<vmem>>) offsets(%dma_start3A_23 : memref<32xi32, #tpu.memory_space<vmem>>) semaphore(%arg11 : memref<!tpu.dma_semaphore, #tpu.memory_space<semaphore_mem>>)
    %dma_wait3A_27 = arith.constant 32 : i32
    %dma_wait3A_28 = tpu.memref_slice %arg5[%dma_wait3A_27] : memref<128xi32, #tpu.memory_space<vmem>> -> memref<32xi32, #tpu.memory_space<vmem>>
    %dma_wait3A_29 = arith.constant 0 : i32
    %dma_wait3A_30 = arith.constant 0 : i32
    %dma_wait3A_31 = tpu.memref_slice %arg2[%dma_wait3A_29, %dma_wait3A_30] : memref<32000x1024xf32, #tpu.memory_space<hbm>> -> memref<32000x1024xf32, #tpu.memory_space<hbm>>
    tpu.wait_indirect_dma semaphore(%arg10 : memref<!tpu.dma_semaphore, #tpu.memory_space<semaphore_mem>>) src(%dma_wait3A_31 : memref<32000x1024xf32, #tpu.memory_space<hbm>>) dst(%arg7 : memref<32x1024xf32, #tpu.memory_space<vmem>>)
    %add3A_32 = arith.constant 32 : i32
    %add3A_33 = arith.addi %mul3A_2, %add3A_32 : i32
    %dma_start3A_34 = arith.constant 0 : i32
    %dma_start3A_35 = tpu.memref_slice %arg4[%add3A_33, %dma_start3A_34] : memref<4096x1024xf32, #tpu.memory_space<hbm>> -> memref<32x1024xf32, #tpu.memory_space<hbm>>
    %dma_start3A_36 = arith.constant 0 : i32
    %dma_start3A_37 = tpu.memref_slice %arg4[%add3A_33, %dma_start3A_36] : memref<4096x1024xf32, #tpu.memory_space<hbm>> -> memref<32x1024xf32, #tpu.memory_space<hbm>>
    tpu.enqueue_dma source(%arg7 : memref<32x1024xf32, #tpu.memory_space<vmem>>) target(%dma_start3A_37 : memref<32x1024xf32, #tpu.memory_space<hbm>>) target_semaphore(%arg13 : memref<!tpu.dma_semaphore, #tpu.memory_space<semaphore_mem>>)
    %dma_wait3A_38 = arith.constant 0 : i32
    %dma_wait3A_39 = tpu.memref_slice %arg4[%add3A_17, %dma_wait3A_38] : memref<4096x1024xf32, #tpu.memory_space<hbm>> -> memref<32x1024xf32, #tpu.memory_space<hbm>>
    %dma_wait3A_40 = arith.constant 0 : i32
    %dma_wait3A_41 = tpu.memref_slice %arg4[%add3A_17, %dma_wait3A_40] : memref<4096x1024xf32, #tpu.memory_space<hbm>> -> memref<32x1024xf32, #tpu.memory_space<hbm>>
    tpu.wait_dma2 semaphore(%arg12 : memref<!tpu.dma_semaphore, #tpu.memory_space<semaphore_mem>>) src(%arg6 : memref<32x1024xf32, #tpu.memory_space<vmem>>) dst(%dma_wait3A_41 : memref<32x1024xf32, #tpu.memory_space<hbm>>)
    %dma_start3A_42 = arith.constant 96 : i32
    %dma_start3A_43 = tpu.memref_slice %arg5[%dma_start3A_42] : memref<128xi32, #tpu.memory_space<vmem>> -> memref<32xi32, #tpu.memory_space<vmem>>
    %dma_start3A_44 = arith.constant 0 : i32
    %dma_start3A_45 = arith.constant 0 : i32
    %dma_start3A_46 = tpu.memref_slice %arg2[%dma_start3A_44, %dma_start3A_45] : memref<32000x1024xf32, #tpu.memory_space<hbm>> -> memref<32000x1024xf32, #tpu.memory_space<hbm>>
    tpu.enqueue_indirect_dma source(%dma_start3A_46 : memref<32000x1024xf32, #tpu.memory_space<hbm>>) target(%arg6 : memref<32x1024xf32, #tpu.memory_space<vmem>>) offsets(%dma_start3A_43 : memref<32xi32, #tpu.memory_space<vmem>>) semaphore(%arg9 : memref<!tpu.dma_semaphore, #tpu.memory_space<semaphore_mem>>)
    %dma_wait3A_47 = arith.constant 64 : i32
    %dma_wait3A_48 = tpu.memref_slice %arg5[%dma_wait3A_47] : memref<128xi32, #tpu.memory_space<vmem>> -> memref<32xi32, #tpu.memory_space<vmem>>
    %dma_wait3A_49 = arith.constant 0 : i32
    %dma_wait3A_50 = arith.constant 0 : i32
    %dma_wait3A_51 = tpu.memref_slice %arg2[%dma_wait3A_49, %dma_wait3A_50] : memref<32000x1024xf32, #tpu.memory_space<hbm>> -> memref<32000x1024xf32, #tpu.memory_space<hbm>>
    tpu.wait_indirect_dma semaphore(%arg11 : memref<!tpu.dma_semaphore, #tpu.memory_space<semaphore_mem>>) src(%dma_wait3A_51 : memref<32000x1024xf32, #tpu.memory_space<hbm>>) dst(%arg8 : memref<32x1024xf32, #tpu.memory_space<vmem>>)
    %add3A_52 = arith.constant 64 : i32
    %add3A_53 = arith.addi %mul3A_2, %add3A_52 : i32
    %dma_start3A_54 = arith.constant 0 : i32
    %dma_start3A_55 = tpu.memref_slice %arg4[%add3A_53, %dma_start3A_54] : memref<4096x1024xf32, #tpu.memory_space<hbm>> -> memref<32x1024xf32, #tpu.memory_space<hbm>>
    %dma_start3A_56 = arith.constant 0 : i32
    %dma_start3A_57 = tpu.memref_slice %arg4[%add3A_53, %dma_start3A_56] : memref<4096x1024xf32, #tpu.memory_space<hbm>> -> memref<32x1024xf32, #tpu.memory_space<hbm>>
    tpu.enqueue_dma source(%arg8 : memref<32x1024xf32, #tpu.memory_space<vmem>>) target(%dma_start3A_57 : memref<32x1024xf32, #tpu.memory_space<hbm>>) target_semaphore(%arg14 : memref<!tpu.dma_semaphore, #tpu.memory_space<semaphore_mem>>)
    %dma_wait3A_58 = arith.constant 96 : i32
    %dma_wait3A_59 = tpu.memref_slice %arg5[%dma_wait3A_58] : memref<128xi32, #tpu.memory_space<vmem>> -> memref<32xi32, #tpu.memory_space<vmem>>
    %dma_wait3A_60 = arith.constant 0 : i32
    %dma_wait3A_61 = arith.constant 0 : i32
    %dma_wait3A_62 = tpu.memref_slice %arg2[%dma_wait3A_60, %dma_wait3A_61] : memref<32000x1024xf32, #tpu.memory_space<hbm>> -> memref<32000x1024xf32, #tpu.memory_space<hbm>>
    tpu.wait_indirect_dma semaphore(%arg9 : memref<!tpu.dma_semaphore, #tpu.memory_space<semaphore_mem>>) src(%dma_wait3A_62 : memref<32000x1024xf32, #tpu.memory_space<hbm>>) dst(%arg6 : memref<32x1024xf32, #tpu.memory_space<vmem>>)
    %add3A_63 = arith.constant 96 : i32
    %add3A_64 = arith.addi %mul3A_2, %add3A_63 : i32
    %dma_start3A_65 = arith.constant 0 : i32
    %dma_start3A_66 = tpu.memref_slice %arg4[%add3A_64, %dma_start3A_65] : memref<4096x1024xf32, #tpu.memory_space<hbm>> -> memref<32x1024xf32, #tpu.memory_space<hbm>>
    %dma_start3A_67 = arith.constant 0 : i32
    %dma_start3A_68 = tpu.memref_slice %arg4[%add3A_64, %dma_start3A_67] : memref<4096x1024xf32, #tpu.memory_space<hbm>> -> memref<32x1024xf32, #tpu.memory_space<hbm>>
    tpu.enqueue_dma source(%arg6 : memref<32x1024xf32, #tpu.memory_space<vmem>>) target(%dma_start3A_68 : memref<32x1024xf32, #tpu.memory_space<hbm>>) target_semaphore(%arg12 : memref<!tpu.dma_semaphore, #tpu.memory_space<semaphore_mem>>)
    %dma_wait3A_69 = arith.constant 0 : i32
    %dma_wait3A_70 = tpu.memref_slice %arg4[%add3A_64, %dma_wait3A_69] : memref<4096x1024xf32, #tpu.memory_space<hbm>> -> memref<32x1024xf32, #tpu.memory_space<hbm>>
    %dma_wait3A_71 = arith.constant 0 : i32
    %dma_wait3A_72 = tpu.memref_slice %arg4[%add3A_64, %dma_wait3A_71] : memref<4096x1024xf32, #tpu.memory_space<hbm>> -> memref<32x1024xf32, #tpu.memory_space<hbm>>
    tpu.wait_dma2 semaphore(%arg12 : memref<!tpu.dma_semaphore, #tpu.memory_space<semaphore_mem>>) src(%arg6 : memref<32x1024xf32, #tpu.memory_space<vmem>>) dst(%dma_wait3A_72 : memref<32x1024xf32, #tpu.memory_space<hbm>>)
    %dma_wait3A_73 = arith.constant 0 : i32
    %dma_wait3A_74 = tpu.memref_slice %arg4[%add3A_33, %dma_wait3A_73] : memref<4096x1024xf32, #tpu.memory_space<hbm>> -> memref<32x1024xf32, #tpu.memory_space<hbm>>
    %dma_wait3A_75 = arith.constant 0 : i32
    %dma_wait3A_76 = tpu.memref_slice %arg4[%add3A_33, %dma_wait3A_75] : memref<4096x1024xf32, #tpu.memory_space<hbm>> -> memref<32x1024xf32, #tpu.memory_space<hbm>>
    tpu.wait_dma2 semaphore(%arg13 : memref<!tpu.dma_semaphore, #tpu.memory_space<semaphore_mem>>) src(%arg7 : memref<32x1024xf32, #tpu.memory_space<vmem>>) dst(%dma_wait3A_76 : memref<32x1024xf32, #tpu.memory_space<hbm>>)
    %dma_wait3A_77 = arith.constant 0 : i32
    %dma_wait3A_78 = tpu.memref_slice %arg4[%add3A_53, %dma_wait3A_77] : memref<4096x1024xf32, #tpu.memory_space<hbm>> -> memref<32x1024xf32, #tpu.memory_space<hbm>>
    %dma_wait3A_79 = arith.constant 0 : i32
    %dma_wait3A_80 = tpu.memref_slice %arg4[%add3A_53, %dma_wait3A_79] : memref<4096x1024xf32, #tpu.memory_space<hbm>> -> memref<32x1024xf32, #tpu.memory_space<hbm>>
    tpu.wait_dma2 semaphore(%arg14 : memref<!tpu.dma_semaphore, #tpu.memory_space<semaphore_mem>>) src(%arg8 : memref<32x1024xf32, #tpu.memory_space<vmem>>) dst(%dma_wait3A_80 : memref<32x1024xf32, #tpu.memory_space<hbm>>)
    return
  }
}

module attributes {stable_mosaic.version = 14 : i64} {
  func.func @body(%arg0: i32, %arg1: i32, %arg2: memref<16xi32, #tpu.memory_space<smem>>, %arg3: memref<1x256x1024xf32, #tpu.memory_space<vmem>>, %arg4: memref<256x1024xf32, #tpu.memory_space<vmem>>, %arg5: memref<16x1024xf32, #tpu.memory_space<vmem>>, %arg6: memref<1x1024xf32, #tpu.memory_space<vmem>>, %arg7: memref<1x1024xf32, #tpu.memory_space<vmem>>, %arg8: memref<16x2048x1024xf32, #tpu.memory_space<any>>, %arg9: memref<1x256x1024xf32, #tpu.memory_space<vmem>>) attributes {dimension_semantics = [#tpu.dimension_semantics<arbitrary>, #tpu.dimension_semantics<arbitrary>], iteration_bounds = array<i64: 8, 6>, scalar_prefetch = 0 : i64, scratch_operands = 0 : i64, tpu.core_type = #tpu.core_type<tc>, window_params = [{transform_indices = @transform_0, window_bounds = array<i64: 16>}, {transform_indices = @transform_1, window_bounds = array<i64: 1, 256, 1024>}, {transform_indices = @transform_2, window_bounds = array<i64: 256, 1024>}, {pipeline_mode = #tpu.pipeline_mode<synchronous>, transform_indices = @transform_3, window_bounds = array<i64: 16, 1024>}, {pipeline_mode = #tpu.pipeline_mode<synchronous>, transform_indices = @transform_4, window_bounds = array<i64: 1, 1024>}, {pipeline_mode = #tpu.pipeline_mode<synchronous>, transform_indices = @transform_5, window_bounds = array<i64: 1, 1024>}, {}, {transform_indices = @transform_7, window_bounds = array<i64: 1, 256, 1024>}]} {
    %get3A = arith.constant 0 : index
    %get3A_0 = arith.constant 0 : index
    %get3A_1 = arith.constant 0 : index
    %get3A_2 = vector.load %arg3[%get3A, %get3A_0, %get3A_1] : memref<1x256x1024xf32, #tpu.memory_space<vmem>>, vector<1x256x1024xf32>
    %get3A_3 = vector.shape_cast %get3A_2 : vector<1x256x1024xf32> to vector<256x1024xf32>
    %add3A = arith.constant 2 : i32
    %add3A_4 = arith.addi %add3A, %arg1 : i32
    %get3A_5 = arith.index_cast %add3A_4 : i32 to index
    %get3A_6 = memref.load %arg2[%get3A_5] : memref<16xi32, #tpu.memory_space<smem>>
    %mul3A = arith.constant 256 : i32
    %mul3A_7 = arith.muli %arg0, %mul3A : i32
    %sub3A = arith.subi %get3A_6, %mul3A_7 : i32
    %iota3A = tpu.iota {dimensions = array<i32: 0>} : vector<256x1xi32>
    %add3A_8 = arith.constant 2 : i32
    %add3A_9 = arith.addi %add3A_8, %arg1 : i32
    %get3A_10 = arith.index_cast %add3A_9 : i32 to index
    %get3A_11 = arith.constant 0 : index
    %get3A_12 = vector.load %arg5[%get3A_10, %get3A_11] : memref<16x1024xf32, #tpu.memory_space<vmem>>, vector<1x1024xf32>
    %eq3A = vector.broadcast %sub3A : i32 to vector<256x1xi32>
    %eq3A_13 = arith.cmpi eq, %iota3A, %eq3A : vector<256x1xi32>
    %broadcast_in_dim3A = vector.shape_cast %eq3A_13 : vector<256x1xi1> to vector<256x1xi1>
    %broadcast_in_dim3A_14 = vector.broadcast %broadcast_in_dim3A : vector<256x1xi1> to vector<256x1024xi1>
    %broadcast_in_dim3A_15 = vector.shape_cast %get3A_12 : vector<1x1024xf32> to vector<1x1024xf32>
    %broadcast_in_dim3A_16 = vector.broadcast %broadcast_in_dim3A_15 : vector<1x1024xf32> to vector<256x1024xf32>
    %select_n3A = arith.select %broadcast_in_dim3A_14, %broadcast_in_dim3A_16, %get3A_3 : vector<256x1024xi1>, vector<256x1024xf32>
    %get3A_17 = arith.constant 0 : index
    %get3A_18 = arith.constant 0 : index
    %get3A_19 = vector.load %arg4[%get3A_17, %get3A_18] : memref<256x1024xf32, #tpu.memory_space<vmem>>, vector<256x1024xf32>
    %add3A_20 = arith.addf %select_n3A, %get3A_19 : vector<256x1024xf32>
    %reduce_sum3A = arith.constant dense<0.000000e+00> : vector<256xf32>
    %reduce_sum3A_21 = vector.multi_reduction <add>, %add3A_20, %reduce_sum3A [1] : vector<256x1024xf32> to vector<256xf32>
    %broadcast_in_dim3A_22 = vector.shape_cast %reduce_sum3A_21 : vector<256xf32> to vector<256x1xf32>
    %div3A = arith.constant 1.024000e+03 : f32
    %div3A_23 = vector.broadcast %div3A : f32 to vector<256x1xf32>
    %div3A_24 = arith.divf %broadcast_in_dim3A_22, %div3A_23 : vector<256x1xf32>
    %sub3A_25 = vector.broadcast %div3A_24 : vector<256x1xf32> to vector<256x1024xf32>
    %sub3A_26 = arith.subf %add3A_20, %sub3A_25 : vector<256x1024xf32>
    %mul3A_27 = arith.mulf %sub3A_26, %sub3A_26 : vector<256x1024xf32>
    %reduce_sum3A_28 = arith.constant dense<0.000000e+00> : vector<256xf32>
    %reduce_sum3A_29 = vector.multi_reduction <add>, %mul3A_27, %reduce_sum3A_28 [1] : vector<256x1024xf32> to vector<256xf32>
    %broadcast_in_dim3A_30 = vector.shape_cast %reduce_sum3A_29 : vector<256xf32> to vector<256x1xf32>
    %div3A_31 = arith.constant 1.024000e+03 : f32
    %div3A_32 = vector.broadcast %div3A_31 : f32 to vector<256x1xf32>
    %div3A_33 = arith.divf %broadcast_in_dim3A_30, %div3A_32 : vector<256x1xf32>
    %add3A_34 = arith.constant 9.99999996E-13 : f32
    %add3A_35 = vector.broadcast %add3A_34 : f32 to vector<256x1xf32>
    %add3A_36 = arith.addf %div3A_33, %add3A_35 : vector<256x1xf32>
    %rsqrt3A = math.rsqrt %add3A_36 : vector<256x1xf32>
    %mul3A_37 = vector.broadcast %rsqrt3A : vector<256x1xf32> to vector<256x1024xf32>
    %mul3A_38 = arith.mulf %sub3A_26, %mul3A_37 : vector<256x1024xf32>
    %get3A_39 = arith.constant 0 : index
    %get3A_40 = arith.constant 0 : index
    %get3A_41 = vector.load %arg6[%get3A_39, %get3A_40] : memref<1x1024xf32, #tpu.memory_space<vmem>>, vector<1x1024xf32>
    %mul3A_42 = vector.broadcast %get3A_41 : vector<1x1024xf32> to vector<256x1024xf32>
    %mul3A_43 = arith.mulf %mul3A_38, %mul3A_42 : vector<256x1024xf32>
    %get3A_44 = arith.constant 0 : index
    %get3A_45 = arith.constant 0 : index
    %get3A_46 = vector.load %arg7[%get3A_44, %get3A_45] : memref<1x1024xf32, #tpu.memory_space<vmem>>, vector<1x1024xf32>
    %add3A_47 = vector.broadcast %get3A_46 : vector<1x1024xf32> to vector<256x1024xf32>
    %add3A_48 = arith.addf %mul3A_43, %add3A_47 : vector<256x1024xf32>
    %swap3A = arith.constant 0 : index
    %swap3A_49 = arith.constant 0 : index
    %swap3A_50 = arith.constant 0 : index
    %swap3A_51 = vector.load %arg9[%swap3A, %swap3A_49, %swap3A_50] : memref<1x256x1024xf32, #tpu.memory_space<vmem>>, vector<1x256x1024xf32>
    %swap3A_52 = vector.shape_cast %swap3A_51 : vector<1x256x1024xf32> to vector<256x1024xf32>
    %swap3A_53 = vector.shape_cast %add3A_48 : vector<256x1024xf32> to vector<1x256x1024xf32>
    tpu.vector_store %arg9[%swap3A, %swap3A_49, %swap3A_50], %swap3A_53 {strides = array<i32>} : memref<1x256x1024xf32, #tpu.memory_space<vmem>>, vector<1x256x1024xf32>,
    return
  }
  func.func @transform_0(%arg0: i32, %arg1: i32) -> i32 {
    %c0_i32 = arith.constant 0 : i32
    %c0_i32_0 = arith.constant 0 : i32
    return %c0_i32 : i32
  }
  func.func @transform_1(%arg0: i32, %arg1: i32) -> (i32, i32, i32) {
    %c0_i32 = arith.constant 0 : i32
    %c0_i32_0 = arith.constant 0 : i32
    return %arg1, %arg0, %c0_i32 : i32, i32, i32
  }
  func.func @transform_2(%arg0: i32, %arg1: i32) -> (i32, i32) {
    %c0_i32 = arith.constant 0 : i32
    %c0_i32_0 = arith.constant 0 : i32
    return %arg0, %c0_i32 : i32, i32
  }
  func.func @transform_3(%arg0: i32, %arg1: i32) -> (i32, i32) {
    %c0_i32 = arith.constant 0 : i32
    %c0_i32_0 = arith.constant 0 : i32
    %c0_i32_1 = arith.constant 0 : i32
    return %c0_i32, %c0_i32_0 : i32, i32
  }
  func.func @transform_4(%arg0: i32, %arg1: i32) -> (i32, i32) {
    %c0_i32 = arith.constant 0 : i32
    %c0_i32_0 = arith.constant 0 : i32
    %c0_i32_1 = arith.constant 0 : i32
    return %c0_i32, %c0_i32_0 : i32, i32
  }
  func.func @transform_5(%arg0: i32, %arg1: i32) -> (i32, i32) {
    %c0_i32 = arith.constant 0 : i32
    %c0_i32_0 = arith.constant 0 : i32
    %c0_i32_1 = arith.constant 0 : i32
    return %c0_i32, %c0_i32_0 : i32, i32
  }
  func.func @transform_7(%arg0: i32, %arg1: i32) -> (i32, i32, i32) {
    %add3A = arith.constant 2 : i32
    %add3A_0 = arith.addi %add3A, %arg1 : i32
    %c0_i32 = arith.constant 0 : i32
    %c0_i32_1 = arith.constant 0 : i32
    return %add3A_0, %arg0, %c0_i32 : i32, i32, i32
  }
}

module attributes {stable_mosaic.version = 14 : i64} {
  func.func @body(%arg0: i32, %arg1: i32, %arg2: memref<16xi32, #tpu.memory_space<smem>>, %arg3: memref<1x256x1024xf32, #tpu.memory_space<vmem>>, %arg4: memref<256x1024xf32, #tpu.memory_space<vmem>>, %arg5: memref<16x1024xf32, #tpu.memory_space<vmem>>, %arg6: memref<1x1024xf32, #tpu.memory_space<vmem>>, %arg7: memref<1x1024xf32, #tpu.memory_space<vmem>>, %arg8: memref<1x256x1024xf32, #tpu.memory_space<vmem>>) attributes {dimension_semantics = [#tpu.dimension_semantics<arbitrary>, #tpu.dimension_semantics<arbitrary>], iteration_bounds = array<i64: 8, 2>, scalar_prefetch = 0 : i64, scratch_operands = 0 : i64, tpu.core_type = #tpu.core_type<tc>, window_params = [{transform_indices = @transform_0, window_bounds = array<i64: 16>}, {transform_indices = @transform_1, window_bounds = array<i64: 1, 256, 1024>}, {transform_indices = @transform_2, window_bounds = array<i64: 256, 1024>}, {pipeline_mode = #tpu.pipeline_mode<synchronous>, transform_indices = @transform_3, window_bounds = array<i64: 16, 1024>}, {pipeline_mode = #tpu.pipeline_mode<synchronous>, transform_indices = @transform_4, window_bounds = array<i64: 1, 1024>}, {pipeline_mode = #tpu.pipeline_mode<synchronous>, transform_indices = @transform_5, window_bounds = array<i64: 1, 1024>}, {transform_indices = @transform_6, window_bounds = array<i64: 1, 256, 1024>}]} {
    %get3A = arith.constant 0 : index
    %get3A_0 = arith.constant 0 : index
    %get3A_1 = arith.constant 0 : index
    %get3A_2 = vector.load %arg3[%get3A, %get3A_0, %get3A_1] : memref<1x256x1024xf32, #tpu.memory_space<vmem>>, vector<1x256x1024xf32>
    %get3A_3 = vector.shape_cast %get3A_2 : vector<1x256x1024xf32> to vector<256x1024xf32>
    %add3A = arith.constant 0 : i32
    %add3A_4 = arith.addi %add3A, %arg1 : i32
    %get3A_5 = arith.index_cast %add3A_4 : i32 to index
    %get3A_6 = memref.load %arg2[%get3A_5] : memref<16xi32, #tpu.memory_space<smem>>
    %mul3A = arith.constant 256 : i32
    %mul3A_7 = arith.muli %arg0, %mul3A : i32
    %sub3A = arith.subi %get3A_6, %mul3A_7 : i32
    %iota3A = tpu.iota {dimensions = array<i32: 0>} : vector<256x1xi32>
    %add3A_8 = arith.constant 0 : i32
    %add3A_9 = arith.addi %add3A_8, %arg1 : i32
    %get3A_10 = arith.index_cast %add3A_9 : i32 to index
    %get3A_11 = arith.constant 0 : index
    %get3A_12 = vector.load %arg5[%get3A_10, %get3A_11] : memref<16x1024xf32, #tpu.memory_space<vmem>>, vector<1x1024xf32>
    %eq3A = vector.broadcast %sub3A : i32 to vector<256x1xi32>
    %eq3A_13 = arith.cmpi eq, %iota3A, %eq3A : vector<256x1xi32>
    %broadcast_in_dim3A = vector.shape_cast %eq3A_13 : vector<256x1xi1> to vector<256x1xi1>
    %broadcast_in_dim3A_14 = vector.broadcast %broadcast_in_dim3A : vector<256x1xi1> to vector<256x1024xi1>
    %broadcast_in_dim3A_15 = vector.shape_cast %get3A_12 : vector<1x1024xf32> to vector<1x1024xf32>
    %broadcast_in_dim3A_16 = vector.broadcast %broadcast_in_dim3A_15 : vector<1x1024xf32> to vector<256x1024xf32>
    %select_n3A = arith.select %broadcast_in_dim3A_14, %broadcast_in_dim3A_16, %get3A_3 : vector<256x1024xi1>, vector<256x1024xf32>
    %get3A_17 = arith.constant 0 : index
    %get3A_18 = arith.constant 0 : index
    %get3A_19 = vector.load %arg4[%get3A_17, %get3A_18] : memref<256x1024xf32, #tpu.memory_space<vmem>>, vector<256x1024xf32>
    %add3A_20 = arith.addf %select_n3A, %get3A_19 : vector<256x1024xf32>
    %reduce_sum3A = arith.constant dense<0.000000e+00> : vector<256xf32>
    %reduce_sum3A_21 = vector.multi_reduction <add>, %add3A_20, %reduce_sum3A [1] : vector<256x1024xf32> to vector<256xf32>
    %broadcast_in_dim3A_22 = vector.shape_cast %reduce_sum3A_21 : vector<256xf32> to vector<256x1xf32>
    %div3A = arith.constant 1.024000e+03 : f32
    %div3A_23 = vector.broadcast %div3A : f32 to vector<256x1xf32>
    %div3A_24 = arith.divf %broadcast_in_dim3A_22, %div3A_23 : vector<256x1xf32>
    %sub3A_25 = vector.broadcast %div3A_24 : vector<256x1xf32> to vector<256x1024xf32>
    %sub3A_26 = arith.subf %add3A_20, %sub3A_25 : vector<256x1024xf32>
    %mul3A_27 = arith.mulf %sub3A_26, %sub3A_26 : vector<256x1024xf32>
    %reduce_sum3A_28 = arith.constant dense<0.000000e+00> : vector<256xf32>
    %reduce_sum3A_29 = vector.multi_reduction <add>, %mul3A_27, %reduce_sum3A_28 [1] : vector<256x1024xf32> to vector<256xf32>
    %broadcast_in_dim3A_30 = vector.shape_cast %reduce_sum3A_29 : vector<256xf32> to vector<256x1xf32>
    %div3A_31 = arith.constant 1.024000e+03 : f32
    %div3A_32 = vector.broadcast %div3A_31 : f32 to vector<256x1xf32>
    %div3A_33 = arith.divf %broadcast_in_dim3A_30, %div3A_32 : vector<256x1xf32>
    %add3A_34 = arith.constant 9.99999996E-13 : f32
    %add3A_35 = vector.broadcast %add3A_34 : f32 to vector<256x1xf32>
    %add3A_36 = arith.addf %div3A_33, %add3A_35 : vector<256x1xf32>
    %rsqrt3A = math.rsqrt %add3A_36 : vector<256x1xf32>
    %mul3A_37 = vector.broadcast %rsqrt3A : vector<256x1xf32> to vector<256x1024xf32>
    %mul3A_38 = arith.mulf %sub3A_26, %mul3A_37 : vector<256x1024xf32>
    %get3A_39 = arith.constant 0 : index
    %get3A_40 = arith.constant 0 : index
    %get3A_41 = vector.load %arg6[%get3A_39, %get3A_40] : memref<1x1024xf32, #tpu.memory_space<vmem>>, vector<1x1024xf32>
    %mul3A_42 = vector.broadcast %get3A_41 : vector<1x1024xf32> to vector<256x1024xf32>
    %mul3A_43 = arith.mulf %mul3A_38, %mul3A_42 : vector<256x1024xf32>
    %get3A_44 = arith.constant 0 : index
    %get3A_45 = arith.constant 0 : index
    %get3A_46 = vector.load %arg7[%get3A_44, %get3A_45] : memref<1x1024xf32, #tpu.memory_space<vmem>>, vector<1x1024xf32>
    %add3A_47 = vector.broadcast %get3A_46 : vector<1x1024xf32> to vector<256x1024xf32>
    %add3A_48 = arith.addf %mul3A_43, %add3A_47 : vector<256x1024xf32>
    %swap3A = arith.constant 0 : index
    %swap3A_49 = arith.constant 0 : index
    %swap3A_50 = arith.constant 0 : index
    %swap3A_51 = vector.load %arg8[%swap3A, %swap3A_49, %swap3A_50] : memref<1x256x1024xf32, #tpu.memory_space<vmem>>, vector<1x256x1024xf32>
    %swap3A_52 = vector.shape_cast %swap3A_51 : vector<1x256x1024xf32> to vector<256x1024xf32>
    %swap3A_53 = vector.shape_cast %add3A_48 : vector<256x1024xf32> to vector<1x256x1024xf32>
    tpu.vector_store %arg8[%swap3A, %swap3A_49, %swap3A_50], %swap3A_53 {strides = array<i32>} : memref<1x256x1024xf32, #tpu.memory_space<vmem>>, vector<1x256x1024xf32>,
    return
  }
  func.func @transform_0(%arg0: i32, %arg1: i32) -> i32 {
    %c0_i32 = arith.constant 0 : i32
    %c0_i32_0 = arith.constant 0 : i32
    return %c0_i32 : i32
  }
  func.func @transform_1(%arg0: i32, %arg1: i32) -> (i32, i32, i32) {
    %c0_i32 = arith.constant 0 : i32
    %c0_i32_0 = arith.constant 0 : i32
    return %arg1, %arg0, %c0_i32 : i32, i32, i32
  }
  func.func @transform_2(%arg0: i32, %arg1: i32) -> (i32, i32) {
    %c0_i32 = arith.constant 0 : i32
    %c0_i32_0 = arith.constant 0 : i32
    return %arg0, %c0_i32 : i32, i32
  }
  func.func @transform_3(%arg0: i32, %arg1: i32) -> (i32, i32) {
    %c0_i32 = arith.constant 0 : i32
    %c0_i32_0 = arith.constant 0 : i32
    %c0_i32_1 = arith.constant 0 : i32
    return %c0_i32, %c0_i32_0 : i32, i32
  }
  func.func @transform_4(%arg0: i32, %arg1: i32) -> (i32, i32) {
    %c0_i32 = arith.constant 0 : i32
    %c0_i32_0 = arith.constant 0 : i32
    %c0_i32_1 = arith.constant 0 : i32
    return %c0_i32, %c0_i32_0 : i32, i32
  }
  func.func @transform_5(%arg0: i32, %arg1: i32) -> (i32, i32) {
    %c0_i32 = arith.constant 0 : i32
    %c0_i32_0 = arith.constant 0 : i32
    %c0_i32_1 = arith.constant 0 : i32
    return %c0_i32, %c0_i32_0 : i32, i32
  }
  func.func @transform_6(%arg0: i32, %arg1: i32) -> (i32, i32, i32) {
    %add3A = arith.constant 0 : i32
    %add3A_0 = arith.addi %add3A, %arg1 : i32
    %c0_i32 = arith.constant 0 : i32
    %c0_i32_1 = arith.constant 0 : i32
    return %add3A_0, %arg0, %c0_i32 : i32, i32, i32
  }
}

module attributes {stable_mosaic.version = 14 : i64} {
  func.func @body(%arg0: i32, %arg1: i32, %arg2: memref<16xi32, #tpu.memory_space<smem>>, %arg3: memref<1x256x1024xf32, #tpu.memory_space<vmem>>, %arg4: memref<256x1024xf32, #tpu.memory_space<vmem>>, %arg5: memref<16x1024xf32, #tpu.memory_space<vmem>>, %arg6: memref<1x1024xf32, #tpu.memory_space<vmem>>, %arg7: memref<1x1024xf32, #tpu.memory_space<vmem>>, %arg8: memref<16x2048x1024xf32, #tpu.memory_space<any>>, %arg9: memref<1x256x1024xf32, #tpu.memory_space<vmem>>) attributes {dimension_semantics = [#tpu.dimension_semantics<arbitrary>, #tpu.dimension_semantics<arbitrary>], iteration_bounds = array<i64: 8, 6>, scalar_prefetch = 0 : i64, scratch_operands = 0 : i64, tpu.core_type = #tpu.core_type<tc>, window_params = [{transform_indices = @transform_0, window_bounds = array<i64: 16>}, {transform_indices = @transform_1, window_bounds = array<i64: 1, 256, 1024>}, {transform_indices = @transform_2, window_bounds = array<i64: 256, 1024>}, {pipeline_mode = #tpu.pipeline_mode<synchronous>, transform_indices = @transform_3, window_bounds = array<i64: 16, 1024>}, {pipeline_mode = #tpu.pipeline_mode<synchronous>, transform_indices = @transform_4, window_bounds = array<i64: 1, 1024>}, {pipeline_mode = #tpu.pipeline_mode<synchronous>, transform_indices = @transform_5, window_bounds = array<i64: 1, 1024>}, {}, {transform_indices = @transform_7, window_bounds = array<i64: 1, 256, 1024>}]} {
    %get3A = arith.constant 0 : index
    %get3A_0 = arith.constant 0 : index
    %get3A_1 = arith.constant 0 : index
    %get3A_2 = vector.load %arg3[%get3A, %get3A_0, %get3A_1] : memref<1x256x1024xf32, #tpu.memory_space<vmem>>, vector<1x256x1024xf32>
    %get3A_3 = vector.shape_cast %get3A_2 : vector<1x256x1024xf32> to vector<256x1024xf32>
    %add3A = arith.constant 8 : i32
    %add3A_4 = arith.addi %add3A, %arg1 : i32
    %get3A_5 = arith.index_cast %add3A_4 : i32 to index
    %get3A_6 = memref.load %arg2[%get3A_5] : memref<16xi32, #tpu.memory_space<smem>>
    %mul3A = arith.constant 256 : i32
    %mul3A_7 = arith.muli %arg0, %mul3A : i32
    %sub3A = arith.subi %get3A_6, %mul3A_7 : i32
    %iota3A = tpu.iota {dimensions = array<i32: 0>} : vector<256x1xi32>
    %add3A_8 = arith.constant 8 : i32
    %add3A_9 = arith.addi %add3A_8, %arg1 : i32
    %get3A_10 = arith.index_cast %add3A_9 : i32 to index
    %get3A_11 = arith.constant 0 : index
    %get3A_12 = vector.load %arg5[%get3A_10, %get3A_11] : memref<16x1024xf32, #tpu.memory_space<vmem>>, vector<1x1024xf32>
    %eq3A = vector.broadcast %sub3A : i32 to vector<256x1xi32>
    %eq3A_13 = arith.cmpi eq, %iota3A, %eq3A : vector<256x1xi32>
    %broadcast_in_dim3A = vector.shape_cast %eq3A_13 : vector<256x1xi1> to vector<256x1xi1>
    %broadcast_in_dim3A_14 = vector.broadcast %broadcast_in_dim3A : vector<256x1xi1> to vector<256x1024xi1>
    %broadcast_in_dim3A_15 = vector.shape_cast %get3A_12 : vector<1x1024xf32> to vector<1x1024xf32>
    %broadcast_in_dim3A_16 = vector.broadcast %broadcast_in_dim3A_15 : vector<1x1024xf32> to vector<256x1024xf32>
    %select_n3A = arith.select %broadcast_in_dim3A_14, %broadcast_in_dim3A_16, %get3A_3 : vector<256x1024xi1>, vector<256x1024xf32>
    %get3A_17 = arith.constant 0 : index
    %get3A_18 = arith.constant 0 : index
    %get3A_19 = vector.load %arg4[%get3A_17, %get3A_18] : memref<256x1024xf32, #tpu.memory_space<vmem>>, vector<256x1024xf32>
    %add3A_20 = arith.addf %select_n3A, %get3A_19 : vector<256x1024xf32>
    %reduce_sum3A = arith.constant dense<0.000000e+00> : vector<256xf32>
    %reduce_sum3A_21 = vector.multi_reduction <add>, %add3A_20, %reduce_sum3A [1] : vector<256x1024xf32> to vector<256xf32>
    %broadcast_in_dim3A_22 = vector.shape_cast %reduce_sum3A_21 : vector<256xf32> to vector<256x1xf32>
    %div3A = arith.constant 1.024000e+03 : f32
    %div3A_23 = vector.broadcast %div3A : f32 to vector<256x1xf32>
    %div3A_24 = arith.divf %broadcast_in_dim3A_22, %div3A_23 : vector<256x1xf32>
    %sub3A_25 = vector.broadcast %div3A_24 : vector<256x1xf32> to vector<256x1024xf32>
    %sub3A_26 = arith.subf %add3A_20, %sub3A_25 : vector<256x1024xf32>
    %mul3A_27 = arith.mulf %sub3A_26, %sub3A_26 : vector<256x1024xf32>
    %reduce_sum3A_28 = arith.constant dense<0.000000e+00> : vector<256xf32>
    %reduce_sum3A_29 = vector.multi_reduction <add>, %mul3A_27, %reduce_sum3A_28 [1] : vector<256x1024xf32> to vector<256xf32>
    %broadcast_in_dim3A_30 = vector.shape_cast %reduce_sum3A_29 : vector<256xf32> to vector<256x1xf32>
    %div3A_31 = arith.constant 1.024000e+03 : f32
    %div3A_32 = vector.broadcast %div3A_31 : f32 to vector<256x1xf32>
    %div3A_33 = arith.divf %broadcast_in_dim3A_30, %div3A_32 : vector<256x1xf32>
    %add3A_34 = arith.constant 9.99999996E-13 : f32
    %add3A_35 = vector.broadcast %add3A_34 : f32 to vector<256x1xf32>
    %add3A_36 = arith.addf %div3A_33, %add3A_35 : vector<256x1xf32>
    %rsqrt3A = math.rsqrt %add3A_36 : vector<256x1xf32>
    %mul3A_37 = vector.broadcast %rsqrt3A : vector<256x1xf32> to vector<256x1024xf32>
    %mul3A_38 = arith.mulf %sub3A_26, %mul3A_37 : vector<256x1024xf32>
    %get3A_39 = arith.constant 0 : index
    %get3A_40 = arith.constant 0 : index
    %get3A_41 = vector.load %arg6[%get3A_39, %get3A_40] : memref<1x1024xf32, #tpu.memory_space<vmem>>, vector<1x1024xf32>
    %mul3A_42 = vector.broadcast %get3A_41 : vector<1x1024xf32> to vector<256x1024xf32>
    %mul3A_43 = arith.mulf %mul3A_38, %mul3A_42 : vector<256x1024xf32>
    %get3A_44 = arith.constant 0 : index
    %get3A_45 = arith.constant 0 : index
    %get3A_46 = vector.load %arg7[%get3A_44, %get3A_45] : memref<1x1024xf32, #tpu.memory_space<vmem>>, vector<1x1024xf32>
    %add3A_47 = vector.broadcast %get3A_46 : vector<1x1024xf32> to vector<256x1024xf32>
    %add3A_48 = arith.addf %mul3A_43, %add3A_47 : vector<256x1024xf32>
    %swap3A = arith.constant 0 : index
    %swap3A_49 = arith.constant 0 : index
    %swap3A_50 = arith.constant 0 : index
    %swap3A_51 = vector.load %arg9[%swap3A, %swap3A_49, %swap3A_50] : memref<1x256x1024xf32, #tpu.memory_space<vmem>>, vector<1x256x1024xf32>
    %swap3A_52 = vector.shape_cast %swap3A_51 : vector<1x256x1024xf32> to vector<256x1024xf32>
    %swap3A_53 = vector.shape_cast %add3A_48 : vector<256x1024xf32> to vector<1x256x1024xf32>
    tpu.vector_store %arg9[%swap3A, %swap3A_49, %swap3A_50], %swap3A_53 {strides = array<i32>} : memref<1x256x1024xf32, #tpu.memory_space<vmem>>, vector<1x256x1024xf32>,
    return
  }
  func.func @transform_0(%arg0: i32, %arg1: i32) -> i32 {
    %c0_i32 = arith.constant 0 : i32
    %c0_i32_0 = arith.constant 0 : i32
    return %c0_i32 : i32
  }
  func.func @transform_1(%arg0: i32, %arg1: i32) -> (i32, i32, i32) {
    %c0_i32 = arith.constant 0 : i32
    %c0_i32_0 = arith.constant 0 : i32
    return %arg1, %arg0, %c0_i32 : i32, i32, i32
  }
  func.func @transform_2(%arg0: i32, %arg1: i32) -> (i32, i32) {
    %c0_i32 = arith.constant 0 : i32
    %c0_i32_0 = arith.constant 0 : i32
    return %arg0, %c0_i32 : i32, i32
  }
  func.func @transform_3(%arg0: i32, %arg1: i32) -> (i32, i32) {
    %c0_i32 = arith.constant 0 : i32
    %c0_i32_0 = arith.constant 0 : i32
    %c0_i32_1 = arith.constant 0 : i32
    return %c0_i32, %c0_i32_0 : i32, i32
  }
  func.func @transform_4(%arg0: i32, %arg1: i32) -> (i32, i32) {
    %c0_i32 = arith.constant 0 : i32
    %c0_i32_0 = arith.constant 0 : i32
    %c0_i32_1 = arith.constant 0 : i32
    return %c0_i32, %c0_i32_0 : i32, i32
  }
  func.func @transform_5(%arg0: i32, %arg1: i32) -> (i32, i32) {
    %c0_i32 = arith.constant 0 : i32
    %c0_i32_0 = arith.constant 0 : i32
    %c0_i32_1 = arith.constant 0 : i32
    return %c0_i32, %c0_i32_0 : i32, i32
  }
  func.func @transform_7(%arg0: i32, %arg1: i32) -> (i32, i32, i32) {
    %add3A = arith.constant 8 : i32
    %add3A_0 = arith.addi %add3A, %arg1 : i32
    %c0_i32 = arith.constant 0 : i32
    %c0_i32_1 = arith.constant 0 : i32
    return %add3A_0, %arg0, %c0_i32 : i32, i32, i32
  }
}

module attributes {stable_mosaic.version = 14 : i64} {
  func.func @body(%arg0: i32, %arg1: i32, %arg2: memref<16xi32, #tpu.memory_space<smem>>, %arg3: memref<1x256x1024xf32, #tpu.memory_space<vmem>>, %arg4: memref<256x1024xf32, #tpu.memory_space<vmem>>, %arg5: memref<16x1024xf32, #tpu.memory_space<vmem>>, %arg6: memref<1x1024xf32, #tpu.memory_space<vmem>>, %arg7: memref<1x1024xf32, #tpu.memory_space<vmem>>, %arg8: memref<16x2048x1024xf32, #tpu.memory_space<any>>, %arg9: memref<1x256x1024xf32, #tpu.memory_space<vmem>>) attributes {dimension_semantics = [#tpu.dimension_semantics<arbitrary>, #tpu.dimension_semantics<arbitrary>], iteration_bounds = array<i64: 8, 2>, scalar_prefetch = 0 : i64, scratch_operands = 0 : i64, tpu.core_type = #tpu.core_type<tc>, window_params = [{transform_indices = @transform_0, window_bounds = array<i64: 16>}, {transform_indices = @transform_1, window_bounds = array<i64: 1, 256, 1024>}, {transform_indices = @transform_2, window_bounds = array<i64: 256, 1024>}, {pipeline_mode = #tpu.pipeline_mode<synchronous>, transform_indices = @transform_3, window_bounds = array<i64: 16, 1024>}, {pipeline_mode = #tpu.pipeline_mode<synchronous>, transform_indices = @transform_4, window_bounds = array<i64: 1, 1024>}, {pipeline_mode = #tpu.pipeline_mode<synchronous>, transform_indices = @transform_5, window_bounds = array<i64: 1, 1024>}, {}, {transform_indices = @transform_7, window_bounds = array<i64: 1, 256, 1024>}]} {
    %get3A = arith.constant 0 : index
    %get3A_0 = arith.constant 0 : index
    %get3A_1 = arith.constant 0 : index
    %get3A_2 = vector.load %arg3[%get3A, %get3A_0, %get3A_1] : memref<1x256x1024xf32, #tpu.memory_space<vmem>>, vector<1x256x1024xf32>
    %get3A_3 = vector.shape_cast %get3A_2 : vector<1x256x1024xf32> to vector<256x1024xf32>
    %add3A = arith.constant 14 : i32
    %add3A_4 = arith.addi %add3A, %arg1 : i32
    %get3A_5 = arith.index_cast %add3A_4 : i32 to index
    %get3A_6 = memref.load %arg2[%get3A_5] : memref<16xi32, #tpu.memory_space<smem>>
    %mul3A = arith.constant 256 : i32
    %mul3A_7 = arith.muli %arg0, %mul3A : i32
    %sub3A = arith.subi %get3A_6, %mul3A_7 : i32
    %iota3A = tpu.iota {dimensions = array<i32: 0>} : vector<256x1xi32>
    %add3A_8 = arith.constant 14 : i32
    %add3A_9 = arith.addi %add3A_8, %arg1 : i32
    %get3A_10 = arith.index_cast %add3A_9 : i32 to index
    %get3A_11 = arith.constant 0 : index
    %get3A_12 = vector.load %arg5[%get3A_10, %get3A_11] : memref<16x1024xf32, #tpu.memory_space<vmem>>, vector<1x1024xf32>
    %eq3A = vector.broadcast %sub3A : i32 to vector<256x1xi32>
    %eq3A_13 = arith.cmpi eq, %iota3A, %eq3A : vector<256x1xi32>
    %broadcast_in_dim3A = vector.shape_cast %eq3A_13 : vector<256x1xi1> to vector<256x1xi1>
    %broadcast_in_dim3A_14 = vector.broadcast %broadcast_in_dim3A : vector<256x1xi1> to vector<256x1024xi1>
    %broadcast_in_dim3A_15 = vector.shape_cast %get3A_12 : vector<1x1024xf32> to vector<1x1024xf32>
    %broadcast_in_dim3A_16 = vector.broadcast %broadcast_in_dim3A_15 : vector<1x1024xf32> to vector<256x1024xf32>
    %select_n3A = arith.select %broadcast_in_dim3A_14, %broadcast_in_dim3A_16, %get3A_3 : vector<256x1024xi1>, vector<256x1024xf32>
    %get3A_17 = arith.constant 0 : index
    %get3A_18 = arith.constant 0 : index
    %get3A_19 = vector.load %arg4[%get3A_17, %get3A_18] : memref<256x1024xf32, #tpu.memory_space<vmem>>, vector<256x1024xf32>
    %add3A_20 = arith.addf %select_n3A, %get3A_19 : vector<256x1024xf32>
    %reduce_sum3A = arith.constant dense<0.000000e+00> : vector<256xf32>
    %reduce_sum3A_21 = vector.multi_reduction <add>, %add3A_20, %reduce_sum3A [1] : vector<256x1024xf32> to vector<256xf32>
    %broadcast_in_dim3A_22 = vector.shape_cast %reduce_sum3A_21 : vector<256xf32> to vector<256x1xf32>
    %div3A = arith.constant 1.024000e+03 : f32
    %div3A_23 = vector.broadcast %div3A : f32 to vector<256x1xf32>
    %div3A_24 = arith.divf %broadcast_in_dim3A_22, %div3A_23 : vector<256x1xf32>
    %sub3A_25 = vector.broadcast %div3A_24 : vector<256x1xf32> to vector<256x1024xf32>
    %sub3A_26 = arith.subf %add3A_20, %sub3A_25 : vector<256x1024xf32>
    %mul3A_27 = arith.mulf %sub3A_26, %sub3A_26 : vector<256x1024xf32>
    %reduce_sum3A_28 = arith.constant dense<0.000000e+00> : vector<256xf32>
    %reduce_sum3A_29 = vector.multi_reduction <add>, %mul3A_27, %reduce_sum3A_28 [1] : vector<256x1024xf32> to vector<256xf32>
    %broadcast_in_dim3A_30 = vector.shape_cast %reduce_sum3A_29 : vector<256xf32> to vector<256x1xf32>
    %div3A_31 = arith.constant 1.024000e+03 : f32
    %div3A_32 = vector.broadcast %div3A_31 : f32 to vector<256x1xf32>
    %div3A_33 = arith.divf %broadcast_in_dim3A_30, %div3A_32 : vector<256x1xf32>
    %add3A_34 = arith.constant 9.99999996E-13 : f32
    %add3A_35 = vector.broadcast %add3A_34 : f32 to vector<256x1xf32>
    %add3A_36 = arith.addf %div3A_33, %add3A_35 : vector<256x1xf32>
    %rsqrt3A = math.rsqrt %add3A_36 : vector<256x1xf32>
    %mul3A_37 = vector.broadcast %rsqrt3A : vector<256x1xf32> to vector<256x1024xf32>
    %mul3A_38 = arith.mulf %sub3A_26, %mul3A_37 : vector<256x1024xf32>
    %get3A_39 = arith.constant 0 : index
    %get3A_40 = arith.constant 0 : index
    %get3A_41 = vector.load %arg6[%get3A_39, %get3A_40] : memref<1x1024xf32, #tpu.memory_space<vmem>>, vector<1x1024xf32>
    %mul3A_42 = vector.broadcast %get3A_41 : vector<1x1024xf32> to vector<256x1024xf32>
    %mul3A_43 = arith.mulf %mul3A_38, %mul3A_42 : vector<256x1024xf32>
    %get3A_44 = arith.constant 0 : index
    %get3A_45 = arith.constant 0 : index
    %get3A_46 = vector.load %arg7[%get3A_44, %get3A_45] : memref<1x1024xf32, #tpu.memory_space<vmem>>, vector<1x1024xf32>
    %add3A_47 = vector.broadcast %get3A_46 : vector<1x1024xf32> to vector<256x1024xf32>
    %add3A_48 = arith.addf %mul3A_43, %add3A_47 : vector<256x1024xf32>
    %swap3A = arith.constant 0 : index
    %swap3A_49 = arith.constant 0 : index
    %swap3A_50 = arith.constant 0 : index
    %swap3A_51 = vector.load %arg9[%swap3A, %swap3A_49, %swap3A_50] : memref<1x256x1024xf32, #tpu.memory_space<vmem>>, vector<1x256x1024xf32>
    %swap3A_52 = vector.shape_cast %swap3A_51 : vector<1x256x1024xf32> to vector<256x1024xf32>
    %swap3A_53 = vector.shape_cast %add3A_48 : vector<256x1024xf32> to vector<1x256x1024xf32>
    tpu.vector_store %arg9[%swap3A, %swap3A_49, %swap3A_50], %swap3A_53 {strides = array<i32>} : memref<1x256x1024xf32, #tpu.memory_space<vmem>>, vector<1x256x1024xf32>,
    return
  }
  func.func @transform_0(%arg0: i32, %arg1: i32) -> i32 {
    %c0_i32 = arith.constant 0 : i32
    %c0_i32_0 = arith.constant 0 : i32
    return %c0_i32 : i32
  }
  func.func @transform_1(%arg0: i32, %arg1: i32) -> (i32, i32, i32) {
    %c0_i32 = arith.constant 0 : i32
    %c0_i32_0 = arith.constant 0 : i32
    return %arg1, %arg0, %c0_i32 : i32, i32, i32
  }
  func.func @transform_2(%arg0: i32, %arg1: i32) -> (i32, i32) {
    %c0_i32 = arith.constant 0 : i32
    %c0_i32_0 = arith.constant 0 : i32
    return %arg0, %c0_i32 : i32, i32
  }
  func.func @transform_3(%arg0: i32, %arg1: i32) -> (i32, i32) {
    %c0_i32 = arith.constant 0 : i32
    %c0_i32_0 = arith.constant 0 : i32
    %c0_i32_1 = arith.constant 0 : i32
    return %c0_i32, %c0_i32_0 : i32, i32
  }
  func.func @transform_4(%arg0: i32, %arg1: i32) -> (i32, i32) {
    %c0_i32 = arith.constant 0 : i32
    %c0_i32_0 = arith.constant 0 : i32
    %c0_i32_1 = arith.constant 0 : i32
    return %c0_i32, %c0_i32_0 : i32, i32
  }
  func.func @transform_5(%arg0: i32, %arg1: i32) -> (i32, i32) {
    %c0_i32 = arith.constant 0 : i32
    %c0_i32_0 = arith.constant 0 : i32
    %c0_i32_1 = arith.constant 0 : i32
    return %c0_i32, %c0_i32_0 : i32, i32
  }
  func.func @transform_7(%arg0: i32, %arg1: i32) -> (i32, i32, i32) {
    %add3A = arith.constant 14 : i32
    %add3A_0 = arith.addi %add3A, %arg1 : i32
    %c0_i32 = arith.constant 0 : i32
    %c0_i32_1 = arith.constant 0 : i32
    return %add3A_0, %arg0, %c0_i32 : i32, i32, i32
  }
}

</mosaic_0001>

<sc_bundles>
// kernel: kernel.10.cloned.1.call-start
scs
__scs_entry_jumppad:
0x0: {  	(pc) =	sbr.rel $0x88, $3  }
0x1: {  	(tag) =	ssettag $0x0;
	lr =	simm.s32 $0x1  }
0x2: {  	[smem:$0x3F9A] =	sst lr;
	_ =	strace $0xD0000000  }
0x3: {  	_ = 	snop  }
0x4: {  	_ = 	snop  }
0x5: {  	_ = 	snop  }
0x6: {  	_ = 	snop  }
0x7: {  	_ = 	snop  }
__scs_overlays_trampoline_lowered:
0x8: {  	[smem:$0x3FA9] =	sst s0  }
0x9: {  	[smem:$0x3FAA] =	sst s1  }
0xa: {  	[smem:$0x3FAB] =	sst s2  }
0xb: {  	[smem:$0x3FAC] =	sst s3  }
0xc: {  	[smem:$0x3FAD] =	sst s4  }
0xd: {  	[smem:$0x3FAE] =	sst s5  }
0xe: {  	[smem:$0x3FAF] =	sst s6  }
0xf: {  	[smem:$0x3FB0] =	sst s7  }
0x10: {  	[smem:$0x3FB1] =	sst s8  }
0x11: {  	[smem:$0x3FB2] =	sst s9;
	s0 =	simm.s32 @!p0 $0x0  }
0x12: {  	s1 =	sld [smem:$0x3F98];
	s0 =	simm.s32 @p0 $0x1  }
0x13: {  	[smem:$0x3FB3] =	sst s0;
	s0 =	simm.s32 @!p1 $0x0  }
0x14: {  	s2 =	sld [smem:$0x3F97];
	s0 =	simm.s32 @p1 $0x1  }
0x15: {  	[smem:$0x3FB4] =	sst s0;
	s0 =	simm.s32 @!p2 $0x0  }
0x16: {  	s3 =	sld [smem:$0x3FDB];
	s0 =	simm.s32 @p2 $0x1  }
0x17: {  	s4 =	simm.s32 $0x1BF5;
	[smem:$0x3FB6] =	sst s0  }
0x18: {  	s0 =	sld [smem:$0x3F99];
	_ =	swait.ge [sflag:s4], $0x0  }
0x19: {  	s7 =	sld [smem:$0x3F9A]  }
0x1a: {  	s8 =	sadd.s32 $0xFFFFE003, lr  }
0x1b: {  	s9 =	sadd.s32 $0xFFFFFEF7, lr;
	s5 =	simm.s32 $0xFFFFFFFF;
	p2 =	slt.u32 s8, $0xFFFFF086  }
0x1c: {  	p1 =	slt.u32 s9, $0xF7A;
	s5 =	simm.s32 @!p2 $0x0  }
0x1d: {  	s5 =	simm.s32 @p1 $0x1;
	p0 =	seq.s32 s7, s2  }
0x1e: {  	s7 =	smul.u32 @!p0 $0xF7A, s2;
	p2 =	seq.s32 @!p0 s5, $0x0  }
0x1f: {  	s9 =	smul.u32 $0xF7A, s1;
	s8 =	simm.s32 @!p0 $0x1BF5;
	p2 =	por !p2, p0  }
0x20: {  	[sflag:s8] =	ssyncset.s32 @!p0 $0xFFFFF086;
	s6 =	sadd.s32 @!p0 s3, s7;
	s7 =	simm.s32 @!p0 $0x108  }
0x21: {  	s3 =	sadd.s32 s3, s9;
	s6 =	sadd.s32 @!p0 $0x88, s6;
	s7 =	simm.s32 @p2 $0x1082  }
0x22: {  	[simem:s7], [sflag:s8] =	dma.local @!p0 [hbm:s6], $0xF7A  }
0x23: {  	s9 =	sor.u32 $0xD0000000, s2;
	s6 =	simm.s32 $0x108;
	_ =	swait.ge @!p0 [sflag:s8], $0x0  }
0x24: {  	s3 =	sadd.s32 $0x88, s3;
	s6 =	simm.s32 @!p1 $0x1082;
	[sflag:s4] =	ssyncset.s32 $0xFFFFF086  }
0x25: {  	[simem:s6], [sflag:s4] =	dma.local [hbm:s3], $0xF7A  }
0x26: {  	[smem:$0x3F9A] =	sst s1;
	(tag) =	ssettag s2;
	_ =	strace s9  }
0x27: {  	s1 =	sld [smem:$0x3FAA]  }
0x28: {  	s2 =	sld [smem:$0x3FAB]  }
0x29: {  	s4 =	sld [smem:$0x3FAD]  }
0x2a: {  	p0 =	seq.s32 s5, $0x0;
	s5 =	sld [smem:$0x3FAE]  }
0x2b: {  	s6 =	sld [smem:$0x3FAF]  }
0x2c: {  	s7 =	sld [smem:$0x3FB0]  }
0x2d: {  	s3 =	simm.s32 $0x108;
	s8 =	sld [smem:$0x3FB1]  }
0x2e: {  	s3 =	simm.s32 @!p0 $0x1082;
	s9 =	sld [smem:$0x3FB2]  }
0x2f: {  	lr =	sadd.s32 s0, s3;
	s0 =	sld [smem:$0x3FA9]  }
0x30: {  	s3 =	sld [smem:$0x3FAC]  }
0x31: {  	[smem:$0x3FB5] =	sst s10  }
0x32: {  	s10 =	sld [smem:$0x3FB3];
	_ =	sdelay $0x3  }
0x33: {  	p0 =	seq.s32 s10, $0x1;
	s10 =	sld [smem:$0x3FB5];
	_ =	sdelay $0x3  }
0x34: {  	[smem:$0x3FB5] =	sst s10  }
0x35: {  	s10 =	sld [smem:$0x3FB4];
	_ =	sdelay $0x3  }
0x36: {  	p1 =	seq.s32 s10, $0x1;
	s10 =	sld [smem:$0x3FB5];
	_ =	sdelay $0x3  }
0x37: {  	[smem:$0x3FB5] =	sst s10  }
0x38: {  	s10 =	sld [smem:$0x3FB6]  }
0x39: {  	_ = 	snop;
	(pc) =	sbr.ind lr, $3  }
0x3a: {  	_ = 	snop  }
0x3b: {  	_ = 	snop  }
0x3c: {  	p2 =	seq.s32 s10, $0x1;
	s10 =	sld [smem:$0x3FB5]  }
0x3d: {  	_ =	shalt  }
0x3e: {  	_ =	shalt  }
0x3f: {  	_ =	shalt  }
0x40: {  	_ =	shalt  }
0x41: {  	_ =	shalt  }
0x42: {  	_ =	shalt  }
0x43: {  	_ =	shalt  }
0x44: {  	_ =	shalt  }
0x45: {  	_ =	shalt  }
0x46: {  	_ =	shalt  }
0x47: {  	_ =	shalt  }
0x48: {  	_ =	shalt  }
0x49: {  	_ =	shalt  }
0x4a: {  	_ =	shalt  }
0x4b: {  	_ =	shalt  }
0x4c: {  	_ =	shalt  }
0x4d: {  	_ =	shalt  }
0x4e: {  	_ =	shalt  }
0x4f: {  	_ =	shalt  }
0x50: {  	_ =	shalt  }
0x51: {  	_ =	shalt  }
0x52: {  	_ =	shalt  }
0x53: {  	_ =	shalt  }
0x54: {  	_ =	shalt  }
0x55: {  	_ =	shalt  }
0x56: {  	_ =	shalt  }
0x57: {  	_ =	shalt  }
0x58: {  	_ =	shalt  }
0x59: {  	_ =	shalt  }
0x5a: {  	_ =	shalt  }
0x5b: {  	_ =	shalt  }
0x5c: {  	_ =	shalt  }
0x5d: {  	_ =	shalt  }
0x5e: {  	_ =	shalt  }
0x5f: {  	_ =	shalt  }
0x60: {  	_ =	shalt  }
0x61: {  	_ =	shalt  }
0x62: {  	_ =	shalt  }
0x63: {  	_ =	shalt  }
0x64: {  	_ =	shalt  }
0x65: {  	_ =	shalt  }
0x66: {  	_ =	shalt  }
0x67: {  	_ =	shalt  }
0x68: {  	_ =	shalt  }
0x69: {  	_ =	shalt  }
0x6a: {  	_ =	shalt  }
0x6b: {  	_ =	shalt  }
0x6c: {  	_ =	shalt  }
0x6d: {  	_ =	shalt  }
0x6e: {  	_ =	shalt  }
0x6f: {  	_ =	shalt  }
0x70: {  	_ =	shalt  }
0x71: {  	_ =	shalt  }
0x72: {  	_ =	shalt  }
0x73: {  	_ =	shalt  }
0x74: {  	_ =	shalt  }
0x75: {  	_ =	shalt  }
0x76: {  	_ =	shalt  }
0x77: {  	_ =	shalt  }
0x78: {  	_ =	shalt  }
0x79: {  	_ =	shalt  }
0x7a: {  	_ =	shalt  }
0x7b: {  	_ =	shalt  }
0x7c: {  	_ =	shalt  }
0x7d: {  	_ =	shalt  }
0x7e: {  	_ =	shalt  }
0x7f: {  	_ =	shalt  }
0x80: {  	_ =	shalt  }
0x81: {  	_ =	shalt  }
0x82: {  	_ =	shalt  }
0x83: {  	_ =	shalt  }
0x84: {  	_ =	shalt  }
0x85: {  	_ =	shalt  }
0x86: {  	_ =	shalt  }
0x87: {  	_ =	shalt  }
.Lfunc_end0:
.L_simem_size_0:
called_computation_lowered:
.L_overlay_start_0:
0x88: {  	s2 =	sld [smem:$0x3FD9]  }
0x89: {  	s3 =	sld [smem:$0x3FFE];
	_ =	sdelay $0x1  }
0x8a: {  	s1 =	srdreg.scid  }
0x8b: {  	s0 =	sand.u32 $0x1, s1  }
0x8c: {  	s17 =	sshll.u32 s0, $0xA;
	s2 =	sadd.s32 s3, s2  }
0x8d: {  	s2 =	sadd.s32 s2, s17  }
0x8e: {  	[smem:$0x3FC1] =	sst s2  }
0x8f: {  	_ = 	snop  }
0x90: {  	s2 =	sld [smem:$0x3FC6];
	(tm) =	ssettm $0x1  }
0x91: {  	s18 =	sld [smem:$0x3FFB];
	_ =	sdelay $0x3  }
0x92: {  	_ =	strace s18  }
0x93: {  	s3 =	sld [smem:$0x3FFC];
	_ =	sdelay $0x3  }
0x94: {  	_ =	strace s3  }
0x95: {  	s3 =	sld [smem:$0x3FFD];
	_ =	sdelay $0x3  }
0x96: {  	_ =	strace s3  }
0x97: {  	_ =	strace $0x8FFFFFFF  }
0x98: {  	s19 =	sld [smem:$0x3FDB];
	_ =	sdelay $0x1  }
0x99: {  	s4 =	simm.s32 $_scs_section_size  }
0x9a: {  	s5 =	simm.s32 $_size__tile_overlayer_lowered;
	s6 =	simm.s32 $_tile_overlayer_lowered  }
0x9b: {  	s22 =	simm.s32 $0x1BFF;
	s21 =	sshll.u32 s6, $0x1;
	s3 =	sadd.s32 s4, s19  }
0x9c: {  	s7 =	simm.s32 $0x0;
	s20 =	sshll.u32 s5, $0x1;
	s5 =	sadd.s32 s21, s3  }
0x9d: {  	[timem:s7], [sflag:s22] =	dma.local [hbm:s5], s20  }
0x9e: {  	_ =	swait.ge [sflag:s22], s20  }
0x9f: {  	s4 =	ssub.s32 $0x0, s20;
	[sflag:s22] =	ssyncset.done $0x0  }
0xa0: {  	[sflag:s22] =	ssyncadd.s32 s4;
	_ =	sdelay $0x1  }
0xa1: {  	s23 =	simm.s32 $0x1B8B  }
0xa2: {  	_ =	swait.ge [sflag:s23], $0x1  }
0xa3: {  	[sflag:s23] =	ssyncset.done $0x0  }
0xa4: {  	s25 =	simm.s32 $0x1B8E;
	s24 =	sld [smem:$0x3FFE];
	[sflag:s23] =	ssyncadd.s32 $0xFFFFFFFF  }
0xa5: {  	s26 =	simm.s32 $execute0_lowered;
	[smem:$0x3FD2] =	sst s25  }
0xa6: {  	s5 =	sshll.u32 s26, $0x1;
	_ =	strace $0x80000046;
	[dreg:$0x1] =	wrdreg $0xFFFFFFFF  }
0xa7: {  	s28 =	simm.s32 $_size_execute0_lowered;
	s3 =	sadd.s32 s3, s5;
	[dreg:$0x0] =	wrdreg $0x0  }
0xa8: {  	s5 =	sshll.u32 s28, $0x1;
	[dreg:$0x2] =	wrdreg s3  }
0xa9: {  	[dreg:$0x3] =	wrdreg s5  }
0xaa: {  	[dreg:$0x4] =	wrdreg $0xC0  }
0xab: {  	_ =	task [dreg:s7], $0x5FFFF  }
0xac: {  	[dreg:$0x1] =	wrdreg $0xFFFFFFFF  }
0xad: {  	[dreg:$0x0] =	wrdreg $0x60  }
0xae: {  	[dreg:$0x2] =	wrdreg s2  }
0xaf: {  	[dreg:$0x3] =	wrdreg s24  }
0xb0: {  	[dreg:$0x4] =	wrdreg $0x9  }
0xb1: {  	_ =	task.clear_ibuf [dreg:s7], $0x5FFFF;
	_ =	strace $0x90000046  }
0xb2: {  	s29 =	simm.s32 $0x9;
	_ =	strace $0x80000048  }
0xb3: {  	_ =	swait.ge [sflag:s29], $0x1  }
0xb4: {  	[sflag:s29] =	ssyncadd.s32 $0xFFFFFFFF  }
0xb5: {  	_ =	strace $0x90000048  }
0xb6: {  	_ =	sfence  }
0xb7: {  	s30 =	sld [smem:$0x0];
	_ =	sdelay $0x2  }
0xb8: {  	s31 =	sshll.u32 s1, $0xD;
	s1 =	sshrl.u32 s1, $0x2  }
0xb9: {  	s3 =	sand.u32 $0x4000, s31;
	s1 =	sadd.s32 s1, s30  }
0xba: {  	s0 =	sor.u32 s3, s0;
	s1 =	sshll.u32 s1, $0x11  }
0xbb: {  	s0 =	sor.u32 s1, s0  }
0xbc: {  	s0 =	sadd.s32 $0x8F2B, s0  }
0xbd: {  	[sflag:s0] =	ssyncadd.remote.s32 $0x1  }
0xbe: {  	_ =	sfence.sel $0xFFFF  }
0xbf: {  	[dreg:$0x0] =	wrdreg $0xFFFFFFFF;
	(pc) =	sbr.abs _section_cstart, $3  }
0xc0: {  	[dreg:$0x1] =	wrdreg $0xFFFFFFFF  }
0xc1: {  	_ =	task.clear_ibuf [dreg:s7], $0x2FFFF;
	_ =	strace $0x9FFFFFFF  }
0xc2: {  	(tm) =	ssettm $0x7FFFFFFF  }
0xc3: {  	_ =	shalt  }
tec
execute0_lowered:
.L_overlay_start_1:
0x0: {  	(tag) =	ssettag $0x1  }
0x1: {  	s0 =	srdreg.scid  }
0x2: {  	s1 =	stileid.u32;
	s0 =	sand.u32 $0x1, s0  }
0x3: {  	s2 =	rddreg [dreg:$0x0];
	s1 =	sshll.u32 s1, $0x8;
	s3 =	sshll.u32 s0, $0x7  }
0x4: {  	s4 =	rddreg [dreg:$0x1];
	s1 =	sor.u32 s3, s1;
	s3 =	simm.s32 $0x0  }
0x5: {  	s18 =	simm.s32 $0x8880;
	[smem:$0x7FF] =	sst s3  }
0x6: {  	s19 =	simm.s32 $0x9080;
	_ =	strace $0x80000047;
	[dreg:$0x8] =	wrdreg s18  }
0x7: {  	s20 =	simm.s32 $0x9880;
	[dreg:$0x9] =	wrdreg s19  }
0x8: {  	s21 =	simm.s32 $0xA080;
	[dreg:$0xa] =	wrdreg s20  }
0x9: {  	s22 =	simm.s32 $0xA880;
	[dreg:$0xb] =	wrdreg s21  }
0xa: {  	s23 =	simm.s32 $0xB080;
	[dreg:$0xc] =	wrdreg s22  }
0xb: {  	s24 =	simm.s32 $0xB880;
	[dreg:$0xd] =	wrdreg s23  }
0xc: {  	s26 =	simm.s32 $0xC080;
	s6 =	simm.s32 $0xD080;
	[dreg:$0xe] =	wrdreg s24  }
0xd: {  	s7 =	simm.s32 $0xD880;
	s8 =	simm.s32 $0xE080;
	[dreg:$0xf] =	wrdreg s26  }
0xe: {  	s9 =	simm.s32 $0xE880;
	s10 =	simm.s32 $0xF080;
	[dreg:$0x11] =	wrdreg s6  }
0xf: {  	s11 =	simm.s32 $0xF880;
	s12 =	simm.s32 $0x10880;
	[dreg:$0x12] =	wrdreg s7  }
0x10: {  	s13 =	simm.s32 $0x11080;
	s30 =	simm.s32 $0x4;
	[dreg:$0x13] =	wrdreg s8  }
0x11: {  	s31 =	simm.s32 $0x3;
	s28 =	simm.s32 $0x7880;
	[dreg:$0x14] =	wrdreg s9  }
0x12: {  	s29 =	simm.s32 $0x10080;
	s0 =	ssub.s32 $0x2, s0;
	[dreg:$0x15] =	wrdreg s10  }
0x13: {  	s25 =	sshrl.u32 s0, $0x1;
	s5 =	sshrl.u32 s1, $0x3;
	[dreg:$0x16] =	wrdreg s11  }
0x14: {  	s1 =	sshll.u32 s1, $0x7;
	s0 =	ssub.s32 s0, s25;
	[dreg:$0x17] =	wrdreg s12  }
0x15: {  	s25 =	simm.s32 $0x17080;
	s5 =	sadd.s32 s5, s4;
	[dreg:$0x18] =	wrdreg s13  }
0x16: {  	s1 =	sadd.s32 s1, s4;
	s18 =	simm.s32 $0x13880;
	[smem:$0x7FC] =	sst s25  }
0x17: {  	s4 =	sadd.s32 $0x100, s2;
	s19 =	simm.s32 $0x14080;
	[dreg:$0x1d] =	wrdreg s18  }
0x18: {  	s6 =	sadd.s32 $0x300, s2;
	s20 =	simm.s32 $0x14880;
	[dreg:$0x1e] =	wrdreg s19  }
0x19: {  	s7 =	smax.u32 s0, $0x1;
	s21 =	simm.s32 $0x15080;
	[dreg:$0x1f] =	wrdreg s20  }
0x1a: {  	s9 =	simm.s32 $0x80;
	s22 =	simm.s32 $0x15880;
	[smem:$0x7F8] =	sst s21  }
0x1b: {  	s23 =	simm.s32 $0x16080;
	s24 =	simm.s32 $0x16880;
	[smem:$0x7F9] =	sst s22  }
0x1c: {  	s26 =	simm.s32 $0x17880;
	s0 =	simm.s32 $0x6;
	[smem:$0x7FA] =	sst s23  }
0x1d: {  	s12 =	simm.s32 $0x880;
	s13 =	simm.s32 $0x1080;
	[smem:$0x7FB] =	sst s24  }
0x1e: {  	s25 =	simm.s32 $0x7080;
	s14 =	sadd.s32 $0x2000, s5;
	[smem:$0x7FD] =	sst s26  }
0x1f: {  	s15 =	sadd.s32 $0x2200, s1;
	s16 =	sadd.s32 $0x3200, s1;
	[dreg:$0x3] =	wrdreg s14  }
0x20: {  	s17 =	sadd.s32 $0x4200, s1;
	s1 =	sadd.s32 $0x5200, s1;
	[dreg:$0x4] =	wrdreg s15  }
0x21: {  	s5 =	simm.s32 $0xC880;
	s26 =	simm.s32 $0x1;
	[dreg:$0x5] =	wrdreg s16  }
0x22: {  	s18 =	simm.s32 $0x3880;
	s19 =	simm.s32 $0x4080;
	[dreg:$0x6] =	wrdreg s17  }
0x23: {  	s20 =	simm.s32 $0x4880;
	s21 =	simm.s32 $0x5080;
	[dreg:$0x7] =	wrdreg s1  }
0x24: {  	s22 =	simm.s32 $0x5880;
	[dreg:$0x10] =	wrdreg s5;
	s14 =	simm.s32 $0x11880  }
0x25: {  	s23 =	simm.s32 $0x6080;
	s15 =	simm.s32 $0x12080;
	[dreg:$0x19] =	wrdreg s14  }
0x26: {  	s24 =	simm.s32 $0x6880;
	s16 =	simm.s32 $0x12880;
	[dreg:$0x1a] =	wrdreg s15  }
0x27: {  	v2 =	vlaneseq.u32;
	s5 =	sadd.s32 $0x200, s2;
	s17 =	simm.s32 $0x13080;
	[dreg:$0x1b] =	wrdreg s16  }
0x28: {  	vm0 =	vmmov $0xffff;
	v1 =	vshrl.u32 v2, $0x3;
	s1 =	simm.s32 $0x5;
	[dreg:$0x1c] =	wrdreg s17;
	s14 =	simm.s32 $0x1880  }
0x29: {  	v0 =	vand.u32 $0x7, v2;
	v2 =	vor.u32 $0x8, v2;
	v1 =	vmul.u32 $0x8, v1;
	s15 =	simm.s32 $0x2080;
	s16 =	simm.s32 $0x2880;
	s17 =	simm.s32 $0x3080  }
.LBB2_1:
0x2a: {  	s10 =	rddreg [dreg:$0x3];
	s8 =	simm.s32 $0x7  }
0x2b: {  	[tilespmem:s3], [sflag:$0x7] =	stream.linear.gather [hbm4b:s10+s3], $0x80, $0x38;
	[tilespmem:$0x18080] =	vst v63  }
0x2c: {  	_ =	swait.ge [sflag:s8], $0x80  }
0x2d: {  	[sflag:s8] =	ssyncset.done $0x0  }
0x2e: {  	[sflag:s8] =	ssyncadd.s32 $0xFFFFFF80  }
0x2f: {  	v3 =	vld [tilespmem:$0x0];
	_ =	sdelay $0x4  }
0x30: {  	v4 =	vshll.u32 v3, $0x3  }
0x31: {  	v3 =	vand.u32 $0x7, v3;
	v4 =	vand.u32 $0xFFFFFFC0, v4  }
0x32: {  	v3 =	vor.u32 v3, v4  }
0x33: {  	v4 =	vperm.xlane v3, v0;
	_ =	sdelay $0x1  }
0x34: {  	v4 =	vadd.s32 v1, v4;
	_ =	sdelay $0x4  }
0x35: {  	[tilespmem:s9], [sflag:$0x1] =	stream.indirect_vreg.gather [hbm4b:s2+s3], $0x80, v4, vm0, $0xb8;
	[tilespmem:$0x18080] =	vst v63  }
0x36: {  	v3 =	vperm.xlane v3, v2  }
0x37: {  	[tilespmem:s12], [sflag:$0x1] =	stream.indirect_vreg.gather [hbm4b:s4+s3], $0x80, v4, vm0, $0xb8;
	[tilespmem:$0x18080] =	vst v63  }
0x38: {  	v3 =	vadd.s32 v1, v3  }
0x39: {  	[tilespmem:s13], [sflag:$0x1] =	stream.indirect_vreg.gather [hbm4b:s5+s3], $0x80, v4, vm0, $0xb8;
	[tilespmem:$0x18080] =	vst v63  }
0x3a: {  	_ = 	snop  }
0x3b: {  	[tilespmem:s14], [sflag:$0x1] =	stream.indirect_vreg.gather [hbm4b:s6+s3], $0x80, v4, vm0, $0xb8;
	[tilespmem:$0x18080] =	vst v63  }
0x3c: {  	_ = 	snop  }
0x3d: {  	[tilespmem:s15], [sflag:$0x1] =	stream.indirect_vreg.gather [hbm4b:s2+s3], $0x80, v3, vm0, $0xb8;
	[tilespmem:$0x18080] =	vst v63  }
0x3e: {  	_ = 	snop  }
0x3f: {  	[tilespmem:s16], [sflag:$0x1] =	stream.indirect_vreg.gather [hbm4b:s4+s3], $0x80, v3, vm0, $0xb8;
	[tilespmem:$0x18080] =	vst v63  }
0x40: {  	_ = 	snop  }
0x41: {  	[tilespmem:s17], [sflag:$0x1] =	stream.indirect_vreg.gather [hbm4b:s5+s3], $0x80, v3, vm0, $0xb8;
	[tilespmem:$0x18080] =	vst v63  }
0x42: {  	_ = 	snop  }
0x43: {  	[tilespmem:s18], [sflag:$0x1] =	stream.indirect_vreg.gather [hbm4b:s6+s3], $0x80, v3, vm0, $0xb8;
	[tilespmem:$0x18080] =	vst v63  }
0x44: {  	v3 =	vld [tilespmem:$0x10];
	_ =	sdelay $0x4  }
0x45: {  	v57 =	vshll.u32 v3, $0x3  }
0x46: {  	v3 =	vand.u32 $0x7, v3;
	v4 =	vand.u32 $0xFFFFFFC0, v57  }
0x47: {  	v3 =	vor.u32 v3, v4  }
0x48: {  	v4 =	vperm.xlane v3, v0;
	_ =	sdelay $0x1  }
0x49: {  	v4 =	vadd.s32 v1, v4;
	_ =	sdelay $0x4  }
0x4a: {  	[tilespmem:s19], [sflag:$0x1] =	stream.indirect_vreg.gather [hbm4b:s2+s3], $0x80, v4, vm0, $0xb8;
	[tilespmem:$0x18080] =	vst v63  }
0x4b: {  	v3 =	vperm.xlane v3, v2  }
0x4c: {  	[tilespmem:s20], [sflag:$0x1] =	stream.indirect_vreg.gather [hbm4b:s4+s3], $0x80, v4, vm0, $0xb8;
	[tilespmem:$0x18080] =	vst v63  }
0x4d: {  	v3 =	vadd.s32 v1, v3  }
0x4e: {  	[tilespmem:s21], [sflag:$0x1] =	stream.indirect_vreg.gather [hbm4b:s5+s3], $0x80, v4, vm0, $0xb8;
	[tilespmem:$0x18080] =	vst v63  }
0x4f: {  	_ = 	snop  }
0x50: {  	[tilespmem:s22], [sflag:$0x1] =	stream.indirect_vreg.gather [hbm4b:s6+s3], $0x80, v4, vm0, $0xb8;
	[tilespmem:$0x18080] =	vst v63  }
0x51: {  	_ = 	snop  }
0x52: {  	[tilespmem:s23], [sflag:$0x1] =	stream.indirect_vreg.gather [hbm4b:s2+s3], $0x80, v3, vm0, $0xb8;
	[tilespmem:$0x18080] =	vst v63  }
0x53: {  	_ = 	snop  }
0x54: {  	[tilespmem:s24], [sflag:$0x1] =	stream.indirect_vreg.gather [hbm4b:s4+s3], $0x80, v3, vm0, $0xb8;
	[tilespmem:$0x18080] =	vst v63  }
0x55: {  	_ = 	snop  }
0x56: {  	[tilespmem:s25], [sflag:$0x1] =	stream.indirect_vreg.gather [hbm4b:s5+s3], $0x80, v3, vm0, $0xb8;
	[tilespmem:$0x18080] =	vst v63  }
0x57: {  	_ = 	snop  }
0x58: {  	[tilespmem:s28], [sflag:$0x1] =	stream.indirect_vreg.gather [hbm4b:s6+s3], $0x80, v3, vm0, $0xb8;
	[tilespmem:$0x18080] =	vst v63  }
0x59: {  	v3 =	vld [tilespmem:$0x20];
	_ =	sdelay $0x4  }
0x5a: {  	v58 =	vshll.u32 v3, $0x3  }
0x5b: {  	v3 =	vand.u32 $0x7, v3;
	v4 =	vand.u32 $0xFFFFFFC0, v58  }
0x5c: {  	v3 =	vor.u32 v3, v4  }
0x5d: {  	v4 =	vperm.xlane v3, v0;
	_ =	sdelay $0x1  }
0x5e: {  	v4 =	vadd.s32 v1, v4;
	_ =	sdelay $0x3  }
0x5f: {  	s8 =	simm.s32 $0x8080  }
0x60: {  	[tilespmem:s8], [sflag:$0x2] =	stream.indirect_vreg.gather [hbm4b:s2+s3], $0x80, v4, vm0, $0xb8;
	[tilespmem:$0x18080] =	vst v63  }
0x61: {  	s10 =	rddreg [dreg:$0x8];
	v3 =	vperm.xlane v3, v2  }
0x62: {  	[tilespmem:s10], [sflag:$0x2] =	stream.indirect_vreg.gather [hbm4b:s4+s3], $0x80, v4, vm0, $0xb8;
	[tilespmem:$0x18080] =	vst v63  }
0x63: {  	s11 =	rddreg [dreg:$0x9];
	v3 =	vadd.s32 v1, v3  }
0x64: {  	[tilespmem:s11], [sflag:$0x2] =	stream.indirect_vreg.gather [hbm4b:s5+s3], $0x80, v4, vm0, $0xb8;
	[tilespmem:$0x18080] =	vst v63  }
0x65: {  	s10 =	rddreg [dreg:$0xa]  }
0x66: {  	[tilespmem:s10], [sflag:$0x2] =	stream.indirect_vreg.gather [hbm4b:s6+s3], $0x80, v4, vm0, $0xb8;
	[tilespmem:$0x18080] =	vst v63  }
0x67: {  	s11 =	rddreg [dreg:$0xb]  }
0x68: {  	[tilespmem:s11], [sflag:$0x2] =	stream.indirect_vreg.gather [hbm4b:s2+s3], $0x80, v3, vm0, $0xb8;
	[tilespmem:$0x18080] =	vst v63  }
0x69: {  	s10 =	rddreg [dreg:$0xc]  }
0x6a: {  	[tilespmem:s10], [sflag:$0x2] =	stream.indirect_vreg.gather [hbm4b:s4+s3], $0x80, v3, vm0, $0xb8;
	[tilespmem:$0x18080] =	vst v63  }
0x6b: {  	s11 =	rddreg [dreg:$0xd]  }
0x6c: {  	[tilespmem:s11], [sflag:$0x2] =	stream.indirect_vreg.gather [hbm4b:s5+s3], $0x80, v3, vm0, $0xb8;
	[tilespmem:$0x18080] =	vst v63  }
0x6d: {  	s10 =	rddreg [dreg:$0xe]  }
0x6e: {  	[tilespmem:s10], [sflag:$0x2] =	stream.indirect_vreg.gather [hbm4b:s6+s3], $0x80, v3, vm0, $0xb8;
	[tilespmem:$0x18080] =	vst v63  }
0x6f: {  	v3 =	vld [tilespmem:$0x30];
	_ =	sdelay $0x4  }
0x70: {  	v59 =	vshll.u32 v3, $0x3  }
0x71: {  	v3 =	vand.u32 $0x7, v3;
	v4 =	vand.u32 $0xFFFFFFC0, v59  }
0x72: {  	v3 =	vor.u32 v3, v4  }
0x73: {  	v4 =	vperm.xlane v3, v0;
	_ =	sdelay $0x1  }
0x74: {  	v4 =	vadd.s32 v1, v4;
	_ =	sdelay $0x3  }
0x75: {  	s10 =	rddreg [dreg:$0xf]  }
0x76: {  	[tilespmem:s10], [sflag:$0x2] =	stream.indirect_vreg.gather [hbm4b:s2+s3], $0x80, v4, vm0, $0xb8;
	[tilespmem:$0x18080] =	vst v63  }
0x77: {  	s11 =	rddreg [dreg:$0x10];
	v3 =	vperm.xlane v3, v2  }
0x78: {  	[tilespmem:s11], [sflag:$0x2] =	stream.indirect_vreg.gather [hbm4b:s4+s3], $0x80, v4, vm0, $0xb8;
	[tilespmem:$0x18080] =	vst v63  }
0x79: {  	v3 =	vadd.s32 v1, v3;
	s10 =	rddreg [dreg:$0x11]  }
0x7a: {  	[tilespmem:s10], [sflag:$0x2] =	stream.indirect_vreg.gather [hbm4b:s5+s3], $0x80, v4, vm0, $0xb8;
	[tilespmem:$0x18080] =	vst v63  }
0x7b: {  	s11 =	rddreg [dreg:$0x12]  }
0x7c: {  	[tilespmem:s11], [sflag:$0x2] =	stream.indirect_vreg.gather [hbm4b:s6+s3], $0x80, v4, vm0, $0xb8;
	[tilespmem:$0x18080] =	vst v63  }
0x7d: {  	s10 =	rddreg [dreg:$0x13]  }
0x7e: {  	[tilespmem:s10], [sflag:$0x2] =	stream.indirect_vreg.gather [hbm4b:s2+s3], $0x80, v3, vm0, $0xb8;
	[tilespmem:$0x18080] =	vst v63  }
0x7f: {  	s11 =	rddreg [dreg:$0x14]  }
0x80: {  	[tilespmem:s11], [sflag:$0x2] =	stream.indirect_vreg.gather [hbm4b:s4+s3], $0x80, v3, vm0, $0xb8;
	[tilespmem:$0x18080] =	vst v63  }
0x81: {  	s10 =	rddreg [dreg:$0x15]  }
0x82: {  	[tilespmem:s10], [sflag:$0x2] =	stream.indirect_vreg.gather [hbm4b:s5+s3], $0x80, v3, vm0, $0xb8;
	[tilespmem:$0x18080] =	vst v63  }
0x83: {  	s11 =	rddreg [dreg:$0x16]  }
0x84: {  	[tilespmem:s11], [sflag:$0x2] =	stream.indirect_vreg.gather [hbm4b:s6+s3], $0x80, v3, vm0, $0xb8;
	[tilespmem:$0x18080] =	vst v63  }
0x85: {  	_ =	swait.ge [sflag:s26], $0x8000  }
0x86: {  	[sflag:s26] =	ssyncset.done $0x0  }
0x87: {  	s11 =	rddreg [dreg:$0x4];
	[sflag:s26] =	ssyncadd.s32 $0xFFFF8000  }
0x88: {  	[hbm4b:s11+s3] =	stream.linear.scatter [tilespmem:s9], [sflag:$0x4], $0x8000, $0x38;
	[tilespmem:$0x18080] =	vst v63  }
0x89: {  	v3 =	vld [tilespmem:$0x40];
	_ =	sdelay $0x4  }
0x8a: {  	v60 =	vshll.u32 v3, $0x3  }
0x8b: {  	v3 =	vand.u32 $0x7, v3;
	v4 =	vand.u32 $0xFFFFFFC0, v60  }
0x8c: {  	v3 =	vor.u32 v3, v4  }
0x8d: {  	v4 =	vperm.xlane v3, v0;
	_ =	sdelay $0x1  }
0x8e: {  	v4 =	vadd.s32 v1, v4;
	_ =	sdelay $0x4  }
0x8f: {  	[tilespmem:s29], [sflag:$0x3] =	stream.indirect_vreg.gather [hbm4b:s2+s3], $0x80, v4, vm0, $0xb8;
	[tilespmem:$0x18080] =	vst v63  }
0x90: {  	s10 =	rddreg [dreg:$0x17];
	v3 =	vperm.xlane v3, v2  }
0x91: {  	[tilespmem:s10], [sflag:$0x3] =	stream.indirect_vreg.gather [hbm4b:s4+s3], $0x80, v4, vm0, $0xb8;
	[tilespmem:$0x18080] =	vst v63  }
0x92: {  	s11 =	rddreg [dreg:$0x18];
	v3 =	vadd.s32 v1, v3  }
0x93: {  	[tilespmem:s11], [sflag:$0x3] =	stream.indirect_vreg.gather [hbm4b:s5+s3], $0x80, v4, vm0, $0xb8;
	[tilespmem:$0x18080] =	vst v63  }
0x94: {  	s10 =	rddreg [dreg:$0x19]  }
0x95: {  	[tilespmem:s10], [sflag:$0x3] =	stream.indirect_vreg.gather [hbm4b:s6+s3], $0x80, v4, vm0, $0xb8;
	[tilespmem:$0x18080] =	vst v63  }
0x96: {  	s11 =	rddreg [dreg:$0x1a]  }
0x97: {  	[tilespmem:s11], [sflag:$0x3] =	stream.indirect_vreg.gather [hbm4b:s2+s3], $0x80, v3, vm0, $0xb8;
	[tilespmem:$0x18080] =	vst v63  }
0x98: {  	s10 =	rddreg [dreg:$0x1b]  }
0x99: {  	[tilespmem:s10], [sflag:$0x3] =	stream.indirect_vreg.gather [hbm4b:s4+s3], $0x80, v3, vm0, $0xb8;
	[tilespmem:$0x18080] =	vst v63  }
0x9a: {  	s11 =	rddreg [dreg:$0x1c]  }
0x9b: {  	[tilespmem:s11], [sflag:$0x3] =	stream.indirect_vreg.gather [hbm4b:s5+s3], $0x80, v3, vm0, $0xb8;
	[tilespmem:$0x18080] =	vst v63  }
0x9c: {  	s10 =	rddreg [dreg:$0x1d]  }
0x9d: {  	[tilespmem:s10], [sflag:$0x3] =	stream.indirect_vreg.gather [hbm4b:s6+s3], $0x80, v3, vm0, $0xb8;
	[tilespmem:$0x18080] =	vst v63  }
0x9e: {  	v3 =	vld [tilespmem:$0x50];
	_ =	sdelay $0x4  }
0x9f: {  	v61 =	vshll.u32 v3, $0x3  }
0xa0: {  	v3 =	vand.u32 $0x7, v3;
	v4 =	vand.u32 $0xFFFFFFC0, v61  }
0xa1: {  	v3 =	vor.u32 v3, v4  }
0xa2: {  	v4 =	vperm.xlane v3, v0;
	_ =	sdelay $0x1  }
0xa3: {  	v4 =	vadd.s32 v1, v4;
	_ =	sdelay $0x2  }
0xa4: {  	s11 =	rddreg [dreg:$0x1f]  }
0xa5: {  	s10 =	rddreg [dreg:$0x1e]  }
0xa6: {  	[tilespmem:s10], [sflag:$0x3] =	stream.indirect_vreg.gather [hbm4b:s2+s3], $0x80, v4, vm0, $0xb8;
	[tilespmem:$0x18080] =	vst v63  }
0xa7: {  	v3 =	vperm.xlane v3, v2;
	s10 =	sld [smem:$0x7F8]  }
0xa8: {  	[tilespmem:s11], [sflag:$0x3] =	stream.indirect_vreg.gather [hbm4b:s4+s3], $0x80, v4, vm0, $0xb8;
	[tilespmem:$0x18080] =	vst v63  }
0xa9: {  	v3 =	vadd.s32 v1, v3;
	s11 =	sld [smem:$0x7F9]  }
0xaa: {  	[tilespmem:s10], [sflag:$0x3] =	stream.indirect_vreg.gather [hbm4b:s5+s3], $0x80, v4, vm0, $0xb8;
	[tilespmem:$0x18080] =	vst v63  }
0xab: {  	s10 =	sld [smem:$0x7FA]  }
0xac: {  	[tilespmem:s11], [sflag:$0x3] =	stream.indirect_vreg.gather [hbm4b:s6+s3], $0x80, v4, vm0, $0xb8;
	[tilespmem:$0x18080] =	vst v63  }
0xad: {  	s11 =	sld [smem:$0x7FB]  }
0xae: {  	[tilespmem:s10], [sflag:$0x3] =	stream.indirect_vreg.gather [hbm4b:s2+s3], $0x80, v3, vm0, $0xb8;
	[tilespmem:$0x18080] =	vst v63  }
0xaf: {  	s10 =	sld [smem:$0x7FC]  }
0xb0: {  	[tilespmem:s11], [sflag:$0x3] =	stream.indirect_vreg.gather [hbm4b:s4+s3], $0x80, v3, vm0, $0xb8;
	[tilespmem:$0x18080] =	vst v63  }
0xb1: {  	s11 =	sld [smem:$0x7FD]  }
0xb2: {  	[tilespmem:s10], [sflag:$0x3] =	stream.indirect_vreg.gather [hbm4b:s5+s3], $0x80, v3, vm0, $0xb8;
	[tilespmem:$0x18080] =	vst v63  }
0xb3: {  	_ = 	snop  }
0xb4: {  	[tilespmem:s11], [sflag:$0x3] =	stream.indirect_vreg.gather [hbm4b:s6+s3], $0x80, v3, vm0, $0xb8;
	[tilespmem:$0x18080] =	vst v63  }
0xb5: {  	s11 =	simm.s32 $0x2  }
0xb6: {  	_ =	swait.ge [sflag:s11], $0x8000  }
0xb7: {  	[sflag:s11] =	ssyncset.done $0x0  }
0xb8: {  	s10 =	rddreg [dreg:$0x5];
	[sflag:s11] =	ssyncadd.s32 $0xFFFF8000  }
0xb9: {  	[hbm4b:s10+s3] =	stream.linear.scatter [tilespmem:s8], [sflag:$0x5], $0x8000, $0x38;
	[tilespmem:$0x18080] =	vst v63  }
0xba: {  	_ =	swait.ge [sflag:s30], $0x8000  }
0xbb: {  	[sflag:s30] =	ssyncset.done $0x0  }
0xbc: {  	[sflag:s30] =	ssyncadd.s32 $0xFFFF8000  }
0xbd: {  	v3 =	vld [tilespmem:$0x60];
	_ =	sdelay $0x4  }
0xbe: {  	v62 =	vshll.u32 v3, $0x3  }
0xbf: {  	v3 =	vand.u32 $0x7, v3;
	v4 =	vand.u32 $0xFFFFFFC0, v62  }
0xc0: {  	v3 =	vor.u32 v3, v4  }
0xc1: {  	v4 =	vperm.xlane v3, v0;
	_ =	sdelay $0x1  }
0xc2: {  	v4 =	vadd.s32 v1, v4;
	_ =	sdelay $0x4  }
0xc3: {  	[tilespmem:s9], [sflag:$0x1] =	stream.indirect_vreg.gather [hbm4b:s2+s3], $0x80, v4, vm0, $0xb8;
	[tilespmem:$0x18080] =	vst v63  }
0xc4: {  	v3 =	vperm.xlane v3, v2  }
0xc5: {  	[tilespmem:s12], [sflag:$0x1] =	stream.indirect_vreg.gather [hbm4b:s4+s3], $0x80, v4, vm0, $0xb8;
	[tilespmem:$0x18080] =	vst v63  }
0xc6: {  	v3 =	vadd.s32 v1, v3  }
0xc7: {  	[tilespmem:s13], [sflag:$0x1] =	stream.indirect_vreg.gather [hbm4b:s5+s3], $0x80, v4, vm0, $0xb8;
	[tilespmem:$0x18080] =	vst v63  }
0xc8: {  	_ = 	snop  }
0xc9: {  	[tilespmem:s14], [sflag:$0x1] =	stream.indirect_vreg.gather [hbm4b:s6+s3], $0x80, v4, vm0, $0xb8;
	[tilespmem:$0x18080] =	vst v63  }
0xca: {  	_ = 	snop  }
0xcb: {  	[tilespmem:s15], [sflag:$0x1] =	stream.indirect_vreg.gather [hbm4b:s2+s3], $0x80, v3, vm0, $0xb8;
	[tilespmem:$0x18080] =	vst v63  }
0xcc: {  	_ = 	snop  }
0xcd: {  	[tilespmem:s16], [sflag:$0x1] =	stream.indirect_vreg.gather [hbm4b:s4+s3], $0x80, v3, vm0, $0xb8;
	[tilespmem:$0x18080] =	vst v63  }
0xce: {  	_ = 	snop  }
0xcf: {  	[tilespmem:s17], [sflag:$0x1] =	stream.indirect_vreg.gather [hbm4b:s5+s3], $0x80, v3, vm0, $0xb8;
	[tilespmem:$0x18080] =	vst v63  }
0xd0: {  	_ = 	snop  }
0xd1: {  	[tilespmem:s18], [sflag:$0x1] =	stream.indirect_vreg.gather [hbm4b:s6+s3], $0x80, v3, vm0, $0xb8;
	[tilespmem:$0x18080] =	vst v63  }
0xd2: {  	v3 =	vld [tilespmem:$0x70];
	_ =	sdelay $0x4  }
0xd3: {  	v63 =	vshll.u32 v3, $0x3  }
0xd4: {  	v3 =	vand.u32 $0x7, v3;
	v4 =	vand.u32 $0xFFFFFFC0, v63  }
0xd5: {  	v3 =	vor.u32 v3, v4  }
0xd6: {  	v4 =	vperm.xlane v3, v0;
	_ =	sdelay $0x1  }
0xd7: {  	v4 =	vadd.s32 v1, v4;
	_ =	sdelay $0x4  }
0xd8: {  	[tilespmem:s19], [sflag:$0x1] =	stream.indirect_vreg.gather [hbm4b:s2+s3], $0x80, v4, vm0, $0xb8;
	[tilespmem:$0x18080] =	vst v63  }
0xd9: {  	v3 =	vperm.xlane v3, v2  }
0xda: {  	[tilespmem:s20], [sflag:$0x1] =	stream.indirect_vreg.gather [hbm4b:s4+s3], $0x80, v4, vm0, $0xb8;
	[tilespmem:$0x18080] =	vst v63  }
0xdb: {  	v3 =	vadd.s32 v1, v3  }
0xdc: {  	[tilespmem:s21], [sflag:$0x1] =	stream.indirect_vreg.gather [hbm4b:s5+s3], $0x80, v4, vm0, $0xb8;
	[tilespmem:$0x18080] =	vst v63  }
0xdd: {  	_ = 	snop  }
0xde: {  	[tilespmem:s22], [sflag:$0x1] =	stream.indirect_vreg.gather [hbm4b:s6+s3], $0x80, v4, vm0, $0xb8;
	[tilespmem:$0x18080] =	vst v63  }
0xdf: {  	_ = 	snop  }
0xe0: {  	[tilespmem:s23], [sflag:$0x1] =	stream.indirect_vreg.gather [hbm4b:s2+s3], $0x80, v3, vm0, $0xb8;
	[tilespmem:$0x18080] =	vst v63  }
0xe1: {  	_ = 	snop  }
0xe2: {  	[tilespmem:s24], [sflag:$0x1] =	stream.indirect_vreg.gather [hbm4b:s4+s3], $0x80, v3, vm0, $0xb8;
	[tilespmem:$0x18080] =	vst v63  }
0xe3: {  	_ = 	snop  }
0xe4: {  	[tilespmem:s25], [sflag:$0x1] =	stream.indirect_vreg.gather [hbm4b:s5+s3], $0x80, v3, vm0, $0xb8;
	[tilespmem:$0x18080] =	vst v63  }
0xe5: {  	_ = 	snop  }
0xe6: {  	[tilespmem:s28], [sflag:$0x1] =	stream.indirect_vreg.gather [hbm4b:s6+s3], $0x80, v3, vm0, $0xb8;
	[tilespmem:$0x18080] =	vst v63  }
0xe7: {  	_ =	swait.ge [sflag:s31], $0x8000  }
0xe8: {  	[sflag:s31] =	ssyncset.done $0x0  }
0xe9: {  	s8 =	rddreg [dreg:$0x6];
	[sflag:s31] =	ssyncadd.s32 $0xFFFF8000  }
0xea: {  	[hbm4b:s8+s3] =	stream.linear.scatter [tilespmem:s29], [sflag:$0x6], $0x8000, $0x38;
	[tilespmem:$0x18080] =	vst v63  }
0xeb: {  	_ =	swait.ge [sflag:s26], $0x8000  }
0xec: {  	[sflag:s26] =	ssyncset.done $0x0  }
0xed: {  	s11 =	rddreg [dreg:$0x7];
	[sflag:s26] =	ssyncadd.s32 $0xFFFF8000  }
0xee: {  	[hbm4b:s11+s3] =	stream.linear.scatter [tilespmem:s9], [sflag:$0x4], $0x8000, $0x38;
	[tilespmem:$0x18080] =	vst v63  }
0xef: {  	_ =	swait.ge [sflag:s30], $0x8000  }
0xf0: {  	[sflag:s30] =	ssyncset.done $0x0  }
0xf1: {  	[sflag:s30] =	ssyncadd.s32 $0xFFFF8000  }
0xf2: {  	p0 =	sne.s32 s7, $0x1;
	_ =	swait.ge [sflag:s1], $0x8000  }
.Ltmp0:
0xf3: {  	[sflag:s1] =	ssyncset.done $0x0;
	(pc) =	sbr.rel @p0 .LBB2_1-.Ltmp0, $4  }
0xf4: {  	[sflag:s1] =	ssyncadd.s32 $0xFFFF8000  }
0xf5: {  	_ =	swait.ge [sflag:s0], $0x8000  }
0xf6: {  	[sflag:s0] =	ssyncset.done $0x0  }
0xf7: {  	s7 =	sadd.s32 $0xFFFFFFFF, s7;
	[sflag:s0] =	ssyncadd.s32 $0xFFFF8000  }
0xf8: {  	_ =	sfence.sel $0x180000  }
0xf9: {  	[bflag:$0x0] =	sbarrier.arrive $0xFFFF  }
0xfa: {  	_ =	strace $0x90000047  }
0xfb: {  	s0 =	stileid.u32;
	[bflag:$0x2] =	sbarrier.arrive $0xFFFF  }
0xfc: {  	p0 =	sne.s32 s0, $0x0;
	s0 =	rddreg [dreg:$0x2]  }
0xfd: {  	s0 =	sadd.s32 @!p0 $0x100000, s0  }
0xfe: {  	[sflag:s0] =	ssyncadd.tile.s32 @!p0 $0x1;
	_ =	shalt  }
.Lfunc_end2:
_tile_overlayer_lowered:
.L_overlay_start_2:
0xff: {  	(tag) =	ssettag $0x2  }
0x100: {  	s0 =	rddreg [dreg:$0x0];
	s2 =	stileid.u32  }
0x101: {  	s1 =	rddreg [dreg:$0x1];
	p0 =	sne.s32 s2, $0x0  }
0x102: {  	s3 =	rddreg [dreg:$0x2];
	[bflag:$0x3] =	sbarrier.arrive $0xFFFF;
	s2 =	simm.s32 @!p0 $0x1C07  }
0x103: {  	[timem:s3], [sflag:s2] =	dma.local @!p0 [hbm:s0], s1  }
0x104: {  	s0 =	simm.s32 @!p0 $0x7  }
0x105: {  	_ =	swait.ge @!p0 [sflag:s0], s1  }
0x106: {  	s1 =	ssub.s32 @!p0 $0x0, s1;
	[sflag:s0] =	ssyncset.done @!p0 $0x0  }
0x107: {  	[sflag:s0] =	ssyncadd.s32 @!p0 s1  }
0x108: {  	[bflag:$0x3] =	sbarrier.arrive $0xFFFF  }
0x109: {  	_ =	shalt  }

// kernel: kernel.13.cloned.1.call-start
scs
__scs_entry_jumppad:
0x0: {  	(pc) =	sbr.rel $0x88, $3  }
0x1: {  	(tag) =	ssettag $0x0;
	lr =	simm.s32 $0x1  }
0x2: {  	[smem:$0x3F9A] =	sst lr;
	_ =	strace $0xD0000000  }
0x3: {  	_ = 	snop  }
0x4: {  	_ = 	snop  }
0x5: {  	_ = 	snop  }
0x6: {  	_ = 	snop  }
0x7: {  	_ = 	snop  }
__scs_overlays_trampoline_lowered:
0x8: {  	[smem:$0x3FA9] =	sst s0  }
0x9: {  	[smem:$0x3FAA] =	sst s1  }
0xa: {  	[smem:$0x3FAB] =	sst s2  }
0xb: {  	[smem:$0x3FAC] =	sst s3  }
0xc: {  	[smem:$0x3FAD] =	sst s4  }
0xd: {  	[smem:$0x3FAE] =	sst s5  }
0xe: {  	[smem:$0x3FAF] =	sst s6  }
0xf: {  	[smem:$0x3FB0] =	sst s7  }
0x10: {  	[smem:$0x3FB1] =	sst s8  }
0x11: {  	[smem:$0x3FB2] =	sst s9;
	s0 =	simm.s32 @!p0 $0x0  }
0x12: {  	s1 =	sld [smem:$0x3F98];
	s0 =	simm.s32 @p0 $0x1  }
0x13: {  	[smem:$0x3FB3] =	sst s0;
	s0 =	simm.s32 @!p1 $0x0  }
0x14: {  	s2 =	sld [smem:$0x3F97];
	s0 =	simm.s32 @p1 $0x1  }
0x15: {  	[smem:$0x3FB4] =	sst s0;
	s0 =	simm.s32 @!p2 $0x0  }
0x16: {  	s3 =	sld [smem:$0x3FDB];
	s0 =	simm.s32 @p2 $0x1  }
0x17: {  	s4 =	simm.s32 $0x1BF5;
	[smem:$0x3FB6] =	sst s0  }
0x18: {  	s0 =	sld [smem:$0x3F99];
	_ =	swait.ge [sflag:s4], $0x0  }
0x19: {  	s7 =	sld [smem:$0x3F9A]  }
0x1a: {  	s8 =	sadd.s32 $0xFFFFE003, lr  }
0x1b: {  	s9 =	sadd.s32 $0xFFFFFEF7, lr;
	s5 =	simm.s32 $0xFFFFFFFF;
	p2 =	slt.u32 s8, $0xFFFFF086  }
0x1c: {  	p1 =	slt.u32 s9, $0xF7A;
	s5 =	simm.s32 @!p2 $0x0  }
0x1d: {  	s5 =	simm.s32 @p1 $0x1;
	p0 =	seq.s32 s7, s2  }
0x1e: {  	s7 =	smul.u32 @!p0 $0xF7A, s2;
	p2 =	seq.s32 @!p0 s5, $0x0  }
0x1f: {  	s9 =	smul.u32 $0xF7A, s1;
	s8 =	simm.s32 @!p0 $0x1BF5;
	p2 =	por !p2, p0  }
0x20: {  	[sflag:s8] =	ssyncset.s32 @!p0 $0xFFFFF086;
	s6 =	sadd.s32 @!p0 s3, s7;
	s7 =	simm.s32 @!p0 $0x108  }
0x21: {  	s3 =	sadd.s32 s3, s9;
	s6 =	sadd.s32 @!p0 $0x88, s6;
	s7 =	simm.s32 @p2 $0x1082  }
0x22: {  	[simem:s7], [sflag:s8] =	dma.local @!p0 [hbm:s6], $0xF7A  }
0x23: {  	s9 =	sor.u32 $0xD0000000, s2;
	s6 =	simm.s32 $0x108;
	_ =	swait.ge @!p0 [sflag:s8], $0x0  }
0x24: {  	s3 =	sadd.s32 $0x88, s3;
	s6 =	simm.s32 @!p1 $0x1082;
	[sflag:s4] =	ssyncset.s32 $0xFFFFF086  }
0x25: {  	[simem:s6], [sflag:s4] =	dma.local [hbm:s3], $0xF7A  }
0x26: {  	[smem:$0x3F9A] =	sst s1;
	(tag) =	ssettag s2;
	_ =	strace s9  }
0x27: {  	s1 =	sld [smem:$0x3FAA]  }
0x28: {  	s2 =	sld [smem:$0x3FAB]  }
0x29: {  	s4 =	sld [smem:$0x3FAD]  }
0x2a: {  	p0 =	seq.s32 s5, $0x0;
	s5 =	sld [smem:$0x3FAE]  }
0x2b: {  	s6 =	sld [smem:$0x3FAF]  }
0x2c: {  	s7 =	sld [smem:$0x3FB0]  }
0x2d: {  	s3 =	simm.s32 $0x108;
	s8 =	sld [smem:$0x3FB1]  }
0x2e: {  	s3 =	simm.s32 @!p0 $0x1082;
	s9 =	sld [smem:$0x3FB2]  }
0x2f: {  	lr =	sadd.s32 s0, s3;
	s0 =	sld [smem:$0x3FA9]  }
0x30: {  	s3 =	sld [smem:$0x3FAC]  }
0x31: {  	[smem:$0x3FB5] =	sst s10  }
0x32: {  	s10 =	sld [smem:$0x3FB3];
	_ =	sdelay $0x3  }
0x33: {  	p0 =	seq.s32 s10, $0x1;
	s10 =	sld [smem:$0x3FB5];
	_ =	sdelay $0x3  }
0x34: {  	[smem:$0x3FB5] =	sst s10  }
0x35: {  	s10 =	sld [smem:$0x3FB4];
	_ =	sdelay $0x3  }
0x36: {  	p1 =	seq.s32 s10, $0x1;
	s10 =	sld [smem:$0x3FB5];
	_ =	sdelay $0x3  }
0x37: {  	[smem:$0x3FB5] =	sst s10  }
0x38: {  	s10 =	sld [smem:$0x3FB6]  }
0x39: {  	_ = 	snop;
	(pc) =	sbr.ind lr, $3  }
0x3a: {  	_ = 	snop  }
0x3b: {  	_ = 	snop  }
0x3c: {  	p2 =	seq.s32 s10, $0x1;
	s10 =	sld [smem:$0x3FB5]  }
0x3d: {  	_ =	shalt  }
0x3e: {  	_ =	shalt  }
0x3f: {  	_ =	shalt  }
0x40: {  	_ =	shalt  }
0x41: {  	_ =	shalt  }
0x42: {  	_ =	shalt  }
0x43: {  	_ =	shalt  }
0x44: {  	_ =	shalt  }
0x45: {  	_ =	shalt  }
0x46: {  	_ =	shalt  }
0x47: {  	_ =	shalt  }
0x48: {  	_ =	shalt  }
0x49: {  	_ =	shalt  }
0x4a: {  	_ =	shalt  }
0x4b: {  	_ =	shalt  }
0x4c: {  	_ =	shalt  }
0x4d: {  	_ =	shalt  }
0x4e: {  	_ =	shalt  }
0x4f: {  	_ =	shalt  }
0x50: {  	_ =	shalt  }
0x51: {  	_ =	shalt  }
0x52: {  	_ =	shalt  }
0x53: {  	_ =	shalt  }
0x54: {  	_ =	shalt  }
0x55: {  	_ =	shalt  }
0x56: {  	_ =	shalt  }
0x57: {  	_ =	shalt  }
0x58: {  	_ =	shalt  }
0x59: {  	_ =	shalt  }
0x5a: {  	_ =	shalt  }
0x5b: {  	_ =	shalt  }
0x5c: {  	_ =	shalt  }
0x5d: {  	_ =	shalt  }
0x5e: {  	_ =	shalt  }
0x5f: {  	_ =	shalt  }
0x60: {  	_ =	shalt  }
0x61: {  	_ =	shalt  }
0x62: {  	_ =	shalt  }
0x63: {  	_ =	shalt  }
0x64: {  	_ =	shalt  }
0x65: {  	_ =	shalt  }
0x66: {  	_ =	shalt  }
0x67: {  	_ =	shalt  }
0x68: {  	_ =	shalt  }
0x69: {  	_ =	shalt  }
0x6a: {  	_ =	shalt  }
0x6b: {  	_ =	shalt  }
0x6c: {  	_ =	shalt  }
0x6d: {  	_ =	shalt  }
0x6e: {  	_ =	shalt  }
0x6f: {  	_ =	shalt  }
0x70: {  	_ =	shalt  }
0x71: {  	_ =	shalt  }
0x72: {  	_ =	shalt  }
0x73: {  	_ =	shalt  }
0x74: {  	_ =	shalt  }
0x75: {  	_ =	shalt  }
0x76: {  	_ =	shalt  }
0x77: {  	_ =	shalt  }
0x78: {  	_ =	shalt  }
0x79: {  	_ =	shalt  }
0x7a: {  	_ =	shalt  }
0x7b: {  	_ =	shalt  }
0x7c: {  	_ =	shalt  }
0x7d: {  	_ =	shalt  }
0x7e: {  	_ =	shalt  }
0x7f: {  	_ =	shalt  }
0x80: {  	_ =	shalt  }
0x81: {  	_ =	shalt  }
0x82: {  	_ =	shalt  }
0x83: {  	_ =	shalt  }
0x84: {  	_ =	shalt  }
0x85: {  	_ =	shalt  }
0x86: {  	_ =	shalt  }
0x87: {  	_ =	shalt  }
.Lfunc_end0:
.L_simem_size_0:
called_computation.1_lowered:
.L_overlay_start_0:
0x88: {  	s2 =	sld [smem:$0x3FD9]  }
0x89: {  	s3 =	sld [smem:$0x3FFE];
	_ =	sdelay $0x1  }
0x8a: {  	s1 =	srdreg.scid  }
0x8b: {  	s0 =	sand.u32 $0x1, s1  }
0x8c: {  	s17 =	sshll.u32 s0, $0xA;
	s2 =	sadd.s32 s3, s2  }
0x8d: {  	s2 =	sadd.s32 s2, s17  }
0x8e: {  	[smem:$0x3FC1] =	sst s2  }
0x8f: {  	_ = 	snop  }
0x90: {  	s18 =	sld [smem:$0x3FC6];
	(tm) =	ssettm $0x1  }
0x91: {  	s19 =	sld [smem:$0x3FFB];
	_ =	sdelay $0x3  }
0x92: {  	_ =	strace s19  }
0x93: {  	s2 =	sld [smem:$0x3FFC];
	_ =	sdelay $0x3  }
0x94: {  	_ =	strace s2  }
0x95: {  	s2 =	sld [smem:$0x3FFD];
	_ =	sdelay $0x3  }
0x96: {  	_ =	strace s2  }
0x97: {  	_ =	strace $0x8FFFFFFF  }
0x98: {  	s20 =	sld [smem:$0x3FDB];
	_ =	sdelay $0x1  }
0x99: {  	s4 =	simm.s32 $_scs_section_size  }
0x9a: {  	s5 =	simm.s32 $_size__tile_overlayer_lowered;
	s6 =	simm.s32 $_tile_overlayer_lowered  }
0x9b: {  	s7 =	simm.s32 $0x1BFF;
	s21 =	sshll.u32 s6, $0x1;
	s4 =	sadd.s32 s4, s20  }
0x9c: {  	s22 =	simm.s32 $0x0;
	s5 =	sshll.u32 s5, $0x1;
	s6 =	sadd.s32 s21, s4  }
0x9d: {  	[timem:s22], [sflag:s7] =	dma.local [hbm:s6], s5  }
0x9e: {  	_ =	swait.ge [sflag:s7], s5  }
0x9f: {  	s5 =	ssub.s32 $0x0, s5;
	[sflag:s7] =	ssyncset.done $0x0  }
0xa0: {  	[sflag:s7] =	ssyncadd.s32 s5;
	_ =	sdelay $0x1  }
0xa1: {  	s23 =	simm.s32 $0x1B8B  }
0xa2: {  	_ =	swait.ge [sflag:s23], $0x1  }
0xa3: {  	[sflag:s23] =	ssyncset.done $0x0  }
0xa4: {  	[sflag:s23] =	ssyncadd.s32 $0xFFFFFFFF  }
0xa5: {  	s5 =	sld [smem:$0x0]  }
0xa6: {  	s6 =	sand.u32 $0xFFFFFFFE, s1  }
0xa7: {  	p0 =	sne.s32 s1, s6  }
0xa8: {  	s6 =	sshll.u32 @p0 s6, $0xE  }
0xa9: {  	s6 =	sadd.s32 @p0 $0x11B8D, s6;
	s7 =	sshll.u32 @p0 s5, $0x11  }
0xaa: {  	s6 =	sor.u32 @p0 s7, s6  }
0xab: {  	[sflag:s6] =	ssyncadd.remote.s32 @p0 $0x1;
	_ =	sdelay $0x1  }
0xac: {  	s6 =	simm.s32 @p0 $0x1B8D  }
0xad: {  	_ =	swait.eq @p0 [sflag:s6], $0x1  }
0xae: {  	[sflag:s6] =	ssyncadd.s32 @p0 $0xFFFFFFFF  }
0xaf: {  	s7 =	sshll.u32 @!p0 s1, $0xE  }
0xb0: {  	s7 =	sor.u32 @!p0 $0x4000, s7;
	s6 =	simm.s32 @!p0 $0x1B8D  }
0xb1: {  	s5 =	sshll.u32 @!p0 s5, $0x11;
	s7 =	sadd.s32 @!p0 $0x11B8D, s7;
	_ =	swait.eq @!p0 [sflag:s6], $0x1  }
0xb2: {  	s5 =	sor.u32 @!p0 s5, s7;
	[sflag:s6] =	ssyncadd.s32 @!p0 $0xFFFFFFFF  }
0xb3: {  	s25 =	simm.s32 $0x1B8E;
	s24 =	sld [smem:$0x3FFE];
	[sflag:s5] =	ssyncadd.remote.s32 @!p0 $0x1  }
0xb4: {  	s26 =	simm.s32 $execute0_lowered;
	[smem:$0x3FD2] =	sst s25  }
0xb5: {  	s6 =	sshll.u32 s26, $0x1;
	_ =	strace $0x80000049;
	[dreg:$0x1] =	wrdreg $0xFFFFFFFF  }
0xb6: {  	s28 =	simm.s32 $_size_execute0_lowered;
	s4 =	sadd.s32 s4, s6;
	[dreg:$0x0] =	wrdreg $0x0  }
0xb7: {  	s6 =	sshll.u32 s28, $0x1;
	[dreg:$0x2] =	wrdreg s4  }
0xb8: {  	[dreg:$0x3] =	wrdreg s6  }
0xb9: {  	[dreg:$0x4] =	wrdreg $0xC0  }
0xba: {  	_ =	task [dreg:s22], $0x5FFFF  }
0xbb: {  	[dreg:$0x1] =	wrdreg $0xFFFFFFFF  }
0xbc: {  	[dreg:$0x0] =	wrdreg $0x60  }
0xbd: {  	[dreg:$0x2] =	wrdreg s18  }
0xbe: {  	[dreg:$0x3] =	wrdreg s24  }
0xbf: {  	[dreg:$0x4] =	wrdreg $0xA  }
0xc0: {  	_ =	task.clear_ibuf [dreg:s22], $0x5FFFF;
	_ =	strace $0x90000049  }
0xc1: {  	s29 =	simm.s32 $0xA;
	_ =	strace $0x8000004B  }
0xc2: {  	_ =	swait.ge [sflag:s29], $0x1  }
0xc3: {  	[sflag:s29] =	ssyncadd.s32 $0xFFFFFFFF  }
0xc4: {  	_ =	strace $0x9000004B  }
0xc5: {  	_ =	sfence  }
0xc6: {  	s30 =	sld [smem:$0x0];
	_ =	sdelay $0x2  }
0xc7: {  	s31 =	sshll.u32 s1, $0xD;
	s1 =	sshrl.u32 s1, $0x2  }
0xc8: {  	s4 =	sand.u32 $0x4000, s31;
	s1 =	sadd.s32 s1, s30  }
0xc9: {  	s0 =	sor.u32 s4, s0;
	s1 =	sshll.u32 s1, $0x11  }
0xca: {  	s0 =	sor.u32 s1, s0  }
0xcb: {  	s0 =	sadd.s32 $0x8F2B, s0  }
0xcc: {  	[sflag:s0] =	ssyncadd.remote.s32 $0x1  }
0xcd: {  	_ =	sfence.sel $0xFFFF  }
0xce: {  	[dreg:$0x0] =	wrdreg $0xFFFFFFFF;
	(pc) =	sbr.abs _section_cstart, $3  }
0xcf: {  	[dreg:$0x1] =	wrdreg $0xFFFFFFFF  }
0xd0: {  	_ =	task.clear_ibuf [dreg:s22], $0x2FFFF;
	_ =	strace $0x9FFFFFFF  }
0xd1: {  	(tm) =	ssettm $0x7FFFFFFF  }
tec
execute0_lowered:
.L_overlay_start_1:
0x0: {  	(tag) =	ssettag $0x1  }
0x1: {  	s0 =	srdreg.scid;
	s1 =	stileid.u32  }
0x2: {  	s0 =	sand.u32 $0x1, s0;
	s1 =	sshll.u32 s1, $0x1  }
0x3: {  	s2 =	rddreg [dreg:$0x0];
	s1 =	sor.u32 s0, s1  }
0x4: {  	s4 =	rddreg [dreg:$0x1];
	s3 =	simm.s32 $0x0;
	s5 =	smul.u32 $0x30, s1  }
0x5: {  	s18 =	simm.s32 $0x1;
	s12 =	simm.s32 $0x2;
	s13 =	simm.s32 $0x4  }
0x6: {  	[smem:$0x7FF] =	sst s3;
	s6 =	smul.u32 $0xC000, s1;
	s5 =	sadd.s32 s5, s4  }
0x7: {  	_ =	strace $0x8000004A;
	s4 =	sadd.s32 $0x82E00, s4;
	s5 =	sadd.s32 $0x82200, s5  }
0x8: {  	s1 =	smul.u32 $0x60000, s1;
	s6 =	sadd.s32 s4, s6;
	[dreg:$0x3] =	wrdreg s5  }
0x9: {  	s14 =	simm.s32 $0x3;
	s21 =	sadd.s32 $0x1000, s6;
	[dreg:$0xf] =	wrdreg s6  }
0xa: {  	s1 =	sshrl.u32 s1, $0x3;
	s22 =	sadd.s32 $0x2000, s6;
	[dreg:$0x4] =	wrdreg s21  }
0xb: {  	s1 =	sadd.s32 s4, s1;
	s23 =	sadd.s32 $0x3000, s6;
	[dreg:$0x5] =	wrdreg s22  }
0xc: {  	s15 =	simm.s32 $0x5;
	s4 =	sadd.s32 $0x4000, s1;
	[dreg:$0x6] =	wrdreg s23  }
0xd: {  	s16 =	simm.s32 $0x6;
	s24 =	sadd.s32 $0x5000, s1;
	[dreg:$0x7] =	wrdreg s4  }
0xe: {  	s10 =	simm.s32 $0x10180;
	s25 =	sadd.s32 $0x6000, s1;
	[dreg:$0x8] =	wrdreg s24  }
0xf: {  	s7 =	sadd.s32 $0x300, s2;
	s28 =	sadd.s32 $0x7000, s1;
	[dreg:$0x9] =	wrdreg s25  }
0x10: {  	s0 =	ssub.s32 $0x2, s0;
	s29 =	sadd.s32 $0x8000, s1;
	[dreg:$0xa] =	wrdreg s28  }
0x11: {  	s26 =	sshrl.u32 s0, $0x1;
	s30 =	sadd.s32 $0x9000, s1;
	[dreg:$0xb] =	wrdreg s29  }
0x12: {  	v2 =	vlaneseq.u32;
	s0 =	ssub.s32 s0, s26;
	s31 =	sadd.s32 $0xA000, s1;
	[dreg:$0xc] =	wrdreg s30  }
0x13: {  	vm0 =	vmmov $0xffff;
	v1 =	vshrl.u32 v2, $0x3;
	s8 =	smax.u32 s0, $0x1;
	s1 =	sadd.s32 $0xB000, s1;
	[dreg:$0xd] =	wrdreg s31  }
0x14: {  	v0 =	vand.u32 $0x7, v2;
	v2 =	vor.u32 $0x8, v2;
	v1 =	vmul.u32 $0x8, v1;
	s5 =	sadd.s32 $0x100, s2;
	s6 =	sadd.s32 $0x200, s2;
	[dreg:$0xe] =	wrdreg s1  }
.LBB2_1:
0x15: {  	s17 =	rddreg [dreg:$0x3];
	s11 =	simm.s32 $0x7  }
0x16: {  	[tilespmem:s3], [sflag:$0x7] =	stream.linear.gather [hbm4b:s17+s3], $0x180, $0x38;
	[tilespmem:$0x18180] =	vst v63  }
0x17: {  	_ =	swait.ge [sflag:s11], $0x180  }
0x18: {  	[sflag:s11] =	ssyncset.done $0x0  }
0x19: {  	[sflag:s11] =	ssyncadd.s32 $0xFFFFFE80  }
0x1a: {  	v3 =	vld [tilespmem:$0x0];
	_ =	sdelay $0x4  }
0x1b: {  	v4 =	vshll.u32 v3, $0x3  }
0x1c: {  	v3 =	vand.u32 $0x7, v3;
	v4 =	vand.u32 $0xFFFFFFC0, v4  }
0x1d: {  	v3 =	vor.u32 v3, v4  }
0x1e: {  	v4 =	vperm.xlane v3, v0;
	_ =	sdelay $0x1  }
0x1f: {  	v4 =	vadd.s32 v1, v4;
	_ =	sdelay $0x3  }
0x20: {  	s0 =	simm.s32 $0x180  }
0x21: {  	[tilespmem:s0], [sflag:$0x1] =	stream.indirect_vreg.gather [hbm4b:s2+s3], $0x80, v4, vm0, $0xb8;
	[tilespmem:$0x18180] =	vst v63  }
0x22: {  	s19 =	simm.s32 $0x980;
	v3 =	vperm.xlane v3, v2  }
0x23: {  	[tilespmem:s19], [sflag:$0x1] =	stream.indirect_vreg.gather [hbm4b:s5+s3], $0x80, v4, vm0, $0xb8;
	[tilespmem:$0x18180] =	vst v63  }
0x24: {  	s20 =	simm.s32 $0x1180;
	v3 =	vadd.s32 v1, v3  }
0x25: {  	[tilespmem:s20], [sflag:$0x1] =	stream.indirect_vreg.gather [hbm4b:s6+s3], $0x80, v4, vm0, $0xb8;
	[tilespmem:$0x18180] =	vst v63  }
0x26: {  	s22 =	simm.s32 $0x1980  }
0x27: {  	[tilespmem:s22], [sflag:$0x1] =	stream.indirect_vreg.gather [hbm4b:s7+s3], $0x80, v4, vm0, $0xb8;
	[tilespmem:$0x18180] =	vst v63  }
0x28: {  	s23 =	simm.s32 $0x2180  }
0x29: {  	[tilespmem:s23], [sflag:$0x1] =	stream.indirect_vreg.gather [hbm4b:s2+s3], $0x80, v3, vm0, $0xb8;
	[tilespmem:$0x18180] =	vst v63  }
0x2a: {  	s24 =	simm.s32 $0x2980  }
0x2b: {  	[tilespmem:s24], [sflag:$0x1] =	stream.indirect_vreg.gather [hbm4b:s5+s3], $0x80, v3, vm0, $0xb8;
	[tilespmem:$0x18180] =	vst v63  }
0x2c: {  	s25 =	simm.s32 $0x3180  }
0x2d: {  	[tilespmem:s25], [sflag:$0x1] =	stream.indirect_vreg.gather [hbm4b:s6+s3], $0x80, v3, vm0, $0xb8;
	[tilespmem:$0x18180] =	vst v63  }
0x2e: {  	s26 =	simm.s32 $0x3980  }
0x2f: {  	[tilespmem:s26], [sflag:$0x1] =	stream.indirect_vreg.gather [hbm4b:s7+s3], $0x80, v3, vm0, $0xb8;
	[tilespmem:$0x18180] =	vst v63  }
0x30: {  	v3 =	vld [tilespmem:$0x10];
	_ =	sdelay $0x4  }
0x31: {  	v41 =	vshll.u32 v3, $0x3  }
0x32: {  	v3 =	vand.u32 $0x7, v3;
	v4 =	vand.u32 $0xFFFFFFC0, v41  }
0x33: {  	v3 =	vor.u32 v3, v4  }
0x34: {  	v4 =	vperm.xlane v3, v0;
	_ =	sdelay $0x1  }
0x35: {  	v4 =	vadd.s32 v1, v4;
	_ =	sdelay $0x3  }
0x36: {  	s28 =	simm.s32 $0x4180  }
0x37: {  	[tilespmem:s28], [sflag:$0x1] =	stream.indirect_vreg.gather [hbm4b:s2+s3], $0x80, v4, vm0, $0xb8;
	[tilespmem:$0x18180] =	vst v63  }
0x38: {  	s31 =	simm.s32 $0x4980;
	v3 =	vperm.xlane v3, v2  }
0x39: {  	[tilespmem:s31], [sflag:$0x1] =	stream.indirect_vreg.gather [hbm4b:s5+s3], $0x80, v4, vm0, $0xb8;
	[tilespmem:$0x18180] =	vst v63  }
0x3a: {  	s1 =	simm.s32 $0x5180;
	v3 =	vadd.s32 v1, v3  }
0x3b: {  	[tilespmem:s1], [sflag:$0x1] =	stream.indirect_vreg.gather [hbm4b:s6+s3], $0x80, v4, vm0, $0xb8;
	[tilespmem:$0x18180] =	vst v63  }
0x3c: {  	s11 =	simm.s32 $0x5980  }
0x3d: {  	[tilespmem:s11], [sflag:$0x1] =	stream.indirect_vreg.gather [hbm4b:s7+s3], $0x80, v4, vm0, $0xb8;
	[tilespmem:$0x18180] =	vst v63  }
0x3e: {  	s17 =	simm.s32 $0x6180  }
0x3f: {  	[tilespmem:s17], [sflag:$0x1] =	stream.indirect_vreg.gather [hbm4b:s2+s3], $0x80, v3, vm0, $0xb8;
	[tilespmem:$0x18180] =	vst v63  }
0x40: {  	s19 =	simm.s32 $0x6980  }
0x41: {  	[tilespmem:s19], [sflag:$0x1] =	stream.indirect_vreg.gather [hbm4b:s5+s3], $0x80, v3, vm0, $0xb8;
	[tilespmem:$0x18180] =	vst v63  }
0x42: {  	s24 =	simm.s32 $0x7180  }
0x43: {  	[tilespmem:s24], [sflag:$0x1] =	stream.indirect_vreg.gather [hbm4b:s6+s3], $0x80, v3, vm0, $0xb8;
	[tilespmem:$0x18180] =	vst v63  }
0x44: {  	s26 =	simm.s32 $0x7980  }
0x45: {  	[tilespmem:s26], [sflag:$0x1] =	stream.indirect_vreg.gather [hbm4b:s7+s3], $0x80, v3, vm0, $0xb8;
	[tilespmem:$0x18180] =	vst v63  }
0x46: {  	v3 =	vld [tilespmem:$0x20];
	_ =	sdelay $0x4  }
0x47: {  	v42 =	vshll.u32 v3, $0x3  }
0x48: {  	v3 =	vand.u32 $0x7, v3;
	v4 =	vand.u32 $0xFFFFFFC0, v42  }
0x49: {  	v3 =	vor.u32 v3, v4  }
0x4a: {  	v4 =	vperm.xlane v3, v0;
	_ =	sdelay $0x1  }
0x4b: {  	v4 =	vadd.s32 v1, v4;
	_ =	sdelay $0x3  }
0x4c: {  	s28 =	simm.s32 $0x8180  }
0x4d: {  	[tilespmem:s28], [sflag:$0x2] =	stream.indirect_vreg.gather [hbm4b:s2+s3], $0x80, v4, vm0, $0xb8;
	[tilespmem:$0x18180] =	vst v63  }
0x4e: {  	s31 =	simm.s32 $0x8980;
	v3 =	vperm.xlane v3, v2  }
0x4f: {  	[tilespmem:s31], [sflag:$0x2] =	stream.indirect_vreg.gather [hbm4b:s5+s3], $0x80, v4, vm0, $0xb8;
	[tilespmem:$0x18180] =	vst v63  }
0x50: {  	s1 =	simm.s32 $0x9180;
	v3 =	vadd.s32 v1, v3  }
0x51: {  	[tilespmem:s1], [sflag:$0x2] =	stream.indirect_vreg.gather [hbm4b:s6+s3], $0x80, v4, vm0, $0xb8;
	[tilespmem:$0x18180] =	vst v63  }
0x52: {  	s11 =	simm.s32 $0x9980  }
0x53: {  	[tilespmem:s11], [sflag:$0x2] =	stream.indirect_vreg.gather [hbm4b:s7+s3], $0x80, v4, vm0, $0xb8;
	[tilespmem:$0x18180] =	vst v63  }
0x54: {  	s17 =	simm.s32 $0xA180  }
0x55: {  	[tilespmem:s17], [sflag:$0x2] =	stream.indirect_vreg.gather [hbm4b:s2+s3], $0x80, v3, vm0, $0xb8;
	[tilespmem:$0x18180] =	vst v63  }
0x56: {  	s19 =	simm.s32 $0xA980  }
0x57: {  	[tilespmem:s19], [sflag:$0x2] =	stream.indirect_vreg.gather [hbm4b:s5+s3], $0x80, v3, vm0, $0xb8;
	[tilespmem:$0x18180] =	vst v63  }
0x58: {  	s24 =	simm.s32 $0xB180  }
0x59: {  	[tilespmem:s24], [sflag:$0x2] =	stream.indirect_vreg.gather [hbm4b:s6+s3], $0x80, v3, vm0, $0xb8;
	[tilespmem:$0x18180] =	vst v63  }
0x5a: {  	s28 =	simm.s32 $0xB980  }
0x5b: {  	[tilespmem:s28], [sflag:$0x2] =	stream.indirect_vreg.gather [hbm4b:s7+s3], $0x80, v3, vm0, $0xb8;
	[tilespmem:$0x18180] =	vst v63  }
0x5c: {  	v3 =	vld [tilespmem:$0x30];
	_ =	sdelay $0x4  }
0x5d: {  	v43 =	vshll.u32 v3, $0x3  }
0x5e: {  	v3 =	vand.u32 $0x7, v3;
	v4 =	vand.u32 $0xFFFFFFC0, v43  }
0x5f: {  	v3 =	vor.u32 v3, v4  }
0x60: {  	v4 =	vperm.xlane v3, v0;
	_ =	sdelay $0x1  }
0x61: {  	v4 =	vadd.s32 v1, v4;
	_ =	sdelay $0x3  }
0x62: {  	s31 =	simm.s32 $0xC180  }
0x63: {  	[tilespmem:s31], [sflag:$0x2] =	stream.indirect_vreg.gather [hbm4b:s2+s3], $0x80, v4, vm0, $0xb8;
	[tilespmem:$0x18180] =	vst v63  }
0x64: {  	s1 =	simm.s32 $0xC980;
	v3 =	vperm.xlane v3, v2  }
0x65: {  	[tilespmem:s1], [sflag:$0x2] =	stream.indirect_vreg.gather [hbm4b:s5+s3], $0x80, v4, vm0, $0xb8;
	[tilespmem:$0x18180] =	vst v63  }
0x66: {  	s17 =	simm.s32 $0xD180;
	v3 =	vadd.s32 v1, v3  }
0x67: {  	[tilespmem:s17], [sflag:$0x2] =	stream.indirect_vreg.gather [hbm4b:s6+s3], $0x80, v4, vm0, $0xb8;
	[tilespmem:$0x18180] =	vst v63  }
0x68: {  	s19 =	simm.s32 $0xD980  }
0x69: {  	[tilespmem:s19], [sflag:$0x2] =	stream.indirect_vreg.gather [hbm4b:s7+s3], $0x80, v4, vm0, $0xb8;
	[tilespmem:$0x18180] =	vst v63  }
0x6a: {  	s31 =	simm.s32 $0xE180  }
0x6b: {  	[tilespmem:s31], [sflag:$0x2] =	stream.indirect_vreg.gather [hbm4b:s2+s3], $0x80, v3, vm0, $0xb8;
	[tilespmem:$0x18180] =	vst v63  }
0x6c: {  	s1 =	simm.s32 $0xE980  }
0x6d: {  	[tilespmem:s1], [sflag:$0x2] =	stream.indirect_vreg.gather [hbm4b:s5+s3], $0x80, v3, vm0, $0xb8;
	[tilespmem:$0x18180] =	vst v63  }
0x6e: {  	s17 =	simm.s32 $0xF180  }
0x6f: {  	[tilespmem:s17], [sflag:$0x2] =	stream.indirect_vreg.gather [hbm4b:s6+s3], $0x80, v3, vm0, $0xb8;
	[tilespmem:$0x18180] =	vst v63  }
0x70: {  	s19 =	simm.s32 $0xF980  }
0x71: {  	[tilespmem:s19], [sflag:$0x2] =	stream.indirect_vreg.gather [hbm4b:s7+s3], $0x80, v3, vm0, $0xb8;
	[tilespmem:$0x18180] =	vst v63  }
0x72: {  	_ =	swait.ge [sflag:s18], $0x8000  }
0x73: {  	[sflag:s18] =	ssyncset.done $0x0  }
0x74: {  	s0 =	simm.s32 $0x180;
	s31 =	rddreg [dreg:$0xf];
	[sflag:s18] =	ssyncadd.s32 $0xFFFF8000  }
0x75: {  	[hbm4b:s31+s3] =	stream.linear.scatter [tilespmem:s0], [sflag:$0x4], $0x8000, $0x38;
	[tilespmem:$0x18180] =	vst v63  }
0x76: {  	v3 =	vld [tilespmem:$0x40];
	_ =	sdelay $0x4  }
0x77: {  	v44 =	vshll.u32 v3, $0x3  }
0x78: {  	v3 =	vand.u32 $0x7, v3;
	v4 =	vand.u32 $0xFFFFFFC0, v44  }
0x79: {  	v3 =	vor.u32 v3, v4  }
0x7a: {  	v4 =	vperm.xlane v3, v0;
	_ =	sdelay $0x1  }
0x7b: {  	v4 =	vadd.s32 v1, v4;
	_ =	sdelay $0x4  }
0x7c: {  	[tilespmem:s10], [sflag:$0x3] =	stream.indirect_vreg.gather [hbm4b:s2+s3], $0x80, v4, vm0, $0xb8;
	[tilespmem:$0x18180] =	vst v63  }
0x7d: {  	s1 =	simm.s32 $0x10980;
	v3 =	vperm.xlane v3, v2  }
0x7e: {  	[tilespmem:s1], [sflag:$0x3] =	stream.indirect_vreg.gather [hbm4b:s5+s3], $0x80, v4, vm0, $0xb8;
	[tilespmem:$0x18180] =	vst v63  }
0x7f: {  	s19 =	simm.s32 $0x11180;
	v3 =	vadd.s32 v1, v3  }
0x80: {  	[tilespmem:s19], [sflag:$0x3] =	stream.indirect_vreg.gather [hbm4b:s6+s3], $0x80, v4, vm0, $0xb8;
	[tilespmem:$0x18180] =	vst v63  }
0x81: {  	s31 =	simm.s32 $0x11980  }
0x82: {  	[tilespmem:s31], [sflag:$0x3] =	stream.indirect_vreg.gather [hbm4b:s7+s3], $0x80, v4, vm0, $0xb8;
	[tilespmem:$0x18180] =	vst v63  }
0x83: {  	s1 =	simm.s32 $0x12180  }
0x84: {  	[tilespmem:s1], [sflag:$0x3] =	stream.indirect_vreg.gather [hbm4b:s2+s3], $0x80, v3, vm0, $0xb8;
	[tilespmem:$0x18180] =	vst v63  }
0x85: {  	s19 =	simm.s32 $0x12980  }
0x86: {  	[tilespmem:s19], [sflag:$0x3] =	stream.indirect_vreg.gather [hbm4b:s5+s3], $0x80, v3, vm0, $0xb8;
	[tilespmem:$0x18180] =	vst v63  }
0x87: {  	s31 =	simm.s32 $0x13180  }
0x88: {  	[tilespmem:s31], [sflag:$0x3] =	stream.indirect_vreg.gather [hbm4b:s6+s3], $0x80, v3, vm0, $0xb8;
	[tilespmem:$0x18180] =	vst v63  }
0x89: {  	s1 =	simm.s32 $0x13980  }
0x8a: {  	[tilespmem:s1], [sflag:$0x3] =	stream.indirect_vreg.gather [hbm4b:s7+s3], $0x80, v3, vm0, $0xb8;
	[tilespmem:$0x18180] =	vst v63  }
0x8b: {  	v3 =	vld [tilespmem:$0x50];
	_ =	sdelay $0x4  }
0x8c: {  	v45 =	vshll.u32 v3, $0x3  }
0x8d: {  	v3 =	vand.u32 $0x7, v3;
	v4 =	vand.u32 $0xFFFFFFC0, v45  }
0x8e: {  	v3 =	vor.u32 v3, v4  }
0x8f: {  	v4 =	vperm.xlane v3, v0;
	_ =	sdelay $0x1  }
0x90: {  	v4 =	vadd.s32 v1, v4;
	_ =	sdelay $0x3  }
0x91: {  	s19 =	simm.s32 $0x14180  }
0x92: {  	[tilespmem:s19], [sflag:$0x3] =	stream.indirect_vreg.gather [hbm4b:s2+s3], $0x80, v4, vm0, $0xb8;
	[tilespmem:$0x18180] =	vst v63  }
0x93: {  	s31 =	simm.s32 $0x14980;
	v3 =	vperm.xlane v3, v2  }
0x94: {  	[tilespmem:s31], [sflag:$0x3] =	stream.indirect_vreg.gather [hbm4b:s5+s3], $0x80, v4, vm0, $0xb8;
	[tilespmem:$0x18180] =	vst v63  }
0x95: {  	s1 =	simm.s32 $0x15180;
	v3 =	vadd.s32 v1, v3  }
0x96: {  	[tilespmem:s1], [sflag:$0x3] =	stream.indirect_vreg.gather [hbm4b:s6+s3], $0x80, v4, vm0, $0xb8;
	[tilespmem:$0x18180] =	vst v63  }
0x97: {  	s19 =	simm.s32 $0x15980  }
0x98: {  	[tilespmem:s19], [sflag:$0x3] =	stream.indirect_vreg.gather [hbm4b:s7+s3], $0x80, v4, vm0, $0xb8;
	[tilespmem:$0x18180] =	vst v63  }
0x99: {  	s31 =	simm.s32 $0x16180  }
0x9a: {  	[tilespmem:s31], [sflag:$0x3] =	stream.indirect_vreg.gather [hbm4b:s2+s3], $0x80, v3, vm0, $0xb8;
	[tilespmem:$0x18180] =	vst v63  }
0x9b: {  	s1 =	simm.s32 $0x16980  }
0x9c: {  	[tilespmem:s1], [sflag:$0x3] =	stream.indirect_vreg.gather [hbm4b:s5+s3], $0x80, v3, vm0, $0xb8;
	[tilespmem:$0x18180] =	vst v63  }
0x9d: {  	s19 =	simm.s32 $0x17180  }
0x9e: {  	[tilespmem:s19], [sflag:$0x3] =	stream.indirect_vreg.gather [hbm4b:s6+s3], $0x80, v3, vm0, $0xb8;
	[tilespmem:$0x18180] =	vst v63  }
0x9f: {  	s31 =	simm.s32 $0x17980  }
0xa0: {  	[tilespmem:s31], [sflag:$0x3] =	stream.indirect_vreg.gather [hbm4b:s7+s3], $0x80, v3, vm0, $0xb8;
	[tilespmem:$0x18180] =	vst v63  }
0xa1: {  	_ =	swait.ge [sflag:s12], $0x8000  }
0xa2: {  	[sflag:s12] =	ssyncset.done $0x0  }
0xa3: {  	s19 =	simm.s32 $0x8180;
	s1 =	rddreg [dreg:$0x4];
	[sflag:s12] =	ssyncadd.s32 $0xFFFF8000  }
0xa4: {  	[hbm4b:s1+s3] =	stream.linear.scatter [tilespmem:s19], [sflag:$0x5], $0x8000, $0x38;
	[tilespmem:$0x18180] =	vst v63  }
0xa5: {  	_ =	swait.ge [sflag:s13], $0x8000  }
0xa6: {  	[sflag:s13] =	ssyncset.done $0x0  }
0xa7: {  	[sflag:s13] =	ssyncadd.s32 $0xFFFF8000  }
0xa8: {  	v3 =	vld [tilespmem:$0x60];
	_ =	sdelay $0x4  }
0xa9: {  	v46 =	vshll.u32 v3, $0x3  }
0xaa: {  	v3 =	vand.u32 $0x7, v3;
	v4 =	vand.u32 $0xFFFFFFC0, v46  }
0xab: {  	v3 =	vor.u32 v3, v4  }
0xac: {  	v4 =	vperm.xlane v3, v0;
	_ =	sdelay $0x1  }
0xad: {  	v4 =	vadd.s32 v1, v4;
	_ =	sdelay $0x4  }
0xae: {  	[tilespmem:s0], [sflag:$0x1] =	stream.indirect_vreg.gather [hbm4b:s2+s3], $0x80, v4, vm0, $0xb8;
	[tilespmem:$0x18180] =	vst v63  }
0xaf: {  	s21 =	simm.s32 $0x980;
	v3 =	vperm.xlane v3, v2  }
0xb0: {  	[tilespmem:s21], [sflag:$0x1] =	stream.indirect_vreg.gather [hbm4b:s5+s3], $0x80, v4, vm0, $0xb8;
	[tilespmem:$0x18180] =	vst v63  }
0xb1: {  	s20 =	simm.s32 $0x1180;
	v3 =	vadd.s32 v1, v3  }
0xb2: {  	[tilespmem:s20], [sflag:$0x1] =	stream.indirect_vreg.gather [hbm4b:s6+s3], $0x80, v4, vm0, $0xb8;
	[tilespmem:$0x18180] =	vst v63  }
0xb3: {  	s9 =	simm.s32 $0x1980  }
0xb4: {  	[tilespmem:s9], [sflag:$0x1] =	stream.indirect_vreg.gather [hbm4b:s7+s3], $0x80, v4, vm0, $0xb8;
	[tilespmem:$0x18180] =	vst v63  }
0xb5: {  	s4 =	simm.s32 $0x2180  }
0xb6: {  	[tilespmem:s4], [sflag:$0x1] =	stream.indirect_vreg.gather [hbm4b:s2+s3], $0x80, v3, vm0, $0xb8;
	[tilespmem:$0x18180] =	vst v63  }
0xb7: {  	s29 =	simm.s32 $0x2980  }
0xb8: {  	[tilespmem:s29], [sflag:$0x1] =	stream.indirect_vreg.gather [hbm4b:s5+s3], $0x80, v3, vm0, $0xb8;
	[tilespmem:$0x18180] =	vst v63  }
0xb9: {  	s30 =	simm.s32 $0x3180  }
0xba: {  	[tilespmem:s30], [sflag:$0x1] =	stream.indirect_vreg.gather [hbm4b:s6+s3], $0x80, v3, vm0, $0xb8;
	[tilespmem:$0x18180] =	vst v63  }
0xbb: {  	s22 =	simm.s32 $0x3980  }
0xbc: {  	[tilespmem:s22], [sflag:$0x1] =	stream.indirect_vreg.gather [hbm4b:s7+s3], $0x80, v3, vm0, $0xb8;
	[tilespmem:$0x18180] =	vst v63  }
0xbd: {  	v3 =	vld [tilespmem:$0x70];
	_ =	sdelay $0x4  }
0xbe: {  	v47 =	vshll.u32 v3, $0x3  }
0xbf: {  	v3 =	vand.u32 $0x7, v3;
	v4 =	vand.u32 $0xFFFFFFC0, v47  }
0xc0: {  	v3 =	vor.u32 v3, v4  }
0xc1: {  	v4 =	vperm.xlane v3, v0;
	_ =	sdelay $0x1  }
0xc2: {  	v4 =	vadd.s32 v1, v4;
	_ =	sdelay $0x3  }
0xc3: {  	s23 =	simm.s32 $0x4180  }
0xc4: {  	[tilespmem:s23], [sflag:$0x1] =	stream.indirect_vreg.gather [hbm4b:s2+s3], $0x80, v4, vm0, $0xb8;
	[tilespmem:$0x18180] =	vst v63  }
0xc5: {  	s25 =	simm.s32 $0x4980;
	v3 =	vperm.xlane v3, v2  }
0xc6: {  	[tilespmem:s25], [sflag:$0x1] =	stream.indirect_vreg.gather [hbm4b:s5+s3], $0x80, v4, vm0, $0xb8;
	[tilespmem:$0x18180] =	vst v63  }
0xc7: {  	s31 =	simm.s32 $0x5180;
	v3 =	vadd.s32 v1, v3  }
0xc8: {  	[tilespmem:s31], [sflag:$0x1] =	stream.indirect_vreg.gather [hbm4b:s6+s3], $0x80, v4, vm0, $0xb8;
	[tilespmem:$0x18180] =	vst v63  }
0xc9: {  	s21 =	simm.s32 $0x5980  }
0xca: {  	[tilespmem:s21], [sflag:$0x1] =	stream.indirect_vreg.gather [hbm4b:s7+s3], $0x80, v4, vm0, $0xb8;
	[tilespmem:$0x18180] =	vst v63  }
0xcb: {  	s22 =	simm.s32 $0x6180  }
0xcc: {  	[tilespmem:s22], [sflag:$0x1] =	stream.indirect_vreg.gather [hbm4b:s2+s3], $0x80, v3, vm0, $0xb8;
	[tilespmem:$0x18180] =	vst v63  }
0xcd: {  	s23 =	simm.s32 $0x6980  }
0xce: {  	[tilespmem:s23], [sflag:$0x1] =	stream.indirect_vreg.gather [hbm4b:s5+s3], $0x80, v3, vm0, $0xb8;
	[tilespmem:$0x18180] =	vst v63  }
0xcf: {  	s25 =	simm.s32 $0x7180  }
0xd0: {  	[tilespmem:s25], [sflag:$0x1] =	stream.indirect_vreg.gather [hbm4b:s6+s3], $0x80, v3, vm0, $0xb8;
	[tilespmem:$0x18180] =	vst v63  }
0xd1: {  	s20 =	simm.s32 $0x7980  }
0xd2: {  	[tilespmem:s20], [sflag:$0x1] =	stream.indirect_vreg.gather [hbm4b:s7+s3], $0x80, v3, vm0, $0xb8;
	[tilespmem:$0x18180] =	vst v63  }
0xd3: {  	_ =	swait.ge [sflag:s14], $0x8000  }
0xd4: {  	[sflag:s14] =	ssyncset.done $0x0  }
0xd5: {  	s9 =	rddreg [dreg:$0x5];
	[sflag:s14] =	ssyncadd.s32 $0xFFFF8000  }
0xd6: {  	[hbm4b:s9+s3] =	stream.linear.scatter [tilespmem:s10], [sflag:$0x6], $0x8000, $0x38;
	[tilespmem:$0x18180] =	vst v63  }
0xd7: {  	_ =	swait.ge [sflag:s15], $0x8000  }
0xd8: {  	[sflag:s15] =	ssyncset.done $0x0  }
0xd9: {  	[sflag:s15] =	ssyncadd.s32 $0xFFFF8000  }
0xda: {  	v3 =	vld [tilespmem:$0x80];
	_ =	sdelay $0x4  }
0xdb: {  	v48 =	vshll.u32 v3, $0x3  }
0xdc: {  	v3 =	vand.u32 $0x7, v3;
	v4 =	vand.u32 $0xFFFFFFC0, v48  }
0xdd: {  	v3 =	vor.u32 v3, v4  }
0xde: {  	v4 =	vperm.xlane v3, v0;
	_ =	sdelay $0x1  }
0xdf: {  	v4 =	vadd.s32 v1, v4;
	_ =	sdelay $0x4  }
0xe0: {  	[tilespmem:s19], [sflag:$0x2] =	stream.indirect_vreg.gather [hbm4b:s2+s3], $0x80, v4, vm0, $0xb8;
	[tilespmem:$0x18180] =	vst v63  }
0xe1: {  	s26 =	simm.s32 $0x8980;
	v3 =	vperm.xlane v3, v2  }
0xe2: {  	[tilespmem:s26], [sflag:$0x2] =	stream.indirect_vreg.gather [hbm4b:s5+s3], $0x80, v4, vm0, $0xb8;
	[tilespmem:$0x18180] =	vst v63  }
0xe3: {  	v3 =	vadd.s32 v1, v3;
	s19 =	simm.s32 $0x9180  }
0xe4: {  	[tilespmem:s19], [sflag:$0x2] =	stream.indirect_vreg.gather [hbm4b:s6+s3], $0x80, v4, vm0, $0xb8;
	[tilespmem:$0x18180] =	vst v63  }
0xe5: {  	s26 =	simm.s32 $0x9980  }
0xe6: {  	[tilespmem:s26], [sflag:$0x2] =	stream.indirect_vreg.gather [hbm4b:s7+s3], $0x80, v4, vm0, $0xb8;
	[tilespmem:$0x18180] =	vst v63  }
0xe7: {  	s29 =	simm.s32 $0xA180  }
0xe8: {  	[tilespmem:s29], [sflag:$0x2] =	stream.indirect_vreg.gather [hbm4b:s2+s3], $0x80, v3, vm0, $0xb8;
	[tilespmem:$0x18180] =	vst v63  }
0xe9: {  	s9 =	simm.s32 $0xA980  }
0xea: {  	[tilespmem:s9], [sflag:$0x2] =	stream.indirect_vreg.gather [hbm4b:s5+s3], $0x80, v3, vm0, $0xb8;
	[tilespmem:$0x18180] =	vst v63  }
0xeb: {  	s30 =	simm.s32 $0xB180  }
0xec: {  	[tilespmem:s30], [sflag:$0x2] =	stream.indirect_vreg.gather [hbm4b:s6+s3], $0x80, v3, vm0, $0xb8;
	[tilespmem:$0x18180] =	vst v63  }
0xed: {  	s11 =	simm.s32 $0xB980  }
0xee: {  	[tilespmem:s11], [sflag:$0x2] =	stream.indirect_vreg.gather [hbm4b:s7+s3], $0x80, v3, vm0, $0xb8;
	[tilespmem:$0x18180] =	vst v63  }
0xef: {  	v3 =	vld [tilespmem:$0x90];
	_ =	sdelay $0x4  }
0xf0: {  	v49 =	vshll.u32 v3, $0x3  }
0xf1: {  	v3 =	vand.u32 $0x7, v3;
	v4 =	vand.u32 $0xFFFFFFC0, v49  }
0xf2: {  	v3 =	vor.u32 v3, v4  }
0xf3: {  	v4 =	vperm.xlane v3, v0;
	_ =	sdelay $0x1  }
0xf4: {  	v4 =	vadd.s32 v1, v4;
	_ =	sdelay $0x3  }
0xf5: {  	s24 =	simm.s32 $0xC180  }
0xf6: {  	[tilespmem:s24], [sflag:$0x2] =	stream.indirect_vreg.gather [hbm4b:s2+s3], $0x80, v4, vm0, $0xb8;
	[tilespmem:$0x18180] =	vst v63  }
0xf7: {  	s28 =	simm.s32 $0xC980;
	v3 =	vperm.xlane v3, v2  }
0xf8: {  	[tilespmem:s28], [sflag:$0x2] =	stream.indirect_vreg.gather [hbm4b:s5+s3], $0x80, v4, vm0, $0xb8;
	[tilespmem:$0x18180] =	vst v63  }
0xf9: {  	s11 =	simm.s32 $0xD180;
	v3 =	vadd.s32 v1, v3  }
0xfa: {  	[tilespmem:s11], [sflag:$0x2] =	stream.indirect_vreg.gather [hbm4b:s6+s3], $0x80, v4, vm0, $0xb8;
	[tilespmem:$0x18180] =	vst v63  }
0xfb: {  	s24 =	simm.s32 $0xD980  }
0xfc: {  	[tilespmem:s24], [sflag:$0x2] =	stream.indirect_vreg.gather [hbm4b:s7+s3], $0x80, v4, vm0, $0xb8;
	[tilespmem:$0x18180] =	vst v63  }
0xfd: {  	s28 =	simm.s32 $0xE180  }
0xfe: {  	[tilespmem:s28], [sflag:$0x2] =	stream.indirect_vreg.gather [hbm4b:s2+s3], $0x80, v3, vm0, $0xb8;
	[tilespmem:$0x18180] =	vst v63  }
0xff: {  	s29 =	simm.s32 $0xE980  }
0x100: {  	[tilespmem:s29], [sflag:$0x2] =	stream.indirect_vreg.gather [hbm4b:s5+s3], $0x80, v3, vm0, $0xb8;
	[tilespmem:$0x18180] =	vst v63  }
0x101: {  	s30 =	simm.s32 $0xF180  }
0x102: {  	[tilespmem:s30], [sflag:$0x2] =	stream.indirect_vreg.gather [hbm4b:s6+s3], $0x80, v3, vm0, $0xb8;
	[tilespmem:$0x18180] =	vst v63  }
0x103: {  	s17 =	simm.s32 $0xF980  }
0x104: {  	[tilespmem:s17], [sflag:$0x2] =	stream.indirect_vreg.gather [hbm4b:s7+s3], $0x80, v3, vm0, $0xb8;
	[tilespmem:$0x18180] =	vst v63  }
0x105: {  	_ =	swait.ge [sflag:s18], $0x8000  }
0x106: {  	[sflag:s18] =	ssyncset.done $0x0  }
0x107: {  	s1 =	simm.s32 $0x180;
	s0 =	rddreg [dreg:$0x6];
	[sflag:s18] =	ssyncadd.s32 $0xFFFF8000  }
0x108: {  	[hbm4b:s0+s3] =	stream.linear.scatter [tilespmem:s1], [sflag:$0x4], $0x8000, $0x38;
	[tilespmem:$0x18180] =	vst v63  }
0x109: {  	_ =	swait.ge [sflag:s16], $0x8000  }
0x10a: {  	[sflag:s16] =	ssyncset.done $0x0  }
0x10b: {  	[sflag:s16] =	ssyncadd.s32 $0xFFFF8000  }
0x10c: {  	v3 =	vld [tilespmem:$0xA0];
	_ =	sdelay $0x4  }
0x10d: {  	v50 =	vshll.u32 v3, $0x3  }
0x10e: {  	v3 =	vand.u32 $0x7, v3;
	v4 =	vand.u32 $0xFFFFFFC0, v50  }
0x10f: {  	v3 =	vor.u32 v3, v4  }
0x110: {  	v4 =	vperm.xlane v3, v0;
	_ =	sdelay $0x1  }
0x111: {  	v4 =	vadd.s32 v1, v4;
	_ =	sdelay $0x4  }
0x112: {  	[tilespmem:s10], [sflag:$0x3] =	stream.indirect_vreg.gather [hbm4b:s2+s3], $0x80, v4, vm0, $0xb8;
	[tilespmem:$0x18180] =	vst v63  }
0x113: {  	s17 =	simm.s32 $0x10980;
	v3 =	vperm.xlane v3, v2  }
0x114: {  	[tilespmem:s17], [sflag:$0x3] =	stream.indirect_vreg.gather [hbm4b:s5+s3], $0x80, v4, vm0, $0xb8;
	[tilespmem:$0x18180] =	vst v63  }
0x115: {  	v3 =	vadd.s32 v1, v3;
	s17 =	simm.s32 $0x11180  }
0x116: {  	[tilespmem:s17], [sflag:$0x3] =	stream.indirect_vreg.gather [hbm4b:s6+s3], $0x80, v4, vm0, $0xb8;
	[tilespmem:$0x18180] =	vst v63  }
0x117: {  	s17 =	simm.s32 $0x11980  }
0x118: {  	[tilespmem:s17], [sflag:$0x3] =	stream.indirect_vreg.gather [hbm4b:s7+s3], $0x80, v4, vm0, $0xb8;
	[tilespmem:$0x18180] =	vst v63  }
0x119: {  	s17 =	simm.s32 $0x12180  }
0x11a: {  	[tilespmem:s17], [sflag:$0x3] =	stream.indirect_vreg.gather [hbm4b:s2+s3], $0x80, v3, vm0, $0xb8;
	[tilespmem:$0x18180] =	vst v63  }
0x11b: {  	s17 =	simm.s32 $0x12980  }
0x11c: {  	[tilespmem:s17], [sflag:$0x3] =	stream.indirect_vreg.gather [hbm4b:s5+s3], $0x80, v3, vm0, $0xb8;
	[tilespmem:$0x18180] =	vst v63  }
0x11d: {  	s17 =	simm.s32 $0x13180  }
0x11e: {  	[tilespmem:s17], [sflag:$0x3] =	stream.indirect_vreg.gather [hbm4b:s6+s3], $0x80, v3, vm0, $0xb8;
	[tilespmem:$0x18180] =	vst v63  }
0x11f: {  	s17 =	simm.s32 $0x13980  }
0x120: {  	[tilespmem:s17], [sflag:$0x3] =	stream.indirect_vreg.gather [hbm4b:s7+s3], $0x80, v3, vm0, $0xb8;
	[tilespmem:$0x18180] =	vst v63  }
0x121: {  	v3 =	vld [tilespmem:$0xB0];
	_ =	sdelay $0x4  }
0x122: {  	v51 =	vshll.u32 v3, $0x3  }
0x123: {  	v3 =	vand.u32 $0x7, v3;
	v4 =	vand.u32 $0xFFFFFFC0, v51  }
0x124: {  	v3 =	vor.u32 v3, v4  }
0x125: {  	v4 =	vperm.xlane v3, v0;
	_ =	sdelay $0x1  }
0x126: {  	v4 =	vadd.s32 v1, v4;
	_ =	sdelay $0x3  }
0x127: {  	s17 =	simm.s32 $0x14180  }
0x128: {  	[tilespmem:s17], [sflag:$0x3] =	stream.indirect_vreg.gather [hbm4b:s2+s3], $0x80, v4, vm0, $0xb8;
	[tilespmem:$0x18180] =	vst v63  }
0x129: {  	v3 =	vperm.xlane v3, v2;
	s17 =	simm.s32 $0x14980  }
0x12a: {  	[tilespmem:s17], [sflag:$0x3] =	stream.indirect_vreg.gather [hbm4b:s5+s3], $0x80, v4, vm0, $0xb8;
	[tilespmem:$0x18180] =	vst v63  }
0x12b: {  	v3 =	vadd.s32 v1, v3;
	s17 =	simm.s32 $0x15180  }
0x12c: {  	[tilespmem:s17], [sflag:$0x3] =	stream.indirect_vreg.gather [hbm4b:s6+s3], $0x80, v4, vm0, $0xb8;
	[tilespmem:$0x18180] =	vst v63  }
0x12d: {  	s17 =	simm.s32 $0x15980  }
0x12e: {  	[tilespmem:s17], [sflag:$0x3] =	stream.indirect_vreg.gather [hbm4b:s7+s3], $0x80, v4, vm0, $0xb8;
	[tilespmem:$0x18180] =	vst v63  }
0x12f: {  	s17 =	simm.s32 $0x16180  }
0x130: {  	[tilespmem:s17], [sflag:$0x3] =	stream.indirect_vreg.gather [hbm4b:s2+s3], $0x80, v3, vm0, $0xb8;
	[tilespmem:$0x18180] =	vst v63  }
0x131: {  	s17 =	simm.s32 $0x16980  }
0x132: {  	[tilespmem:s17], [sflag:$0x3] =	stream.indirect_vreg.gather [hbm4b:s5+s3], $0x80, v3, vm0, $0xb8;
	[tilespmem:$0x18180] =	vst v63  }
0x133: {  	s17 =	simm.s32 $0x17180  }
0x134: {  	[tilespmem:s17], [sflag:$0x3] =	stream.indirect_vreg.gather [hbm4b:s6+s3], $0x80, v3, vm0, $0xb8;
	[tilespmem:$0x18180] =	vst v63  }
0x135: {  	s17 =	simm.s32 $0x17980  }
0x136: {  	[tilespmem:s17], [sflag:$0x3] =	stream.indirect_vreg.gather [hbm4b:s7+s3], $0x80, v3, vm0, $0xb8;
	[tilespmem:$0x18180] =	vst v63  }
0x137: {  	_ =	swait.ge [sflag:s12], $0x8000  }
0x138: {  	[sflag:s12] =	ssyncset.done $0x0  }
0x139: {  	s4 =	simm.s32 $0x8180;
	s1 =	rddreg [dreg:$0x7];
	[sflag:s12] =	ssyncadd.s32 $0xFFFF8000  }
0x13a: {  	[hbm4b:s1+s3] =	stream.linear.scatter [tilespmem:s4], [sflag:$0x5], $0x8000, $0x38;
	[tilespmem:$0x18180] =	vst v63  }
0x13b: {  	_ =	swait.ge [sflag:s13], $0x8000  }
0x13c: {  	[sflag:s13] =	ssyncset.done $0x0  }
0x13d: {  	[sflag:s13] =	ssyncadd.s32 $0xFFFF8000  }
0x13e: {  	v3 =	vld [tilespmem:$0xC0];
	_ =	sdelay $0x4  }
0x13f: {  	v52 =	vshll.u32 v3, $0x3  }
0x140: {  	v3 =	vand.u32 $0x7, v3;
	v4 =	vand.u32 $0xFFFFFFC0, v52  }
0x141: {  	v3 =	vor.u32 v3, v4  }
0x142: {  	v4 =	vperm.xlane v3, v0;
	_ =	sdelay $0x1  }
0x143: {  	v4 =	vadd.s32 v1, v4;
	_ =	sdelay $0x3  }
0x144: {  	s0 =	simm.s32 $0x180  }
0x145: {  	[tilespmem:s0], [sflag:$0x1] =	stream.indirect_vreg.gather [hbm4b:s2+s3], $0x80, v4, vm0, $0xb8;
	[tilespmem:$0x18180] =	vst v63  }
0x146: {  	s17 =	simm.s32 $0x980;
	v3 =	vperm.xlane v3, v2  }
0x147: {  	[tilespmem:s17], [sflag:$0x1] =	stream.indirect_vreg.gather [hbm4b:s5+s3], $0x80, v4, vm0, $0xb8;
	[tilespmem:$0x18180] =	vst v63  }
0x148: {  	s4 =	simm.s32 $0x1180;
	v3 =	vadd.s32 v1, v3  }
0x149: {  	[tilespmem:s4], [sflag:$0x1] =	stream.indirect_vreg.gather [hbm4b:s6+s3], $0x80, v4, vm0, $0xb8;
	[tilespmem:$0x18180] =	vst v63  }
0x14a: {  	s17 =	simm.s32 $0x1980  }
0x14b: {  	[tilespmem:s17], [sflag:$0x1] =	stream.indirect_vreg.gather [hbm4b:s7+s3], $0x80, v4, vm0, $0xb8;
	[tilespmem:$0x18180] =	vst v63  }
0x14c: {  	s4 =	simm.s32 $0x2180  }
0x14d: {  	[tilespmem:s4], [sflag:$0x1] =	stream.indirect_vreg.gather [hbm4b:s2+s3], $0x80, v3, vm0, $0xb8;
	[tilespmem:$0x18180] =	vst v63  }
0x14e: {  	s17 =	simm.s32 $0x2980  }
0x14f: {  	[tilespmem:s17], [sflag:$0x1] =	stream.indirect_vreg.gather [hbm4b:s5+s3], $0x80, v3, vm0, $0xb8;
	[tilespmem:$0x18180] =	vst v63  }
0x150: {  	s4 =	simm.s32 $0x3180  }
0x151: {  	[tilespmem:s4], [sflag:$0x1] =	stream.indirect_vreg.gather [hbm4b:s6+s3], $0x80, v3, vm0, $0xb8;
	[tilespmem:$0x18180] =	vst v63  }
0x152: {  	s17 =	simm.s32 $0x3980  }
0x153: {  	[tilespmem:s17], [sflag:$0x1] =	stream.indirect_vreg.gather [hbm4b:s7+s3], $0x80, v3, vm0, $0xb8;
	[tilespmem:$0x18180] =	vst v63  }
0x154: {  	v3 =	vld [tilespmem:$0xD0];
	_ =	sdelay $0x4  }
0x155: {  	v53 =	vshll.u32 v3, $0x3  }
0x156: {  	v3 =	vand.u32 $0x7, v3;
	v4 =	vand.u32 $0xFFFFFFC0, v53  }
0x157: {  	v3 =	vor.u32 v3, v4  }
0x158: {  	v4 =	vperm.xlane v3, v0;
	_ =	sdelay $0x1  }
0x159: {  	v4 =	vadd.s32 v1, v4;
	_ =	sdelay $0x3  }
0x15a: {  	s4 =	simm.s32 $0x4180  }
0x15b: {  	[tilespmem:s4], [sflag:$0x1] =	stream.indirect_vreg.gather [hbm4b:s2+s3], $0x80, v4, vm0, $0xb8;
	[tilespmem:$0x18180] =	vst v63  }
0x15c: {  	s17 =	simm.s32 $0x4980;
	v3 =	vperm.xlane v3, v2  }
0x15d: {  	[tilespmem:s17], [sflag:$0x1] =	stream.indirect_vreg.gather [hbm4b:s5+s3], $0x80, v4, vm0, $0xb8;
	[tilespmem:$0x18180] =	vst v63  }
0x15e: {  	v3 =	vadd.s32 v1, v3  }
0x15f: {  	[tilespmem:s31], [sflag:$0x1] =	stream.indirect_vreg.gather [hbm4b:s6+s3], $0x80, v4, vm0, $0xb8;
	[tilespmem:$0x18180] =	vst v63  }
0x160: {  	_ = 	snop  }
0x161: {  	[tilespmem:s21], [sflag:$0x1] =	stream.indirect_vreg.gather [hbm4b:s7+s3], $0x80, v4, vm0, $0xb8;
	[tilespmem:$0x18180] =	vst v63  }
0x162: {  	_ = 	snop  }
0x163: {  	[tilespmem:s22], [sflag:$0x1] =	stream.indirect_vreg.gather [hbm4b:s2+s3], $0x80, v3, vm0, $0xb8;
	[tilespmem:$0x18180] =	vst v63  }
0x164: {  	_ = 	snop  }
0x165: {  	[tilespmem:s23], [sflag:$0x1] =	stream.indirect_vreg.gather [hbm4b:s5+s3], $0x80, v3, vm0, $0xb8;
	[tilespmem:$0x18180] =	vst v63  }
0x166: {  	_ = 	snop  }
0x167: {  	[tilespmem:s25], [sflag:$0x1] =	stream.indirect_vreg.gather [hbm4b:s6+s3], $0x80, v3, vm0, $0xb8;
	[tilespmem:$0x18180] =	vst v63  }
0x168: {  	_ = 	snop  }
0x169: {  	[tilespmem:s20], [sflag:$0x1] =	stream.indirect_vreg.gather [hbm4b:s7+s3], $0x80, v3, vm0, $0xb8;
	[tilespmem:$0x18180] =	vst v63  }
0x16a: {  	_ =	swait.ge [sflag:s14], $0x8000  }
0x16b: {  	[sflag:s14] =	ssyncset.done $0x0  }
0x16c: {  	s4 =	rddreg [dreg:$0x8];
	[sflag:s14] =	ssyncadd.s32 $0xFFFF8000  }
0x16d: {  	[hbm4b:s4+s3] =	stream.linear.scatter [tilespmem:s10], [sflag:$0x6], $0x8000, $0x38;
	[tilespmem:$0x18180] =	vst v63  }
0x16e: {  	_ =	swait.ge [sflag:s15], $0x8000  }
0x16f: {  	[sflag:s15] =	ssyncset.done $0x0  }
0x170: {  	[sflag:s15] =	ssyncadd.s32 $0xFFFF8000  }
0x171: {  	v3 =	vld [tilespmem:$0xE0];
	_ =	sdelay $0x4  }
0x172: {  	v54 =	vshll.u32 v3, $0x3  }
0x173: {  	v3 =	vand.u32 $0x7, v3;
	v4 =	vand.u32 $0xFFFFFFC0, v54  }
0x174: {  	v3 =	vor.u32 v3, v4  }
0x175: {  	v4 =	vperm.xlane v3, v0;
	_ =	sdelay $0x1  }
0x176: {  	v4 =	vadd.s32 v1, v4;
	_ =	sdelay $0x3  }
0x177: {  	s1 =	simm.s32 $0x8180  }
0x178: {  	[tilespmem:s1], [sflag:$0x2] =	stream.indirect_vreg.gather [hbm4b:s2+s3], $0x80, v4, vm0, $0xb8;
	[tilespmem:$0x18180] =	vst v63  }
0x179: {  	s17 =	simm.s32 $0x8980;
	v3 =	vperm.xlane v3, v2  }
0x17a: {  	[tilespmem:s17], [sflag:$0x2] =	stream.indirect_vreg.gather [hbm4b:s5+s3], $0x80, v4, vm0, $0xb8;
	[tilespmem:$0x18180] =	vst v63  }
0x17b: {  	v3 =	vadd.s32 v1, v3  }
0x17c: {  	[tilespmem:s19], [sflag:$0x2] =	stream.indirect_vreg.gather [hbm4b:s6+s3], $0x80, v4, vm0, $0xb8;
	[tilespmem:$0x18180] =	vst v63  }
0x17d: {  	_ = 	snop  }
0x17e: {  	[tilespmem:s26], [sflag:$0x2] =	stream.indirect_vreg.gather [hbm4b:s7+s3], $0x80, v4, vm0, $0xb8;
	[tilespmem:$0x18180] =	vst v63  }
0x17f: {  	s23 =	simm.s32 $0xA180  }
0x180: {  	[tilespmem:s23], [sflag:$0x2] =	stream.indirect_vreg.gather [hbm4b:s2+s3], $0x80, v3, vm0, $0xb8;
	[tilespmem:$0x18180] =	vst v63  }
0x181: {  	_ = 	snop  }
0x182: {  	[tilespmem:s9], [sflag:$0x2] =	stream.indirect_vreg.gather [hbm4b:s5+s3], $0x80, v3, vm0, $0xb8;
	[tilespmem:$0x18180] =	vst v63  }
0x183: {  	s26 =	simm.s32 $0xB180  }
0x184: {  	[tilespmem:s26], [sflag:$0x2] =	stream.indirect_vreg.gather [hbm4b:s6+s3], $0x80, v3, vm0, $0xb8;
	[tilespmem:$0x18180] =	vst v63  }
0x185: {  	s1 =	simm.s32 $0xB980  }
0x186: {  	[tilespmem:s1], [sflag:$0x2] =	stream.indirect_vreg.gather [hbm4b:s7+s3], $0x80, v3, vm0, $0xb8;
	[tilespmem:$0x18180] =	vst v63  }
0x187: {  	v3 =	vld [tilespmem:$0xF0];
	_ =	sdelay $0x4  }
0x188: {  	v55 =	vshll.u32 v3, $0x3  }
0x189: {  	v3 =	vand.u32 $0x7, v3;
	v4 =	vand.u32 $0xFFFFFFC0, v55  }
0x18a: {  	v3 =	vor.u32 v3, v4  }
0x18b: {  	v4 =	vperm.xlane v3, v0;
	_ =	sdelay $0x1  }
0x18c: {  	v4 =	vadd.s32 v1, v4;
	_ =	sdelay $0x3  }
0x18d: {  	s4 =	simm.s32 $0xC180  }
0x18e: {  	[tilespmem:s4], [sflag:$0x2] =	stream.indirect_vreg.gather [hbm4b:s2+s3], $0x80, v4, vm0, $0xb8;
	[tilespmem:$0x18180] =	vst v63  }
0x18f: {  	s9 =	simm.s32 $0xC980;
	v3 =	vperm.xlane v3, v2  }
0x190: {  	[tilespmem:s9], [sflag:$0x2] =	stream.indirect_vreg.gather [hbm4b:s5+s3], $0x80, v4, vm0, $0xb8;
	[tilespmem:$0x18180] =	vst v63  }
0x191: {  	v3 =	vadd.s32 v1, v3  }
0x192: {  	[tilespmem:s11], [sflag:$0x2] =	stream.indirect_vreg.gather [hbm4b:s6+s3], $0x80, v4, vm0, $0xb8;
	[tilespmem:$0x18180] =	vst v63  }
0x193: {  	_ = 	snop  }
0x194: {  	[tilespmem:s24], [sflag:$0x2] =	stream.indirect_vreg.gather [hbm4b:s7+s3], $0x80, v4, vm0, $0xb8;
	[tilespmem:$0x18180] =	vst v63  }
0x195: {  	_ = 	snop  }
0x196: {  	[tilespmem:s28], [sflag:$0x2] =	stream.indirect_vreg.gather [hbm4b:s2+s3], $0x80, v3, vm0, $0xb8;
	[tilespmem:$0x18180] =	vst v63  }
0x197: {  	_ = 	snop  }
0x198: {  	[tilespmem:s29], [sflag:$0x2] =	stream.indirect_vreg.gather [hbm4b:s5+s3], $0x80, v3, vm0, $0xb8;
	[tilespmem:$0x18180] =	vst v63  }
0x199: {  	_ = 	snop  }
0x19a: {  	[tilespmem:s30], [sflag:$0x2] =	stream.indirect_vreg.gather [hbm4b:s6+s3], $0x80, v3, vm0, $0xb8;
	[tilespmem:$0x18180] =	vst v63  }
0x19b: {  	s17 =	simm.s32 $0xF980  }
0x19c: {  	[tilespmem:s17], [sflag:$0x2] =	stream.indirect_vreg.gather [hbm4b:s7+s3], $0x80, v3, vm0, $0xb8;
	[tilespmem:$0x18180] =	vst v63  }
0x19d: {  	_ =	swait.ge [sflag:s18], $0x8000  }
0x19e: {  	[sflag:s18] =	ssyncset.done $0x0  }
0x19f: {  	s1 =	simm.s32 $0x180;
	s26 =	rddreg [dreg:$0x9];
	[sflag:s18] =	ssyncadd.s32 $0xFFFF8000  }
0x1a0: {  	[hbm4b:s26+s3] =	stream.linear.scatter [tilespmem:s1], [sflag:$0x4], $0x8000, $0x38;
	[tilespmem:$0x18180] =	vst v63  }
0x1a1: {  	_ =	swait.ge [sflag:s16], $0x8000  }
0x1a2: {  	[sflag:s16] =	ssyncset.done $0x0  }
0x1a3: {  	[sflag:s16] =	ssyncadd.s32 $0xFFFF8000  }
0x1a4: {  	v3 =	vld [tilespmem:$0x100];
	_ =	sdelay $0x4  }
0x1a5: {  	v56 =	vshll.u32 v3, $0x3  }
0x1a6: {  	v3 =	vand.u32 $0x7, v3;
	v4 =	vand.u32 $0xFFFFFFC0, v56  }
0x1a7: {  	v3 =	vor.u32 v3, v4  }
0x1a8: {  	v4 =	vperm.xlane v3, v0;
	_ =	sdelay $0x1  }
0x1a9: {  	v4 =	vadd.s32 v1, v4;
	_ =	sdelay $0x4  }
0x1aa: {  	[tilespmem:s10], [sflag:$0x3] =	stream.indirect_vreg.gather [hbm4b:s2+s3], $0x80, v4, vm0, $0xb8;
	[tilespmem:$0x18180] =	vst v63  }
0x1ab: {  	s30 =	simm.s32 $0x10980;
	v3 =	vperm.xlane v3, v2  }
0x1ac: {  	[tilespmem:s30], [sflag:$0x3] =	stream.indirect_vreg.gather [hbm4b:s5+s3], $0x80, v4, vm0, $0xb8;
	[tilespmem:$0x18180] =	vst v63  }
0x1ad: {  	s26 =	simm.s32 $0x11180;
	v3 =	vadd.s32 v1, v3  }
0x1ae: {  	[tilespmem:s26], [sflag:$0x3] =	stream.indirect_vreg.gather [hbm4b:s6+s3], $0x80, v4, vm0, $0xb8;
	[tilespmem:$0x18180] =	vst v63  }
0x1af: {  	s30 =	simm.s32 $0x11980  }
0x1b0: {  	[tilespmem:s30], [sflag:$0x3] =	stream.indirect_vreg.gather [hbm4b:s7+s3], $0x80, v4, vm0, $0xb8;
	[tilespmem:$0x18180] =	vst v63  }
0x1b1: {  	s9 =	simm.s32 $0x12180  }
0x1b2: {  	[tilespmem:s9], [sflag:$0x3] =	stream.indirect_vreg.gather [hbm4b:s2+s3], $0x80, v3, vm0, $0xb8;
	[tilespmem:$0x18180] =	vst v63  }
0x1b3: {  	s4 =	simm.s32 $0x12980  }
0x1b4: {  	[tilespmem:s4], [sflag:$0x3] =	stream.indirect_vreg.gather [hbm4b:s5+s3], $0x80, v3, vm0, $0xb8;
	[tilespmem:$0x18180] =	vst v63  }
0x1b5: {  	s0 =	simm.s32 $0x13180  }
0x1b6: {  	[tilespmem:s0], [sflag:$0x3] =	stream.indirect_vreg.gather [hbm4b:s6+s3], $0x80, v3, vm0, $0xb8;
	[tilespmem:$0x18180] =	vst v63  }
0x1b7: {  	s0 =	simm.s32 $0x13980  }
0x1b8: {  	[tilespmem:s0], [sflag:$0x3] =	stream.indirect_vreg.gather [hbm4b:s7+s3], $0x80, v3, vm0, $0xb8;
	[tilespmem:$0x18180] =	vst v63  }
0x1b9: {  	v3 =	vld [tilespmem:$0x110];
	_ =	sdelay $0x4  }
0x1ba: {  	v57 =	vshll.u32 v3, $0x3  }
0x1bb: {  	v3 =	vand.u32 $0x7, v3;
	v4 =	vand.u32 $0xFFFFFFC0, v57  }
0x1bc: {  	v3 =	vor.u32 v3, v4  }
0x1bd: {  	v4 =	vperm.xlane v3, v0;
	_ =	sdelay $0x1  }
0x1be: {  	v4 =	vadd.s32 v1, v4;
	_ =	sdelay $0x3  }
0x1bf: {  	s0 =	simm.s32 $0x14180  }
0x1c0: {  	[tilespmem:s0], [sflag:$0x3] =	stream.indirect_vreg.gather [hbm4b:s2+s3], $0x80, v4, vm0, $0xb8;
	[tilespmem:$0x18180] =	vst v63  }
0x1c1: {  	v3 =	vperm.xlane v3, v2;
	s0 =	simm.s32 $0x14980  }
0x1c2: {  	[tilespmem:s0], [sflag:$0x3] =	stream.indirect_vreg.gather [hbm4b:s5+s3], $0x80, v4, vm0, $0xb8;
	[tilespmem:$0x18180] =	vst v63  }
0x1c3: {  	v3 =	vadd.s32 v1, v3;
	s0 =	simm.s32 $0x15180  }
0x1c4: {  	[tilespmem:s0], [sflag:$0x3] =	stream.indirect_vreg.gather [hbm4b:s6+s3], $0x80, v4, vm0, $0xb8;
	[tilespmem:$0x18180] =	vst v63  }
0x1c5: {  	s0 =	simm.s32 $0x15980  }
0x1c6: {  	[tilespmem:s0], [sflag:$0x3] =	stream.indirect_vreg.gather [hbm4b:s7+s3], $0x80, v4, vm0, $0xb8;
	[tilespmem:$0x18180] =	vst v63  }
0x1c7: {  	s0 =	simm.s32 $0x16180  }
0x1c8: {  	[tilespmem:s0], [sflag:$0x3] =	stream.indirect_vreg.gather [hbm4b:s2+s3], $0x80, v3, vm0, $0xb8;
	[tilespmem:$0x18180] =	vst v63  }
0x1c9: {  	s0 =	simm.s32 $0x16980  }
0x1ca: {  	[tilespmem:s0], [sflag:$0x3] =	stream.indirect_vreg.gather [hbm4b:s5+s3], $0x80, v3, vm0, $0xb8;
	[tilespmem:$0x18180] =	vst v63  }
0x1cb: {  	s0 =	simm.s32 $0x17180  }
0x1cc: {  	[tilespmem:s0], [sflag:$0x3] =	stream.indirect_vreg.gather [hbm4b:s6+s3], $0x80, v3, vm0, $0xb8;
	[tilespmem:$0x18180] =	vst v63  }
0x1cd: {  	s0 =	simm.s32 $0x17980  }
0x1ce: {  	[tilespmem:s0], [sflag:$0x3] =	stream.indirect_vreg.gather [hbm4b:s7+s3], $0x80, v3, vm0, $0xb8;
	[tilespmem:$0x18180] =	vst v63  }
0x1cf: {  	_ =	swait.ge [sflag:s12], $0x8000  }
0x1d0: {  	[sflag:s12] =	ssyncset.done $0x0  }
0x1d1: {  	s0 =	simm.s32 $0x8180;
	s17 =	rddreg [dreg:$0xa];
	[sflag:s12] =	ssyncadd.s32 $0xFFFF8000  }
0x1d2: {  	[hbm4b:s17+s3] =	stream.linear.scatter [tilespmem:s0], [sflag:$0x5], $0x8000, $0x38;
	[tilespmem:$0x18180] =	vst v63  }
0x1d3: {  	_ =	swait.ge [sflag:s13], $0x8000  }
0x1d4: {  	[sflag:s13] =	ssyncset.done $0x0  }
0x1d5: {  	[sflag:s13] =	ssyncadd.s32 $0xFFFF8000  }
0x1d6: {  	v3 =	vld [tilespmem:$0x120];
	_ =	sdelay $0x4  }
0x1d7: {  	v58 =	vshll.u32 v3, $0x3  }
0x1d8: {  	v3 =	vand.u32 $0x7, v3;
	v4 =	vand.u32 $0xFFFFFFC0, v58  }
0x1d9: {  	v3 =	vor.u32 v3, v4  }
0x1da: {  	v4 =	vperm.xlane v3, v0;
	_ =	sdelay $0x1  }
0x1db: {  	v4 =	vadd.s32 v1, v4;
	_ =	sdelay $0x4  }
0x1dc: {  	[tilespmem:s1], [sflag:$0x1] =	stream.indirect_vreg.gather [hbm4b:s2+s3], $0x80, v4, vm0, $0xb8;
	[tilespmem:$0x18180] =	vst v63  }
0x1dd: {  	s17 =	simm.s32 $0x980;
	v3 =	vperm.xlane v3, v2  }
0x1de: {  	[tilespmem:s17], [sflag:$0x1] =	stream.indirect_vreg.gather [hbm4b:s5+s3], $0x80, v4, vm0, $0xb8;
	[tilespmem:$0x18180] =	vst v63  }
0x1df: {  	v3 =	vadd.s32 v1, v3;
	s17 =	simm.s32 $0x1180  }
0x1e0: {  	[tilespmem:s17], [sflag:$0x1] =	stream.indirect_vreg.gather [hbm4b:s6+s3], $0x80, v4, vm0, $0xb8;
	[tilespmem:$0x18180] =	vst v63  }
0x1e1: {  	s17 =	simm.s32 $0x1980  }
0x1e2: {  	[tilespmem:s17], [sflag:$0x1] =	stream.indirect_vreg.gather [hbm4b:s7+s3], $0x80, v4, vm0, $0xb8;
	[tilespmem:$0x18180] =	vst v63  }
0x1e3: {  	s17 =	simm.s32 $0x2180  }
0x1e4: {  	[tilespmem:s17], [sflag:$0x1] =	stream.indirect_vreg.gather [hbm4b:s2+s3], $0x80, v3, vm0, $0xb8;
	[tilespmem:$0x18180] =	vst v63  }
0x1e5: {  	s17 =	simm.s32 $0x2980  }
0x1e6: {  	[tilespmem:s17], [sflag:$0x1] =	stream.indirect_vreg.gather [hbm4b:s5+s3], $0x80, v3, vm0, $0xb8;
	[tilespmem:$0x18180] =	vst v63  }
0x1e7: {  	s17 =	simm.s32 $0x3180  }
0x1e8: {  	[tilespmem:s17], [sflag:$0x1] =	stream.indirect_vreg.gather [hbm4b:s6+s3], $0x80, v3, vm0, $0xb8;
	[tilespmem:$0x18180] =	vst v63  }
0x1e9: {  	s17 =	simm.s32 $0x3980  }
0x1ea: {  	[tilespmem:s17], [sflag:$0x1] =	stream.indirect_vreg.gather [hbm4b:s7+s3], $0x80, v3, vm0, $0xb8;
	[tilespmem:$0x18180] =	vst v63  }
0x1eb: {  	v3 =	vld [tilespmem:$0x130];
	_ =	sdelay $0x4  }
0x1ec: {  	v59 =	vshll.u32 v3, $0x3  }
0x1ed: {  	v3 =	vand.u32 $0x7, v3;
	v4 =	vand.u32 $0xFFFFFFC0, v59  }
0x1ee: {  	v3 =	vor.u32 v3, v4  }
0x1ef: {  	v4 =	vperm.xlane v3, v0;
	_ =	sdelay $0x1  }
0x1f0: {  	v4 =	vadd.s32 v1, v4;
	_ =	sdelay $0x3  }
0x1f1: {  	s17 =	simm.s32 $0x4180  }
0x1f2: {  	[tilespmem:s17], [sflag:$0x1] =	stream.indirect_vreg.gather [hbm4b:s2+s3], $0x80, v4, vm0, $0xb8;
	[tilespmem:$0x18180] =	vst v63  }
0x1f3: {  	v3 =	vperm.xlane v3, v2;
	s17 =	simm.s32 $0x4980  }
0x1f4: {  	[tilespmem:s17], [sflag:$0x1] =	stream.indirect_vreg.gather [hbm4b:s5+s3], $0x80, v4, vm0, $0xb8;
	[tilespmem:$0x18180] =	vst v63  }
0x1f5: {  	s31 =	simm.s32 $0x5180;
	v3 =	vadd.s32 v1, v3  }
0x1f6: {  	[tilespmem:s31], [sflag:$0x1] =	stream.indirect_vreg.gather [hbm4b:s6+s3], $0x80, v4, vm0, $0xb8;
	[tilespmem:$0x18180] =	vst v63  }
0x1f7: {  	s21 =	simm.s32 $0x5980  }
0x1f8: {  	[tilespmem:s21], [sflag:$0x1] =	stream.indirect_vreg.gather [hbm4b:s7+s3], $0x80, v4, vm0, $0xb8;
	[tilespmem:$0x18180] =	vst v63  }
0x1f9: {  	s22 =	simm.s32 $0x6180  }
0x1fa: {  	[tilespmem:s22], [sflag:$0x1] =	stream.indirect_vreg.gather [hbm4b:s2+s3], $0x80, v3, vm0, $0xb8;
	[tilespmem:$0x18180] =	vst v63  }
0x1fb: {  	s31 =	simm.s32 $0x6980  }
0x1fc: {  	[tilespmem:s31], [sflag:$0x1] =	stream.indirect_vreg.gather [hbm4b:s5+s3], $0x80, v3, vm0, $0xb8;
	[tilespmem:$0x18180] =	vst v63  }
0x1fd: {  	s25 =	simm.s32 $0x7180  }
0x1fe: {  	[tilespmem:s25], [sflag:$0x1] =	stream.indirect_vreg.gather [hbm4b:s6+s3], $0x80, v3, vm0, $0xb8;
	[tilespmem:$0x18180] =	vst v63  }
0x1ff: {  	s20 =	simm.s32 $0x7980  }
0x200: {  	[tilespmem:s20], [sflag:$0x1] =	stream.indirect_vreg.gather [hbm4b:s7+s3], $0x80, v3, vm0, $0xb8;
	[tilespmem:$0x18180] =	vst v63  }
0x201: {  	_ =	swait.ge [sflag:s14], $0x8000  }
0x202: {  	[sflag:s14] =	ssyncset.done $0x0  }
0x203: {  	s21 =	rddreg [dreg:$0xb];
	[sflag:s14] =	ssyncadd.s32 $0xFFFF8000  }
0x204: {  	[hbm4b:s21+s3] =	stream.linear.scatter [tilespmem:s10], [sflag:$0x6], $0x8000, $0x38;
	[tilespmem:$0x18180] =	vst v63  }
0x205: {  	_ =	swait.ge [sflag:s15], $0x8000  }
0x206: {  	[sflag:s15] =	ssyncset.done $0x0  }
0x207: {  	[sflag:s15] =	ssyncadd.s32 $0xFFFF8000  }
0x208: {  	v3 =	vld [tilespmem:$0x140];
	_ =	sdelay $0x4  }
0x209: {  	v60 =	vshll.u32 v3, $0x3  }
0x20a: {  	v3 =	vand.u32 $0x7, v3;
	v4 =	vand.u32 $0xFFFFFFC0, v60  }
0x20b: {  	v3 =	vor.u32 v3, v4  }
0x20c: {  	v4 =	vperm.xlane v3, v0;
	_ =	sdelay $0x1  }
0x20d: {  	v4 =	vadd.s32 v1, v4;
	_ =	sdelay $0x4  }
0x20e: {  	[tilespmem:s0], [sflag:$0x2] =	stream.indirect_vreg.gather [hbm4b:s2+s3], $0x80, v4, vm0, $0xb8;
	[tilespmem:$0x18180] =	vst v63  }
0x20f: {  	s22 =	simm.s32 $0x8980;
	v3 =	vperm.xlane v3, v2  }
0x210: {  	[tilespmem:s22], [sflag:$0x2] =	stream.indirect_vreg.gather [hbm4b:s5+s3], $0x80, v4, vm0, $0xb8;
	[tilespmem:$0x18180] =	vst v63  }
0x211: {  	s19 =	simm.s32 $0x9180;
	v3 =	vadd.s32 v1, v3  }
0x212: {  	[tilespmem:s19], [sflag:$0x2] =	stream.indirect_vreg.gather [hbm4b:s6+s3], $0x80, v4, vm0, $0xb8;
	[tilespmem:$0x18180] =	vst v63  }
0x213: {  	s25 =	simm.s32 $0x9980  }
0x214: {  	[tilespmem:s25], [sflag:$0x2] =	stream.indirect_vreg.gather [hbm4b:s7+s3], $0x80, v4, vm0, $0xb8;
	[tilespmem:$0x18180] =	vst v63  }
0x215: {  	s31 =	simm.s32 $0xA180  }
0x216: {  	[tilespmem:s31], [sflag:$0x2] =	stream.indirect_vreg.gather [hbm4b:s2+s3], $0x80, v3, vm0, $0xb8;
	[tilespmem:$0x18180] =	vst v63  }
0x217: {  	s17 =	simm.s32 $0xA980  }
0x218: {  	[tilespmem:s17], [sflag:$0x2] =	stream.indirect_vreg.gather [hbm4b:s5+s3], $0x80, v3, vm0, $0xb8;
	[tilespmem:$0x18180] =	vst v63  }
0x219: {  	s19 =	simm.s32 $0xB180  }
0x21a: {  	[tilespmem:s19], [sflag:$0x2] =	stream.indirect_vreg.gather [hbm4b:s6+s3], $0x80, v3, vm0, $0xb8;
	[tilespmem:$0x18180] =	vst v63  }
0x21b: {  	s21 =	simm.s32 $0xB980  }
0x21c: {  	[tilespmem:s21], [sflag:$0x2] =	stream.indirect_vreg.gather [hbm4b:s7+s3], $0x80, v3, vm0, $0xb8;
	[tilespmem:$0x18180] =	vst v63  }
0x21d: {  	v3 =	vld [tilespmem:$0x150];
	_ =	sdelay $0x4  }
0x21e: {  	v61 =	vshll.u32 v3, $0x3  }
0x21f: {  	v3 =	vand.u32 $0x7, v3;
	v4 =	vand.u32 $0xFFFFFFC0, v61  }
0x220: {  	v3 =	vor.u32 v3, v4  }
0x221: {  	v4 =	vperm.xlane v3, v0;
	_ =	sdelay $0x1  }
0x222: {  	v4 =	vadd.s32 v1, v4;
	_ =	sdelay $0x3  }
0x223: {  	s22 =	simm.s32 $0xC180  }
0x224: {  	[tilespmem:s22], [sflag:$0x2] =	stream.indirect_vreg.gather [hbm4b:s2+s3], $0x80, v4, vm0, $0xb8;
	[tilespmem:$0x18180] =	vst v63  }
0x225: {  	s25 =	simm.s32 $0xC980;
	v3 =	vperm.xlane v3, v2  }
0x226: {  	[tilespmem:s25], [sflag:$0x2] =	stream.indirect_vreg.gather [hbm4b:s5+s3], $0x80, v4, vm0, $0xb8;
	[tilespmem:$0x18180] =	vst v63  }
0x227: {  	s11 =	simm.s32 $0xD180;
	v3 =	vadd.s32 v1, v3  }
0x228: {  	[tilespmem:s11], [sflag:$0x2] =	stream.indirect_vreg.gather [hbm4b:s6+s3], $0x80, v4, vm0, $0xb8;
	[tilespmem:$0x18180] =	vst v63  }
0x229: {  	s24 =	simm.s32 $0xD980  }
0x22a: {  	[tilespmem:s24], [sflag:$0x2] =	stream.indirect_vreg.gather [hbm4b:s7+s3], $0x80, v4, vm0, $0xb8;
	[tilespmem:$0x18180] =	vst v63  }
0x22b: {  	s23 =	simm.s32 $0xE180  }
0x22c: {  	[tilespmem:s23], [sflag:$0x2] =	stream.indirect_vreg.gather [hbm4b:s2+s3], $0x80, v3, vm0, $0xb8;
	[tilespmem:$0x18180] =	vst v63  }
0x22d: {  	s28 =	simm.s32 $0xE980  }
0x22e: {  	[tilespmem:s28], [sflag:$0x2] =	stream.indirect_vreg.gather [hbm4b:s5+s3], $0x80, v3, vm0, $0xb8;
	[tilespmem:$0x18180] =	vst v63  }
0x22f: {  	s29 =	simm.s32 $0xF180  }
0x230: {  	[tilespmem:s29], [sflag:$0x2] =	stream.indirect_vreg.gather [hbm4b:s6+s3], $0x80, v3, vm0, $0xb8;
	[tilespmem:$0x18180] =	vst v63  }
0x231: {  	s31 =	simm.s32 $0xF980  }
0x232: {  	[tilespmem:s31], [sflag:$0x2] =	stream.indirect_vreg.gather [hbm4b:s7+s3], $0x80, v3, vm0, $0xb8;
	[tilespmem:$0x18180] =	vst v63  }
0x233: {  	_ =	swait.ge [sflag:s18], $0x8000  }
0x234: {  	[sflag:s18] =	ssyncset.done $0x0  }
0x235: {  	s1 =	simm.s32 $0x180;
	s0 =	rddreg [dreg:$0xc];
	[sflag:s18] =	ssyncadd.s32 $0xFFFF8000  }
0x236: {  	[hbm4b:s0+s3] =	stream.linear.scatter [tilespmem:s1], [sflag:$0x4], $0x8000, $0x38;
	[tilespmem:$0x18180] =	vst v63  }
0x237: {  	_ =	swait.ge [sflag:s16], $0x8000  }
0x238: {  	[sflag:s16] =	ssyncset.done $0x0  }
0x239: {  	[sflag:s16] =	ssyncadd.s32 $0xFFFF8000  }
0x23a: {  	v3 =	vld [tilespmem:$0x160];
	_ =	sdelay $0x4  }
0x23b: {  	v62 =	vshll.u32 v3, $0x3  }
0x23c: {  	v3 =	vand.u32 $0x7, v3;
	v4 =	vand.u32 $0xFFFFFFC0, v62  }
0x23d: {  	v3 =	vor.u32 v3, v4  }
0x23e: {  	v4 =	vperm.xlane v3, v0;
	_ =	sdelay $0x1  }
0x23f: {  	v4 =	vadd.s32 v1, v4;
	_ =	sdelay $0x4  }
0x240: {  	[tilespmem:s10], [sflag:$0x3] =	stream.indirect_vreg.gather [hbm4b:s2+s3], $0x80, v4, vm0, $0xb8;
	[tilespmem:$0x18180] =	vst v63  }
0x241: {  	s11 =	simm.s32 $0x10980;
	v3 =	vperm.xlane v3, v2  }
0x242: {  	[tilespmem:s11], [sflag:$0x3] =	stream.indirect_vreg.gather [hbm4b:s5+s3], $0x80, v4, vm0, $0xb8;
	[tilespmem:$0x18180] =	vst v63  }
0x243: {  	v3 =	vadd.s32 v1, v3  }
0x244: {  	[tilespmem:s26], [sflag:$0x3] =	stream.indirect_vreg.gather [hbm4b:s6+s3], $0x80, v4, vm0, $0xb8;
	[tilespmem:$0x18180] =	vst v63  }
0x245: {  	_ = 	snop  }
0x246: {  	[tilespmem:s30], [sflag:$0x3] =	stream.indirect_vreg.gather [hbm4b:s7+s3], $0x80, v4, vm0, $0xb8;
	[tilespmem:$0x18180] =	vst v63  }
0x247: {  	_ = 	snop  }
0x248: {  	[tilespmem:s9], [sflag:$0x3] =	stream.indirect_vreg.gather [hbm4b:s2+s3], $0x80, v3, vm0, $0xb8;
	[tilespmem:$0x18180] =	vst v63  }
0x249: {  	_ = 	snop  }
0x24a: {  	[tilespmem:s4], [sflag:$0x3] =	stream.indirect_vreg.gather [hbm4b:s5+s3], $0x80, v3, vm0, $0xb8;
	[tilespmem:$0x18180] =	vst v63  }
0x24b: {  	s17 =	simm.s32 $0x13180  }
0x24c: {  	[tilespmem:s17], [sflag:$0x3] =	stream.indirect_vreg.gather [hbm4b:s6+s3], $0x80, v3, vm0, $0xb8;
	[tilespmem:$0x18180] =	vst v63  }
0x24d: {  	s19 =	simm.s32 $0x13980  }
0x24e: {  	[tilespmem:s19], [sflag:$0x3] =	stream.indirect_vreg.gather [hbm4b:s7+s3], $0x80, v3, vm0, $0xb8;
	[tilespmem:$0x18180] =	vst v63  }
0x24f: {  	v3 =	vld [tilespmem:$0x170];
	_ =	sdelay $0x4  }
0x250: {  	v63 =	vshll.u32 v3, $0x3  }
0x251: {  	v3 =	vand.u32 $0x7, v3;
	v4 =	vand.u32 $0xFFFFFFC0, v63  }
0x252: {  	v3 =	vor.u32 v3, v4  }
0x253: {  	v4 =	vperm.xlane v3, v0;
	_ =	sdelay $0x1  }
0x254: {  	v4 =	vadd.s32 v1, v4;
	_ =	sdelay $0x3  }
0x255: {  	s21 =	simm.s32 $0x14180  }
0x256: {  	[tilespmem:s21], [sflag:$0x3] =	stream.indirect_vreg.gather [hbm4b:s2+s3], $0x80, v4, vm0, $0xb8;
	[tilespmem:$0x18180] =	vst v63  }
0x257: {  	s22 =	simm.s32 $0x14980;
	v3 =	vperm.xlane v3, v2  }
0x258: {  	[tilespmem:s22], [sflag:$0x3] =	stream.indirect_vreg.gather [hbm4b:s5+s3], $0x80, v4, vm0, $0xb8;
	[tilespmem:$0x18180] =	vst v63  }
0x259: {  	s23 =	simm.s32 $0x15180;
	v3 =	vadd.s32 v1, v3  }
0x25a: {  	[tilespmem:s23], [sflag:$0x3] =	stream.indirect_vreg.gather [hbm4b:s6+s3], $0x80, v4, vm0, $0xb8;
	[tilespmem:$0x18180] =	vst v63  }
0x25b: {  	s24 =	simm.s32 $0x15980  }
0x25c: {  	[tilespmem:s24], [sflag:$0x3] =	stream.indirect_vreg.gather [hbm4b:s7+s3], $0x80, v4, vm0, $0xb8;
	[tilespmem:$0x18180] =	vst v63  }
0x25d: {  	s25 =	simm.s32 $0x16180  }
0x25e: {  	[tilespmem:s25], [sflag:$0x3] =	stream.indirect_vreg.gather [hbm4b:s2+s3], $0x80, v3, vm0, $0xb8;
	[tilespmem:$0x18180] =	vst v63  }
0x25f: {  	s26 =	simm.s32 $0x16980  }
0x260: {  	[tilespmem:s26], [sflag:$0x3] =	stream.indirect_vreg.gather [hbm4b:s5+s3], $0x80, v3, vm0, $0xb8;
	[tilespmem:$0x18180] =	vst v63  }
0x261: {  	s28 =	simm.s32 $0x17180  }
0x262: {  	[tilespmem:s28], [sflag:$0x3] =	stream.indirect_vreg.gather [hbm4b:s6+s3], $0x80, v3, vm0, $0xb8;
	[tilespmem:$0x18180] =	vst v63  }
0x263: {  	s29 =	simm.s32 $0x17980  }
0x264: {  	[tilespmem:s29], [sflag:$0x3] =	stream.indirect_vreg.gather [hbm4b:s7+s3], $0x80, v3, vm0, $0xb8;
	[tilespmem:$0x18180] =	vst v63  }
0x265: {  	_ =	swait.ge [sflag:s12], $0x8000  }
0x266: {  	[sflag:s12] =	ssyncset.done $0x0  }
0x267: {  	s20 =	simm.s32 $0x8180;
	s30 =	rddreg [dreg:$0xd];
	[sflag:s12] =	ssyncadd.s32 $0xFFFF8000  }
0x268: {  	[hbm4b:s30+s3] =	stream.linear.scatter [tilespmem:s20], [sflag:$0x5], $0x8000, $0x38;
	[tilespmem:$0x18180] =	vst v63  }
0x269: {  	_ =	swait.ge [sflag:s14], $0x8000  }
0x26a: {  	[sflag:s14] =	ssyncset.done $0x0  }
0x26b: {  	s31 =	rddreg [dreg:$0xe];
	[sflag:s14] =	ssyncadd.s32 $0xFFFF8000  }
0x26c: {  	[hbm4b:s31+s3] =	stream.linear.scatter [tilespmem:s10], [sflag:$0x6], $0x8000, $0x38;
	[tilespmem:$0x18180] =	vst v63  }
0x26d: {  	_ =	swait.ge [sflag:s13], $0x8000  }
0x26e: {  	[sflag:s13] =	ssyncset.done $0x0  }
0x26f: {  	[sflag:s13] =	ssyncadd.s32 $0xFFFF8000  }
0x270: {  	p0 =	sne.s32 s8, $0x1;
	_ =	swait.ge [sflag:s15], $0x8000  }
.Ltmp0:
0x271: {  	[sflag:s15] =	ssyncset.done $0x0;
	(pc) =	sbr.rel @p0 .LBB2_1-.Ltmp0, $4  }
0x272: {  	[sflag:s15] =	ssyncadd.s32 $0xFFFF8000  }
0x273: {  	_ =	swait.ge [sflag:s16], $0x8000  }
0x274: {  	[sflag:s16] =	ssyncset.done $0x0  }
0x275: {  	s8 =	sadd.s32 $0xFFFFFFFF, s8;
	[sflag:s16] =	ssyncadd.s32 $0xFFFF8000  }
0x276: {  	_ =	sfence.sel $0x180000  }
0x277: {  	[bflag:$0x0] =	sbarrier.arrive $0xFFFF  }
0x278: {  	_ =	strace $0x9000004A  }
0x279: {  	s0 =	stileid.u32;
	[bflag:$0x2] =	sbarrier.arrive $0xFFFF  }
0x27a: {  	p0 =	sne.s32 s0, $0x0;
	s0 =	rddreg [dreg:$0x2]  }
0x27b: {  	s0 =	sadd.s32 @!p0 $0x100000, s0  }
0x27c: {  	[sflag:s0] =	ssyncadd.tile.s32 @!p0 $0x1;
	_ =	shalt  }
.Lfunc_end2:
_tile_overlayer_lowered:
.L_overlay_start_2:
0x27d: {  	(tag) =	ssettag $0x2  }
0x27e: {  	s0 =	rddreg [dreg:$0x0];
	s2 =	stileid.u32  }
0x27f: {  	s1 =	rddreg [dreg:$0x1];
	p0 =	sne.s32 s2, $0x0  }
0x280: {  	s3 =	rddreg [dreg:$0x2];
	[bflag:$0x3] =	sbarrier.arrive $0xFFFF;
	s2 =	simm.s32 @!p0 $0x1C07  }
0x281: {  	[timem:s3], [sflag:s2] =	dma.local @!p0 [hbm:s0], s1  }
0x282: {  	s0 =	simm.s32 @!p0 $0x7  }
0x283: {  	_ =	swait.ge @!p0 [sflag:s0], s1  }
0x284: {  	s1 =	ssub.s32 @!p0 $0x0, s1;
	[sflag:s0] =	ssyncset.done @!p0 $0x0  }
0x285: {  	[sflag:s0] =	ssyncadd.s32 @!p0 s1  }
0x286: {  	[bflag:$0x3] =	sbarrier.arrive $0xFFFF  }
0x287: {  	_ =	shalt  }

// kernel: kernel.16.cloned.1.call-start
scs
__scs_entry_jumppad:
0x0: {  	(pc) =	sbr.rel $0x88, $3  }
0x1: {  	(tag) =	ssettag $0x0;
	lr =	simm.s32 $0x1  }
0x2: {  	[smem:$0x3F9A] =	sst lr;
	_ =	strace $0xD0000000  }
0x3: {  	_ = 	snop  }
0x4: {  	_ = 	snop  }
0x5: {  	_ = 	snop  }
0x6: {  	_ = 	snop  }
0x7: {  	_ = 	snop  }
__scs_overlays_trampoline_lowered:
0x8: {  	[smem:$0x3FA9] =	sst s0  }
0x9: {  	[smem:$0x3FAA] =	sst s1  }
0xa: {  	[smem:$0x3FAB] =	sst s2  }
0xb: {  	[smem:$0x3FAC] =	sst s3  }
0xc: {  	[smem:$0x3FAD] =	sst s4  }
0xd: {  	[smem:$0x3FAE] =	sst s5  }
0xe: {  	[smem:$0x3FAF] =	sst s6  }
0xf: {  	[smem:$0x3FB0] =	sst s7  }
0x10: {  	[smem:$0x3FB1] =	sst s8  }
0x11: {  	[smem:$0x3FB2] =	sst s9;
	s0 =	simm.s32 @!p0 $0x0  }
0x12: {  	s1 =	sld [smem:$0x3F98];
	s0 =	simm.s32 @p0 $0x1  }
0x13: {  	[smem:$0x3FB3] =	sst s0;
	s0 =	simm.s32 @!p1 $0x0  }
0x14: {  	s2 =	sld [smem:$0x3F97];
	s0 =	simm.s32 @p1 $0x1  }
0x15: {  	[smem:$0x3FB4] =	sst s0;
	s0 =	simm.s32 @!p2 $0x0  }
0x16: {  	s3 =	sld [smem:$0x3FDB];
	s0 =	simm.s32 @p2 $0x1  }
0x17: {  	s4 =	simm.s32 $0x1BF5;
	[smem:$0x3FB6] =	sst s0  }
0x18: {  	s0 =	sld [smem:$0x3F99];
	_ =	swait.ge [sflag:s4], $0x0  }
0x19: {  	s7 =	sld [smem:$0x3F9A]  }
0x1a: {  	s8 =	sadd.s32 $0xFFFFE003, lr  }
0x1b: {  	s9 =	sadd.s32 $0xFFFFFEF7, lr;
	s5 =	simm.s32 $0xFFFFFFFF;
	p2 =	slt.u32 s8, $0xFFFFF086  }
0x1c: {  	p1 =	slt.u32 s9, $0xF7A;
	s5 =	simm.s32 @!p2 $0x0  }
0x1d: {  	s5 =	simm.s32 @p1 $0x1;
	p0 =	seq.s32 s7, s2  }
0x1e: {  	s7 =	smul.u32 @!p0 $0xF7A, s2;
	p2 =	seq.s32 @!p0 s5, $0x0  }
0x1f: {  	s9 =	smul.u32 $0xF7A, s1;
	s8 =	simm.s32 @!p0 $0x1BF5;
	p2 =	por !p2, p0  }
0x20: {  	[sflag:s8] =	ssyncset.s32 @!p0 $0xFFFFF086;
	s6 =	sadd.s32 @!p0 s3, s7;
	s7 =	simm.s32 @!p0 $0x108  }
0x21: {  	s3 =	sadd.s32 s3, s9;
	s6 =	sadd.s32 @!p0 $0x88, s6;
	s7 =	simm.s32 @p2 $0x1082  }
0x22: {  	[simem:s7], [sflag:s8] =	dma.local @!p0 [hbm:s6], $0xF7A  }
0x23: {  	s9 =	sor.u32 $0xD0000000, s2;
	s6 =	simm.s32 $0x108;
	_ =	swait.ge @!p0 [sflag:s8], $0x0  }
0x24: {  	s3 =	sadd.s32 $0x88, s3;
	s6 =	simm.s32 @!p1 $0x1082;
	[sflag:s4] =	ssyncset.s32 $0xFFFFF086  }
0x25: {  	[simem:s6], [sflag:s4] =	dma.local [hbm:s3], $0xF7A  }
0x26: {  	[smem:$0x3F9A] =	sst s1;
	(tag) =	ssettag s2;
	_ =	strace s9  }
0x27: {  	s1 =	sld [smem:$0x3FAA]  }
0x28: {  	s2 =	sld [smem:$0x3FAB]  }
0x29: {  	s4 =	sld [smem:$0x3FAD]  }
0x2a: {  	p0 =	seq.s32 s5, $0x0;
	s5 =	sld [smem:$0x3FAE]  }
0x2b: {  	s6 =	sld [smem:$0x3FAF]  }
0x2c: {  	s7 =	sld [smem:$0x3FB0]  }
0x2d: {  	s3 =	simm.s32 $0x108;
	s8 =	sld [smem:$0x3FB1]  }
0x2e: {  	s3 =	simm.s32 @!p0 $0x1082;
	s9 =	sld [smem:$0x3FB2]  }
0x2f: {  	lr =	sadd.s32 s0, s3;
	s0 =	sld [smem:$0x3FA9]  }
0x30: {  	s3 =	sld [smem:$0x3FAC]  }
0x31: {  	[smem:$0x3FB5] =	sst s10  }
0x32: {  	s10 =	sld [smem:$0x3FB3];
	_ =	sdelay $0x3  }
0x33: {  	p0 =	seq.s32 s10, $0x1;
	s10 =	sld [smem:$0x3FB5];
	_ =	sdelay $0x3  }
0x34: {  	[smem:$0x3FB5] =	sst s10  }
0x35: {  	s10 =	sld [smem:$0x3FB4];
	_ =	sdelay $0x3  }
0x36: {  	p1 =	seq.s32 s10, $0x1;
	s10 =	sld [smem:$0x3FB5];
	_ =	sdelay $0x3  }
0x37: {  	[smem:$0x3FB5] =	sst s10  }
0x38: {  	s10 =	sld [smem:$0x3FB6]  }
0x39: {  	_ = 	snop;
	(pc) =	sbr.ind lr, $3  }
0x3a: {  	_ = 	snop  }
0x3b: {  	_ = 	snop  }
0x3c: {  	p2 =	seq.s32 s10, $0x1;
	s10 =	sld [smem:$0x3FB5]  }
0x3d: {  	_ =	shalt  }
0x3e: {  	_ =	shalt  }
0x3f: {  	_ =	shalt  }
0x40: {  	_ =	shalt  }
0x41: {  	_ =	shalt  }
0x42: {  	_ =	shalt  }
0x43: {  	_ =	shalt  }
0x44: {  	_ =	shalt  }
0x45: {  	_ =	shalt  }
0x46: {  	_ =	shalt  }
0x47: {  	_ =	shalt  }
0x48: {  	_ =	shalt  }
0x49: {  	_ =	shalt  }
0x4a: {  	_ =	shalt  }
0x4b: {  	_ =	shalt  }
0x4c: {  	_ =	shalt  }
0x4d: {  	_ =	shalt  }
0x4e: {  	_ =	shalt  }
0x4f: {  	_ =	shalt  }
0x50: {  	_ =	shalt  }
0x51: {  	_ =	shalt  }
0x52: {  	_ =	shalt  }
0x53: {  	_ =	shalt  }
0x54: {  	_ =	shalt  }
0x55: {  	_ =	shalt  }
0x56: {  	_ =	shalt  }
0x57: {  	_ =	shalt  }
0x58: {  	_ =	shalt  }
0x59: {  	_ =	shalt  }
0x5a: {  	_ =	shalt  }
0x5b: {  	_ =	shalt  }
0x5c: {  	_ =	shalt  }
0x5d: {  	_ =	shalt  }
0x5e: {  	_ =	shalt  }
0x5f: {  	_ =	shalt  }
0x60: {  	_ =	shalt  }
0x61: {  	_ =	shalt  }
0x62: {  	_ =	shalt  }
0x63: {  	_ =	shalt  }
0x64: {  	_ =	shalt  }
0x65: {  	_ =	shalt  }
0x66: {  	_ =	shalt  }
0x67: {  	_ =	shalt  }
0x68: {  	_ =	shalt  }
0x69: {  	_ =	shalt  }
0x6a: {  	_ =	shalt  }
0x6b: {  	_ =	shalt  }
0x6c: {  	_ =	shalt  }
0x6d: {  	_ =	shalt  }
0x6e: {  	_ =	shalt  }
0x6f: {  	_ =	shalt  }
0x70: {  	_ =	shalt  }
0x71: {  	_ =	shalt  }
0x72: {  	_ =	shalt  }
0x73: {  	_ =	shalt  }
0x74: {  	_ =	shalt  }
0x75: {  	_ =	shalt  }
0x76: {  	_ =	shalt  }
0x77: {  	_ =	shalt  }
0x78: {  	_ =	shalt  }
0x79: {  	_ =	shalt  }
0x7a: {  	_ =	shalt  }
0x7b: {  	_ =	shalt  }
0x7c: {  	_ =	shalt  }
0x7d: {  	_ =	shalt  }
0x7e: {  	_ =	shalt  }
0x7f: {  	_ =	shalt  }
0x80: {  	_ =	shalt  }
0x81: {  	_ =	shalt  }
0x82: {  	_ =	shalt  }
0x83: {  	_ =	shalt  }
0x84: {  	_ =	shalt  }
0x85: {  	_ =	shalt  }
0x86: {  	_ =	shalt  }
0x87: {  	_ =	shalt  }
.Lfunc_end0:
.L_simem_size_0:
called_computation.2_lowered:
.L_overlay_start_0:
0x88: {  	s2 =	sld [smem:$0x3FD9]  }
0x89: {  	s3 =	sld [smem:$0x3FFE];
	_ =	sdelay $0x1  }
0x8a: {  	s1 =	srdreg.scid  }
0x8b: {  	s0 =	sand.u32 $0x1, s1  }
0x8c: {  	s17 =	sshll.u32 s0, $0xA;
	s2 =	sadd.s32 s3, s2  }
0x8d: {  	s2 =	sadd.s32 s2, s17  }
0x8e: {  	[smem:$0x3FC1] =	sst s2  }
0x8f: {  	_ = 	snop  }
0x90: {  	s18 =	sld [smem:$0x3FC6];
	(tm) =	ssettm $0x1  }
0x91: {  	s19 =	sld [smem:$0x3FFB];
	_ =	sdelay $0x3  }
0x92: {  	_ =	strace s19  }
0x93: {  	s2 =	sld [smem:$0x3FFC];
	_ =	sdelay $0x3  }
0x94: {  	_ =	strace s2  }
0x95: {  	s2 =	sld [smem:$0x3FFD];
	_ =	sdelay $0x3  }
0x96: {  	_ =	strace s2  }
0x97: {  	_ =	strace $0x8FFFFFFF  }
0x98: {  	s20 =	sld [smem:$0x3FDB];
	_ =	sdelay $0x1  }
0x99: {  	s4 =	simm.s32 $_scs_section_size  }
0x9a: {  	s5 =	simm.s32 $_size__tile_overlayer_lowered;
	s6 =	simm.s32 $_tile_overlayer_lowered  }
0x9b: {  	s7 =	simm.s32 $0x1BFF;
	s21 =	sshll.u32 s6, $0x1;
	s4 =	sadd.s32 s4, s20  }
0x9c: {  	s22 =	simm.s32 $0x0;
	s5 =	sshll.u32 s5, $0x1;
	s6 =	sadd.s32 s21, s4  }
0x9d: {  	[timem:s22], [sflag:s7] =	dma.local [hbm:s6], s5  }
0x9e: {  	_ =	swait.ge [sflag:s7], s5  }
0x9f: {  	s5 =	ssub.s32 $0x0, s5;
	[sflag:s7] =	ssyncset.done $0x0  }
0xa0: {  	[sflag:s7] =	ssyncadd.s32 s5;
	_ =	sdelay $0x1  }
0xa1: {  	s23 =	simm.s32 $0x1B8B  }
0xa2: {  	_ =	swait.ge [sflag:s23], $0x1  }
0xa3: {  	[sflag:s23] =	ssyncset.done $0x0  }
0xa4: {  	[sflag:s23] =	ssyncadd.s32 $0xFFFFFFFF  }
0xa5: {  	s5 =	sld [smem:$0x0]  }
0xa6: {  	s6 =	sand.u32 $0xFFFFFFFE, s1  }
0xa7: {  	p0 =	sne.s32 s1, s6  }
0xa8: {  	s6 =	sshll.u32 @p0 s6, $0xE  }
0xa9: {  	s6 =	sadd.s32 @p0 $0x11B8D, s6;
	s7 =	sshll.u32 @p0 s5, $0x11  }
0xaa: {  	s6 =	sor.u32 @p0 s7, s6  }
0xab: {  	[sflag:s6] =	ssyncadd.remote.s32 @p0 $0x1;
	_ =	sdelay $0x1  }
0xac: {  	s6 =	simm.s32 @p0 $0x1B8D  }
0xad: {  	_ =	swait.eq @p0 [sflag:s6], $0x1  }
0xae: {  	[sflag:s6] =	ssyncadd.s32 @p0 $0xFFFFFFFF  }
0xaf: {  	s7 =	sshll.u32 @!p0 s1, $0xE  }
0xb0: {  	s7 =	sor.u32 @!p0 $0x4000, s7;
	s6 =	simm.s32 @!p0 $0x1B8D  }
0xb1: {  	s5 =	sshll.u32 @!p0 s5, $0x11;
	s7 =	sadd.s32 @!p0 $0x11B8D, s7;
	_ =	swait.eq @!p0 [sflag:s6], $0x1  }
0xb2: {  	s5 =	sor.u32 @!p0 s5, s7;
	[sflag:s6] =	ssyncadd.s32 @!p0 $0xFFFFFFFF  }
0xb3: {  	s25 =	simm.s32 $0x1B8E;
	s24 =	sld [smem:$0x3FFE];
	[sflag:s5] =	ssyncadd.remote.s32 @!p0 $0x1  }
0xb4: {  	s26 =	simm.s32 $execute0_lowered;
	[smem:$0x3FD2] =	sst s25  }
0xb5: {  	s6 =	sshll.u32 s26, $0x1;
	_ =	strace $0x8000004C;
	[dreg:$0x1] =	wrdreg $0xFFFFFFFF  }
0xb6: {  	s28 =	simm.s32 $_size_execute0_lowered;
	s4 =	sadd.s32 s4, s6;
	[dreg:$0x0] =	wrdreg $0x0  }
0xb7: {  	s6 =	sshll.u32 s28, $0x1;
	[dreg:$0x2] =	wrdreg s4  }
0xb8: {  	[dreg:$0x3] =	wrdreg s6  }
0xb9: {  	[dreg:$0x4] =	wrdreg $0xC0  }
0xba: {  	_ =	task [dreg:s22], $0x5FFFF  }
0xbb: {  	[dreg:$0x1] =	wrdreg $0xFFFFFFFF  }
0xbc: {  	[dreg:$0x0] =	wrdreg $0x60  }
0xbd: {  	[dreg:$0x2] =	wrdreg s18  }
0xbe: {  	[dreg:$0x3] =	wrdreg s24  }
0xbf: {  	[dreg:$0x4] =	wrdreg $0xB  }
0xc0: {  	_ =	task.clear_ibuf [dreg:s22], $0x5FFFF;
	_ =	strace $0x9000004C  }
0xc1: {  	s29 =	simm.s32 $0xB;
	_ =	strace $0x8000004E  }
0xc2: {  	_ =	swait.ge [sflag:s29], $0x1  }
0xc3: {  	[sflag:s29] =	ssyncadd.s32 $0xFFFFFFFF  }
0xc4: {  	_ =	strace $0x9000004E  }
0xc5: {  	_ =	sfence  }
0xc6: {  	s30 =	sld [smem:$0x0];
	_ =	sdelay $0x2  }
0xc7: {  	s31 =	sshll.u32 s1, $0xD;
	s1 =	sshrl.u32 s1, $0x2  }
0xc8: {  	s4 =	sand.u32 $0x4000, s31;
	s1 =	sadd.s32 s1, s30  }
0xc9: {  	s0 =	sor.u32 s4, s0;
	s1 =	sshll.u32 s1, $0x11  }
0xca: {  	s0 =	sor.u32 s1, s0  }
0xcb: {  	s0 =	sadd.s32 $0x8F2B, s0  }
0xcc: {  	[sflag:s0] =	ssyncadd.remote.s32 $0x1  }
0xcd: {  	_ =	sfence.sel $0xFFFF  }
0xce: {  	[dreg:$0x0] =	wrdreg $0xFFFFFFFF;
	(pc) =	sbr.abs _section_cstart, $3  }
0xcf: {  	[dreg:$0x1] =	wrdreg $0xFFFFFFFF  }
0xd0: {  	_ =	task.clear_ibuf [dreg:s22], $0x2FFFF;
	_ =	strace $0x9FFFFFFF  }
0xd1: {  	(tm) =	ssettm $0x7FFFFFFF  }
tec
execute0_lowered:
.L_overlay_start_1:
0x0: {  	(tag) =	ssettag $0x1  }
0x1: {  	s0 =	srdreg.scid;
	s1 =	stileid.u32  }
0x2: {  	s0 =	sand.u32 $0x1, s0;
	s1 =	sshll.u32 s1, $0x1  }
0x3: {  	s2 =	rddreg [dreg:$0x0];
	s1 =	sor.u32 s0, s1  }
0x4: {  	s4 =	rddreg [dreg:$0x1];
	s3 =	simm.s32 $0x0;
	s5 =	smul.u32 $0x30, s1  }
0x5: {  	s18 =	simm.s32 $0x1;
	s12 =	simm.s32 $0x2;
	[smem:$0x7FF] =	sst s3  }
0x6: {  	_ =	strace $0x8000004D;
	s6 =	smul.u32 $0xC000, s1;
	s5 =	sadd.s32 s5, s4  }
0x7: {  	s13 =	simm.s32 $0x4;
	s4 =	sadd.s32 $0x202E00, s4;
	s5 =	sadd.s32 $0x82800, s5  }
0x8: {  	s1 =	smul.u32 $0x60000, s1;
	s6 =	sadd.s32 s4, s6;
	[dreg:$0x3] =	wrdreg s5  }
0x9: {  	s14 =	simm.s32 $0x3;
	s21 =	sadd.s32 $0x1000, s6;
	[dreg:$0xf] =	wrdreg s6  }
0xa: {  	s1 =	sshrl.u32 s1, $0x3;
	s22 =	sadd.s32 $0x2000, s6;
	[dreg:$0x4] =	wrdreg s21  }
0xb: {  	s1 =	sadd.s32 s4, s1;
	s23 =	sadd.s32 $0x3000, s6;
	[dreg:$0x5] =	wrdreg s22  }
0xc: {  	s15 =	simm.s32 $0x5;
	s4 =	sadd.s32 $0x4000, s1;
	[dreg:$0x6] =	wrdreg s23  }
0xd: {  	s16 =	simm.s32 $0x6;
	s24 =	sadd.s32 $0x5000, s1;
	[dreg:$0x7] =	wrdreg s4  }
0xe: {  	s10 =	simm.s32 $0x10180;
	s25 =	sadd.s32 $0x6000, s1;
	[dreg:$0x8] =	wrdreg s24  }
0xf: {  	s7 =	sadd.s32 $0x300, s2;
	s28 =	sadd.s32 $0x7000, s1;
	[dreg:$0x9] =	wrdreg s25  }
0x10: {  	s0 =	ssub.s32 $0x2, s0;
	s29 =	sadd.s32 $0x8000, s1;
	[dreg:$0xa] =	wrdreg s28  }
0x11: {  	s26 =	sshrl.u32 s0, $0x1;
	s30 =	sadd.s32 $0x9000, s1;
	[dreg:$0xb] =	wrdreg s29  }
0x12: {  	v2 =	vlaneseq.u32;
	s0 =	ssub.s32 s0, s26;
	s31 =	sadd.s32 $0xA000, s1;
	[dreg:$0xc] =	wrdreg s30  }
0x13: {  	vm0 =	vmmov $0xffff;
	v1 =	vshrl.u32 v2, $0x3;
	s8 =	smax.u32 s0, $0x1;
	s1 =	sadd.s32 $0xB000, s1;
	[dreg:$0xd] =	wrdreg s31  }
0x14: {  	v0 =	vand.u32 $0x7, v2;
	v2 =	vor.u32 $0x8, v2;
	v1 =	vmul.u32 $0x8, v1;
	s5 =	sadd.s32 $0x100, s2;
	s6 =	sadd.s32 $0x200, s2;
	[dreg:$0xe] =	wrdreg s1  }
.LBB2_1:
0x15: {  	s17 =	rddreg [dreg:$0x3];
	s11 =	simm.s32 $0x7  }
0x16: {  	[tilespmem:s3], [sflag:$0x7] =	stream.linear.gather [hbm4b:s17+s3], $0x180, $0x38;
	[tilespmem:$0x18180] =	vst v63  }
0x17: {  	_ =	swait.ge [sflag:s11], $0x180  }
0x18: {  	[sflag:s11] =	ssyncset.done $0x0  }
0x19: {  	[sflag:s11] =	ssyncadd.s32 $0xFFFFFE80  }
0x1a: {  	v3 =	vld [tilespmem:$0x0];
	_ =	sdelay $0x4  }
0x1b: {  	v4 =	vshll.u32 v3, $0x3  }
0x1c: {  	v3 =	vand.u32 $0x7, v3;
	v4 =	vand.u32 $0xFFFFFFC0, v4  }
0x1d: {  	v3 =	vor.u32 v3, v4  }
0x1e: {  	v4 =	vperm.xlane v3, v0;
	_ =	sdelay $0x1  }
0x1f: {  	v4 =	vadd.s32 v1, v4;
	_ =	sdelay $0x3  }
0x20: {  	s0 =	simm.s32 $0x180  }
0x21: {  	[tilespmem:s0], [sflag:$0x1] =	stream.indirect_vreg.gather [hbm4b:s2+s3], $0x80, v4, vm0, $0xb8;
	[tilespmem:$0x18180] =	vst v63  }
0x22: {  	s19 =	simm.s32 $0x980;
	v3 =	vperm.xlane v3, v2  }
0x23: {  	[tilespmem:s19], [sflag:$0x1] =	stream.indirect_vreg.gather [hbm4b:s5+s3], $0x80, v4, vm0, $0xb8;
	[tilespmem:$0x18180] =	vst v63  }
0x24: {  	s20 =	simm.s32 $0x1180;
	v3 =	vadd.s32 v1, v3  }
0x25: {  	[tilespmem:s20], [sflag:$0x1] =	stream.indirect_vreg.gather [hbm4b:s6+s3], $0x80, v4, vm0, $0xb8;
	[tilespmem:$0x18180] =	vst v63  }
0x26: {  	s22 =	simm.s32 $0x1980  }
0x27: {  	[tilespmem:s22], [sflag:$0x1] =	stream.indirect_vreg.gather [hbm4b:s7+s3], $0x80, v4, vm0, $0xb8;
	[tilespmem:$0x18180] =	vst v63  }
0x28: {  	s23 =	simm.s32 $0x2180  }
0x29: {  	[tilespmem:s23], [sflag:$0x1] =	stream.indirect_vreg.gather [hbm4b:s2+s3], $0x80, v3, vm0, $0xb8;
	[tilespmem:$0x18180] =	vst v63  }
0x2a: {  	s24 =	simm.s32 $0x2980  }
0x2b: {  	[tilespmem:s24], [sflag:$0x1] =	stream.indirect_vreg.gather [hbm4b:s5+s3], $0x80, v3, vm0, $0xb8;
	[tilespmem:$0x18180] =	vst v63  }
0x2c: {  	s25 =	simm.s32 $0x3180  }
0x2d: {  	[tilespmem:s25], [sflag:$0x1] =	stream.indirect_vreg.gather [hbm4b:s6+s3], $0x80, v3, vm0, $0xb8;
	[tilespmem:$0x18180] =	vst v63  }
0x2e: {  	s26 =	simm.s32 $0x3980  }
0x2f: {  	[tilespmem:s26], [sflag:$0x1] =	stream.indirect_vreg.gather [hbm4b:s7+s3], $0x80, v3, vm0, $0xb8;
	[tilespmem:$0x18180] =	vst v63  }
0x30: {  	v3 =	vld [tilespmem:$0x10];
	_ =	sdelay $0x4  }
0x31: {  	v41 =	vshll.u32 v3, $0x3  }
0x32: {  	v3 =	vand.u32 $0x7, v3;
	v4 =	vand.u32 $0xFFFFFFC0, v41  }
0x33: {  	v3 =	vor.u32 v3, v4  }
0x34: {  	v4 =	vperm.xlane v3, v0;
	_ =	sdelay $0x1  }
0x35: {  	v4 =	vadd.s32 v1, v4;
	_ =	sdelay $0x3  }
0x36: {  	s28 =	simm.s32 $0x4180  }
0x37: {  	[tilespmem:s28], [sflag:$0x1] =	stream.indirect_vreg.gather [hbm4b:s2+s3], $0x80, v4, vm0, $0xb8;
	[tilespmem:$0x18180] =	vst v63  }
0x38: {  	s31 =	simm.s32 $0x4980;
	v3 =	vperm.xlane v3, v2  }
0x39: {  	[tilespmem:s31], [sflag:$0x1] =	stream.indirect_vreg.gather [hbm4b:s5+s3], $0x80, v4, vm0, $0xb8;
	[tilespmem:$0x18180] =	vst v63  }
0x3a: {  	s1 =	simm.s32 $0x5180;
	v3 =	vadd.s32 v1, v3  }
0x3b: {  	[tilespmem:s1], [sflag:$0x1] =	stream.indirect_vreg.gather [hbm4b:s6+s3], $0x80, v4, vm0, $0xb8;
	[tilespmem:$0x18180] =	vst v63  }
0x3c: {  	s11 =	simm.s32 $0x5980  }
0x3d: {  	[tilespmem:s11], [sflag:$0x1] =	stream.indirect_vreg.gather [hbm4b:s7+s3], $0x80, v4, vm0, $0xb8;
	[tilespmem:$0x18180] =	vst v63  }
0x3e: {  	s17 =	simm.s32 $0x6180  }
0x3f: {  	[tilespmem:s17], [sflag:$0x1] =	stream.indirect_vreg.gather [hbm4b:s2+s3], $0x80, v3, vm0, $0xb8;
	[tilespmem:$0x18180] =	vst v63  }
0x40: {  	s19 =	simm.s32 $0x6980  }
0x41: {  	[tilespmem:s19], [sflag:$0x1] =	stream.indirect_vreg.gather [hbm4b:s5+s3], $0x80, v3, vm0, $0xb8;
	[tilespmem:$0x18180] =	vst v63  }
0x42: {  	s24 =	simm.s32 $0x7180  }
0x43: {  	[tilespmem:s24], [sflag:$0x1] =	stream.indirect_vreg.gather [hbm4b:s6+s3], $0x80, v3, vm0, $0xb8;
	[tilespmem:$0x18180] =	vst v63  }
0x44: {  	s26 =	simm.s32 $0x7980  }
0x45: {  	[tilespmem:s26], [sflag:$0x1] =	stream.indirect_vreg.gather [hbm4b:s7+s3], $0x80, v3, vm0, $0xb8;
	[tilespmem:$0x18180] =	vst v63  }
0x46: {  	v3 =	vld [tilespmem:$0x20];
	_ =	sdelay $0x4  }
0x47: {  	v42 =	vshll.u32 v3, $0x3  }
0x48: {  	v3 =	vand.u32 $0x7, v3;
	v4 =	vand.u32 $0xFFFFFFC0, v42  }
0x49: {  	v3 =	vor.u32 v3, v4  }
0x4a: {  	v4 =	vperm.xlane v3, v0;
	_ =	sdelay $0x1  }
0x4b: {  	v4 =	vadd.s32 v1, v4;
	_ =	sdelay $0x3  }
0x4c: {  	s28 =	simm.s32 $0x8180  }
0x4d: {  	[tilespmem:s28], [sflag:$0x2] =	stream.indirect_vreg.gather [hbm4b:s2+s3], $0x80, v4, vm0, $0xb8;
	[tilespmem:$0x18180] =	vst v63  }
0x4e: {  	s31 =	simm.s32 $0x8980;
	v3 =	vperm.xlane v3, v2  }
0x4f: {  	[tilespmem:s31], [sflag:$0x2] =	stream.indirect_vreg.gather [hbm4b:s5+s3], $0x80, v4, vm0, $0xb8;
	[tilespmem:$0x18180] =	vst v63  }
0x50: {  	s1 =	simm.s32 $0x9180;
	v3 =	vadd.s32 v1, v3  }
0x51: {  	[tilespmem:s1], [sflag:$0x2] =	stream.indirect_vreg.gather [hbm4b:s6+s3], $0x80, v4, vm0, $0xb8;
	[tilespmem:$0x18180] =	vst v63  }
0x52: {  	s11 =	simm.s32 $0x9980  }
0x53: {  	[tilespmem:s11], [sflag:$0x2] =	stream.indirect_vreg.gather [hbm4b:s7+s3], $0x80, v4, vm0, $0xb8;
	[tilespmem:$0x18180] =	vst v63  }
0x54: {  	s17 =	simm.s32 $0xA180  }
0x55: {  	[tilespmem:s17], [sflag:$0x2] =	stream.indirect_vreg.gather [hbm4b:s2+s3], $0x80, v3, vm0, $0xb8;
	[tilespmem:$0x18180] =	vst v63  }
0x56: {  	s19 =	simm.s32 $0xA980  }
0x57: {  	[tilespmem:s19], [sflag:$0x2] =	stream.indirect_vreg.gather [hbm4b:s5+s3], $0x80, v3, vm0, $0xb8;
	[tilespmem:$0x18180] =	vst v63  }
0x58: {  	s24 =	simm.s32 $0xB180  }
0x59: {  	[tilespmem:s24], [sflag:$0x2] =	stream.indirect_vreg.gather [hbm4b:s6+s3], $0x80, v3, vm0, $0xb8;
	[tilespmem:$0x18180] =	vst v63  }
0x5a: {  	s28 =	simm.s32 $0xB980  }
0x5b: {  	[tilespmem:s28], [sflag:$0x2] =	stream.indirect_vreg.gather [hbm4b:s7+s3], $0x80, v3, vm0, $0xb8;
	[tilespmem:$0x18180] =	vst v63  }
0x5c: {  	v3 =	vld [tilespmem:$0x30];
	_ =	sdelay $0x4  }
0x5d: {  	v43 =	vshll.u32 v3, $0x3  }
0x5e: {  	v3 =	vand.u32 $0x7, v3;
	v4 =	vand.u32 $0xFFFFFFC0, v43  }
0x5f: {  	v3 =	vor.u32 v3, v4  }
0x60: {  	v4 =	vperm.xlane v3, v0;
	_ =	sdelay $0x1  }
0x61: {  	v4 =	vadd.s32 v1, v4;
	_ =	sdelay $0x3  }
0x62: {  	s31 =	simm.s32 $0xC180  }
0x63: {  	[tilespmem:s31], [sflag:$0x2] =	stream.indirect_vreg.gather [hbm4b:s2+s3], $0x80, v4, vm0, $0xb8;
	[tilespmem:$0x18180] =	vst v63  }
0x64: {  	s1 =	simm.s32 $0xC980;
	v3 =	vperm.xlane v3, v2  }
0x65: {  	[tilespmem:s1], [sflag:$0x2] =	stream.indirect_vreg.gather [hbm4b:s5+s3], $0x80, v4, vm0, $0xb8;
	[tilespmem:$0x18180] =	vst v63  }
0x66: {  	s17 =	simm.s32 $0xD180;
	v3 =	vadd.s32 v1, v3  }
0x67: {  	[tilespmem:s17], [sflag:$0x2] =	stream.indirect_vreg.gather [hbm4b:s6+s3], $0x80, v4, vm0, $0xb8;
	[tilespmem:$0x18180] =	vst v63  }
0x68: {  	s19 =	simm.s32 $0xD980  }
0x69: {  	[tilespmem:s19], [sflag:$0x2] =	stream.indirect_vreg.gather [hbm4b:s7+s3], $0x80, v4, vm0, $0xb8;
	[tilespmem:$0x18180] =	vst v63  }
0x6a: {  	s31 =	simm.s32 $0xE180  }
0x6b: {  	[tilespmem:s31], [sflag:$0x2] =	stream.indirect_vreg.gather [hbm4b:s2+s3], $0x80, v3, vm0, $0xb8;
	[tilespmem:$0x18180] =	vst v63  }
0x6c: {  	s1 =	simm.s32 $0xE980  }
0x6d: {  	[tilespmem:s1], [sflag:$0x2] =	stream.indirect_vreg.gather [hbm4b:s5+s3], $0x80, v3, vm0, $0xb8;
	[tilespmem:$0x18180] =	vst v63  }
0x6e: {  	s17 =	simm.s32 $0xF180  }
0x6f: {  	[tilespmem:s17], [sflag:$0x2] =	stream.indirect_vreg.gather [hbm4b:s6+s3], $0x80, v3, vm0, $0xb8;
	[tilespmem:$0x18180] =	vst v63  }
0x70: {  	s19 =	simm.s32 $0xF980  }
0x71: {  	[tilespmem:s19], [sflag:$0x2] =	stream.indirect_vreg.gather [hbm4b:s7+s3], $0x80, v3, vm0, $0xb8;
	[tilespmem:$0x18180] =	vst v63  }
0x72: {  	_ =	swait.ge [sflag:s18], $0x8000  }
0x73: {  	[sflag:s18] =	ssyncset.done $0x0  }
0x74: {  	s0 =	simm.s32 $0x180;
	s31 =	rddreg [dreg:$0xf];
	[sflag:s18] =	ssyncadd.s32 $0xFFFF8000  }
0x75: {  	[hbm4b:s31+s3] =	stream.linear.scatter [tilespmem:s0], [sflag:$0x4], $0x8000, $0x38;
	[tilespmem:$0x18180] =	vst v63  }
0x76: {  	v3 =	vld [tilespmem:$0x40];
	_ =	sdelay $0x4  }
0x77: {  	v44 =	vshll.u32 v3, $0x3  }
0x78: {  	v3 =	vand.u32 $0x7, v3;
	v4 =	vand.u32 $0xFFFFFFC0, v44  }
0x79: {  	v3 =	vor.u32 v3, v4  }
0x7a: {  	v4 =	vperm.xlane v3, v0;
	_ =	sdelay $0x1  }
0x7b: {  	v4 =	vadd.s32 v1, v4;
	_ =	sdelay $0x4  }
0x7c: {  	[tilespmem:s10], [sflag:$0x3] =	stream.indirect_vreg.gather [hbm4b:s2+s3], $0x80, v4, vm0, $0xb8;
	[tilespmem:$0x18180] =	vst v63  }
0x7d: {  	s1 =	simm.s32 $0x10980;
	v3 =	vperm.xlane v3, v2  }
0x7e: {  	[tilespmem:s1], [sflag:$0x3] =	stream.indirect_vreg.gather [hbm4b:s5+s3], $0x80, v4, vm0, $0xb8;
	[tilespmem:$0x18180] =	vst v63  }
0x7f: {  	s19 =	simm.s32 $0x11180;
	v3 =	vadd.s32 v1, v3  }
0x80: {  	[tilespmem:s19], [sflag:$0x3] =	stream.indirect_vreg.gather [hbm4b:s6+s3], $0x80, v4, vm0, $0xb8;
	[tilespmem:$0x18180] =	vst v63  }
0x81: {  	s31 =	simm.s32 $0x11980  }
0x82: {  	[tilespmem:s31], [sflag:$0x3] =	stream.indirect_vreg.gather [hbm4b:s7+s3], $0x80, v4, vm0, $0xb8;
	[tilespmem:$0x18180] =	vst v63  }
0x83: {  	s1 =	simm.s32 $0x12180  }
0x84: {  	[tilespmem:s1], [sflag:$0x3] =	stream.indirect_vreg.gather [hbm4b:s2+s3], $0x80, v3, vm0, $0xb8;
	[tilespmem:$0x18180] =	vst v63  }
0x85: {  	s19 =	simm.s32 $0x12980  }
0x86: {  	[tilespmem:s19], [sflag:$0x3] =	stream.indirect_vreg.gather [hbm4b:s5+s3], $0x80, v3, vm0, $0xb8;
	[tilespmem:$0x18180] =	vst v63  }
0x87: {  	s31 =	simm.s32 $0x13180  }
0x88: {  	[tilespmem:s31], [sflag:$0x3] =	stream.indirect_vreg.gather [hbm4b:s6+s3], $0x80, v3, vm0, $0xb8;
	[tilespmem:$0x18180] =	vst v63  }
0x89: {  	s1 =	simm.s32 $0x13980  }
0x8a: {  	[tilespmem:s1], [sflag:$0x3] =	stream.indirect_vreg.gather [hbm4b:s7+s3], $0x80, v3, vm0, $0xb8;
	[tilespmem:$0x18180] =	vst v63  }
0x8b: {  	v3 =	vld [tilespmem:$0x50];
	_ =	sdelay $0x4  }
0x8c: {  	v45 =	vshll.u32 v3, $0x3  }
0x8d: {  	v3 =	vand.u32 $0x7, v3;
	v4 =	vand.u32 $0xFFFFFFC0, v45  }
0x8e: {  	v3 =	vor.u32 v3, v4  }
0x8f: {  	v4 =	vperm.xlane v3, v0;
	_ =	sdelay $0x1  }
0x90: {  	v4 =	vadd.s32 v1, v4;
	_ =	sdelay $0x3  }
0x91: {  	s19 =	simm.s32 $0x14180  }
0x92: {  	[tilespmem:s19], [sflag:$0x3] =	stream.indirect_vreg.gather [hbm4b:s2+s3], $0x80, v4, vm0, $0xb8;
	[tilespmem:$0x18180] =	vst v63  }
0x93: {  	s31 =	simm.s32 $0x14980;
	v3 =	vperm.xlane v3, v2  }
0x94: {  	[tilespmem:s31], [sflag:$0x3] =	stream.indirect_vreg.gather [hbm4b:s5+s3], $0x80, v4, vm0, $0xb8;
	[tilespmem:$0x18180] =	vst v63  }
0x95: {  	s1 =	simm.s32 $0x15180;
	v3 =	vadd.s32 v1, v3  }
0x96: {  	[tilespmem:s1], [sflag:$0x3] =	stream.indirect_vreg.gather [hbm4b:s6+s3], $0x80, v4, vm0, $0xb8;
	[tilespmem:$0x18180] =	vst v63  }
0x97: {  	s19 =	simm.s32 $0x15980  }
0x98: {  	[tilespmem:s19], [sflag:$0x3] =	stream.indirect_vreg.gather [hbm4b:s7+s3], $0x80, v4, vm0, $0xb8;
	[tilespmem:$0x18180] =	vst v63  }
0x99: {  	s31 =	simm.s32 $0x16180  }
0x9a: {  	[tilespmem:s31], [sflag:$0x3] =	stream.indirect_vreg.gather [hbm4b:s2+s3], $0x80, v3, vm0, $0xb8;
	[tilespmem:$0x18180] =	vst v63  }
0x9b: {  	s1 =	simm.s32 $0x16980  }
0x9c: {  	[tilespmem:s1], [sflag:$0x3] =	stream.indirect_vreg.gather [hbm4b:s5+s3], $0x80, v3, vm0, $0xb8;
	[tilespmem:$0x18180] =	vst v63  }
0x9d: {  	s19 =	simm.s32 $0x17180  }
0x9e: {  	[tilespmem:s19], [sflag:$0x3] =	stream.indirect_vreg.gather [hbm4b:s6+s3], $0x80, v3, vm0, $0xb8;
	[tilespmem:$0x18180] =	vst v63  }
0x9f: {  	s31 =	simm.s32 $0x17980  }
0xa0: {  	[tilespmem:s31], [sflag:$0x3] =	stream.indirect_vreg.gather [hbm4b:s7+s3], $0x80, v3, vm0, $0xb8;
	[tilespmem:$0x18180] =	vst v63  }
0xa1: {  	_ =	swait.ge [sflag:s12], $0x8000  }
0xa2: {  	[sflag:s12] =	ssyncset.done $0x0  }
0xa3: {  	s19 =	simm.s32 $0x8180;
	s1 =	rddreg [dreg:$0x4];
	[sflag:s12] =	ssyncadd.s32 $0xFFFF8000  }
0xa4: {  	[hbm4b:s1+s3] =	stream.linear.scatter [tilespmem:s19], [sflag:$0x5], $0x8000, $0x38;
	[tilespmem:$0x18180] =	vst v63  }
0xa5: {  	_ =	swait.ge [sflag:s13], $0x8000  }
0xa6: {  	[sflag:s13] =	ssyncset.done $0x0  }
0xa7: {  	[sflag:s13] =	ssyncadd.s32 $0xFFFF8000  }
0xa8: {  	v3 =	vld [tilespmem:$0x60];
	_ =	sdelay $0x4  }
0xa9: {  	v46 =	vshll.u32 v3, $0x3  }
0xaa: {  	v3 =	vand.u32 $0x7, v3;
	v4 =	vand.u32 $0xFFFFFFC0, v46  }
0xab: {  	v3 =	vor.u32 v3, v4  }
0xac: {  	v4 =	vperm.xlane v3, v0;
	_ =	sdelay $0x1  }
0xad: {  	v4 =	vadd.s32 v1, v4;
	_ =	sdelay $0x4  }
0xae: {  	[tilespmem:s0], [sflag:$0x1] =	stream.indirect_vreg.gather [hbm4b:s2+s3], $0x80, v4, vm0, $0xb8;
	[tilespmem:$0x18180] =	vst v63  }
0xaf: {  	s21 =	simm.s32 $0x980;
	v3 =	vperm.xlane v3, v2  }
0xb0: {  	[tilespmem:s21], [sflag:$0x1] =	stream.indirect_vreg.gather [hbm4b:s5+s3], $0x80, v4, vm0, $0xb8;
	[tilespmem:$0x18180] =	vst v63  }
0xb1: {  	s20 =	simm.s32 $0x1180;
	v3 =	vadd.s32 v1, v3  }
0xb2: {  	[tilespmem:s20], [sflag:$0x1] =	stream.indirect_vreg.gather [hbm4b:s6+s3], $0x80, v4, vm0, $0xb8;
	[tilespmem:$0x18180] =	vst v63  }
0xb3: {  	s9 =	simm.s32 $0x1980  }
0xb4: {  	[tilespmem:s9], [sflag:$0x1] =	stream.indirect_vreg.gather [hbm4b:s7+s3], $0x80, v4, vm0, $0xb8;
	[tilespmem:$0x18180] =	vst v63  }
0xb5: {  	s4 =	simm.s32 $0x2180  }
0xb6: {  	[tilespmem:s4], [sflag:$0x1] =	stream.indirect_vreg.gather [hbm4b:s2+s3], $0x80, v3, vm0, $0xb8;
	[tilespmem:$0x18180] =	vst v63  }
0xb7: {  	s29 =	simm.s32 $0x2980  }
0xb8: {  	[tilespmem:s29], [sflag:$0x1] =	stream.indirect_vreg.gather [hbm4b:s5+s3], $0x80, v3, vm0, $0xb8;
	[tilespmem:$0x18180] =	vst v63  }
0xb9: {  	s30 =	simm.s32 $0x3180  }
0xba: {  	[tilespmem:s30], [sflag:$0x1] =	stream.indirect_vreg.gather [hbm4b:s6+s3], $0x80, v3, vm0, $0xb8;
	[tilespmem:$0x18180] =	vst v63  }
0xbb: {  	s22 =	simm.s32 $0x3980  }
0xbc: {  	[tilespmem:s22], [sflag:$0x1] =	stream.indirect_vreg.gather [hbm4b:s7+s3], $0x80, v3, vm0, $0xb8;
	[tilespmem:$0x18180] =	vst v63  }
0xbd: {  	v3 =	vld [tilespmem:$0x70];
	_ =	sdelay $0x4  }
0xbe: {  	v47 =	vshll.u32 v3, $0x3  }
0xbf: {  	v3 =	vand.u32 $0x7, v3;
	v4 =	vand.u32 $0xFFFFFFC0, v47  }
0xc0: {  	v3 =	vor.u32 v3, v4  }
0xc1: {  	v4 =	vperm.xlane v3, v0;
	_ =	sdelay $0x1  }
0xc2: {  	v4 =	vadd.s32 v1, v4;
	_ =	sdelay $0x3  }
0xc3: {  	s23 =	simm.s32 $0x4180  }
0xc4: {  	[tilespmem:s23], [sflag:$0x1] =	stream.indirect_vreg.gather [hbm4b:s2+s3], $0x80, v4, vm0, $0xb8;
	[tilespmem:$0x18180] =	vst v63  }
0xc5: {  	s25 =	simm.s32 $0x4980;
	v3 =	vperm.xlane v3, v2  }
0xc6: {  	[tilespmem:s25], [sflag:$0x1] =	stream.indirect_vreg.gather [hbm4b:s5+s3], $0x80, v4, vm0, $0xb8;
	[tilespmem:$0x18180] =	vst v63  }
0xc7: {  	s31 =	simm.s32 $0x5180;
	v3 =	vadd.s32 v1, v3  }
0xc8: {  	[tilespmem:s31], [sflag:$0x1] =	stream.indirect_vreg.gather [hbm4b:s6+s3], $0x80, v4, vm0, $0xb8;
	[tilespmem:$0x18180] =	vst v63  }
0xc9: {  	s21 =	simm.s32 $0x5980  }
0xca: {  	[tilespmem:s21], [sflag:$0x1] =	stream.indirect_vreg.gather [hbm4b:s7+s3], $0x80, v4, vm0, $0xb8;
	[tilespmem:$0x18180] =	vst v63  }
0xcb: {  	s22 =	simm.s32 $0x6180  }
0xcc: {  	[tilespmem:s22], [sflag:$0x1] =	stream.indirect_vreg.gather [hbm4b:s2+s3], $0x80, v3, vm0, $0xb8;
	[tilespmem:$0x18180] =	vst v63  }
0xcd: {  	s23 =	simm.s32 $0x6980  }
0xce: {  	[tilespmem:s23], [sflag:$0x1] =	stream.indirect_vreg.gather [hbm4b:s5+s3], $0x80, v3, vm0, $0xb8;
	[tilespmem:$0x18180] =	vst v63  }
0xcf: {  	s25 =	simm.s32 $0x7180  }
0xd0: {  	[tilespmem:s25], [sflag:$0x1] =	stream.indirect_vreg.gather [hbm4b:s6+s3], $0x80, v3, vm0, $0xb8;
	[tilespmem:$0x18180] =	vst v63  }
0xd1: {  	s20 =	simm.s32 $0x7980  }
0xd2: {  	[tilespmem:s20], [sflag:$0x1] =	stream.indirect_vreg.gather [hbm4b:s7+s3], $0x80, v3, vm0, $0xb8;
	[tilespmem:$0x18180] =	vst v63  }
0xd3: {  	_ =	swait.ge [sflag:s14], $0x8000  }
0xd4: {  	[sflag:s14] =	ssyncset.done $0x0  }
0xd5: {  	s9 =	rddreg [dreg:$0x5];
	[sflag:s14] =	ssyncadd.s32 $0xFFFF8000  }
0xd6: {  	[hbm4b:s9+s3] =	stream.linear.scatter [tilespmem:s10], [sflag:$0x6], $0x8000, $0x38;
	[tilespmem:$0x18180] =	vst v63  }
0xd7: {  	_ =	swait.ge [sflag:s15], $0x8000  }
0xd8: {  	[sflag:s15] =	ssyncset.done $0x0  }
0xd9: {  	[sflag:s15] =	ssyncadd.s32 $0xFFFF8000  }
0xda: {  	v3 =	vld [tilespmem:$0x80];
	_ =	sdelay $0x4  }
0xdb: {  	v48 =	vshll.u32 v3, $0x3  }
0xdc: {  	v3 =	vand.u32 $0x7, v3;
	v4 =	vand.u32 $0xFFFFFFC0, v48  }
0xdd: {  	v3 =	vor.u32 v3, v4  }
0xde: {  	v4 =	vperm.xlane v3, v0;
	_ =	sdelay $0x1  }
0xdf: {  	v4 =	vadd.s32 v1, v4;
	_ =	sdelay $0x4  }
0xe0: {  	[tilespmem:s19], [sflag:$0x2] =	stream.indirect_vreg.gather [hbm4b:s2+s3], $0x80, v4, vm0, $0xb8;
	[tilespmem:$0x18180] =	vst v63  }
0xe1: {  	s26 =	simm.s32 $0x8980;
	v3 =	vperm.xlane v3, v2  }
0xe2: {  	[tilespmem:s26], [sflag:$0x2] =	stream.indirect_vreg.gather [hbm4b:s5+s3], $0x80, v4, vm0, $0xb8;
	[tilespmem:$0x18180] =	vst v63  }
0xe3: {  	v3 =	vadd.s32 v1, v3;
	s19 =	simm.s32 $0x9180  }
0xe4: {  	[tilespmem:s19], [sflag:$0x2] =	stream.indirect_vreg.gather [hbm4b:s6+s3], $0x80, v4, vm0, $0xb8;
	[tilespmem:$0x18180] =	vst v63  }
0xe5: {  	s26 =	simm.s32 $0x9980  }
0xe6: {  	[tilespmem:s26], [sflag:$0x2] =	stream.indirect_vreg.gather [hbm4b:s7+s3], $0x80, v4, vm0, $0xb8;
	[tilespmem:$0x18180] =	vst v63  }
0xe7: {  	s29 =	simm.s32 $0xA180  }
0xe8: {  	[tilespmem:s29], [sflag:$0x2] =	stream.indirect_vreg.gather [hbm4b:s2+s3], $0x80, v3, vm0, $0xb8;
	[tilespmem:$0x18180] =	vst v63  }
0xe9: {  	s9 =	simm.s32 $0xA980  }
0xea: {  	[tilespmem:s9], [sflag:$0x2] =	stream.indirect_vreg.gather [hbm4b:s5+s3], $0x80, v3, vm0, $0xb8;
	[tilespmem:$0x18180] =	vst v63  }
0xeb: {  	s30 =	simm.s32 $0xB180  }
0xec: {  	[tilespmem:s30], [sflag:$0x2] =	stream.indirect_vreg.gather [hbm4b:s6+s3], $0x80, v3, vm0, $0xb8;
	[tilespmem:$0x18180] =	vst v63  }
0xed: {  	s11 =	simm.s32 $0xB980  }
0xee: {  	[tilespmem:s11], [sflag:$0x2] =	stream.indirect_vreg.gather [hbm4b:s7+s3], $0x80, v3, vm0, $0xb8;
	[tilespmem:$0x18180] =	vst v63  }
0xef: {  	v3 =	vld [tilespmem:$0x90];
	_ =	sdelay $0x4  }
0xf0: {  	v49 =	vshll.u32 v3, $0x3  }
0xf1: {  	v3 =	vand.u32 $0x7, v3;
	v4 =	vand.u32 $0xFFFFFFC0, v49  }
0xf2: {  	v3 =	vor.u32 v3, v4  }
0xf3: {  	v4 =	vperm.xlane v3, v0;
	_ =	sdelay $0x1  }
0xf4: {  	v4 =	vadd.s32 v1, v4;
	_ =	sdelay $0x3  }
0xf5: {  	s24 =	simm.s32 $0xC180  }
0xf6: {  	[tilespmem:s24], [sflag:$0x2] =	stream.indirect_vreg.gather [hbm4b:s2+s3], $0x80, v4, vm0, $0xb8;
	[tilespmem:$0x18180] =	vst v63  }
0xf7: {  	s28 =	simm.s32 $0xC980;
	v3 =	vperm.xlane v3, v2  }
0xf8: {  	[tilespmem:s28], [sflag:$0x2] =	stream.indirect_vreg.gather [hbm4b:s5+s3], $0x80, v4, vm0, $0xb8;
	[tilespmem:$0x18180] =	vst v63  }
0xf9: {  	s11 =	simm.s32 $0xD180;
	v3 =	vadd.s32 v1, v3  }
0xfa: {  	[tilespmem:s11], [sflag:$0x2] =	stream.indirect_vreg.gather [hbm4b:s6+s3], $0x80, v4, vm0, $0xb8;
	[tilespmem:$0x18180] =	vst v63  }
0xfb: {  	s24 =	simm.s32 $0xD980  }
0xfc: {  	[tilespmem:s24], [sflag:$0x2] =	stream.indirect_vreg.gather [hbm4b:s7+s3], $0x80, v4, vm0, $0xb8;
	[tilespmem:$0x18180] =	vst v63  }
0xfd: {  	s28 =	simm.s32 $0xE180  }
0xfe: {  	[tilespmem:s28], [sflag:$0x2] =	stream.indirect_vreg.gather [hbm4b:s2+s3], $0x80, v3, vm0, $0xb8;
	[tilespmem:$0x18180] =	vst v63  }
0xff: {  	s29 =	simm.s32 $0xE980  }
0x100: {  	[tilespmem:s29], [sflag:$0x2] =	stream.indirect_vreg.gather [hbm4b:s5+s3], $0x80, v3, vm0, $0xb8;
	[tilespmem:$0x18180] =	vst v63  }
0x101: {  	s30 =	simm.s32 $0xF180  }
0x102: {  	[tilespmem:s30], [sflag:$0x2] =	stream.indirect_vreg.gather [hbm4b:s6+s3], $0x80, v3, vm0, $0xb8;
	[tilespmem:$0x18180] =	vst v63  }
0x103: {  	s17 =	simm.s32 $0xF980  }
0x104: {  	[tilespmem:s17], [sflag:$0x2] =	stream.indirect_vreg.gather [hbm4b:s7+s3], $0x80, v3, vm0, $0xb8;
	[tilespmem:$0x18180] =	vst v63  }
0x105: {  	_ =	swait.ge [sflag:s18], $0x8000  }
0x106: {  	[sflag:s18] =	ssyncset.done $0x0  }
0x107: {  	s1 =	simm.s32 $0x180;
	s0 =	rddreg [dreg:$0x6];
	[sflag:s18] =	ssyncadd.s32 $0xFFFF8000  }
0x108: {  	[hbm4b:s0+s3] =	stream.linear.scatter [tilespmem:s1], [sflag:$0x4], $0x8000, $0x38;
	[tilespmem:$0x18180] =	vst v63  }
0x109: {  	_ =	swait.ge [sflag:s16], $0x8000  }
0x10a: {  	[sflag:s16] =	ssyncset.done $0x0  }
0x10b: {  	[sflag:s16] =	ssyncadd.s32 $0xFFFF8000  }
0x10c: {  	v3 =	vld [tilespmem:$0xA0];
	_ =	sdelay $0x4  }
0x10d: {  	v50 =	vshll.u32 v3, $0x3  }
0x10e: {  	v3 =	vand.u32 $0x7, v3;
	v4 =	vand.u32 $0xFFFFFFC0, v50  }
0x10f: {  	v3 =	vor.u32 v3, v4  }
0x110: {  	v4 =	vperm.xlane v3, v0;
	_ =	sdelay $0x1  }
0x111: {  	v4 =	vadd.s32 v1, v4;
	_ =	sdelay $0x4  }
0x112: {  	[tilespmem:s10], [sflag:$0x3] =	stream.indirect_vreg.gather [hbm4b:s2+s3], $0x80, v4, vm0, $0xb8;
	[tilespmem:$0x18180] =	vst v63  }
0x113: {  	s17 =	simm.s32 $0x10980;
	v3 =	vperm.xlane v3, v2  }
0x114: {  	[tilespmem:s17], [sflag:$0x3] =	stream.indirect_vreg.gather [hbm4b:s5+s3], $0x80, v4, vm0, $0xb8;
	[tilespmem:$0x18180] =	vst v63  }
0x115: {  	v3 =	vadd.s32 v1, v3;
	s17 =	simm.s32 $0x11180  }
0x116: {  	[tilespmem:s17], [sflag:$0x3] =	stream.indirect_vreg.gather [hbm4b:s6+s3], $0x80, v4, vm0, $0xb8;
	[tilespmem:$0x18180] =	vst v63  }
0x117: {  	s17 =	simm.s32 $0x11980  }
0x118: {  	[tilespmem:s17], [sflag:$0x3] =	stream.indirect_vreg.gather [hbm4b:s7+s3], $0x80, v4, vm0, $0xb8;
	[tilespmem:$0x18180] =	vst v63  }
0x119: {  	s17 =	simm.s32 $0x12180  }
0x11a: {  	[tilespmem:s17], [sflag:$0x3] =	stream.indirect_vreg.gather [hbm4b:s2+s3], $0x80, v3, vm0, $0xb8;
	[tilespmem:$0x18180] =	vst v63  }
0x11b: {  	s17 =	simm.s32 $0x12980  }
0x11c: {  	[tilespmem:s17], [sflag:$0x3] =	stream.indirect_vreg.gather [hbm4b:s5+s3], $0x80, v3, vm0, $0xb8;
	[tilespmem:$0x18180] =	vst v63  }
0x11d: {  	s17 =	simm.s32 $0x13180  }
0x11e: {  	[tilespmem:s17], [sflag:$0x3] =	stream.indirect_vreg.gather [hbm4b:s6+s3], $0x80, v3, vm0, $0xb8;
	[tilespmem:$0x18180] =	vst v63  }
0x11f: {  	s17 =	simm.s32 $0x13980  }
0x120: {  	[tilespmem:s17], [sflag:$0x3] =	stream.indirect_vreg.gather [hbm4b:s7+s3], $0x80, v3, vm0, $0xb8;
	[tilespmem:$0x18180] =	vst v63  }
0x121: {  	v3 =	vld [tilespmem:$0xB0];
	_ =	sdelay $0x4  }
0x122: {  	v51 =	vshll.u32 v3, $0x3  }
0x123: {  	v3 =	vand.u32 $0x7, v3;
	v4 =	vand.u32 $0xFFFFFFC0, v51  }
0x124: {  	v3 =	vor.u32 v3, v4  }
0x125: {  	v4 =	vperm.xlane v3, v0;
	_ =	sdelay $0x1  }
0x126: {  	v4 =	vadd.s32 v1, v4;
	_ =	sdelay $0x3  }
0x127: {  	s17 =	simm.s32 $0x14180  }
0x128: {  	[tilespmem:s17], [sflag:$0x3] =	stream.indirect_vreg.gather [hbm4b:s2+s3], $0x80, v4, vm0, $0xb8;
	[tilespmem:$0x18180] =	vst v63  }
0x129: {  	v3 =	vperm.xlane v3, v2;
	s17 =	simm.s32 $0x14980  }
0x12a: {  	[tilespmem:s17], [sflag:$0x3] =	stream.indirect_vreg.gather [hbm4b:s5+s3], $0x80, v4, vm0, $0xb8;
	[tilespmem:$0x18180] =	vst v63  }
0x12b: {  	v3 =	vadd.s32 v1, v3;
	s17 =	simm.s32 $0x15180  }
0x12c: {  	[tilespmem:s17], [sflag:$0x3] =	stream.indirect_vreg.gather [hbm4b:s6+s3], $0x80, v4, vm0, $0xb8;
	[tilespmem:$0x18180] =	vst v63  }
0x12d: {  	s17 =	simm.s32 $0x15980  }
0x12e: {  	[tilespmem:s17], [sflag:$0x3] =	stream.indirect_vreg.gather [hbm4b:s7+s3], $0x80, v4, vm0, $0xb8;
	[tilespmem:$0x18180] =	vst v63  }
0x12f: {  	s17 =	simm.s32 $0x16180  }
0x130: {  	[tilespmem:s17], [sflag:$0x3] =	stream.indirect_vreg.gather [hbm4b:s2+s3], $0x80, v3, vm0, $0xb8;
	[tilespmem:$0x18180] =	vst v63  }
0x131: {  	s17 =	simm.s32 $0x16980  }
0x132: {  	[tilespmem:s17], [sflag:$0x3] =	stream.indirect_vreg.gather [hbm4b:s5+s3], $0x80, v3, vm0, $0xb8;
	[tilespmem:$0x18180] =	vst v63  }
0x133: {  	s17 =	simm.s32 $0x17180  }
0x134: {  	[tilespmem:s17], [sflag:$0x3] =	stream.indirect_vreg.gather [hbm4b:s6+s3], $0x80, v3, vm0, $0xb8;
	[tilespmem:$0x18180] =	vst v63  }
0x135: {  	s17 =	simm.s32 $0x17980  }
0x136: {  	[tilespmem:s17], [sflag:$0x3] =	stream.indirect_vreg.gather [hbm4b:s7+s3], $0x80, v3, vm0, $0xb8;
	[tilespmem:$0x18180] =	vst v63  }
0x137: {  	_ =	swait.ge [sflag:s12], $0x8000  }
0x138: {  	[sflag:s12] =	ssyncset.done $0x0  }
0x139: {  	s4 =	simm.s32 $0x8180;
	s1 =	rddreg [dreg:$0x7];
	[sflag:s12] =	ssyncadd.s32 $0xFFFF8000  }
0x13a: {  	[hbm4b:s1+s3] =	stream.linear.scatter [tilespmem:s4], [sflag:$0x5], $0x8000, $0x38;
	[tilespmem:$0x18180] =	vst v63  }
0x13b: {  	_ =	swait.ge [sflag:s13], $0x8000  }
0x13c: {  	[sflag:s13] =	ssyncset.done $0x0  }
0x13d: {  	[sflag:s13] =	ssyncadd.s32 $0xFFFF8000  }
0x13e: {  	v3 =	vld [tilespmem:$0xC0];
	_ =	sdelay $0x4  }
0x13f: {  	v52 =	vshll.u32 v3, $0x3  }
0x140: {  	v3 =	vand.u32 $0x7, v3;
	v4 =	vand.u32 $0xFFFFFFC0, v52  }
0x141: {  	v3 =	vor.u32 v3, v4  }
0x142: {  	v4 =	vperm.xlane v3, v0;
	_ =	sdelay $0x1  }
0x143: {  	v4 =	vadd.s32 v1, v4;
	_ =	sdelay $0x3  }
0x144: {  	s0 =	simm.s32 $0x180  }
0x145: {  	[tilespmem:s0], [sflag:$0x1] =	stream.indirect_vreg.gather [hbm4b:s2+s3], $0x80, v4, vm0, $0xb8;
	[tilespmem:$0x18180] =	vst v63  }
0x146: {  	s17 =	simm.s32 $0x980;
	v3 =	vperm.xlane v3, v2  }
0x147: {  	[tilespmem:s17], [sflag:$0x1] =	stream.indirect_vreg.gather [hbm4b:s5+s3], $0x80, v4, vm0, $0xb8;
	[tilespmem:$0x18180] =	vst v63  }
0x148: {  	s4 =	simm.s32 $0x1180;
	v3 =	vadd.s32 v1, v3  }
0x149: {  	[tilespmem:s4], [sflag:$0x1] =	stream.indirect_vreg.gather [hbm4b:s6+s3], $0x80, v4, vm0, $0xb8;
	[tilespmem:$0x18180] =	vst v63  }
0x14a: {  	s17 =	simm.s32 $0x1980  }
0x14b: {  	[tilespmem:s17], [sflag:$0x1] =	stream.indirect_vreg.gather [hbm4b:s7+s3], $0x80, v4, vm0, $0xb8;
	[tilespmem:$0x18180] =	vst v63  }
0x14c: {  	s4 =	simm.s32 $0x2180  }
0x14d: {  	[tilespmem:s4], [sflag:$0x1] =	stream.indirect_vreg.gather [hbm4b:s2+s3], $0x80, v3, vm0, $0xb8;
	[tilespmem:$0x18180] =	vst v63  }
0x14e: {  	s17 =	simm.s32 $0x2980  }
0x14f: {  	[tilespmem:s17], [sflag:$0x1] =	stream.indirect_vreg.gather [hbm4b:s5+s3], $0x80, v3, vm0, $0xb8;
	[tilespmem:$0x18180] =	vst v63  }
0x150: {  	s4 =	simm.s32 $0x3180  }
0x151: {  	[tilespmem:s4], [sflag:$0x1] =	stream.indirect_vreg.gather [hbm4b:s6+s3], $0x80, v3, vm0, $0xb8;
	[tilespmem:$0x18180] =	vst v63  }
0x152: {  	s17 =	simm.s32 $0x3980  }
0x153: {  	[tilespmem:s17], [sflag:$0x1] =	stream.indirect_vreg.gather [hbm4b:s7+s3], $0x80, v3, vm0, $0xb8;
	[tilespmem:$0x18180] =	vst v63  }
0x154: {  	v3 =	vld [tilespmem:$0xD0];
	_ =	sdelay $0x4  }
0x155: {  	v53 =	vshll.u32 v3, $0x3  }
0x156: {  	v3 =	vand.u32 $0x7, v3;
	v4 =	vand.u32 $0xFFFFFFC0, v53  }
0x157: {  	v3 =	vor.u32 v3, v4  }
0x158: {  	v4 =	vperm.xlane v3, v0;
	_ =	sdelay $0x1  }
0x159: {  	v4 =	vadd.s32 v1, v4;
	_ =	sdelay $0x3  }
0x15a: {  	s4 =	simm.s32 $0x4180  }
0x15b: {  	[tilespmem:s4], [sflag:$0x1] =	stream.indirect_vreg.gather [hbm4b:s2+s3], $0x80, v4, vm0, $0xb8;
	[tilespmem:$0x18180] =	vst v63  }
0x15c: {  	s17 =	simm.s32 $0x4980;
	v3 =	vperm.xlane v3, v2  }
0x15d: {  	[tilespmem:s17], [sflag:$0x1] =	stream.indirect_vreg.gather [hbm4b:s5+s3], $0x80, v4, vm0, $0xb8;
	[tilespmem:$0x18180] =	vst v63  }
0x15e: {  	v3 =	vadd.s32 v1, v3  }
0x15f: {  	[tilespmem:s31], [sflag:$0x1] =	stream.indirect_vreg.gather [hbm4b:s6+s3], $0x80, v4, vm0, $0xb8;
	[tilespmem:$0x18180] =	vst v63  }
0x160: {  	_ = 	snop  }
0x161: {  	[tilespmem:s21], [sflag:$0x1] =	stream.indirect_vreg.gather [hbm4b:s7+s3], $0x80, v4, vm0, $0xb8;
	[tilespmem:$0x18180] =	vst v63  }
0x162: {  	_ = 	snop  }
0x163: {  	[tilespmem:s22], [sflag:$0x1] =	stream.indirect_vreg.gather [hbm4b:s2+s3], $0x80, v3, vm0, $0xb8;
	[tilespmem:$0x18180] =	vst v63  }
0x164: {  	_ = 	snop  }
0x165: {  	[tilespmem:s23], [sflag:$0x1] =	stream.indirect_vreg.gather [hbm4b:s5+s3], $0x80, v3, vm0, $0xb8;
	[tilespmem:$0x18180] =	vst v63  }
0x166: {  	_ = 	snop  }
0x167: {  	[tilespmem:s25], [sflag:$0x1] =	stream.indirect_vreg.gather [hbm4b:s6+s3], $0x80, v3, vm0, $0xb8;
	[tilespmem:$0x18180] =	vst v63  }
0x168: {  	_ = 	snop  }
0x169: {  	[tilespmem:s20], [sflag:$0x1] =	stream.indirect_vreg.gather [hbm4b:s7+s3], $0x80, v3, vm0, $0xb8;
	[tilespmem:$0x18180] =	vst v63  }
0x16a: {  	_ =	swait.ge [sflag:s14], $0x8000  }
0x16b: {  	[sflag:s14] =	ssyncset.done $0x0  }
0x16c: {  	s4 =	rddreg [dreg:$0x8];
	[sflag:s14] =	ssyncadd.s32 $0xFFFF8000  }
0x16d: {  	[hbm4b:s4+s3] =	stream.linear.scatter [tilespmem:s10], [sflag:$0x6], $0x8000, $0x38;
	[tilespmem:$0x18180] =	vst v63  }
0x16e: {  	_ =	swait.ge [sflag:s15], $0x8000  }
0x16f: {  	[sflag:s15] =	ssyncset.done $0x0  }
0x170: {  	[sflag:s15] =	ssyncadd.s32 $0xFFFF8000  }
0x171: {  	v3 =	vld [tilespmem:$0xE0];
	_ =	sdelay $0x4  }
0x172: {  	v54 =	vshll.u32 v3, $0x3  }
0x173: {  	v3 =	vand.u32 $0x7, v3;
	v4 =	vand.u32 $0xFFFFFFC0, v54  }
0x174: {  	v3 =	vor.u32 v3, v4  }
0x175: {  	v4 =	vperm.xlane v3, v0;
	_ =	sdelay $0x1  }
0x176: {  	v4 =	vadd.s32 v1, v4;
	_ =	sdelay $0x3  }
0x177: {  	s1 =	simm.s32 $0x8180  }
0x178: {  	[tilespmem:s1], [sflag:$0x2] =	stream.indirect_vreg.gather [hbm4b:s2+s3], $0x80, v4, vm0, $0xb8;
	[tilespmem:$0x18180] =	vst v63  }
0x179: {  	s17 =	simm.s32 $0x8980;
	v3 =	vperm.xlane v3, v2  }
0x17a: {  	[tilespmem:s17], [sflag:$0x2] =	stream.indirect_vreg.gather [hbm4b:s5+s3], $0x80, v4, vm0, $0xb8;
	[tilespmem:$0x18180] =	vst v63  }
0x17b: {  	v3 =	vadd.s32 v1, v3  }
0x17c: {  	[tilespmem:s19], [sflag:$0x2] =	stream.indirect_vreg.gather [hbm4b:s6+s3], $0x80, v4, vm0, $0xb8;
	[tilespmem:$0x18180] =	vst v63  }
0x17d: {  	_ = 	snop  }
0x17e: {  	[tilespmem:s26], [sflag:$0x2] =	stream.indirect_vreg.gather [hbm4b:s7+s3], $0x80, v4, vm0, $0xb8;
	[tilespmem:$0x18180] =	vst v63  }
0x17f: {  	s23 =	simm.s32 $0xA180  }
0x180: {  	[tilespmem:s23], [sflag:$0x2] =	stream.indirect_vreg.gather [hbm4b:s2+s3], $0x80, v3, vm0, $0xb8;
	[tilespmem:$0x18180] =	vst v63  }
0x181: {  	_ = 	snop  }
0x182: {  	[tilespmem:s9], [sflag:$0x2] =	stream.indirect_vreg.gather [hbm4b:s5+s3], $0x80, v3, vm0, $0xb8;
	[tilespmem:$0x18180] =	vst v63  }
0x183: {  	s26 =	simm.s32 $0xB180  }
0x184: {  	[tilespmem:s26], [sflag:$0x2] =	stream.indirect_vreg.gather [hbm4b:s6+s3], $0x80, v3, vm0, $0xb8;
	[tilespmem:$0x18180] =	vst v63  }
0x185: {  	s1 =	simm.s32 $0xB980  }
0x186: {  	[tilespmem:s1], [sflag:$0x2] =	stream.indirect_vreg.gather [hbm4b:s7+s3], $0x80, v3, vm0, $0xb8;
	[tilespmem:$0x18180] =	vst v63  }
0x187: {  	v3 =	vld [tilespmem:$0xF0];
	_ =	sdelay $0x4  }
0x188: {  	v55 =	vshll.u32 v3, $0x3  }
0x189: {  	v3 =	vand.u32 $0x7, v3;
	v4 =	vand.u32 $0xFFFFFFC0, v55  }
0x18a: {  	v3 =	vor.u32 v3, v4  }
0x18b: {  	v4 =	vperm.xlane v3, v0;
	_ =	sdelay $0x1  }
0x18c: {  	v4 =	vadd.s32 v1, v4;
	_ =	sdelay $0x3  }
0x18d: {  	s4 =	simm.s32 $0xC180  }
0x18e: {  	[tilespmem:s4], [sflag:$0x2] =	stream.indirect_vreg.gather [hbm4b:s2+s3], $0x80, v4, vm0, $0xb8;
	[tilespmem:$0x18180] =	vst v63  }
0x18f: {  	s9 =	simm.s32 $0xC980;
	v3 =	vperm.xlane v3, v2  }
0x190: {  	[tilespmem:s9], [sflag:$0x2] =	stream.indirect_vreg.gather [hbm4b:s5+s3], $0x80, v4, vm0, $0xb8;
	[tilespmem:$0x18180] =	vst v63  }
0x191: {  	v3 =	vadd.s32 v1, v3  }
0x192: {  	[tilespmem:s11], [sflag:$0x2] =	stream.indirect_vreg.gather [hbm4b:s6+s3], $0x80, v4, vm0, $0xb8;
	[tilespmem:$0x18180] =	vst v63  }
0x193: {  	_ = 	snop  }
0x194: {  	[tilespmem:s24], [sflag:$0x2] =	stream.indirect_vreg.gather [hbm4b:s7+s3], $0x80, v4, vm0, $0xb8;
	[tilespmem:$0x18180] =	vst v63  }
0x195: {  	_ = 	snop  }
0x196: {  	[tilespmem:s28], [sflag:$0x2] =	stream.indirect_vreg.gather [hbm4b:s2+s3], $0x80, v3, vm0, $0xb8;
	[tilespmem:$0x18180] =	vst v63  }
0x197: {  	_ = 	snop  }
0x198: {  	[tilespmem:s29], [sflag:$0x2] =	stream.indirect_vreg.gather [hbm4b:s5+s3], $0x80, v3, vm0, $0xb8;
	[tilespmem:$0x18180] =	vst v63  }
0x199: {  	_ = 	snop  }
0x19a: {  	[tilespmem:s30], [sflag:$0x2] =	stream.indirect_vreg.gather [hbm4b:s6+s3], $0x80, v3, vm0, $0xb8;
	[tilespmem:$0x18180] =	vst v63  }
0x19b: {  	s17 =	simm.s32 $0xF980  }
0x19c: {  	[tilespmem:s17], [sflag:$0x2] =	stream.indirect_vreg.gather [hbm4b:s7+s3], $0x80, v3, vm0, $0xb8;
	[tilespmem:$0x18180] =	vst v63  }
0x19d: {  	_ =	swait.ge [sflag:s18], $0x8000  }
0x19e: {  	[sflag:s18] =	ssyncset.done $0x0  }
0x19f: {  	s1 =	simm.s32 $0x180;
	s26 =	rddreg [dreg:$0x9];
	[sflag:s18] =	ssyncadd.s32 $0xFFFF8000  }
0x1a0: {  	[hbm4b:s26+s3] =	stream.linear.scatter [tilespmem:s1], [sflag:$0x4], $0x8000, $0x38;
	[tilespmem:$0x18180] =	vst v63  }
0x1a1: {  	_ =	swait.ge [sflag:s16], $0x8000  }
0x1a2: {  	[sflag:s16] =	ssyncset.done $0x0  }
0x1a3: {  	[sflag:s16] =	ssyncadd.s32 $0xFFFF8000  }
0x1a4: {  	v3 =	vld [tilespmem:$0x100];
	_ =	sdelay $0x4  }
0x1a5: {  	v56 =	vshll.u32 v3, $0x3  }
0x1a6: {  	v3 =	vand.u32 $0x7, v3;
	v4 =	vand.u32 $0xFFFFFFC0, v56  }
0x1a7: {  	v3 =	vor.u32 v3, v4  }
0x1a8: {  	v4 =	vperm.xlane v3, v0;
	_ =	sdelay $0x1  }
0x1a9: {  	v4 =	vadd.s32 v1, v4;
	_ =	sdelay $0x4  }
0x1aa: {  	[tilespmem:s10], [sflag:$0x3] =	stream.indirect_vreg.gather [hbm4b:s2+s3], $0x80, v4, vm0, $0xb8;
	[tilespmem:$0x18180] =	vst v63  }
0x1ab: {  	s30 =	simm.s32 $0x10980;
	v3 =	vperm.xlane v3, v2  }
0x1ac: {  	[tilespmem:s30], [sflag:$0x3] =	stream.indirect_vreg.gather [hbm4b:s5+s3], $0x80, v4, vm0, $0xb8;
	[tilespmem:$0x18180] =	vst v63  }
0x1ad: {  	s26 =	simm.s32 $0x11180;
	v3 =	vadd.s32 v1, v3  }
0x1ae: {  	[tilespmem:s26], [sflag:$0x3] =	stream.indirect_vreg.gather [hbm4b:s6+s3], $0x80, v4, vm0, $0xb8;
	[tilespmem:$0x18180] =	vst v63  }
0x1af: {  	s30 =	simm.s32 $0x11980  }
0x1b0: {  	[tilespmem:s30], [sflag:$0x3] =	stream.indirect_vreg.gather [hbm4b:s7+s3], $0x80, v4, vm0, $0xb8;
	[tilespmem:$0x18180] =	vst v63  }
0x1b1: {  	s9 =	simm.s32 $0x12180  }
0x1b2: {  	[tilespmem:s9], [sflag:$0x3] =	stream.indirect_vreg.gather [hbm4b:s2+s3], $0x80, v3, vm0, $0xb8;
	[tilespmem:$0x18180] =	vst v63  }
0x1b3: {  	s4 =	simm.s32 $0x12980  }
0x1b4: {  	[tilespmem:s4], [sflag:$0x3] =	stream.indirect_vreg.gather [hbm4b:s5+s3], $0x80, v3, vm0, $0xb8;
	[tilespmem:$0x18180] =	vst v63  }
0x1b5: {  	s0 =	simm.s32 $0x13180  }
0x1b6: {  	[tilespmem:s0], [sflag:$0x3] =	stream.indirect_vreg.gather [hbm4b:s6+s3], $0x80, v3, vm0, $0xb8;
	[tilespmem:$0x18180] =	vst v63  }
0x1b7: {  	s0 =	simm.s32 $0x13980  }
0x1b8: {  	[tilespmem:s0], [sflag:$0x3] =	stream.indirect_vreg.gather [hbm4b:s7+s3], $0x80, v3, vm0, $0xb8;
	[tilespmem:$0x18180] =	vst v63  }
0x1b9: {  	v3 =	vld [tilespmem:$0x110];
	_ =	sdelay $0x4  }
0x1ba: {  	v57 =	vshll.u32 v3, $0x3  }
0x1bb: {  	v3 =	vand.u32 $0x7, v3;
	v4 =	vand.u32 $0xFFFFFFC0, v57  }
0x1bc: {  	v3 =	vor.u32 v3, v4  }
0x1bd: {  	v4 =	vperm.xlane v3, v0;
	_ =	sdelay $0x1  }
0x1be: {  	v4 =	vadd.s32 v1, v4;
	_ =	sdelay $0x3  }
0x1bf: {  	s0 =	simm.s32 $0x14180  }
0x1c0: {  	[tilespmem:s0], [sflag:$0x3] =	stream.indirect_vreg.gather [hbm4b:s2+s3], $0x80, v4, vm0, $0xb8;
	[tilespmem:$0x18180] =	vst v63  }
0x1c1: {  	v3 =	vperm.xlane v3, v2;
	s0 =	simm.s32 $0x14980  }
0x1c2: {  	[tilespmem:s0], [sflag:$0x3] =	stream.indirect_vreg.gather [hbm4b:s5+s3], $0x80, v4, vm0, $0xb8;
	[tilespmem:$0x18180] =	vst v63  }
0x1c3: {  	v3 =	vadd.s32 v1, v3;
	s0 =	simm.s32 $0x15180  }
0x1c4: {  	[tilespmem:s0], [sflag:$0x3] =	stream.indirect_vreg.gather [hbm4b:s6+s3], $0x80, v4, vm0, $0xb8;
	[tilespmem:$0x18180] =	vst v63  }
0x1c5: {  	s0 =	simm.s32 $0x15980  }
0x1c6: {  	[tilespmem:s0], [sflag:$0x3] =	stream.indirect_vreg.gather [hbm4b:s7+s3], $0x80, v4, vm0, $0xb8;
	[tilespmem:$0x18180] =	vst v63  }
0x1c7: {  	s0 =	simm.s32 $0x16180  }
0x1c8: {  	[tilespmem:s0], [sflag:$0x3] =	stream.indirect_vreg.gather [hbm4b:s2+s3], $0x80, v3, vm0, $0xb8;
	[tilespmem:$0x18180] =	vst v63  }
0x1c9: {  	s0 =	simm.s32 $0x16980  }
0x1ca: {  	[tilespmem:s0], [sflag:$0x3] =	stream.indirect_vreg.gather [hbm4b:s5+s3], $0x80, v3, vm0, $0xb8;
	[tilespmem:$0x18180] =	vst v63  }
0x1cb: {  	s0 =	simm.s32 $0x17180  }
0x1cc: {  	[tilespmem:s0], [sflag:$0x3] =	stream.indirect_vreg.gather [hbm4b:s6+s3], $0x80, v3, vm0, $0xb8;
	[tilespmem:$0x18180] =	vst v63  }
0x1cd: {  	s0 =	simm.s32 $0x17980  }
0x1ce: {  	[tilespmem:s0], [sflag:$0x3] =	stream.indirect_vreg.gather [hbm4b:s7+s3], $0x80, v3, vm0, $0xb8;
	[tilespmem:$0x18180] =	vst v63  }
0x1cf: {  	_ =	swait.ge [sflag:s12], $0x8000  }
0x1d0: {  	[sflag:s12] =	ssyncset.done $0x0  }
0x1d1: {  	s0 =	simm.s32 $0x8180;
	s17 =	rddreg [dreg:$0xa];
	[sflag:s12] =	ssyncadd.s32 $0xFFFF8000  }
0x1d2: {  	[hbm4b:s17+s3] =	stream.linear.scatter [tilespmem:s0], [sflag:$0x5], $0x8000, $0x38;
	[tilespmem:$0x18180] =	vst v63  }
0x1d3: {  	_ =	swait.ge [sflag:s13], $0x8000  }
0x1d4: {  	[sflag:s13] =	ssyncset.done $0x0  }
0x1d5: {  	[sflag:s13] =	ssyncadd.s32 $0xFFFF8000  }
0x1d6: {  	v3 =	vld [tilespmem:$0x120];
	_ =	sdelay $0x4  }
0x1d7: {  	v58 =	vshll.u32 v3, $0x3  }
0x1d8: {  	v3 =	vand.u32 $0x7, v3;
	v4 =	vand.u32 $0xFFFFFFC0, v58  }
0x1d9: {  	v3 =	vor.u32 v3, v4  }
0x1da: {  	v4 =	vperm.xlane v3, v0;
	_ =	sdelay $0x1  }
0x1db: {  	v4 =	vadd.s32 v1, v4;
	_ =	sdelay $0x4  }
0x1dc: {  	[tilespmem:s1], [sflag:$0x1] =	stream.indirect_vreg.gather [hbm4b:s2+s3], $0x80, v4, vm0, $0xb8;
	[tilespmem:$0x18180] =	vst v63  }
0x1dd: {  	s17 =	simm.s32 $0x980;
	v3 =	vperm.xlane v3, v2  }
0x1de: {  	[tilespmem:s17], [sflag:$0x1] =	stream.indirect_vreg.gather [hbm4b:s5+s3], $0x80, v4, vm0, $0xb8;
	[tilespmem:$0x18180] =	vst v63  }
0x1df: {  	v3 =	vadd.s32 v1, v3;
	s17 =	simm.s32 $0x1180  }
0x1e0: {  	[tilespmem:s17], [sflag:$0x1] =	stream.indirect_vreg.gather [hbm4b:s6+s3], $0x80, v4, vm0, $0xb8;
	[tilespmem:$0x18180] =	vst v63  }
0x1e1: {  	s17 =	simm.s32 $0x1980  }
0x1e2: {  	[tilespmem:s17], [sflag:$0x1] =	stream.indirect_vreg.gather [hbm4b:s7+s3], $0x80, v4, vm0, $0xb8;
	[tilespmem:$0x18180] =	vst v63  }
0x1e3: {  	s17 =	simm.s32 $0x2180  }
0x1e4: {  	[tilespmem:s17], [sflag:$0x1] =	stream.indirect_vreg.gather [hbm4b:s2+s3], $0x80, v3, vm0, $0xb8;
	[tilespmem:$0x18180] =	vst v63  }
0x1e5: {  	s17 =	simm.s32 $0x2980  }
0x1e6: {  	[tilespmem:s17], [sflag:$0x1] =	stream.indirect_vreg.gather [hbm4b:s5+s3], $0x80, v3, vm0, $0xb8;
	[tilespmem:$0x18180] =	vst v63  }
0x1e7: {  	s17 =	simm.s32 $0x3180  }
0x1e8: {  	[tilespmem:s17], [sflag:$0x1] =	stream.indirect_vreg.gather [hbm4b:s6+s3], $0x80, v3, vm0, $0xb8;
	[tilespmem:$0x18180] =	vst v63  }
0x1e9: {  	s17 =	simm.s32 $0x3980  }
0x1ea: {  	[tilespmem:s17], [sflag:$0x1] =	stream.indirect_vreg.gather [hbm4b:s7+s3], $0x80, v3, vm0, $0xb8;
	[tilespmem:$0x18180] =	vst v63  }
0x1eb: {  	v3 =	vld [tilespmem:$0x130];
	_ =	sdelay $0x4  }
0x1ec: {  	v59 =	vshll.u32 v3, $0x3  }
0x1ed: {  	v3 =	vand.u32 $0x7, v3;
	v4 =	vand.u32 $0xFFFFFFC0, v59  }
0x1ee: {  	v3 =	vor.u32 v3, v4  }
0x1ef: {  	v4 =	vperm.xlane v3, v0;
	_ =	sdelay $0x1  }
0x1f0: {  	v4 =	vadd.s32 v1, v4;
	_ =	sdelay $0x3  }
0x1f1: {  	s17 =	simm.s32 $0x4180  }
0x1f2: {  	[tilespmem:s17], [sflag:$0x1] =	stream.indirect_vreg.gather [hbm4b:s2+s3], $0x80, v4, vm0, $0xb8;
	[tilespmem:$0x18180] =	vst v63  }
0x1f3: {  	v3 =	vperm.xlane v3, v2;
	s17 =	simm.s32 $0x4980  }
0x1f4: {  	[tilespmem:s17], [sflag:$0x1] =	stream.indirect_vreg.gather [hbm4b:s5+s3], $0x80, v4, vm0, $0xb8;
	[tilespmem:$0x18180] =	vst v63  }
0x1f5: {  	s31 =	simm.s32 $0x5180;
	v3 =	vadd.s32 v1, v3  }
0x1f6: {  	[tilespmem:s31], [sflag:$0x1] =	stream.indirect_vreg.gather [hbm4b:s6+s3], $0x80, v4, vm0, $0xb8;
	[tilespmem:$0x18180] =	vst v63  }
0x1f7: {  	s21 =	simm.s32 $0x5980  }
0x1f8: {  	[tilespmem:s21], [sflag:$0x1] =	stream.indirect_vreg.gather [hbm4b:s7+s3], $0x80, v4, vm0, $0xb8;
	[tilespmem:$0x18180] =	vst v63  }
0x1f9: {  	s22 =	simm.s32 $0x6180  }
0x1fa: {  	[tilespmem:s22], [sflag:$0x1] =	stream.indirect_vreg.gather [hbm4b:s2+s3], $0x80, v3, vm0, $0xb8;
	[tilespmem:$0x18180] =	vst v63  }
0x1fb: {  	s31 =	simm.s32 $0x6980  }
0x1fc: {  	[tilespmem:s31], [sflag:$0x1] =	stream.indirect_vreg.gather [hbm4b:s5+s3], $0x80, v3, vm0, $0xb8;
	[tilespmem:$0x18180] =	vst v63  }
0x1fd: {  	s25 =	simm.s32 $0x7180  }
0x1fe: {  	[tilespmem:s25], [sflag:$0x1] =	stream.indirect_vreg.gather [hbm4b:s6+s3], $0x80, v3, vm0, $0xb8;
	[tilespmem:$0x18180] =	vst v63  }
0x1ff: {  	s20 =	simm.s32 $0x7980  }
0x200: {  	[tilespmem:s20], [sflag:$0x1] =	stream.indirect_vreg.gather [hbm4b:s7+s3], $0x80, v3, vm0, $0xb8;
	[tilespmem:$0x18180] =	vst v63  }
0x201: {  	_ =	swait.ge [sflag:s14], $0x8000  }
0x202: {  	[sflag:s14] =	ssyncset.done $0x0  }
0x203: {  	s21 =	rddreg [dreg:$0xb];
	[sflag:s14] =	ssyncadd.s32 $0xFFFF8000  }
0x204: {  	[hbm4b:s21+s3] =	stream.linear.scatter [tilespmem:s10], [sflag:$0x6], $0x8000, $0x38;
	[tilespmem:$0x18180] =	vst v63  }
0x205: {  	_ =	swait.ge [sflag:s15], $0x8000  }
0x206: {  	[sflag:s15] =	ssyncset.done $0x0  }
0x207: {  	[sflag:s15] =	ssyncadd.s32 $0xFFFF8000  }
0x208: {  	v3 =	vld [tilespmem:$0x140];
	_ =	sdelay $0x4  }
0x209: {  	v60 =	vshll.u32 v3, $0x3  }
0x20a: {  	v3 =	vand.u32 $0x7, v3;
	v4 =	vand.u32 $0xFFFFFFC0, v60  }
0x20b: {  	v3 =	vor.u32 v3, v4  }
0x20c: {  	v4 =	vperm.xlane v3, v0;
	_ =	sdelay $0x1  }
0x20d: {  	v4 =	vadd.s32 v1, v4;
	_ =	sdelay $0x4  }
0x20e: {  	[tilespmem:s0], [sflag:$0x2] =	stream.indirect_vreg.gather [hbm4b:s2+s3], $0x80, v4, vm0, $0xb8;
	[tilespmem:$0x18180] =	vst v63  }
0x20f: {  	s22 =	simm.s32 $0x8980;
	v3 =	vperm.xlane v3, v2  }
0x210: {  	[tilespmem:s22], [sflag:$0x2] =	stream.indirect_vreg.gather [hbm4b:s5+s3], $0x80, v4, vm0, $0xb8;
	[tilespmem:$0x18180] =	vst v63  }
0x211: {  	s19 =	simm.s32 $0x9180;
	v3 =	vadd.s32 v1, v3  }
0x212: {  	[tilespmem:s19], [sflag:$0x2] =	stream.indirect_vreg.gather [hbm4b:s6+s3], $0x80, v4, vm0, $0xb8;
	[tilespmem:$0x18180] =	vst v63  }
0x213: {  	s25 =	simm.s32 $0x9980  }
0x214: {  	[tilespmem:s25], [sflag:$0x2] =	stream.indirect_vreg.gather [hbm4b:s7+s3], $0x80, v4, vm0, $0xb8;
	[tilespmem:$0x18180] =	vst v63  }
0x215: {  	s31 =	simm.s32 $0xA180  }
0x216: {  	[tilespmem:s31], [sflag:$0x2] =	stream.indirect_vreg.gather [hbm4b:s2+s3], $0x80, v3, vm0, $0xb8;
	[tilespmem:$0x18180] =	vst v63  }
0x217: {  	s17 =	simm.s32 $0xA980  }
0x218: {  	[tilespmem:s17], [sflag:$0x2] =	stream.indirect_vreg.gather [hbm4b:s5+s3], $0x80, v3, vm0, $0xb8;
	[tilespmem:$0x18180] =	vst v63  }
0x219: {  	s19 =	simm.s32 $0xB180  }
0x21a: {  	[tilespmem:s19], [sflag:$0x2] =	stream.indirect_vreg.gather [hbm4b:s6+s3], $0x80, v3, vm0, $0xb8;
	[tilespmem:$0x18180] =	vst v63  }
0x21b: {  	s21 =	simm.s32 $0xB980  }
0x21c: {  	[tilespmem:s21], [sflag:$0x2] =	stream.indirect_vreg.gather [hbm4b:s7+s3], $0x80, v3, vm0, $0xb8;
	[tilespmem:$0x18180] =	vst v63  }
0x21d: {  	v3 =	vld [tilespmem:$0x150];
	_ =	sdelay $0x4  }
0x21e: {  	v61 =	vshll.u32 v3, $0x3  }
0x21f: {  	v3 =	vand.u32 $0x7, v3;
	v4 =	vand.u32 $0xFFFFFFC0, v61  }
0x220: {  	v3 =	vor.u32 v3, v4  }
0x221: {  	v4 =	vperm.xlane v3, v0;
	_ =	sdelay $0x1  }
0x222: {  	v4 =	vadd.s32 v1, v4;
	_ =	sdelay $0x3  }
0x223: {  	s22 =	simm.s32 $0xC180  }
0x224: {  	[tilespmem:s22], [sflag:$0x2] =	stream.indirect_vreg.gather [hbm4b:s2+s3], $0x80, v4, vm0, $0xb8;
	[tilespmem:$0x18180] =	vst v63  }
0x225: {  	s25 =	simm.s32 $0xC980;
	v3 =	vperm.xlane v3, v2  }
0x226: {  	[tilespmem:s25], [sflag:$0x2] =	stream.indirect_vreg.gather [hbm4b:s5+s3], $0x80, v4, vm0, $0xb8;
	[tilespmem:$0x18180] =	vst v63  }
0x227: {  	s11 =	simm.s32 $0xD180;
	v3 =	vadd.s32 v1, v3  }
0x228: {  	[tilespmem:s11], [sflag:$0x2] =	stream.indirect_vreg.gather [hbm4b:s6+s3], $0x80, v4, vm0, $0xb8;
	[tilespmem:$0x18180] =	vst v63  }
0x229: {  	s24 =	simm.s32 $0xD980  }
0x22a: {  	[tilespmem:s24], [sflag:$0x2] =	stream.indirect_vreg.gather [hbm4b:s7+s3], $0x80, v4, vm0, $0xb8;
	[tilespmem:$0x18180] =	vst v63  }
0x22b: {  	s23 =	simm.s32 $0xE180  }
0x22c: {  	[tilespmem:s23], [sflag:$0x2] =	stream.indirect_vreg.gather [hbm4b:s2+s3], $0x80, v3, vm0, $0xb8;
	[tilespmem:$0x18180] =	vst v63  }
0x22d: {  	s28 =	simm.s32 $0xE980  }
0x22e: {  	[tilespmem:s28], [sflag:$0x2] =	stream.indirect_vreg.gather [hbm4b:s5+s3], $0x80, v3, vm0, $0xb8;
	[tilespmem:$0x18180] =	vst v63  }
0x22f: {  	s29 =	simm.s32 $0xF180  }
0x230: {  	[tilespmem:s29], [sflag:$0x2] =	stream.indirect_vreg.gather [hbm4b:s6+s3], $0x80, v3, vm0, $0xb8;
	[tilespmem:$0x18180] =	vst v63  }
0x231: {  	s31 =	simm.s32 $0xF980  }
0x232: {  	[tilespmem:s31], [sflag:$0x2] =	stream.indirect_vreg.gather [hbm4b:s7+s3], $0x80, v3, vm0, $0xb8;
	[tilespmem:$0x18180] =	vst v63  }
0x233: {  	_ =	swait.ge [sflag:s18], $0x8000  }
0x234: {  	[sflag:s18] =	ssyncset.done $0x0  }
0x235: {  	s1 =	simm.s32 $0x180;
	s0 =	rddreg [dreg:$0xc];
	[sflag:s18] =	ssyncadd.s32 $0xFFFF8000  }
0x236: {  	[hbm4b:s0+s3] =	stream.linear.scatter [tilespmem:s1], [sflag:$0x4], $0x8000, $0x38;
	[tilespmem:$0x18180] =	vst v63  }
0x237: {  	_ =	swait.ge [sflag:s16], $0x8000  }
0x238: {  	[sflag:s16] =	ssyncset.done $0x0  }
0x239: {  	[sflag:s16] =	ssyncadd.s32 $0xFFFF8000  }
0x23a: {  	v3 =	vld [tilespmem:$0x160];
	_ =	sdelay $0x4  }
0x23b: {  	v62 =	vshll.u32 v3, $0x3  }
0x23c: {  	v3 =	vand.u32 $0x7, v3;
	v4 =	vand.u32 $0xFFFFFFC0, v62  }
0x23d: {  	v3 =	vor.u32 v3, v4  }
0x23e: {  	v4 =	vperm.xlane v3, v0;
	_ =	sdelay $0x1  }
0x23f: {  	v4 =	vadd.s32 v1, v4;
	_ =	sdelay $0x4  }
0x240: {  	[tilespmem:s10], [sflag:$0x3] =	stream.indirect_vreg.gather [hbm4b:s2+s3], $0x80, v4, vm0, $0xb8;
	[tilespmem:$0x18180] =	vst v63  }
0x241: {  	s11 =	simm.s32 $0x10980;
	v3 =	vperm.xlane v3, v2  }
0x242: {  	[tilespmem:s11], [sflag:$0x3] =	stream.indirect_vreg.gather [hbm4b:s5+s3], $0x80, v4, vm0, $0xb8;
	[tilespmem:$0x18180] =	vst v63  }
0x243: {  	v3 =	vadd.s32 v1, v3  }
0x244: {  	[tilespmem:s26], [sflag:$0x3] =	stream.indirect_vreg.gather [hbm4b:s6+s3], $0x80, v4, vm0, $0xb8;
	[tilespmem:$0x18180] =	vst v63  }
0x245: {  	_ = 	snop  }
0x246: {  	[tilespmem:s30], [sflag:$0x3] =	stream.indirect_vreg.gather [hbm4b:s7+s3], $0x80, v4, vm0, $0xb8;
	[tilespmem:$0x18180] =	vst v63  }
0x247: {  	_ = 	snop  }
0x248: {  	[tilespmem:s9], [sflag:$0x3] =	stream.indirect_vreg.gather [hbm4b:s2+s3], $0x80, v3, vm0, $0xb8;
	[tilespmem:$0x18180] =	vst v63  }
0x249: {  	_ = 	snop  }
0x24a: {  	[tilespmem:s4], [sflag:$0x3] =	stream.indirect_vreg.gather [hbm4b:s5+s3], $0x80, v3, vm0, $0xb8;
	[tilespmem:$0x18180] =	vst v63  }
0x24b: {  	s17 =	simm.s32 $0x13180  }
0x24c: {  	[tilespmem:s17], [sflag:$0x3] =	stream.indirect_vreg.gather [hbm4b:s6+s3], $0x80, v3, vm0, $0xb8;
	[tilespmem:$0x18180] =	vst v63  }
0x24d: {  	s19 =	simm.s32 $0x13980  }
0x24e: {  	[tilespmem:s19], [sflag:$0x3] =	stream.indirect_vreg.gather [hbm4b:s7+s3], $0x80, v3, vm0, $0xb8;
	[tilespmem:$0x18180] =	vst v63  }
0x24f: {  	v3 =	vld [tilespmem:$0x170];
	_ =	sdelay $0x4  }
0x250: {  	v63 =	vshll.u32 v3, $0x3  }
0x251: {  	v3 =	vand.u32 $0x7, v3;
	v4 =	vand.u32 $0xFFFFFFC0, v63  }
0x252: {  	v3 =	vor.u32 v3, v4  }
0x253: {  	v4 =	vperm.xlane v3, v0;
	_ =	sdelay $0x1  }
0x254: {  	v4 =	vadd.s32 v1, v4;
	_ =	sdelay $0x3  }
0x255: {  	s21 =	simm.s32 $0x14180  }
0x256: {  	[tilespmem:s21], [sflag:$0x3] =	stream.indirect_vreg.gather [hbm4b:s2+s3], $0x80, v4, vm0, $0xb8;
	[tilespmem:$0x18180] =	vst v63  }
0x257: {  	s22 =	simm.s32 $0x14980;
	v3 =	vperm.xlane v3, v2  }
0x258: {  	[tilespmem:s22], [sflag:$0x3] =	stream.indirect_vreg.gather [hbm4b:s5+s3], $0x80, v4, vm0, $0xb8;
	[tilespmem:$0x18180] =	vst v63  }
0x259: {  	s23 =	simm.s32 $0x15180;
	v3 =	vadd.s32 v1, v3  }
0x25a: {  	[tilespmem:s23], [sflag:$0x3] =	stream.indirect_vreg.gather [hbm4b:s6+s3], $0x80, v4, vm0, $0xb8;
	[tilespmem:$0x18180] =	vst v63  }
0x25b: {  	s24 =	simm.s32 $0x15980  }
0x25c: {  	[tilespmem:s24], [sflag:$0x3] =	stream.indirect_vreg.gather [hbm4b:s7+s3], $0x80, v4, vm0, $0xb8;
	[tilespmem:$0x18180] =	vst v63  }
0x25d: {  	s25 =	simm.s32 $0x16180  }
0x25e: {  	[tilespmem:s25], [sflag:$0x3] =	stream.indirect_vreg.gather [hbm4b:s2+s3], $0x80, v3, vm0, $0xb8;
	[tilespmem:$0x18180] =	vst v63  }
0x25f: {  	s26 =	simm.s32 $0x16980  }
0x260: {  	[tilespmem:s26], [sflag:$0x3] =	stream.indirect_vreg.gather [hbm4b:s5+s3], $0x80, v3, vm0, $0xb8;
	[tilespmem:$0x18180] =	vst v63  }
0x261: {  	s28 =	simm.s32 $0x17180  }
0x262: {  	[tilespmem:s28], [sflag:$0x3] =	stream.indirect_vreg.gather [hbm4b:s6+s3], $0x80, v3, vm0, $0xb8;
	[tilespmem:$0x18180] =	vst v63  }
0x263: {  	s29 =	simm.s32 $0x17980  }
0x264: {  	[tilespmem:s29], [sflag:$0x3] =	stream.indirect_vreg.gather [hbm4b:s7+s3], $0x80, v3, vm0, $0xb8;
	[tilespmem:$0x18180] =	vst v63  }
0x265: {  	_ =	swait.ge [sflag:s12], $0x8000  }
0x266: {  	[sflag:s12] =	ssyncset.done $0x0  }
0x267: {  	s20 =	simm.s32 $0x8180;
	s30 =	rddreg [dreg:$0xd];
	[sflag:s12] =	ssyncadd.s32 $0xFFFF8000  }
0x268: {  	[hbm4b:s30+s3] =	stream.linear.scatter [tilespmem:s20], [sflag:$0x5], $0x8000, $0x38;
	[tilespmem:$0x18180] =	vst v63  }
0x269: {  	_ =	swait.ge [sflag:s14], $0x8000  }
0x26a: {  	[sflag:s14] =	ssyncset.done $0x0  }
0x26b: {  	s31 =	rddreg [dreg:$0xe];
	[sflag:s14] =	ssyncadd.s32 $0xFFFF8000  }
0x26c: {  	[hbm4b:s31+s3] =	stream.linear.scatter [tilespmem:s10], [sflag:$0x6], $0x8000, $0x38;
	[tilespmem:$0x18180] =	vst v63  }
0x26d: {  	_ =	swait.ge [sflag:s13], $0x8000  }
0x26e: {  	[sflag:s13] =	ssyncset.done $0x0  }
0x26f: {  	[sflag:s13] =	ssyncadd.s32 $0xFFFF8000  }
0x270: {  	p0 =	sne.s32 s8, $0x1;
	_ =	swait.ge [sflag:s15], $0x8000  }
.Ltmp0:
0x271: {  	[sflag:s15] =	ssyncset.done $0x0;
	(pc) =	sbr.rel @p0 .LBB2_1-.Ltmp0, $4  }
0x272: {  	[sflag:s15] =	ssyncadd.s32 $0xFFFF8000  }
0x273: {  	_ =	swait.ge [sflag:s16], $0x8000  }
0x274: {  	[sflag:s16] =	ssyncset.done $0x0  }
0x275: {  	s8 =	sadd.s32 $0xFFFFFFFF, s8;
	[sflag:s16] =	ssyncadd.s32 $0xFFFF8000  }
0x276: {  	_ =	sfence.sel $0x180000  }
0x277: {  	[bflag:$0x0] =	sbarrier.arrive $0xFFFF  }
0x278: {  	_ =	strace $0x9000004D  }
0x279: {  	s0 =	stileid.u32;
	[bflag:$0x2] =	sbarrier.arrive $0xFFFF  }
0x27a: {  	p0 =	sne.s32 s0, $0x0;
	s0 =	rddreg [dreg:$0x2]  }
0x27b: {  	s0 =	sadd.s32 @!p0 $0x100000, s0  }
0x27c: {  	[sflag:s0] =	ssyncadd.tile.s32 @!p0 $0x1;
	_ =	shalt  }
.Lfunc_end2:
_tile_overlayer_lowered:
.L_overlay_start_2:
0x27d: {  	(tag) =	ssettag $0x2  }
0x27e: {  	s0 =	rddreg [dreg:$0x0];
	s2 =	stileid.u32  }
0x27f: {  	s1 =	rddreg [dreg:$0x1];
	p0 =	sne.s32 s2, $0x0  }
0x280: {  	s3 =	rddreg [dreg:$0x2];
	[bflag:$0x3] =	sbarrier.arrive $0xFFFF;
	s2 =	simm.s32 @!p0 $0x1C07  }
0x281: {  	[timem:s3], [sflag:s2] =	dma.local @!p0 [hbm:s0], s1  }
0x282: {  	s0 =	simm.s32 @!p0 $0x7  }
0x283: {  	_ =	swait.ge @!p0 [sflag:s0], s1  }
0x284: {  	s1 =	ssub.s32 @!p0 $0x0, s1;
	[sflag:s0] =	ssyncset.done @!p0 $0x0  }
0x285: {  	[sflag:s0] =	ssyncadd.s32 @!p0 s1  }
0x286: {  	[bflag:$0x3] =	sbarrier.arrive $0xFFFF  }
0x287: {  	_ =	shalt  }

// kernel: kernel.19.cloned.1.call-start
scs
__scs_entry_jumppad:
0x0: {  	(pc) =	sbr.rel $0x88, $3  }
0x1: {  	(tag) =	ssettag $0x0;
	lr =	simm.s32 $0x1  }
0x2: {  	[smem:$0x3F9A] =	sst lr;
	_ =	strace $0xD0000000  }
0x3: {  	_ = 	snop  }
0x4: {  	_ = 	snop  }
0x5: {  	_ = 	snop  }
0x6: {  	_ = 	snop  }
0x7: {  	_ = 	snop  }
__scs_overlays_trampoline_lowered:
0x8: {  	[smem:$0x3FA9] =	sst s0  }
0x9: {  	[smem:$0x3FAA] =	sst s1  }
0xa: {  	[smem:$0x3FAB] =	sst s2  }
0xb: {  	[smem:$0x3FAC] =	sst s3  }
0xc: {  	[smem:$0x3FAD] =	sst s4  }
0xd: {  	[smem:$0x3FAE] =	sst s5  }
0xe: {  	[smem:$0x3FAF] =	sst s6  }
0xf: {  	[smem:$0x3FB0] =	sst s7  }
0x10: {  	[smem:$0x3FB1] =	sst s8  }
0x11: {  	[smem:$0x3FB2] =	sst s9;
	s0 =	simm.s32 @!p0 $0x0  }
0x12: {  	s1 =	sld [smem:$0x3F98];
	s0 =	simm.s32 @p0 $0x1  }
0x13: {  	[smem:$0x3FB3] =	sst s0;
	s0 =	simm.s32 @!p1 $0x0  }
0x14: {  	s2 =	sld [smem:$0x3F97];
	s0 =	simm.s32 @p1 $0x1  }
0x15: {  	[smem:$0x3FB4] =	sst s0;
	s0 =	simm.s32 @!p2 $0x0  }
0x16: {  	s3 =	sld [smem:$0x3FDB];
	s0 =	simm.s32 @p2 $0x1  }
0x17: {  	s4 =	simm.s32 $0x1BF5;
	[smem:$0x3FB6] =	sst s0  }
0x18: {  	s0 =	sld [smem:$0x3F99];
	_ =	swait.ge [sflag:s4], $0x0  }
0x19: {  	s7 =	sld [smem:$0x3F9A]  }
0x1a: {  	s8 =	sadd.s32 $0xFFFFE003, lr  }
0x1b: {  	s9 =	sadd.s32 $0xFFFFFEF7, lr;
	s5 =	simm.s32 $0xFFFFFFFF;
	p2 =	slt.u32 s8, $0xFFFFF086  }
0x1c: {  	p1 =	slt.u32 s9, $0xF7A;
	s5 =	simm.s32 @!p2 $0x0  }
0x1d: {  	s5 =	simm.s32 @p1 $0x1;
	p0 =	seq.s32 s7, s2  }
0x1e: {  	s7 =	smul.u32 @!p0 $0xF7A, s2;
	p2 =	seq.s32 @!p0 s5, $0x0  }
0x1f: {  	s9 =	smul.u32 $0xF7A, s1;
	s8 =	simm.s32 @!p0 $0x1BF5;
	p2 =	por !p2, p0  }
0x20: {  	[sflag:s8] =	ssyncset.s32 @!p0 $0xFFFFF086;
	s6 =	sadd.s32 @!p0 s3, s7;
	s7 =	simm.s32 @!p0 $0x108  }
0x21: {  	s3 =	sadd.s32 s3, s9;
	s6 =	sadd.s32 @!p0 $0x88, s6;
	s7 =	simm.s32 @p2 $0x1082  }
0x22: {  	[simem:s7], [sflag:s8] =	dma.local @!p0 [hbm:s6], $0xF7A  }
0x23: {  	s9 =	sor.u32 $0xD0000000, s2;
	s6 =	simm.s32 $0x108;
	_ =	swait.ge @!p0 [sflag:s8], $0x0  }
0x24: {  	s3 =	sadd.s32 $0x88, s3;
	s6 =	simm.s32 @!p1 $0x1082;
	[sflag:s4] =	ssyncset.s32 $0xFFFFF086  }
0x25: {  	[simem:s6], [sflag:s4] =	dma.local [hbm:s3], $0xF7A  }
0x26: {  	[smem:$0x3F9A] =	sst s1;
	(tag) =	ssettag s2;
	_ =	strace s9  }
0x27: {  	s1 =	sld [smem:$0x3FAA]  }
0x28: {  	s2 =	sld [smem:$0x3FAB]  }
0x29: {  	s4 =	sld [smem:$0x3FAD]  }
0x2a: {  	p0 =	seq.s32 s5, $0x0;
	s5 =	sld [smem:$0x3FAE]  }
0x2b: {  	s6 =	sld [smem:$0x3FAF]  }
0x2c: {  	s7 =	sld [smem:$0x3FB0]  }
0x2d: {  	s3 =	simm.s32 $0x108;
	s8 =	sld [smem:$0x3FB1]  }
0x2e: {  	s3 =	simm.s32 @!p0 $0x1082;
	s9 =	sld [smem:$0x3FB2]  }
0x2f: {  	lr =	sadd.s32 s0, s3;
	s0 =	sld [smem:$0x3FA9]  }
0x30: {  	s3 =	sld [smem:$0x3FAC]  }
0x31: {  	[smem:$0x3FB5] =	sst s10  }
0x32: {  	s10 =	sld [smem:$0x3FB3];
	_ =	sdelay $0x3  }
0x33: {  	p0 =	seq.s32 s10, $0x1;
	s10 =	sld [smem:$0x3FB5];
	_ =	sdelay $0x3  }
0x34: {  	[smem:$0x3FB5] =	sst s10  }
0x35: {  	s10 =	sld [smem:$0x3FB4];
	_ =	sdelay $0x3  }
0x36: {  	p1 =	seq.s32 s10, $0x1;
	s10 =	sld [smem:$0x3FB5];
	_ =	sdelay $0x3  }
0x37: {  	[smem:$0x3FB5] =	sst s10  }
0x38: {  	s10 =	sld [smem:$0x3FB6]  }
0x39: {  	_ = 	snop;
	(pc) =	sbr.ind lr, $3  }
0x3a: {  	_ = 	snop  }
0x3b: {  	_ = 	snop  }
0x3c: {  	p2 =	seq.s32 s10, $0x1;
	s10 =	sld [smem:$0x3FB5]  }
0x3d: {  	_ =	shalt  }
0x3e: {  	_ =	shalt  }
0x3f: {  	_ =	shalt  }
0x40: {  	_ =	shalt  }
0x41: {  	_ =	shalt  }
0x42: {  	_ =	shalt  }
0x43: {  	_ =	shalt  }
0x44: {  	_ =	shalt  }
0x45: {  	_ =	shalt  }
0x46: {  	_ =	shalt  }
0x47: {  	_ =	shalt  }
0x48: {  	_ =	shalt  }
0x49: {  	_ =	shalt  }
0x4a: {  	_ =	shalt  }
0x4b: {  	_ =	shalt  }
0x4c: {  	_ =	shalt  }
0x4d: {  	_ =	shalt  }
0x4e: {  	_ =	shalt  }
0x4f: {  	_ =	shalt  }
0x50: {  	_ =	shalt  }
0x51: {  	_ =	shalt  }
0x52: {  	_ =	shalt  }
0x53: {  	_ =	shalt  }
0x54: {  	_ =	shalt  }
0x55: {  	_ =	shalt  }
0x56: {  	_ =	shalt  }
0x57: {  	_ =	shalt  }
0x58: {  	_ =	shalt  }
0x59: {  	_ =	shalt  }
0x5a: {  	_ =	shalt  }
0x5b: {  	_ =	shalt  }
0x5c: {  	_ =	shalt  }
0x5d: {  	_ =	shalt  }
0x5e: {  	_ =	shalt  }
0x5f: {  	_ =	shalt  }
0x60: {  	_ =	shalt  }
0x61: {  	_ =	shalt  }
0x62: {  	_ =	shalt  }
0x63: {  	_ =	shalt  }
0x64: {  	_ =	shalt  }
0x65: {  	_ =	shalt  }
0x66: {  	_ =	shalt  }
0x67: {  	_ =	shalt  }
0x68: {  	_ =	shalt  }
0x69: {  	_ =	shalt  }
0x6a: {  	_ =	shalt  }
0x6b: {  	_ =	shalt  }
0x6c: {  	_ =	shalt  }
0x6d: {  	_ =	shalt  }
0x6e: {  	_ =	shalt  }
0x6f: {  	_ =	shalt  }
0x70: {  	_ =	shalt  }
0x71: {  	_ =	shalt  }
0x72: {  	_ =	shalt  }
0x73: {  	_ =	shalt  }
0x74: {  	_ =	shalt  }
0x75: {  	_ =	shalt  }
0x76: {  	_ =	shalt  }
0x77: {  	_ =	shalt  }
0x78: {  	_ =	shalt  }
0x79: {  	_ =	shalt  }
0x7a: {  	_ =	shalt  }
0x7b: {  	_ =	shalt  }
0x7c: {  	_ =	shalt  }
0x7d: {  	_ =	shalt  }
0x7e: {  	_ =	shalt  }
0x7f: {  	_ =	shalt  }
0x80: {  	_ =	shalt  }
0x81: {  	_ =	shalt  }
0x82: {  	_ =	shalt  }
0x83: {  	_ =	shalt  }
0x84: {  	_ =	shalt  }
0x85: {  	_ =	shalt  }
0x86: {  	_ =	shalt  }
0x87: {  	_ =	shalt  }
.Lfunc_end0:
.L_simem_size_0:
called_computation.3_lowered:
.L_overlay_start_0:
0x88: {  	s2 =	sld [smem:$0x3FD9]  }
0x89: {  	s3 =	sld [smem:$0x3FFE];
	_ =	sdelay $0x1  }
0x8a: {  	s1 =	srdreg.scid  }
0x8b: {  	s0 =	sand.u32 $0x1, s1  }
0x8c: {  	s17 =	sshll.u32 s0, $0xA;
	s2 =	sadd.s32 s3, s2  }
0x8d: {  	s2 =	sadd.s32 s2, s17  }
0x8e: {  	[smem:$0x3FC1] =	sst s2  }
0x8f: {  	_ = 	snop  }
0x90: {  	s18 =	sld [smem:$0x3FC6];
	(tm) =	ssettm $0x1  }
0x91: {  	s19 =	sld [smem:$0x3FFB];
	_ =	sdelay $0x3  }
0x92: {  	_ =	strace s19  }
0x93: {  	s2 =	sld [smem:$0x3FFC];
	_ =	sdelay $0x3  }
0x94: {  	_ =	strace s2  }
0x95: {  	s2 =	sld [smem:$0x3FFD];
	_ =	sdelay $0x3  }
0x96: {  	_ =	strace s2  }
0x97: {  	_ =	strace $0x8FFFFFFF  }
0x98: {  	s20 =	sld [smem:$0x3FDB];
	_ =	sdelay $0x1  }
0x99: {  	s4 =	simm.s32 $_scs_section_size  }
0x9a: {  	s5 =	simm.s32 $_size__tile_overlayer_lowered;
	s6 =	simm.s32 $_tile_overlayer_lowered  }
0x9b: {  	s7 =	simm.s32 $0x1BFF;
	s21 =	sshll.u32 s6, $0x1;
	s4 =	sadd.s32 s4, s20  }
0x9c: {  	s22 =	simm.s32 $0x0;
	s5 =	sshll.u32 s5, $0x1;
	s6 =	sadd.s32 s21, s4  }
0x9d: {  	[timem:s22], [sflag:s7] =	dma.local [hbm:s6], s5  }
0x9e: {  	_ =	swait.ge [sflag:s7], s5  }
0x9f: {  	s5 =	ssub.s32 $0x0, s5;
	[sflag:s7] =	ssyncset.done $0x0  }
0xa0: {  	[sflag:s7] =	ssyncadd.s32 s5;
	_ =	sdelay $0x1  }
0xa1: {  	s23 =	simm.s32 $0x1B8B  }
0xa2: {  	_ =	swait.ge [sflag:s23], $0x1  }
0xa3: {  	[sflag:s23] =	ssyncset.done $0x0  }
0xa4: {  	[sflag:s23] =	ssyncadd.s32 $0xFFFFFFFF  }
0xa5: {  	s5 =	sld [smem:$0x0]  }
0xa6: {  	s6 =	sand.u32 $0xFFFFFFFE, s1  }
0xa7: {  	p0 =	sne.s32 s1, s6  }
0xa8: {  	s6 =	sshll.u32 @p0 s6, $0xE  }
0xa9: {  	s6 =	sadd.s32 @p0 $0x11B8D, s6;
	s7 =	sshll.u32 @p0 s5, $0x11  }
0xaa: {  	s6 =	sor.u32 @p0 s7, s6  }
0xab: {  	[sflag:s6] =	ssyncadd.remote.s32 @p0 $0x1;
	_ =	sdelay $0x1  }
0xac: {  	s6 =	simm.s32 @p0 $0x1B8D  }
0xad: {  	_ =	swait.eq @p0 [sflag:s6], $0x1  }
0xae: {  	[sflag:s6] =	ssyncadd.s32 @p0 $0xFFFFFFFF  }
0xaf: {  	s7 =	sshll.u32 @!p0 s1, $0xE  }
0xb0: {  	s7 =	sor.u32 @!p0 $0x4000, s7;
	s6 =	simm.s32 @!p0 $0x1B8D  }
0xb1: {  	s5 =	sshll.u32 @!p0 s5, $0x11;
	s7 =	sadd.s32 @!p0 $0x11B8D, s7;
	_ =	swait.eq @!p0 [sflag:s6], $0x1  }
0xb2: {  	s5 =	sor.u32 @!p0 s5, s7;
	[sflag:s6] =	ssyncadd.s32 @!p0 $0xFFFFFFFF  }
0xb3: {  	s25 =	simm.s32 $0x1B8E;
	s24 =	sld [smem:$0x3FFE];
	[sflag:s5] =	ssyncadd.remote.s32 @!p0 $0x1  }
0xb4: {  	s26 =	simm.s32 $execute0_lowered;
	[smem:$0x3FD2] =	sst s25  }
0xb5: {  	s6 =	sshll.u32 s26, $0x1;
	_ =	strace $0x8000004F;
	[dreg:$0x1] =	wrdreg $0xFFFFFFFF  }
0xb6: {  	s28 =	simm.s32 $_size_execute0_lowered;
	s4 =	sadd.s32 s4, s6;
	[dreg:$0x0] =	wrdreg $0x0  }
0xb7: {  	s6 =	sshll.u32 s28, $0x1;
	[dreg:$0x2] =	wrdreg s4  }
0xb8: {  	[dreg:$0x3] =	wrdreg s6  }
0xb9: {  	[dreg:$0x4] =	wrdreg $0xC0  }
0xba: {  	_ =	task [dreg:s22], $0x5FFFF  }
0xbb: {  	[dreg:$0x1] =	wrdreg $0xFFFFFFFF  }
0xbc: {  	[dreg:$0x0] =	wrdreg $0x60  }
0xbd: {  	[dreg:$0x2] =	wrdreg s18  }
0xbe: {  	[dreg:$0x3] =	wrdreg s24  }
0xbf: {  	[dreg:$0x4] =	wrdreg $0xC  }
0xc0: {  	_ =	task.clear_ibuf [dreg:s22], $0x5FFFF;
	_ =	strace $0x9000004F  }
0xc1: {  	s29 =	simm.s32 $0xC;
	_ =	strace $0x80000051  }
0xc2: {  	_ =	swait.ge [sflag:s29], $0x1  }
0xc3: {  	[sflag:s29] =	ssyncadd.s32 $0xFFFFFFFF  }
0xc4: {  	_ =	strace $0x90000051  }
0xc5: {  	_ =	sfence  }
0xc6: {  	s30 =	sld [smem:$0x0];
	_ =	sdelay $0x2  }
0xc7: {  	s31 =	sshll.u32 s1, $0xD;
	s1 =	sshrl.u32 s1, $0x2  }
0xc8: {  	s4 =	sand.u32 $0x4000, s31;
	s1 =	sadd.s32 s1, s30  }
0xc9: {  	s0 =	sor.u32 s4, s0;
	s1 =	sshll.u32 s1, $0x11  }
0xca: {  	s0 =	sor.u32 s1, s0  }
0xcb: {  	s0 =	sadd.s32 $0x8F2B, s0  }
0xcc: {  	[sflag:s0] =	ssyncadd.remote.s32 $0x1  }
0xcd: {  	_ =	sfence.sel $0xFFFF  }
0xce: {  	[dreg:$0x0] =	wrdreg $0xFFFFFFFF;
	(pc) =	sbr.abs _section_cstart, $3  }
0xcf: {  	[dreg:$0x1] =	wrdreg $0xFFFFFFFF  }
0xd0: {  	_ =	task.clear_ibuf [dreg:s22], $0x2FFFF;
	_ =	strace $0x9FFFFFFF  }
0xd1: {  	(tm) =	ssettm $0x7FFFFFFF  }
tec
execute0_lowered:
.L_overlay_start_1:
0x0: {  	(tag) =	ssettag $0x1  }
0x1: {  	s0 =	srdreg.scid  }
0x2: {  	s1 =	stileid.u32;
	s0 =	sand.u32 $0x1, s0  }
0x3: {  	s2 =	rddreg [dreg:$0x0];
	s1 =	sshll.u32 s1, $0x8;
	s3 =	sshll.u32 s0, $0x7  }
0x4: {  	s4 =	rddreg [dreg:$0x1];
	s1 =	sor.u32 s3, s1;
	s3 =	simm.s32 $0x0  }
0x5: {  	s18 =	simm.s32 $0x8880;
	[smem:$0x7FF] =	sst s3  }
0x6: {  	s19 =	simm.s32 $0x9080;
	_ =	strace $0x80000050;
	[dreg:$0x8] =	wrdreg s18  }
0x7: {  	s20 =	simm.s32 $0x9880;
	[dreg:$0x9] =	wrdreg s19  }
0x8: {  	s21 =	simm.s32 $0xA080;
	[dreg:$0xa] =	wrdreg s20  }
0x9: {  	s22 =	simm.s32 $0xA880;
	[dreg:$0xb] =	wrdreg s21  }
0xa: {  	s23 =	simm.s32 $0xB080;
	[dreg:$0xc] =	wrdreg s22  }
0xb: {  	s24 =	simm.s32 $0xB880;
	[dreg:$0xd] =	wrdreg s23  }
0xc: {  	s26 =	simm.s32 $0xC080;
	s6 =	simm.s32 $0xD080;
	[dreg:$0xe] =	wrdreg s24  }
0xd: {  	s7 =	simm.s32 $0xD880;
	s8 =	simm.s32 $0xE080;
	[dreg:$0xf] =	wrdreg s26  }
0xe: {  	s9 =	simm.s32 $0xE880;
	s10 =	simm.s32 $0xF080;
	[dreg:$0x11] =	wrdreg s6  }
0xf: {  	s11 =	simm.s32 $0xF880;
	s12 =	simm.s32 $0x10880;
	[dreg:$0x12] =	wrdreg s7  }
0x10: {  	s13 =	simm.s32 $0x11080;
	s30 =	simm.s32 $0x4;
	[dreg:$0x13] =	wrdreg s8  }
0x11: {  	s31 =	simm.s32 $0x3;
	s28 =	simm.s32 $0x7880;
	[dreg:$0x14] =	wrdreg s9  }
0x12: {  	s29 =	simm.s32 $0x10080;
	s0 =	ssub.s32 $0x2, s0;
	[dreg:$0x15] =	wrdreg s10  }
0x13: {  	s25 =	sshrl.u32 s0, $0x1;
	s5 =	sshrl.u32 s1, $0x3;
	[dreg:$0x16] =	wrdreg s11  }
0x14: {  	s1 =	sshll.u32 s1, $0x7;
	s0 =	ssub.s32 s0, s25;
	[dreg:$0x17] =	wrdreg s12  }
0x15: {  	s25 =	simm.s32 $0x17080;
	s5 =	sadd.s32 s5, s4;
	[dreg:$0x18] =	wrdreg s13  }
0x16: {  	s1 =	sadd.s32 s1, s4;
	s18 =	simm.s32 $0x13880;
	[smem:$0x7FC] =	sst s25  }
0x17: {  	s4 =	sadd.s32 $0x100, s2;
	s19 =	simm.s32 $0x14080;
	[dreg:$0x1d] =	wrdreg s18  }
0x18: {  	s6 =	sadd.s32 $0x300, s2;
	s20 =	simm.s32 $0x14880;
	[dreg:$0x1e] =	wrdreg s19  }
0x19: {  	s7 =	smax.u32 s0, $0x1;
	s21 =	simm.s32 $0x15080;
	[dreg:$0x1f] =	wrdreg s20  }
0x1a: {  	s9 =	simm.s32 $0x80;
	s22 =	simm.s32 $0x15880;
	[smem:$0x7F8] =	sst s21  }
0x1b: {  	s23 =	simm.s32 $0x16080;
	s24 =	simm.s32 $0x16880;
	[smem:$0x7F9] =	sst s22  }
0x1c: {  	s26 =	simm.s32 $0x17880;
	s0 =	simm.s32 $0x6;
	[smem:$0x7FA] =	sst s23  }
0x1d: {  	s12 =	simm.s32 $0x880;
	s13 =	simm.s32 $0x1080;
	[smem:$0x7FB] =	sst s24  }
0x1e: {  	s25 =	simm.s32 $0x7080;
	s14 =	sadd.s32 $0x382E00, s5;
	[smem:$0x7FD] =	sst s26  }
0x1f: {  	s15 =	sadd.s32 $0x383000, s1;
	s16 =	sadd.s32 $0x384000, s1;
	[dreg:$0x3] =	wrdreg s14  }
0x20: {  	s17 =	sadd.s32 $0x385000, s1;
	s1 =	sadd.s32 $0x386000, s1;
	[dreg:$0x4] =	wrdreg s15  }
0x21: {  	s5 =	simm.s32 $0xC880;
	s26 =	simm.s32 $0x1;
	[dreg:$0x5] =	wrdreg s16  }
0x22: {  	s18 =	simm.s32 $0x3880;
	s19 =	simm.s32 $0x4080;
	[dreg:$0x6] =	wrdreg s17  }
0x23: {  	s20 =	simm.s32 $0x4880;
	s21 =	simm.s32 $0x5080;
	[dreg:$0x7] =	wrdreg s1  }
0x24: {  	s22 =	simm.s32 $0x5880;
	[dreg:$0x10] =	wrdreg s5;
	s14 =	simm.s32 $0x11880  }
0x25: {  	s23 =	simm.s32 $0x6080;
	s15 =	simm.s32 $0x12080;
	[dreg:$0x19] =	wrdreg s14  }
0x26: {  	s24 =	simm.s32 $0x6880;
	s16 =	simm.s32 $0x12880;
	[dreg:$0x1a] =	wrdreg s15  }
0x27: {  	v2 =	vlaneseq.u32;
	s5 =	sadd.s32 $0x200, s2;
	s17 =	simm.s32 $0x13080;
	[dreg:$0x1b] =	wrdreg s16  }
0x28: {  	vm0 =	vmmov $0xffff;
	v1 =	vshrl.u32 v2, $0x3;
	s1 =	simm.s32 $0x5;
	[dreg:$0x1c] =	wrdreg s17;
	s14 =	simm.s32 $0x1880  }
0x29: {  	v0 =	vand.u32 $0x7, v2;
	v2 =	vor.u32 $0x8, v2;
	v1 =	vmul.u32 $0x8, v1;
	s15 =	simm.s32 $0x2080;
	s16 =	simm.s32 $0x2880;
	s17 =	simm.s32 $0x3080  }
.LBB2_1:
0x2a: {  	s10 =	rddreg [dreg:$0x3];
	s8 =	simm.s32 $0x7  }
0x2b: {  	[tilespmem:s3], [sflag:$0x7] =	stream.linear.gather [hbm4b:s10+s3], $0x80, $0x38;
	[tilespmem:$0x18080] =	vst v63  }
0x2c: {  	_ =	swait.ge [sflag:s8], $0x80  }
0x2d: {  	[sflag:s8] =	ssyncset.done $0x0  }
0x2e: {  	[sflag:s8] =	ssyncadd.s32 $0xFFFFFF80  }
0x2f: {  	v3 =	vld [tilespmem:$0x0];
	_ =	sdelay $0x4  }
0x30: {  	v4 =	vshll.u32 v3, $0x3  }
0x31: {  	v3 =	vand.u32 $0x7, v3;
	v4 =	vand.u32 $0xFFFFFFC0, v4  }
0x32: {  	v3 =	vor.u32 v3, v4  }
0x33: {  	v4 =	vperm.xlane v3, v0;
	_ =	sdelay $0x1  }
0x34: {  	v4 =	vadd.s32 v1, v4;
	_ =	sdelay $0x4  }
0x35: {  	[tilespmem:s9], [sflag:$0x1] =	stream.indirect_vreg.gather [hbm4b:s2+s3], $0x80, v4, vm0, $0xb8;
	[tilespmem:$0x18080] =	vst v63  }
0x36: {  	v3 =	vperm.xlane v3, v2  }
0x37: {  	[tilespmem:s12], [sflag:$0x1] =	stream.indirect_vreg.gather [hbm4b:s4+s3], $0x80, v4, vm0, $0xb8;
	[tilespmem:$0x18080] =	vst v63  }
0x38: {  	v3 =	vadd.s32 v1, v3  }
0x39: {  	[tilespmem:s13], [sflag:$0x1] =	stream.indirect_vreg.gather [hbm4b:s5+s3], $0x80, v4, vm0, $0xb8;
	[tilespmem:$0x18080] =	vst v63  }
0x3a: {  	_ = 	snop  }
0x3b: {  	[tilespmem:s14], [sflag:$0x1] =	stream.indirect_vreg.gather [hbm4b:s6+s3], $0x80, v4, vm0, $0xb8;
	[tilespmem:$0x18080] =	vst v63  }
0x3c: {  	_ = 	snop  }
0x3d: {  	[tilespmem:s15], [sflag:$0x1] =	stream.indirect_vreg.gather [hbm4b:s2+s3], $0x80, v3, vm0, $0xb8;
	[tilespmem:$0x18080] =	vst v63  }
0x3e: {  	_ = 	snop  }
0x3f: {  	[tilespmem:s16], [sflag:$0x1] =	stream.indirect_vreg.gather [hbm4b:s4+s3], $0x80, v3, vm0, $0xb8;
	[tilespmem:$0x18080] =	vst v63  }
0x40: {  	_ = 	snop  }
0x41: {  	[tilespmem:s17], [sflag:$0x1] =	stream.indirect_vreg.gather [hbm4b:s5+s3], $0x80, v3, vm0, $0xb8;
	[tilespmem:$0x18080] =	vst v63  }
0x42: {  	_ = 	snop  }
0x43: {  	[tilespmem:s18], [sflag:$0x1] =	stream.indirect_vreg.gather [hbm4b:s6+s3], $0x80, v3, vm0, $0xb8;
	[tilespmem:$0x18080] =	vst v63  }
0x44: {  	v3 =	vld [tilespmem:$0x10];
	_ =	sdelay $0x4  }
0x45: {  	v57 =	vshll.u32 v3, $0x3  }
0x46: {  	v3 =	vand.u32 $0x7, v3;
	v4 =	vand.u32 $0xFFFFFFC0, v57  }
0x47: {  	v3 =	vor.u32 v3, v4  }
0x48: {  	v4 =	vperm.xlane v3, v0;
	_ =	sdelay $0x1  }
0x49: {  	v4 =	vadd.s32 v1, v4;
	_ =	sdelay $0x4  }
0x4a: {  	[tilespmem:s19], [sflag:$0x1] =	stream.indirect_vreg.gather [hbm4b:s2+s3], $0x80, v4, vm0, $0xb8;
	[tilespmem:$0x18080] =	vst v63  }
0x4b: {  	v3 =	vperm.xlane v3, v2  }
0x4c: {  	[tilespmem:s20], [sflag:$0x1] =	stream.indirect_vreg.gather [hbm4b:s4+s3], $0x80, v4, vm0, $0xb8;
	[tilespmem:$0x18080] =	vst v63  }
0x4d: {  	v3 =	vadd.s32 v1, v3  }
0x4e: {  	[tilespmem:s21], [sflag:$0x1] =	stream.indirect_vreg.gather [hbm4b:s5+s3], $0x80, v4, vm0, $0xb8;
	[tilespmem:$0x18080] =	vst v63  }
0x4f: {  	_ = 	snop  }
0x50: {  	[tilespmem:s22], [sflag:$0x1] =	stream.indirect_vreg.gather [hbm4b:s6+s3], $0x80, v4, vm0, $0xb8;
	[tilespmem:$0x18080] =	vst v63  }
0x51: {  	_ = 	snop  }
0x52: {  	[tilespmem:s23], [sflag:$0x1] =	stream.indirect_vreg.gather [hbm4b:s2+s3], $0x80, v3, vm0, $0xb8;
	[tilespmem:$0x18080] =	vst v63  }
0x53: {  	_ = 	snop  }
0x54: {  	[tilespmem:s24], [sflag:$0x1] =	stream.indirect_vreg.gather [hbm4b:s4+s3], $0x80, v3, vm0, $0xb8;
	[tilespmem:$0x18080] =	vst v63  }
0x55: {  	_ = 	snop  }
0x56: {  	[tilespmem:s25], [sflag:$0x1] =	stream.indirect_vreg.gather [hbm4b:s5+s3], $0x80, v3, vm0, $0xb8;
	[tilespmem:$0x18080] =	vst v63  }
0x57: {  	_ = 	snop  }
0x58: {  	[tilespmem:s28], [sflag:$0x1] =	stream.indirect_vreg.gather [hbm4b:s6+s3], $0x80, v3, vm0, $0xb8;
	[tilespmem:$0x18080] =	vst v63  }
0x59: {  	v3 =	vld [tilespmem:$0x20];
	_ =	sdelay $0x4  }
0x5a: {  	v58 =	vshll.u32 v3, $0x3  }
0x5b: {  	v3 =	vand.u32 $0x7, v3;
	v4 =	vand.u32 $0xFFFFFFC0, v58  }
0x5c: {  	v3 =	vor.u32 v3, v4  }
0x5d: {  	v4 =	vperm.xlane v3, v0;
	_ =	sdelay $0x1  }
0x5e: {  	v4 =	vadd.s32 v1, v4;
	_ =	sdelay $0x3  }
0x5f: {  	s8 =	simm.s32 $0x8080  }
0x60: {  	[tilespmem:s8], [sflag:$0x2] =	stream.indirect_vreg.gather [hbm4b:s2+s3], $0x80, v4, vm0, $0xb8;
	[tilespmem:$0x18080] =	vst v63  }
0x61: {  	s10 =	rddreg [dreg:$0x8];
	v3 =	vperm.xlane v3, v2  }
0x62: {  	[tilespmem:s10], [sflag:$0x2] =	stream.indirect_vreg.gather [hbm4b:s4+s3], $0x80, v4, vm0, $0xb8;
	[tilespmem:$0x18080] =	vst v63  }
0x63: {  	s11 =	rddreg [dreg:$0x9];
	v3 =	vadd.s32 v1, v3  }
0x64: {  	[tilespmem:s11], [sflag:$0x2] =	stream.indirect_vreg.gather [hbm4b:s5+s3], $0x80, v4, vm0, $0xb8;
	[tilespmem:$0x18080] =	vst v63  }
0x65: {  	s10 =	rddreg [dreg:$0xa]  }
0x66: {  	[tilespmem:s10], [sflag:$0x2] =	stream.indirect_vreg.gather [hbm4b:s6+s3], $0x80, v4, vm0, $0xb8;
	[tilespmem:$0x18080] =	vst v63  }
0x67: {  	s11 =	rddreg [dreg:$0xb]  }
0x68: {  	[tilespmem:s11], [sflag:$0x2] =	stream.indirect_vreg.gather [hbm4b:s2+s3], $0x80, v3, vm0, $0xb8;
	[tilespmem:$0x18080] =	vst v63  }
0x69: {  	s10 =	rddreg [dreg:$0xc]  }
0x6a: {  	[tilespmem:s10], [sflag:$0x2] =	stream.indirect_vreg.gather [hbm4b:s4+s3], $0x80, v3, vm0, $0xb8;
	[tilespmem:$0x18080] =	vst v63  }
0x6b: {  	s11 =	rddreg [dreg:$0xd]  }
0x6c: {  	[tilespmem:s11], [sflag:$0x2] =	stream.indirect_vreg.gather [hbm4b:s5+s3], $0x80, v3, vm0, $0xb8;
	[tilespmem:$0x18080] =	vst v63  }
0x6d: {  	s10 =	rddreg [dreg:$0xe]  }
0x6e: {  	[tilespmem:s10], [sflag:$0x2] =	stream.indirect_vreg.gather [hbm4b:s6+s3], $0x80, v3, vm0, $0xb8;
	[tilespmem:$0x18080] =	vst v63  }
0x6f: {  	v3 =	vld [tilespmem:$0x30];
	_ =	sdelay $0x4  }
0x70: {  	v59 =	vshll.u32 v3, $0x3  }
0x71: {  	v3 =	vand.u32 $0x7, v3;
	v4 =	vand.u32 $0xFFFFFFC0, v59  }
0x72: {  	v3 =	vor.u32 v3, v4  }
0x73: {  	v4 =	vperm.xlane v3, v0;
	_ =	sdelay $0x1  }
0x74: {  	v4 =	vadd.s32 v1, v4;
	_ =	sdelay $0x3  }
0x75: {  	s10 =	rddreg [dreg:$0xf]  }
0x76: {  	[tilespmem:s10], [sflag:$0x2] =	stream.indirect_vreg.gather [hbm4b:s2+s3], $0x80, v4, vm0, $0xb8;
	[tilespmem:$0x18080] =	vst v63  }
0x77: {  	s11 =	rddreg [dreg:$0x10];
	v3 =	vperm.xlane v3, v2  }
0x78: {  	[tilespmem:s11], [sflag:$0x2] =	stream.indirect_vreg.gather [hbm4b:s4+s3], $0x80, v4, vm0, $0xb8;
	[tilespmem:$0x18080] =	vst v63  }
0x79: {  	v3 =	vadd.s32 v1, v3;
	s10 =	rddreg [dreg:$0x11]  }
0x7a: {  	[tilespmem:s10], [sflag:$0x2] =	stream.indirect_vreg.gather [hbm4b:s5+s3], $0x80, v4, vm0, $0xb8;
	[tilespmem:$0x18080] =	vst v63  }
0x7b: {  	s11 =	rddreg [dreg:$0x12]  }
0x7c: {  	[tilespmem:s11], [sflag:$0x2] =	stream.indirect_vreg.gather [hbm4b:s6+s3], $0x80, v4, vm0, $0xb8;
	[tilespmem:$0x18080] =	vst v63  }
0x7d: {  	s10 =	rddreg [dreg:$0x13]  }
0x7e: {  	[tilespmem:s10], [sflag:$0x2] =	stream.indirect_vreg.gather [hbm4b:s2+s3], $0x80, v3, vm0, $0xb8;
	[tilespmem:$0x18080] =	vst v63  }
0x7f: {  	s11 =	rddreg [dreg:$0x14]  }
0x80: {  	[tilespmem:s11], [sflag:$0x2] =	stream.indirect_vreg.gather [hbm4b:s4+s3], $0x80, v3, vm0, $0xb8;
	[tilespmem:$0x18080] =	vst v63  }
0x81: {  	s10 =	rddreg [dreg:$0x15]  }
0x82: {  	[tilespmem:s10], [sflag:$0x2] =	stream.indirect_vreg.gather [hbm4b:s5+s3], $0x80, v3, vm0, $0xb8;
	[tilespmem:$0x18080] =	vst v63  }
0x83: {  	s11 =	rddreg [dreg:$0x16]  }
0x84: {  	[tilespmem:s11], [sflag:$0x2] =	stream.indirect_vreg.gather [hbm4b:s6+s3], $0x80, v3, vm0, $0xb8;
	[tilespmem:$0x18080] =	vst v63  }
0x85: {  	_ =	swait.ge [sflag:s26], $0x8000  }
0x86: {  	[sflag:s26] =	ssyncset.done $0x0  }
0x87: {  	s11 =	rddreg [dreg:$0x4];
	[sflag:s26] =	ssyncadd.s32 $0xFFFF8000  }
0x88: {  	[hbm4b:s11+s3] =	stream.linear.scatter [tilespmem:s9], [sflag:$0x4], $0x8000, $0x38;
	[tilespmem:$0x18080] =	vst v63  }
0x89: {  	v3 =	vld [tilespmem:$0x40];
	_ =	sdelay $0x4  }
0x8a: {  	v60 =	vshll.u32 v3, $0x3  }
0x8b: {  	v3 =	vand.u32 $0x7, v3;
	v4 =	vand.u32 $0xFFFFFFC0, v60  }
0x8c: {  	v3 =	vor.u32 v3, v4  }
0x8d: {  	v4 =	vperm.xlane v3, v0;
	_ =	sdelay $0x1  }
0x8e: {  	v4 =	vadd.s32 v1, v4;
	_ =	sdelay $0x4  }
0x8f: {  	[tilespmem:s29], [sflag:$0x3] =	stream.indirect_vreg.gather [hbm4b:s2+s3], $0x80, v4, vm0, $0xb8;
	[tilespmem:$0x18080] =	vst v63  }
0x90: {  	s10 =	rddreg [dreg:$0x17];
	v3 =	vperm.xlane v3, v2  }
0x91: {  	[tilespmem:s10], [sflag:$0x3] =	stream.indirect_vreg.gather [hbm4b:s4+s3], $0x80, v4, vm0, $0xb8;
	[tilespmem:$0x18080] =	vst v63  }
0x92: {  	s11 =	rddreg [dreg:$0x18];
	v3 =	vadd.s32 v1, v3  }
0x93: {  	[tilespmem:s11], [sflag:$0x3] =	stream.indirect_vreg.gather [hbm4b:s5+s3], $0x80, v4, vm0, $0xb8;
	[tilespmem:$0x18080] =	vst v63  }
0x94: {  	s10 =	rddreg [dreg:$0x19]  }
0x95: {  	[tilespmem:s10], [sflag:$0x3] =	stream.indirect_vreg.gather [hbm4b:s6+s3], $0x80, v4, vm0, $0xb8;
	[tilespmem:$0x18080] =	vst v63  }
0x96: {  	s11 =	rddreg [dreg:$0x1a]  }
0x97: {  	[tilespmem:s11], [sflag:$0x3] =	stream.indirect_vreg.gather [hbm4b:s2+s3], $0x80, v3, vm0, $0xb8;
	[tilespmem:$0x18080] =	vst v63  }
0x98: {  	s10 =	rddreg [dreg:$0x1b]  }
0x99: {  	[tilespmem:s10], [sflag:$0x3] =	stream.indirect_vreg.gather [hbm4b:s4+s3], $0x80, v3, vm0, $0xb8;
	[tilespmem:$0x18080] =	vst v63  }
0x9a: {  	s11 =	rddreg [dreg:$0x1c]  }
0x9b: {  	[tilespmem:s11], [sflag:$0x3] =	stream.indirect_vreg.gather [hbm4b:s5+s3], $0x80, v3, vm0, $0xb8;
	[tilespmem:$0x18080] =	vst v63  }
0x9c: {  	s10 =	rddreg [dreg:$0x1d]  }
0x9d: {  	[tilespmem:s10], [sflag:$0x3] =	stream.indirect_vreg.gather [hbm4b:s6+s3], $0x80, v3, vm0, $0xb8;
	[tilespmem:$0x18080] =	vst v63  }
0x9e: {  	v3 =	vld [tilespmem:$0x50];
	_ =	sdelay $0x4  }
0x9f: {  	v61 =	vshll.u32 v3, $0x3  }
0xa0: {  	v3 =	vand.u32 $0x7, v3;
	v4 =	vand.u32 $0xFFFFFFC0, v61  }
0xa1: {  	v3 =	vor.u32 v3, v4  }
0xa2: {  	v4 =	vperm.xlane v3, v0;
	_ =	sdelay $0x1  }
0xa3: {  	v4 =	vadd.s32 v1, v4;
	_ =	sdelay $0x2  }
0xa4: {  	s11 =	rddreg [dreg:$0x1f]  }
0xa5: {  	s10 =	rddreg [dreg:$0x1e]  }
0xa6: {  	[tilespmem:s10], [sflag:$0x3] =	stream.indirect_vreg.gather [hbm4b:s2+s3], $0x80, v4, vm0, $0xb8;
	[tilespmem:$0x18080] =	vst v63  }
0xa7: {  	v3 =	vperm.xlane v3, v2;
	s10 =	sld [smem:$0x7F8]  }
0xa8: {  	[tilespmem:s11], [sflag:$0x3] =	stream.indirect_vreg.gather [hbm4b:s4+s3], $0x80, v4, vm0, $0xb8;
	[tilespmem:$0x18080] =	vst v63  }
0xa9: {  	v3 =	vadd.s32 v1, v3;
	s11 =	sld [smem:$0x7F9]  }
0xaa: {  	[tilespmem:s10], [sflag:$0x3] =	stream.indirect_vreg.gather [hbm4b:s5+s3], $0x80, v4, vm0, $0xb8;
	[tilespmem:$0x18080] =	vst v63  }
0xab: {  	s10 =	sld [smem:$0x7FA]  }
0xac: {  	[tilespmem:s11], [sflag:$0x3] =	stream.indirect_vreg.gather [hbm4b:s6+s3], $0x80, v4, vm0, $0xb8;
	[tilespmem:$0x18080] =	vst v63  }
0xad: {  	s11 =	sld [smem:$0x7FB]  }
0xae: {  	[tilespmem:s10], [sflag:$0x3] =	stream.indirect_vreg.gather [hbm4b:s2+s3], $0x80, v3, vm0, $0xb8;
	[tilespmem:$0x18080] =	vst v63  }
0xaf: {  	s10 =	sld [smem:$0x7FC]  }
0xb0: {  	[tilespmem:s11], [sflag:$0x3] =	stream.indirect_vreg.gather [hbm4b:s4+s3], $0x80, v3, vm0, $0xb8;
	[tilespmem:$0x18080] =	vst v63  }
0xb1: {  	s11 =	sld [smem:$0x7FD]  }
0xb2: {  	[tilespmem:s10], [sflag:$0x3] =	stream.indirect_vreg.gather [hbm4b:s5+s3], $0x80, v3, vm0, $0xb8;
	[tilespmem:$0x18080] =	vst v63  }
0xb3: {  	_ = 	snop  }
0xb4: {  	[tilespmem:s11], [sflag:$0x3] =	stream.indirect_vreg.gather [hbm4b:s6+s3], $0x80, v3, vm0, $0xb8;
	[tilespmem:$0x18080] =	vst v63  }
0xb5: {  	s11 =	simm.s32 $0x2  }
0xb6: {  	_ =	swait.ge [sflag:s11], $0x8000  }
0xb7: {  	[sflag:s11] =	ssyncset.done $0x0  }
0xb8: {  	s10 =	rddreg [dreg:$0x5];
	[sflag:s11] =	ssyncadd.s32 $0xFFFF8000  }
0xb9: {  	[hbm4b:s10+s3] =	stream.linear.scatter [tilespmem:s8], [sflag:$0x5], $0x8000, $0x38;
	[tilespmem:$0x18080] =	vst v63  }
0xba: {  	_ =	swait.ge [sflag:s30], $0x8000  }
0xbb: {  	[sflag:s30] =	ssyncset.done $0x0  }
0xbc: {  	[sflag:s30] =	ssyncadd.s32 $0xFFFF8000  }
0xbd: {  	v3 =	vld [tilespmem:$0x60];
	_ =	sdelay $0x4  }
0xbe: {  	v62 =	vshll.u32 v3, $0x3  }
0xbf: {  	v3 =	vand.u32 $0x7, v3;
	v4 =	vand.u32 $0xFFFFFFC0, v62  }
0xc0: {  	v3 =	vor.u32 v3, v4  }
0xc1: {  	v4 =	vperm.xlane v3, v0;
	_ =	sdelay $0x1  }
0xc2: {  	v4 =	vadd.s32 v1, v4;
	_ =	sdelay $0x4  }
0xc3: {  	[tilespmem:s9], [sflag:$0x1] =	stream.indirect_vreg.gather [hbm4b:s2+s3], $0x80, v4, vm0, $0xb8;
	[tilespmem:$0x18080] =	vst v63  }
0xc4: {  	v3 =	vperm.xlane v3, v2  }
0xc5: {  	[tilespmem:s12], [sflag:$0x1] =	stream.indirect_vreg.gather [hbm4b:s4+s3], $0x80, v4, vm0, $0xb8;
	[tilespmem:$0x18080] =	vst v63  }
0xc6: {  	v3 =	vadd.s32 v1, v3  }
0xc7: {  	[tilespmem:s13], [sflag:$0x1] =	stream.indirect_vreg.gather [hbm4b:s5+s3], $0x80, v4, vm0, $0xb8;
	[tilespmem:$0x18080] =	vst v63  }
0xc8: {  	_ = 	snop  }
0xc9: {  	[tilespmem:s14], [sflag:$0x1] =	stream.indirect_vreg.gather [hbm4b:s6+s3], $0x80, v4, vm0, $0xb8;
	[tilespmem:$0x18080] =	vst v63  }
0xca: {  	_ = 	snop  }
0xcb: {  	[tilespmem:s15], [sflag:$0x1] =	stream.indirect_vreg.gather [hbm4b:s2+s3], $0x80, v3, vm0, $0xb8;
	[tilespmem:$0x18080] =	vst v63  }
0xcc: {  	_ = 	snop  }
0xcd: {  	[tilespmem:s16], [sflag:$0x1] =	stream.indirect_vreg.gather [hbm4b:s4+s3], $0x80, v3, vm0, $0xb8;
	[tilespmem:$0x18080] =	vst v63  }
0xce: {  	_ = 	snop  }
0xcf: {  	[tilespmem:s17], [sflag:$0x1] =	stream.indirect_vreg.gather [hbm4b:s5+s3], $0x80, v3, vm0, $0xb8;
	[tilespmem:$0x18080] =	vst v63  }
0xd0: {  	_ = 	snop  }
0xd1: {  	[tilespmem:s18], [sflag:$0x1] =	stream.indirect_vreg.gather [hbm4b:s6+s3], $0x80, v3, vm0, $0xb8;
	[tilespmem:$0x18080] =	vst v63  }
0xd2: {  	v3 =	vld [tilespmem:$0x70];
	_ =	sdelay $0x4  }
0xd3: {  	v63 =	vshll.u32 v3, $0x3  }
0xd4: {  	v3 =	vand.u32 $0x7, v3;
	v4 =	vand.u32 $0xFFFFFFC0, v63  }
0xd5: {  	v3 =	vor.u32 v3, v4  }
0xd6: {  	v4 =	vperm.xlane v3, v0;
	_ =	sdelay $0x1  }
0xd7: {  	v4 =	vadd.s32 v1, v4;
	_ =	sdelay $0x4  }
0xd8: {  	[tilespmem:s19], [sflag:$0x1] =	stream.indirect_vreg.gather [hbm4b:s2+s3], $0x80, v4, vm0, $0xb8;
	[tilespmem:$0x18080] =	vst v63  }
0xd9: {  	v3 =	vperm.xlane v3, v2  }
0xda: {  	[tilespmem:s20], [sflag:$0x1] =	stream.indirect_vreg.gather [hbm4b:s4+s3], $0x80, v4, vm0, $0xb8;
	[tilespmem:$0x18080] =	vst v63  }
0xdb: {  	v3 =	vadd.s32 v1, v3  }
0xdc: {  	[tilespmem:s21], [sflag:$0x1] =	stream.indirect_vreg.gather [hbm4b:s5+s3], $0x80, v4, vm0, $0xb8;
	[tilespmem:$0x18080] =	vst v63  }
0xdd: {  	_ = 	snop  }
0xde: {  	[tilespmem:s22], [sflag:$0x1] =	stream.indirect_vreg.gather [hbm4b:s6+s3], $0x80, v4, vm0, $0xb8;
	[tilespmem:$0x18080] =	vst v63  }
0xdf: {  	_ = 	snop  }
0xe0: {  	[tilespmem:s23], [sflag:$0x1] =	stream.indirect_vreg.gather [hbm4b:s2+s3], $0x80, v3, vm0, $0xb8;
	[tilespmem:$0x18080] =	vst v63  }
0xe1: {  	_ = 	snop  }
0xe2: {  	[tilespmem:s24], [sflag:$0x1] =	stream.indirect_vreg.gather [hbm4b:s4+s3], $0x80, v3, vm0, $0xb8;
	[tilespmem:$0x18080] =	vst v63  }
0xe3: {  	_ = 	snop  }
0xe4: {  	[tilespmem:s25], [sflag:$0x1] =	stream.indirect_vreg.gather [hbm4b:s5+s3], $0x80, v3, vm0, $0xb8;
	[tilespmem:$0x18080] =	vst v63  }
0xe5: {  	_ = 	snop  }
0xe6: {  	[tilespmem:s28], [sflag:$0x1] =	stream.indirect_vreg.gather [hbm4b:s6+s3], $0x80, v3, vm0, $0xb8;
	[tilespmem:$0x18080] =	vst v63  }
0xe7: {  	_ =	swait.ge [sflag:s31], $0x8000  }
0xe8: {  	[sflag:s31] =	ssyncset.done $0x0  }
0xe9: {  	s8 =	rddreg [dreg:$0x6];
	[sflag:s31] =	ssyncadd.s32 $0xFFFF8000  }
0xea: {  	[hbm4b:s8+s3] =	stream.linear.scatter [tilespmem:s29], [sflag:$0x6], $0x8000, $0x38;
	[tilespmem:$0x18080] =	vst v63  }
0xeb: {  	_ =	swait.ge [sflag:s26], $0x8000  }
0xec: {  	[sflag:s26] =	ssyncset.done $0x0  }
0xed: {  	s11 =	rddreg [dreg:$0x7];
	[sflag:s26] =	ssyncadd.s32 $0xFFFF8000  }
0xee: {  	[hbm4b:s11+s3] =	stream.linear.scatter [tilespmem:s9], [sflag:$0x4], $0x8000, $0x38;
	[tilespmem:$0x18080] =	vst v63  }
0xef: {  	_ =	swait.ge [sflag:s30], $0x8000  }
0xf0: {  	[sflag:s30] =	ssyncset.done $0x0  }
0xf1: {  	[sflag:s30] =	ssyncadd.s32 $0xFFFF8000  }
0xf2: {  	p0 =	sne.s32 s7, $0x1;
	_ =	swait.ge [sflag:s1], $0x8000  }
.Ltmp0:
0xf3: {  	[sflag:s1] =	ssyncset.done $0x0;
	(pc) =	sbr.rel @p0 .LBB2_1-.Ltmp0, $4  }
0xf4: {  	[sflag:s1] =	ssyncadd.s32 $0xFFFF8000  }
0xf5: {  	_ =	swait.ge [sflag:s0], $0x8000  }
0xf6: {  	[sflag:s0] =	ssyncset.done $0x0  }
0xf7: {  	s7 =	sadd.s32 $0xFFFFFFFF, s7;
	[sflag:s0] =	ssyncadd.s32 $0xFFFF8000  }
0xf8: {  	_ =	sfence.sel $0x180000  }
0xf9: {  	[bflag:$0x0] =	sbarrier.arrive $0xFFFF  }
0xfa: {  	_ =	strace $0x90000050  }
0xfb: {  	s0 =	stileid.u32;
	[bflag:$0x2] =	sbarrier.arrive $0xFFFF  }
0xfc: {  	p0 =	sne.s32 s0, $0x0;
	s0 =	rddreg [dreg:$0x2]  }
0xfd: {  	s0 =	sadd.s32 @!p0 $0x100000, s0  }
0xfe: {  	[sflag:s0] =	ssyncadd.tile.s32 @!p0 $0x1;
	_ =	shalt  }
.Lfunc_end2:
_tile_overlayer_lowered:
.L_overlay_start_2:
0xff: {  	(tag) =	ssettag $0x2  }
0x100: {  	s0 =	rddreg [dreg:$0x0];
	s2 =	stileid.u32  }
0x101: {  	s1 =	rddreg [dreg:$0x1];
	p0 =	sne.s32 s2, $0x0  }
0x102: {  	s3 =	rddreg [dreg:$0x2];
	[bflag:$0x3] =	sbarrier.arrive $0xFFFF;
	s2 =	simm.s32 @!p0 $0x1C07  }
0x103: {  	[timem:s3], [sflag:s2] =	dma.local @!p0 [hbm:s0], s1  }
0x104: {  	s0 =	simm.s32 @!p0 $0x7  }
0x105: {  	_ =	swait.ge @!p0 [sflag:s0], s1  }
0x106: {  	s1 =	ssub.s32 @!p0 $0x0, s1;
	[sflag:s0] =	ssyncset.done @!p0 $0x0  }
0x107: {  	[sflag:s0] =	ssyncadd.s32 @!p0 s1  }
0x108: {  	[bflag:$0x3] =	sbarrier.arrive $0xFFFF  }
0x109: {  	_ =	shalt  }

</sc_bundles>
